<compile_context>
chip_gen: v7x
topology: tpu7x:2x2x1
jax: 0.10.2.dev20260603
libtpu: 0.0.44.dev20260713+nightly
codegen_flags: <defaults>
</compile_context>

<pallas_src>
import functools
import jax
import jax.numpy as jnp
from jax import lax
from jax.experimental import pallas as pl
from jax.experimental.pallas import tpu as pltpu, tpu_sc as plsc

_CHUNK = 16


def _make_sc(B, S, D):
    info = plsc.get_sparse_core_info()
    NC, NS, L = info.num_cores, info.num_subcores, info.num_lanes
    NW = NC * NS
    s_per_w = S // NW
    n_chunks = s_per_w // _CHUNK
    vregs_per_row = D // L
    n_steps = n_chunks * B
    mesh = plsc.VectorSubcoreMesh(core_axis_name="c", subcore_axis_name="s")

    @functools.partial(
        pl.kernel,
        mesh=mesh,
        out_type=jax.ShapeDtypeStruct((B, S, D), jnp.float32),
        scratch_types=(
            [pltpu.VMEM((_CHUNK, D), jnp.float32)] * 6
            + [pltpu.SemaphoreType.DMA] * 10
        ),
    )
    def k(x_hbm, pos_hbm, out_hbm,
          pos_v0, pos_v1, x_v0, x_v1, x_v2, x_v3,
          sp0, sp1, sx0, sx1, sx2, sx3, so0, so1, so2, so3):
        wid = lax.axis_index("s") * NC + lax.axis_index("c")
        base = wid * s_per_w
        pos_bufs = [pos_v0, pos_v1]
        x_bufs = [x_v0, x_v1, x_v2, x_v3]
        sem_p, sem_x = [sp0, sp1], [sx0, sx1, sx2, sx3]
        sem_o = [so0, so1, so2, so3]

        x_handles = [None] * 4
        pos_handles = [None] * 2
        out_handles = [None] * 4

        def issue_x(s):
            t, b = divmod(s, B)
            xi = s % 4
            x_handles[xi] = pltpu.async_copy(
                x_hbm.at[b, pl.ds(base + t * _CHUNK, _CHUNK)],
                x_bufs[xi], sem_x[xi])

        def issue_pos(t):
            pp = t % 2
            pos_handles[pp] = pltpu.async_copy(
                pos_hbm.at[pl.ds(base + t * _CHUNK, _CHUNK)],
                pos_bufs[pp], sem_p[pp])

        issue_pos(0)
        for s0 in range(min(3, n_steps)):
            issue_x(s0)

        for s in range(n_steps):
            t, b = divmod(s, B)
            xi, pp = s % 4, t % 2

            x_handles[xi].wait()
            if b == 0:
                pos_handles[pp].wait()

            xb, pb = x_bufs[xi], pos_bufs[pp]

            @plsc.parallel_loop(0, _CHUNK * vregs_per_row, unroll=8)
            def _add(i, xb=xb, pb=pb):
                r = i // vregs_per_row
                sl = pl.ds((i % vregs_per_row) * L, L)
                xb[r, sl] = xb[r, sl] + pb[r, sl]

            out_handles[xi] = pltpu.async_copy(
                xb, out_hbm.at[b, pl.ds(base + t * _CHUNK, _CHUNK)],
                sem_o[xi])

            if b == 0 and t + 1 < n_chunks:
                issue_pos(t + 1)

            u = s + 3
            if u < n_steps:
                q = u % 4
                if out_handles[q] is not None:
                    out_handles[q].wait()
                    out_handles[q] = None
                issue_x(u)

        for q in range(4):
            if out_handles[q] is not None:
                out_handles[q].wait()

    return k


def kernel(x, pos_table):
    B, S, D = x.shape
    return _make_sc(B, S, D)(x, pos_table)

# --- scband reference (transcript-rebuilt; emitter-appended) ---
"""Pipeline reference for scband-embedding-17841294147587 (READ-ONLY COPY).

The authoritative reference and input builder live on the scoring server;
editing this copy changes nothing except your own understanding.
"""

import jax, jax.numpy as jnp
import numpy as np

D_MODEL = 1024
MAX_LENGTH = 8192

def setup_inputs(seed: int = 0) -> dict:
    key = jax.random.key(seed)
    k1, k2 = jax.random.split(key)
    x = jax.random.normal(k1, (4, 4096, D_MODEL), dtype=jnp.float32)
    # nn.Embedding default init: N(0, 1)
    pos_table = jax.random.normal(k2, (MAX_LENGTH, D_MODEL), dtype=jnp.float32)
    return {"x": x, "pos_table": pos_table}

def reference(x, pos_table):
    length = x.shape[1]
    pos_ids = jnp.arange(0, length)
    pos_emb = jnp.take(pos_table, pos_ids, axis=0)  # [length, d_model]
    return x + pos_emb

if __name__ == "__main__":
    import jax
    _d = setup_inputs()
    print(jax.jit(kernel)(*tuple(_d.values())))

</pallas_src>

<mosaic_0001>
#map = affine_map<(d0, d1) -> (0, 0, 0)>
#map1 = affine_map<(d0, d1) -> (0, 0)>
module attributes {stable_mosaic.version = 14 : i64} {
  func.func @k(%arg0: i32, %arg1: i32, %arg2: memref<4x4096x1024xf32, #tpu.memory_space<hbm>>, %arg3: memref<8192x1024xf32, #tpu.memory_space<hbm>>, %arg4: memref<4x4096x1024xf32, #tpu.memory_space<hbm>>, %arg5: memref<16x1024xf32, #tpu.memory_space<vmem>>, %arg6: memref<16x1024xf32, #tpu.memory_space<vmem>>, %arg7: memref<16x1024xf32, #tpu.memory_space<vmem>>, %arg8: memref<16x1024xf32, #tpu.memory_space<vmem>>, %arg9: memref<16x1024xf32, #tpu.memory_space<vmem>>, %arg10: memref<16x1024xf32, #tpu.memory_space<vmem>>, %arg11: memref<!tpu.dma_semaphore, #tpu.memory_space<semaphore_mem>>, %arg12: memref<!tpu.dma_semaphore, #tpu.memory_space<semaphore_mem>>, %arg13: memref<!tpu.dma_semaphore, #tpu.memory_space<semaphore_mem>>, %arg14: memref<!tpu.dma_semaphore, #tpu.memory_space<semaphore_mem>>, %arg15: memref<!tpu.dma_semaphore, #tpu.memory_space<semaphore_mem>>, %arg16: memref<!tpu.dma_semaphore, #tpu.memory_space<semaphore_mem>>, %arg17: memref<!tpu.dma_semaphore, #tpu.memory_space<semaphore_mem>>, %arg18: memref<!tpu.dma_semaphore, #tpu.memory_space<semaphore_mem>>, %arg19: memref<!tpu.dma_semaphore, #tpu.memory_space<semaphore_mem>>, %arg20: memref<!tpu.dma_semaphore, #tpu.memory_space<semaphore_mem>>) attributes {dimension_semantics = [#tpu.dimension_semantics<core_parallel>, #tpu.dimension_semantics<subcore_parallel>], iteration_bounds = array<i64: 2, 16>, scalar_prefetch = 0 : i64, scratch_operands = 16 : i64, tpu.core_type = #tpu.core_type<sc_vector_subcore>, window_params = [{transform_indices = #map}, {transform_indices = #map1}, {transform_indices = #map}]} {
    %mul3A = arith.constant 2 : i32
    %mul3A_0 = arith.muli %arg1, %mul3A : i32
    %add3A = arith.addi %mul3A_0, %arg0 : i32
    %mul3A_1 = arith.constant 128 : i32
    %mul3A_2 = arith.muli %add3A, %mul3A_1 : i32
    %add3A_3 = arith.constant 0 : i32
    %add3A_4 = arith.addi %mul3A_2, %add3A_3 : i32
    %dma_start3A = arith.constant 0 : i32
    %dma_start3A_5 = tpu.memref_slice %arg3[%add3A_4, %dma_start3A] : memref<8192x1024xf32, #tpu.memory_space<hbm>> -> memref<16x1024xf32, #tpu.memory_space<hbm>>
    %dma_start3A_6 = arith.constant 0 : i32
    %dma_start3A_7 = tpu.memref_slice %arg3[%add3A_4, %dma_start3A_6] : memref<8192x1024xf32, #tpu.memory_space<hbm>> -> memref<16x1024xf32, #tpu.memory_space<hbm>>
    tpu.enqueue_dma source(%dma_start3A_7 : memref<16x1024xf32, #tpu.memory_space<hbm>>) target(%arg5 : memref<16x1024xf32, #tpu.memory_space<vmem>>) target_semaphore(%arg11 : memref<!tpu.dma_semaphore, #tpu.memory_space<semaphore_mem>>)
    %add3A_8 = arith.constant 0 : i32
    %add3A_9 = arith.addi %mul3A_2, %add3A_8 : i32
    %dma_start3A_10 = arith.constant 0 : i32
    %dma_start3A_11 = arith.constant 0 : i32
    %dma_start3A_12 = tpu.memref_slice %arg2[%dma_start3A_10, %add3A_9, %dma_start3A_11] : memref<4x4096x1024xf32, #tpu.memory_space<hbm>> -> memref<1x16x1024xf32, #tpu.memory_space<hbm>>
    %dma_start3A_13 = tpu.memref_squeeze %dma_start3A_12 : memref<1x16x1024xf32, #tpu.memory_space<hbm>> -> memref<16x1024xf32, #tpu.memory_space<hbm>>
    %dma_start3A_14 = arith.constant 0 : i32
    %dma_start3A_15 = tpu.memref_slice %arg2[%dma_start3A_10, %add3A_9, %dma_start3A_14] : memref<4x4096x1024xf32, #tpu.memory_space<hbm>> -> memref<1x16x1024xf32, #tpu.memory_space<hbm>>
    %dma_start3A_16 = tpu.memref_squeeze %dma_start3A_15 : memref<1x16x1024xf32, #tpu.memory_space<hbm>> -> memref<16x1024xf32, #tpu.memory_space<hbm>>
    tpu.enqueue_dma source(%dma_start3A_16 : memref<16x1024xf32, #tpu.memory_space<hbm>>) target(%arg7 : memref<16x1024xf32, #tpu.memory_space<vmem>>) target_semaphore(%arg13 : memref<!tpu.dma_semaphore, #tpu.memory_space<semaphore_mem>>)
    %add3A_17 = arith.constant 0 : i32
    %add3A_18 = arith.addi %mul3A_2, %add3A_17 : i32
    %dma_start3A_19 = arith.constant 1 : i32
    %dma_start3A_20 = arith.constant 0 : i32
    %dma_start3A_21 = tpu.memref_slice %arg2[%dma_start3A_19, %add3A_18, %dma_start3A_20] : memref<4x4096x1024xf32, #tpu.memory_space<hbm>> -> memref<1x16x1024xf32, #tpu.memory_space<hbm>>
    %dma_start3A_22 = tpu.memref_squeeze %dma_start3A_21 : memref<1x16x1024xf32, #tpu.memory_space<hbm>> -> memref<16x1024xf32, #tpu.memory_space<hbm>>
    %dma_start3A_23 = arith.constant 0 : i32
    %dma_start3A_24 = tpu.memref_slice %arg2[%dma_start3A_19, %add3A_18, %dma_start3A_23] : memref<4x4096x1024xf32, #tpu.memory_space<hbm>> -> memref<1x16x1024xf32, #tpu.memory_space<hbm>>
    %dma_start3A_25 = tpu.memref_squeeze %dma_start3A_24 : memref<1x16x1024xf32, #tpu.memory_space<hbm>> -> memref<16x1024xf32, #tpu.memory_space<hbm>>
    tpu.enqueue_dma source(%dma_start3A_25 : memref<16x1024xf32, #tpu.memory_space<hbm>>) target(%arg8 : memref<16x1024xf32, #tpu.memory_space<vmem>>) target_semaphore(%arg14 : memref<!tpu.dma_semaphore, #tpu.memory_space<semaphore_mem>>)
    %add3A_26 = arith.constant 0 : i32
    %add3A_27 = arith.addi %mul3A_2, %add3A_26 : i32
    %dma_start3A_28 = arith.constant 2 : i32
    %dma_start3A_29 = arith.constant 0 : i32
    %dma_start3A_30 = tpu.memref_slice %arg2[%dma_start3A_28, %add3A_27, %dma_start3A_29] : memref<4x4096x1024xf32, #tpu.memory_space<hbm>> -> memref<1x16x1024xf32, #tpu.memory_space<hbm>>
    %dma_start3A_31 = tpu.memref_squeeze %dma_start3A_30 : memref<1x16x1024xf32, #tpu.memory_space<hbm>> -> memref<16x1024xf32, #tpu.memory_space<hbm>>
    %dma_start3A_32 = arith.constant 0 : i32
    %dma_start3A_33 = tpu.memref_slice %arg2[%dma_start3A_28, %add3A_27, %dma_start3A_32] : memref<4x4096x1024xf32, #tpu.memory_space<hbm>> -> memref<1x16x1024xf32, #tpu.memory_space<hbm>>
    %dma_start3A_34 = tpu.memref_squeeze %dma_start3A_33 : memref<1x16x1024xf32, #tpu.memory_space<hbm>> -> memref<16x1024xf32, #tpu.memory_space<hbm>>
    tpu.enqueue_dma source(%dma_start3A_34 : memref<16x1024xf32, #tpu.memory_space<hbm>>) target(%arg9 : memref<16x1024xf32, #tpu.memory_space<vmem>>) target_semaphore(%arg15 : memref<!tpu.dma_semaphore, #tpu.memory_space<semaphore_mem>>)
    %dma_wait3A = arith.constant 0 : i32
    %dma_wait3A_35 = arith.constant 0 : i32
    %dma_wait3A_36 = tpu.memref_slice %arg2[%dma_wait3A, %add3A_9, %dma_wait3A_35] : memref<4x4096x1024xf32, #tpu.memory_space<hbm>> -> memref<1x16x1024xf32, #tpu.memory_space<hbm>>
    %dma_wait3A_37 = tpu.memref_squeeze %dma_wait3A_36 : memref<1x16x1024xf32, #tpu.memory_space<hbm>> -> memref<16x1024xf32, #tpu.memory_space<hbm>>
    %dma_wait3A_38 = arith.constant 0 : i32
    %dma_wait3A_39 = tpu.memref_slice %arg2[%dma_wait3A, %add3A_9, %dma_wait3A_38] : memref<4x4096x1024xf32, #tpu.memory_space<hbm>> -> memref<1x16x1024xf32, #tpu.memory_space<hbm>>
    %dma_wait3A_40 = tpu.memref_squeeze %dma_wait3A_39 : memref<1x16x1024xf32, #tpu.memory_space<hbm>> -> memref<16x1024xf32, #tpu.memory_space<hbm>>
    tpu.wait_dma2 semaphore(%arg13 : memref<!tpu.dma_semaphore, #tpu.memory_space<semaphore_mem>>) src(%dma_wait3A_40 : memref<16x1024xf32, #tpu.memory_space<hbm>>) dst(%arg7 : memref<16x1024xf32, #tpu.memory_space<vmem>>)
    %dma_wait3A_41 = arith.constant 0 : i32
    %dma_wait3A_42 = tpu.memref_slice %arg3[%add3A_4, %dma_wait3A_41] : memref<8192x1024xf32, #tpu.memory_space<hbm>> -> memref<16x1024xf32, #tpu.memory_space<hbm>>
    %dma_wait3A_43 = arith.constant 0 : i32
    %dma_wait3A_44 = tpu.memref_slice %arg3[%add3A_4, %dma_wait3A_43] : memref<8192x1024xf32, #tpu.memory_space<hbm>> -> memref<16x1024xf32, #tpu.memory_space<hbm>>
    tpu.wait_dma2 semaphore(%arg11 : memref<!tpu.dma_semaphore, #tpu.memory_space<semaphore_mem>>) src(%dma_wait3A_44 : memref<16x1024xf32, #tpu.memory_space<hbm>>) dst(%arg5 : memref<16x1024xf32, #tpu.memory_space<vmem>>)
    %parallel_loop3A = arith.constant 0 : i32
    %parallel_loop3A_45 = arith.constant 1024 : i32
    %parallel_loop3A_46 = arith.constant 1 : i32
    scf.for %parallel_loop3A_1200 = %parallel_loop3A to %parallel_loop3A_45 step %parallel_loop3A_46  : i32 {
      %parallel_loop3A_1201 = arith.constant 64 : i32
      %parallel_loop3A_1202 = arith.divsi %parallel_loop3A_1200, %parallel_loop3A_1201 : i32
      %parallel_loop3A_1203 = arith.constant 0 : i32
      %parallel_loop3A_1204 = arith.cmpi sgt, %parallel_loop3A_1200, %parallel_loop3A_1203 : i32
      %parallel_loop3A_1205 = arith.extui %parallel_loop3A_1204 : i1 to i32
      %parallel_loop3A_1206 = arith.constant 0 : i32
      %parallel_loop3A_1207 = arith.cmpi slt, %parallel_loop3A_1200, %parallel_loop3A_1206 : i32
      %parallel_loop3A_1208 = arith.extui %parallel_loop3A_1207 : i1 to i32
      %parallel_loop3A_1209 = arith.subi %parallel_loop3A_1205, %parallel_loop3A_1208 : i32
      %parallel_loop3A_1210 = arith.constant 0 : i32
      %parallel_loop3A_1211 = arith.cmpi sgt, %parallel_loop3A_1201, %parallel_loop3A_1210 : i32
      %parallel_loop3A_1212 = arith.extui %parallel_loop3A_1211 : i1 to i32
      %parallel_loop3A_1213 = arith.constant 0 : i32
      %parallel_loop3A_1214 = arith.cmpi slt, %parallel_loop3A_1201, %parallel_loop3A_1213 : i32
      %parallel_loop3A_1215 = arith.extui %parallel_loop3A_1214 : i1 to i32
      %parallel_loop3A_1216 = arith.subi %parallel_loop3A_1212, %parallel_loop3A_1215 : i32
      %parallel_loop3A_1217 = arith.cmpi ne, %parallel_loop3A_1209, %parallel_loop3A_1216 : i32
      %parallel_loop3A_1218 = arith.remsi %parallel_loop3A_1200, %parallel_loop3A_1201 : i32
      %parallel_loop3A_1219 = arith.constant 0 : i32
      %parallel_loop3A_1220 = arith.cmpi ne, %parallel_loop3A_1218, %parallel_loop3A_1219 : i32
      %parallel_loop3A_1221 = arith.andi %parallel_loop3A_1217, %parallel_loop3A_1220 : i1
      %parallel_loop3A_1222 = arith.constant 1 : i32
      %parallel_loop3A_1223 = arith.subi %parallel_loop3A_1202, %parallel_loop3A_1222 : i32
      %parallel_loop3A_1224 = arith.select %parallel_loop3A_1221, %parallel_loop3A_1223, %parallel_loop3A_1202 : i32
      %parallel_loop3A_1225 = arith.constant 64 : i32
      %parallel_loop3A_1226 = arith.constant 0 : i32
      %parallel_loop3A_1227 = arith.cmpi eq, %parallel_loop3A_1225, %parallel_loop3A_1226 : i32
      %parallel_loop3A_1228 = arith.constant 1 : i32
      %parallel_loop3A_1229 = arith.select %parallel_loop3A_1227, %parallel_loop3A_1228, %parallel_loop3A_1225 : i32
      %parallel_loop3A_1230 = arith.remsi %parallel_loop3A_1200, %parallel_loop3A_1229 : i32
      %parallel_loop3A_1231 = arith.constant 0 : i32
      %parallel_loop3A_1232 = arith.cmpi ne, %parallel_loop3A_1230, %parallel_loop3A_1231 : i32
      %parallel_loop3A_1233 = arith.constant 0 : i32
      %parallel_loop3A_1234 = arith.cmpi slt, %parallel_loop3A_1230, %parallel_loop3A_1233 : i32
      %parallel_loop3A_1235 = arith.constant 0 : i32
      %parallel_loop3A_1236 = arith.cmpi slt, %parallel_loop3A_1229, %parallel_loop3A_1235 : i32
      %parallel_loop3A_1237 = arith.xori %parallel_loop3A_1234, %parallel_loop3A_1236 : i1
      %parallel_loop3A_1238 = arith.andi %parallel_loop3A_1237, %parallel_loop3A_1232 : i1
      %parallel_loop3A_1239 = arith.addi %parallel_loop3A_1230, %parallel_loop3A_1229 : i32
      %parallel_loop3A_1240 = arith.select %parallel_loop3A_1238, %parallel_loop3A_1239, %parallel_loop3A_1230 : i32
      %parallel_loop3A_1241 = arith.constant 16 : i32
      %parallel_loop3A_1242 = arith.muli %parallel_loop3A_1240, %parallel_loop3A_1241 : i32
      %parallel_loop3A_1243 = arith.index_cast %parallel_loop3A_1224 : i32 to index
      %parallel_loop3A_1244 = arith.index_cast %parallel_loop3A_1242 : i32 to index
      %parallel_loop3A_1245 = tpu.vector_load %arg7[%parallel_loop3A_1243, %parallel_loop3A_1244] {strides = array<i32>} : memref<16x1024xf32, #tpu.memory_space<vmem>>, vector<1x16xf32>,
      %parallel_loop3A_1246 = vector.shape_cast %parallel_loop3A_1245 : vector<1x16xf32> to vector<16xf32>
      %parallel_loop3A_1247 = arith.index_cast %parallel_loop3A_1224 : i32 to index
      %parallel_loop3A_1248 = arith.index_cast %parallel_loop3A_1242 : i32 to index
      %parallel_loop3A_1249 = tpu.vector_load %arg5[%parallel_loop3A_1247, %parallel_loop3A_1248] {strides = array<i32>} : memref<16x1024xf32, #tpu.memory_space<vmem>>, vector<1x16xf32>,
      %parallel_loop3A_1250 = vector.shape_cast %parallel_loop3A_1249 : vector<1x16xf32> to vector<16xf32>
      %parallel_loop3A_1251 = arith.addf %parallel_loop3A_1246, %parallel_loop3A_1250 : vector<16xf32>
      %parallel_loop3A_1252 = arith.index_cast %parallel_loop3A_1224 : i32 to index
      %parallel_loop3A_1253 = arith.index_cast %parallel_loop3A_1242 : i32 to index
      %parallel_loop3A_1254 = tpu.vector_load %arg7[%parallel_loop3A_1252, %parallel_loop3A_1253] {strides = array<i32>} : memref<16x1024xf32, #tpu.memory_space<vmem>>, vector<1x16xf32>,
      %parallel_loop3A_1255 = vector.shape_cast %parallel_loop3A_1254 : vector<1x16xf32> to vector<16xf32>
      %parallel_loop3A_1256 = vector.shape_cast %parallel_loop3A_1251 : vector<16xf32> to vector<1x16xf32>
      tpu.vector_store %arg7[%parallel_loop3A_1252, %parallel_loop3A_1253], %parallel_loop3A_1256 {strides = array<i32>} : memref<16x1024xf32, #tpu.memory_space<vmem>>, vector<1x16xf32>,
    } {sc.loop_unroll_factor = 8 : i64, sc.parallel_access}
    %add3A_47 = arith.constant 0 : i32
    %add3A_48 = arith.addi %mul3A_2, %add3A_47 : i32
    %dma_start3A_49 = arith.constant 0 : i32
    %dma_start3A_50 = arith.constant 0 : i32
    %dma_start3A_51 = tpu.memref_slice %arg4[%dma_start3A_49, %add3A_48, %dma_start3A_50] : memref<4x4096x1024xf32, #tpu.memory_space<hbm>> -> memref<1x16x1024xf32, #tpu.memory_space<hbm>>
    %dma_start3A_52 = tpu.memref_squeeze %dma_start3A_51 : memref<1x16x1024xf32, #tpu.memory_space<hbm>> -> memref<16x1024xf32, #tpu.memory_space<hbm>>
    %dma_start3A_53 = arith.constant 0 : i32
    %dma_start3A_54 = tpu.memref_slice %arg4[%dma_start3A_49, %add3A_48, %dma_start3A_53] : memref<4x4096x1024xf32, #tpu.memory_space<hbm>> -> memref<1x16x1024xf32, #tpu.memory_space<hbm>>
    %dma_start3A_55 = tpu.memref_squeeze %dma_start3A_54 : memref<1x16x1024xf32, #tpu.memory_space<hbm>> -> memref<16x1024xf32, #tpu.memory_space<hbm>>
    tpu.enqueue_dma source(%arg7 : memref<16x1024xf32, #tpu.memory_space<vmem>>) target(%dma_start3A_55 : memref<16x1024xf32, #tpu.memory_space<hbm>>) target_semaphore(%arg17 : memref<!tpu.dma_semaphore, #tpu.memory_space<semaphore_mem>>)
    %add3A_56 = arith.constant 16 : i32
    %add3A_57 = arith.addi %mul3A_2, %add3A_56 : i32
    %dma_start3A_58 = arith.constant 0 : i32
    %dma_start3A_59 = tpu.memref_slice %arg3[%add3A_57, %dma_start3A_58] : memref<8192x1024xf32, #tpu.memory_space<hbm>> -> memref<16x1024xf32, #tpu.memory_space<hbm>>
    %dma_start3A_60 = arith.constant 0 : i32
    %dma_start3A_61 = tpu.memref_slice %arg3[%add3A_57, %dma_start3A_60] : memref<8192x1024xf32, #tpu.memory_space<hbm>> -> memref<16x1024xf32, #tpu.memory_space<hbm>>
    tpu.enqueue_dma source(%dma_start3A_61 : memref<16x1024xf32, #tpu.memory_space<hbm>>) target(%arg6 : memref<16x1024xf32, #tpu.memory_space<vmem>>) target_semaphore(%arg12 : memref<!tpu.dma_semaphore, #tpu.memory_space<semaphore_mem>>)
    %add3A_62 = arith.constant 0 : i32
    %add3A_63 = arith.addi %mul3A_2, %add3A_62 : i32
    %dma_start3A_64 = arith.constant 3 : i32
    %dma_start3A_65 = arith.constant 0 : i32
    %dma_start3A_66 = tpu.memref_slice %arg2[%dma_start3A_64, %add3A_63, %dma_start3A_65] : memref<4x4096x1024xf32, #tpu.memory_space<hbm>> -> memref<1x16x1024xf32, #tpu.memory_space<hbm>>
    %dma_start3A_67 = tpu.memref_squeeze %dma_start3A_66 : memref<1x16x1024xf32, #tpu.memory_space<hbm>> -> memref<16x1024xf32, #tpu.memory_space<hbm>>
    %dma_start3A_68 = arith.constant 0 : i32
    %dma_start3A_69 = tpu.memref_slice %arg2[%dma_start3A_64, %add3A_63, %dma_start3A_68] : memref<4x4096x1024xf32, #tpu.memory_space<hbm>> -> memref<1x16x1024xf32, #tpu.memory_space<hbm>>
    %dma_start3A_70 = tpu.memref_squeeze %dma_start3A_69 : memref<1x16x1024xf32, #tpu.memory_space<hbm>> -> memref<16x1024xf32, #tpu.memory_space<hbm>>
    tpu.enqueue_dma source(%dma_start3A_70 : memref<16x1024xf32, #tpu.memory_space<hbm>>) target(%arg10 : memref<16x1024xf32, #tpu.memory_space<vmem>>) target_semaphore(%arg16 : memref<!tpu.dma_semaphore, #tpu.memory_space<semaphore_mem>>)
    %dma_wait3A_71 = arith.constant 1 : i32
    %dma_wait3A_72 = arith.constant 0 : i32
    %dma_wait3A_73 = tpu.memref_slice %arg2[%dma_wait3A_71, %add3A_18, %dma_wait3A_72] : memref<4x4096x1024xf32, #tpu.memory_space<hbm>> -> memref<1x16x1024xf32, #tpu.memory_space<hbm>>
    %dma_wait3A_74 = tpu.memref_squeeze %dma_wait3A_73 : memref<1x16x1024xf32, #tpu.memory_space<hbm>> -> memref<16x1024xf32, #tpu.memory_space<hbm>>
    %dma_wait3A_75 = arith.constant 0 : i32
    %dma_wait3A_76 = tpu.memref_slice %arg2[%dma_wait3A_71, %add3A_18, %dma_wait3A_75] : memref<4x4096x1024xf32, #tpu.memory_space<hbm>> -> memref<1x16x1024xf32, #tpu.memory_space<hbm>>
    %dma_wait3A_77 = tpu.memref_squeeze %dma_wait3A_76 : memref<1x16x1024xf32, #tpu.memory_space<hbm>> -> memref<16x1024xf32, #tpu.memory_space<hbm>>
    tpu.wait_dma2 semaphore(%arg14 : memref<!tpu.dma_semaphore, #tpu.memory_space<semaphore_mem>>) src(%dma_wait3A_77 : memref<16x1024xf32, #tpu.memory_space<hbm>>) dst(%arg8 : memref<16x1024xf32, #tpu.memory_space<vmem>>)
    %parallel_loop3A_78 = arith.constant 0 : i32
    %parallel_loop3A_79 = arith.constant 1024 : i32
    %parallel_loop3A_80 = arith.constant 1 : i32
    scf.for %parallel_loop3A_1200 = %parallel_loop3A_78 to %parallel_loop3A_79 step %parallel_loop3A_80  : i32 {
      %parallel_loop3A_1201 = arith.constant 64 : i32
      %parallel_loop3A_1202 = arith.divsi %parallel_loop3A_1200, %parallel_loop3A_1201 : i32
      %parallel_loop3A_1203 = arith.constant 0 : i32
      %parallel_loop3A_1204 = arith.cmpi sgt, %parallel_loop3A_1200, %parallel_loop3A_1203 : i32
      %parallel_loop3A_1205 = arith.extui %parallel_loop3A_1204 : i1 to i32
      %parallel_loop3A_1206 = arith.constant 0 : i32
      %parallel_loop3A_1207 = arith.cmpi slt, %parallel_loop3A_1200, %parallel_loop3A_1206 : i32
      %parallel_loop3A_1208 = arith.extui %parallel_loop3A_1207 : i1 to i32
      %parallel_loop3A_1209 = arith.subi %parallel_loop3A_1205, %parallel_loop3A_1208 : i32
      %parallel_loop3A_1210 = arith.constant 0 : i32
      %parallel_loop3A_1211 = arith.cmpi sgt, %parallel_loop3A_1201, %parallel_loop3A_1210 : i32
      %parallel_loop3A_1212 = arith.extui %parallel_loop3A_1211 : i1 to i32
      %parallel_loop3A_1213 = arith.constant 0 : i32
      %parallel_loop3A_1214 = arith.cmpi slt, %parallel_loop3A_1201, %parallel_loop3A_1213 : i32
      %parallel_loop3A_1215 = arith.extui %parallel_loop3A_1214 : i1 to i32
      %parallel_loop3A_1216 = arith.subi %parallel_loop3A_1212, %parallel_loop3A_1215 : i32
      %parallel_loop3A_1217 = arith.cmpi ne, %parallel_loop3A_1209, %parallel_loop3A_1216 : i32
      %parallel_loop3A_1218 = arith.remsi %parallel_loop3A_1200, %parallel_loop3A_1201 : i32
      %parallel_loop3A_1219 = arith.constant 0 : i32
      %parallel_loop3A_1220 = arith.cmpi ne, %parallel_loop3A_1218, %parallel_loop3A_1219 : i32
      %parallel_loop3A_1221 = arith.andi %parallel_loop3A_1217, %parallel_loop3A_1220 : i1
      %parallel_loop3A_1222 = arith.constant 1 : i32
      %parallel_loop3A_1223 = arith.subi %parallel_loop3A_1202, %parallel_loop3A_1222 : i32
      %parallel_loop3A_1224 = arith.select %parallel_loop3A_1221, %parallel_loop3A_1223, %parallel_loop3A_1202 : i32
      %parallel_loop3A_1225 = arith.constant 64 : i32
      %parallel_loop3A_1226 = arith.constant 0 : i32
      %parallel_loop3A_1227 = arith.cmpi eq, %parallel_loop3A_1225, %parallel_loop3A_1226 : i32
      %parallel_loop3A_1228 = arith.constant 1 : i32
      %parallel_loop3A_1229 = arith.select %parallel_loop3A_1227, %parallel_loop3A_1228, %parallel_loop3A_1225 : i32
      %parallel_loop3A_1230 = arith.remsi %parallel_loop3A_1200, %parallel_loop3A_1229 : i32
      %parallel_loop3A_1231 = arith.constant 0 : i32
      %parallel_loop3A_1232 = arith.cmpi ne, %parallel_loop3A_1230, %parallel_loop3A_1231 : i32
      %parallel_loop3A_1233 = arith.constant 0 : i32
      %parallel_loop3A_1234 = arith.cmpi slt, %parallel_loop3A_1230, %parallel_loop3A_1233 : i32
      %parallel_loop3A_1235 = arith.constant 0 : i32
      %parallel_loop3A_1236 = arith.cmpi slt, %parallel_loop3A_1229, %parallel_loop3A_1235 : i32
      %parallel_loop3A_1237 = arith.xori %parallel_loop3A_1234, %parallel_loop3A_1236 : i1
      %parallel_loop3A_1238 = arith.andi %parallel_loop3A_1237, %parallel_loop3A_1232 : i1
      %parallel_loop3A_1239 = arith.addi %parallel_loop3A_1230, %parallel_loop3A_1229 : i32
      %parallel_loop3A_1240 = arith.select %parallel_loop3A_1238, %parallel_loop3A_1239, %parallel_loop3A_1230 : i32
      %parallel_loop3A_1241 = arith.constant 16 : i32
      %parallel_loop3A_1242 = arith.muli %parallel_loop3A_1240, %parallel_loop3A_1241 : i32
      %parallel_loop3A_1243 = arith.index_cast %parallel_loop3A_1224 : i32 to index
      %parallel_loop3A_1244 = arith.index_cast %parallel_loop3A_1242 : i32 to index
      %parallel_loop3A_1245 = tpu.vector_load %arg8[%parallel_loop3A_1243, %parallel_loop3A_1244] {strides = array<i32>} : memref<16x1024xf32, #tpu.memory_space<vmem>>, vector<1x16xf32>,
      %parallel_loop3A_1246 = vector.shape_cast %parallel_loop3A_1245 : vector<1x16xf32> to vector<16xf32>
      %parallel_loop3A_1247 = arith.index_cast %parallel_loop3A_1224 : i32 to index
      %parallel_loop3A_1248 = arith.index_cast %parallel_loop3A_1242 : i32 to index
      %parallel_loop3A_1249 = tpu.vector_load %arg5[%parallel_loop3A_1247, %parallel_loop3A_1248] {strides = array<i32>} : memref<16x1024xf32, #tpu.memory_space<vmem>>, vector<1x16xf32>,
      %parallel_loop3A_1250 = vector.shape_cast %parallel_loop3A_1249 : vector<1x16xf32> to vector<16xf32>
      %parallel_loop3A_1251 = arith.addf %parallel_loop3A_1246, %parallel_loop3A_1250 : vector<16xf32>
      %parallel_loop3A_1252 = arith.index_cast %parallel_loop3A_1224 : i32 to index
      %parallel_loop3A_1253 = arith.index_cast %parallel_loop3A_1242 : i32 to index
      %parallel_loop3A_1254 = tpu.vector_load %arg8[%parallel_loop3A_1252, %parallel_loop3A_1253] {strides = array<i32>} : memref<16x1024xf32, #tpu.memory_space<vmem>>, vector<1x16xf32>,
      %parallel_loop3A_1255 = vector.shape_cast %parallel_loop3A_1254 : vector<1x16xf32> to vector<16xf32>
      %parallel_loop3A_1256 = vector.shape_cast %parallel_loop3A_1251 : vector<16xf32> to vector<1x16xf32>
      tpu.vector_store %arg8[%parallel_loop3A_1252, %parallel_loop3A_1253], %parallel_loop3A_1256 {strides = array<i32>} : memref<16x1024xf32, #tpu.memory_space<vmem>>, vector<1x16xf32>,
    } {sc.loop_unroll_factor = 8 : i64, sc.parallel_access}
    %add3A_81 = arith.constant 0 : i32
    %add3A_82 = arith.addi %mul3A_2, %add3A_81 : i32
    %dma_start3A_83 = arith.constant 1 : i32
    %dma_start3A_84 = arith.constant 0 : i32
    %dma_start3A_85 = tpu.memref_slice %arg4[%dma_start3A_83, %add3A_82, %dma_start3A_84] : memref<4x4096x1024xf32, #tpu.memory_space<hbm>> -> memref<1x16x1024xf32, #tpu.memory_space<hbm>>
    %dma_start3A_86 = tpu.memref_squeeze %dma_start3A_85 : memref<1x16x1024xf32, #tpu.memory_space<hbm>> -> memref<16x1024xf32, #tpu.memory_space<hbm>>
    %dma_start3A_87 = arith.constant 0 : i32
    %dma_start3A_88 = tpu.memref_slice %arg4[%dma_start3A_83, %add3A_82, %dma_start3A_87] : memref<4x4096x1024xf32, #tpu.memory_space<hbm>> -> memref<1x16x1024xf32, #tpu.memory_space<hbm>>
    %dma_start3A_89 = tpu.memref_squeeze %dma_start3A_88 : memref<1x16x1024xf32, #tpu.memory_space<hbm>> -> memref<16x1024xf32, #tpu.memory_space<hbm>>
    tpu.enqueue_dma source(%arg8 : memref<16x1024xf32, #tpu.memory_space<vmem>>) target(%dma_start3A_89 : memref<16x1024xf32, #tpu.memory_space<hbm>>) target_semaphore(%arg18 : memref<!tpu.dma_semaphore, #tpu.memory_space<semaphore_mem>>)
    %dma_wait3A_90 = arith.constant 0 : i32
    %dma_wait3A_91 = arith.constant 0 : i32
    %dma_wait3A_92 = tpu.memref_slice %arg4[%dma_wait3A_90, %add3A_48, %dma_wait3A_91] : memref<4x4096x1024xf32, #tpu.memory_space<hbm>> -> memref<1x16x1024xf32, #tpu.memory_space<hbm>>
    %dma_wait3A_93 = tpu.memref_squeeze %dma_wait3A_92 : memref<1x16x1024xf32, #tpu.memory_space<hbm>> -> memref<16x1024xf32, #tpu.memory_space<hbm>>
    %dma_wait3A_94 = arith.constant 0 : i32
    %dma_wait3A_95 = tpu.memref_slice %arg4[%dma_wait3A_90, %add3A_48, %dma_wait3A_94] : memref<4x4096x1024xf32, #tpu.memory_space<hbm>> -> memref<1x16x1024xf32, #tpu.memory_space<hbm>>
    %dma_wait3A_96 = tpu.memref_squeeze %dma_wait3A_95 : memref<1x16x1024xf32, #tpu.memory_space<hbm>> -> memref<16x1024xf32, #tpu.memory_space<hbm>>
    tpu.wait_dma2 semaphore(%arg17 : memref<!tpu.dma_semaphore, #tpu.memory_space<semaphore_mem>>) src(%arg7 : memref<16x1024xf32, #tpu.memory_space<vmem>>) dst(%dma_wait3A_96 : memref<16x1024xf32, #tpu.memory_space<hbm>>)
    %add3A_97 = arith.constant 16 : i32
    %add3A_98 = arith.addi %mul3A_2, %add3A_97 : i32
    %dma_start3A_99 = arith.constant 0 : i32
    %dma_start3A_100 = arith.constant 0 : i32
    %dma_start3A_101 = tpu.memref_slice %arg2[%dma_start3A_99, %add3A_98, %dma_start3A_100] : memref<4x4096x1024xf32, #tpu.memory_space<hbm>> -> memref<1x16x1024xf32, #tpu.memory_space<hbm>>
    %dma_start3A_102 = tpu.memref_squeeze %dma_start3A_101 : memref<1x16x1024xf32, #tpu.memory_space<hbm>> -> memref<16x1024xf32, #tpu.memory_space<hbm>>
    %dma_start3A_103 = arith.constant 0 : i32
    %dma_start3A_104 = tpu.memref_slice %arg2[%dma_start3A_99, %add3A_98, %dma_start3A_103] : memref<4x4096x1024xf32, #tpu.memory_space<hbm>> -> memref<1x16x1024xf32, #tpu.memory_space<hbm>>
    %dma_start3A_105 = tpu.memref_squeeze %dma_start3A_104 : memref<1x16x1024xf32, #tpu.memory_space<hbm>> -> memref<16x1024xf32, #tpu.memory_space<hbm>>
    tpu.enqueue_dma source(%dma_start3A_105 : memref<16x1024xf32, #tpu.memory_space<hbm>>) target(%arg7 : memref<16x1024xf32, #tpu.memory_space<vmem>>) target_semaphore(%arg13 : memref<!tpu.dma_semaphore, #tpu.memory_space<semaphore_mem>>)
    %dma_wait3A_106 = arith.constant 2 : i32
    %dma_wait3A_107 = arith.constant 0 : i32
    %dma_wait3A_108 = tpu.memref_slice %arg2[%dma_wait3A_106, %add3A_27, %dma_wait3A_107] : memref<4x4096x1024xf32, #tpu.memory_space<hbm>> -> memref<1x16x1024xf32, #tpu.memory_space<hbm>>
    %dma_wait3A_109 = tpu.memref_squeeze %dma_wait3A_108 : memref<1x16x1024xf32, #tpu.memory_space<hbm>> -> memref<16x1024xf32, #tpu.memory_space<hbm>>
    %dma_wait3A_110 = arith.constant 0 : i32
    %dma_wait3A_111 = tpu.memref_slice %arg2[%dma_wait3A_106, %add3A_27, %dma_wait3A_110] : memref<4x4096x1024xf32, #tpu.memory_space<hbm>> -> memref<1x16x1024xf32, #tpu.memory_space<hbm>>
    %dma_wait3A_112 = tpu.memref_squeeze %dma_wait3A_111 : memref<1x16x1024xf32, #tpu.memory_space<hbm>> -> memref<16x1024xf32, #tpu.memory_space<hbm>>
    tpu.wait_dma2 semaphore(%arg15 : memref<!tpu.dma_semaphore, #tpu.memory_space<semaphore_mem>>) src(%dma_wait3A_112 : memref<16x1024xf32, #tpu.memory_space<hbm>>) dst(%arg9 : memref<16x1024xf32, #tpu.memory_space<vmem>>)
    %parallel_loop3A_113 = arith.constant 0 : i32
    %parallel_loop3A_114 = arith.constant 1024 : i32
    %parallel_loop3A_115 = arith.constant 1 : i32
    scf.for %parallel_loop3A_1200 = %parallel_loop3A_113 to %parallel_loop3A_114 step %parallel_loop3A_115  : i32 {
      %parallel_loop3A_1201 = arith.constant 64 : i32
      %parallel_loop3A_1202 = arith.divsi %parallel_loop3A_1200, %parallel_loop3A_1201 : i32
      %parallel_loop3A_1203 = arith.constant 0 : i32
      %parallel_loop3A_1204 = arith.cmpi sgt, %parallel_loop3A_1200, %parallel_loop3A_1203 : i32
      %parallel_loop3A_1205 = arith.extui %parallel_loop3A_1204 : i1 to i32
      %parallel_loop3A_1206 = arith.constant 0 : i32
      %parallel_loop3A_1207 = arith.cmpi slt, %parallel_loop3A_1200, %parallel_loop3A_1206 : i32
      %parallel_loop3A_1208 = arith.extui %parallel_loop3A_1207 : i1 to i32
      %parallel_loop3A_1209 = arith.subi %parallel_loop3A_1205, %parallel_loop3A_1208 : i32
      %parallel_loop3A_1210 = arith.constant 0 : i32
      %parallel_loop3A_1211 = arith.cmpi sgt, %parallel_loop3A_1201, %parallel_loop3A_1210 : i32
      %parallel_loop3A_1212 = arith.extui %parallel_loop3A_1211 : i1 to i32
      %parallel_loop3A_1213 = arith.constant 0 : i32
      %parallel_loop3A_1214 = arith.cmpi slt, %parallel_loop3A_1201, %parallel_loop3A_1213 : i32
      %parallel_loop3A_1215 = arith.extui %parallel_loop3A_1214 : i1 to i32
      %parallel_loop3A_1216 = arith.subi %parallel_loop3A_1212, %parallel_loop3A_1215 : i32
      %parallel_loop3A_1217 = arith.cmpi ne, %parallel_loop3A_1209, %parallel_loop3A_1216 : i32
      %parallel_loop3A_1218 = arith.remsi %parallel_loop3A_1200, %parallel_loop3A_1201 : i32
      %parallel_loop3A_1219 = arith.constant 0 : i32
      %parallel_loop3A_1220 = arith.cmpi ne, %parallel_loop3A_1218, %parallel_loop3A_1219 : i32
      %parallel_loop3A_1221 = arith.andi %parallel_loop3A_1217, %parallel_loop3A_1220 : i1
      %parallel_loop3A_1222 = arith.constant 1 : i32
      %parallel_loop3A_1223 = arith.subi %parallel_loop3A_1202, %parallel_loop3A_1222 : i32
      %parallel_loop3A_1224 = arith.select %parallel_loop3A_1221, %parallel_loop3A_1223, %parallel_loop3A_1202 : i32
      %parallel_loop3A_1225 = arith.constant 64 : i32
      %parallel_loop3A_1226 = arith.constant 0 : i32
      %parallel_loop3A_1227 = arith.cmpi eq, %parallel_loop3A_1225, %parallel_loop3A_1226 : i32
      %parallel_loop3A_1228 = arith.constant 1 : i32
      %parallel_loop3A_1229 = arith.select %parallel_loop3A_1227, %parallel_loop3A_1228, %parallel_loop3A_1225 : i32
      %parallel_loop3A_1230 = arith.remsi %parallel_loop3A_1200, %parallel_loop3A_1229 : i32
      %parallel_loop3A_1231 = arith.constant 0 : i32
      %parallel_loop3A_1232 = arith.cmpi ne, %parallel_loop3A_1230, %parallel_loop3A_1231 : i32
      %parallel_loop3A_1233 = arith.constant 0 : i32
      %parallel_loop3A_1234 = arith.cmpi slt, %parallel_loop3A_1230, %parallel_loop3A_1233 : i32
      %parallel_loop3A_1235 = arith.constant 0 : i32
      %parallel_loop3A_1236 = arith.cmpi slt, %parallel_loop3A_1229, %parallel_loop3A_1235 : i32
      %parallel_loop3A_1237 = arith.xori %parallel_loop3A_1234, %parallel_loop3A_1236 : i1
      %parallel_loop3A_1238 = arith.andi %parallel_loop3A_1237, %parallel_loop3A_1232 : i1
      %parallel_loop3A_1239 = arith.addi %parallel_loop3A_1230, %parallel_loop3A_1229 : i32
      %parallel_loop3A_1240 = arith.select %parallel_loop3A_1238, %parallel_loop3A_1239, %parallel_loop3A_1230 : i32
      %parallel_loop3A_1241 = arith.constant 16 : i32
      %parallel_loop3A_1242 = arith.muli %parallel_loop3A_1240, %parallel_loop3A_1241 : i32
      %parallel_loop3A_1243 = arith.index_cast %parallel_loop3A_1224 : i32 to index
      %parallel_loop3A_1244 = arith.index_cast %parallel_loop3A_1242 : i32 to index
      %parallel_loop3A_1245 = tpu.vector_load %arg9[%parallel_loop3A_1243, %parallel_loop3A_1244] {strides = array<i32>} : memref<16x1024xf32, #tpu.memory_space<vmem>>, vector<1x16xf32>,
      %parallel_loop3A_1246 = vector.shape_cast %parallel_loop3A_1245 : vector<1x16xf32> to vector<16xf32>
      %parallel_loop3A_1247 = arith.index_cast %parallel_loop3A_1224 : i32 to index
      %parallel_loop3A_1248 = arith.index_cast %parallel_loop3A_1242 : i32 to index
      %parallel_loop3A_1249 = tpu.vector_load %arg5[%parallel_loop3A_1247, %parallel_loop3A_1248] {strides = array<i32>} : memref<16x1024xf32, #tpu.memory_space<vmem>>, vector<1x16xf32>,
      %parallel_loop3A_1250 = vector.shape_cast %parallel_loop3A_1249 : vector<1x16xf32> to vector<16xf32>
      %parallel_loop3A_1251 = arith.addf %parallel_loop3A_1246, %parallel_loop3A_1250 : vector<16xf32>
      %parallel_loop3A_1252 = arith.index_cast %parallel_loop3A_1224 : i32 to index
      %parallel_loop3A_1253 = arith.index_cast %parallel_loop3A_1242 : i32 to index
      %parallel_loop3A_1254 = tpu.vector_load %arg9[%parallel_loop3A_1252, %parallel_loop3A_1253] {strides = array<i32>} : memref<16x1024xf32, #tpu.memory_space<vmem>>, vector<1x16xf32>,
      %parallel_loop3A_1255 = vector.shape_cast %parallel_loop3A_1254 : vector<1x16xf32> to vector<16xf32>
      %parallel_loop3A_1256 = vector.shape_cast %parallel_loop3A_1251 : vector<16xf32> to vector<1x16xf32>
      tpu.vector_store %arg9[%parallel_loop3A_1252, %parallel_loop3A_1253], %parallel_loop3A_1256 {strides = array<i32>} : memref<16x1024xf32, #tpu.memory_space<vmem>>, vector<1x16xf32>,
    } {sc.loop_unroll_factor = 8 : i64, sc.parallel_access}
    %add3A_116 = arith.constant 0 : i32
    %add3A_117 = arith.addi %mul3A_2, %add3A_116 : i32
    %dma_start3A_118 = arith.constant 2 : i32
    %dma_start3A_119 = arith.constant 0 : i32
    %dma_start3A_120 = tpu.memref_slice %arg4[%dma_start3A_118, %add3A_117, %dma_start3A_119] : memref<4x4096x1024xf32, #tpu.memory_space<hbm>> -> memref<1x16x1024xf32, #tpu.memory_space<hbm>>
    %dma_start3A_121 = tpu.memref_squeeze %dma_start3A_120 : memref<1x16x1024xf32, #tpu.memory_space<hbm>> -> memref<16x1024xf32, #tpu.memory_space<hbm>>
    %dma_start3A_122 = arith.constant 0 : i32
    %dma_start3A_123 = tpu.memref_slice %arg4[%dma_start3A_118, %add3A_117, %dma_start3A_122] : memref<4x4096x1024xf32, #tpu.memory_space<hbm>> -> memref<1x16x1024xf32, #tpu.memory_space<hbm>>
    %dma_start3A_124 = tpu.memref_squeeze %dma_start3A_123 : memref<1x16x1024xf32, #tpu.memory_space<hbm>> -> memref<16x1024xf32, #tpu.memory_space<hbm>>
    tpu.enqueue_dma source(%arg9 : memref<16x1024xf32, #tpu.memory_space<vmem>>) target(%dma_start3A_124 : memref<16x1024xf32, #tpu.memory_space<hbm>>) target_semaphore(%arg19 : memref<!tpu.dma_semaphore, #tpu.memory_space<semaphore_mem>>)
    %dma_wait3A_125 = arith.constant 1 : i32
    %dma_wait3A_126 = arith.constant 0 : i32
    %dma_wait3A_127 = tpu.memref_slice %arg4[%dma_wait3A_125, %add3A_82, %dma_wait3A_126] : memref<4x4096x1024xf32, #tpu.memory_space<hbm>> -> memref<1x16x1024xf32, #tpu.memory_space<hbm>>
    %dma_wait3A_128 = tpu.memref_squeeze %dma_wait3A_127 : memref<1x16x1024xf32, #tpu.memory_space<hbm>> -> memref<16x1024xf32, #tpu.memory_space<hbm>>
    %dma_wait3A_129 = arith.constant 0 : i32
    %dma_wait3A_130 = tpu.memref_slice %arg4[%dma_wait3A_125, %add3A_82, %dma_wait3A_129] : memref<4x4096x1024xf32, #tpu.memory_space<hbm>> -> memref<1x16x1024xf32, #tpu.memory_space<hbm>>
    %dma_wait3A_131 = tpu.memref_squeeze %dma_wait3A_130 : memref<1x16x1024xf32, #tpu.memory_space<hbm>> -> memref<16x1024xf32, #tpu.memory_space<hbm>>
    tpu.wait_dma2 semaphore(%arg18 : memref<!tpu.dma_semaphore, #tpu.memory_space<semaphore_mem>>) src(%arg8 : memref<16x1024xf32, #tpu.memory_space<vmem>>) dst(%dma_wait3A_131 : memref<16x1024xf32, #tpu.memory_space<hbm>>)
    %add3A_132 = arith.constant 16 : i32
    %add3A_133 = arith.addi %mul3A_2, %add3A_132 : i32
    %dma_start3A_134 = arith.constant 1 : i32
    %dma_start3A_135 = arith.constant 0 : i32
    %dma_start3A_136 = tpu.memref_slice %arg2[%dma_start3A_134, %add3A_133, %dma_start3A_135] : memref<4x4096x1024xf32, #tpu.memory_space<hbm>> -> memref<1x16x1024xf32, #tpu.memory_space<hbm>>
    %dma_start3A_137 = tpu.memref_squeeze %dma_start3A_136 : memref<1x16x1024xf32, #tpu.memory_space<hbm>> -> memref<16x1024xf32, #tpu.memory_space<hbm>>
    %dma_start3A_138 = arith.constant 0 : i32
    %dma_start3A_139 = tpu.memref_slice %arg2[%dma_start3A_134, %add3A_133, %dma_start3A_138] : memref<4x4096x1024xf32, #tpu.memory_space<hbm>> -> memref<1x16x1024xf32, #tpu.memory_space<hbm>>
    %dma_start3A_140 = tpu.memref_squeeze %dma_start3A_139 : memref<1x16x1024xf32, #tpu.memory_space<hbm>> -> memref<16x1024xf32, #tpu.memory_space<hbm>>
    tpu.enqueue_dma source(%dma_start3A_140 : memref<16x1024xf32, #tpu.memory_space<hbm>>) target(%arg8 : memref<16x1024xf32, #tpu.memory_space<vmem>>) target_semaphore(%arg14 : memref<!tpu.dma_semaphore, #tpu.memory_space<semaphore_mem>>)
    %dma_wait3A_141 = arith.constant 3 : i32
    %dma_wait3A_142 = arith.constant 0 : i32
    %dma_wait3A_143 = tpu.memref_slice %arg2[%dma_wait3A_141, %add3A_63, %dma_wait3A_142] : memref<4x4096x1024xf32, #tpu.memory_space<hbm>> -> memref<1x16x1024xf32, #tpu.memory_space<hbm>>
    %dma_wait3A_144 = tpu.memref_squeeze %dma_wait3A_143 : memref<1x16x1024xf32, #tpu.memory_space<hbm>> -> memref<16x1024xf32, #tpu.memory_space<hbm>>
    %dma_wait3A_145 = arith.constant 0 : i32
    %dma_wait3A_146 = tpu.memref_slice %arg2[%dma_wait3A_141, %add3A_63, %dma_wait3A_145] : memref<4x4096x1024xf32, #tpu.memory_space<hbm>> -> memref<1x16x1024xf32, #tpu.memory_space<hbm>>
    %dma_wait3A_147 = tpu.memref_squeeze %dma_wait3A_146 : memref<1x16x1024xf32, #tpu.memory_space<hbm>> -> memref<16x1024xf32, #tpu.memory_space<hbm>>
    tpu.wait_dma2 semaphore(%arg16 : memref<!tpu.dma_semaphore, #tpu.memory_space<semaphore_mem>>) src(%dma_wait3A_147 : memref<16x1024xf32, #tpu.memory_space<hbm>>) dst(%arg10 : memref<16x1024xf32, #tpu.memory_space<vmem>>)
    %parallel_loop3A_148 = arith.constant 0 : i32
    %parallel_loop3A_149 = arith.constant 1024 : i32
    %parallel_loop3A_150 = arith.constant 1 : i32
    scf.for %parallel_loop3A_1200 = %parallel_loop3A_148 to %parallel_loop3A_149 step %parallel_loop3A_150  : i32 {
      %parallel_loop3A_1201 = arith.constant 64 : i32
      %parallel_loop3A_1202 = arith.divsi %parallel_loop3A_1200, %parallel_loop3A_1201 : i32
      %parallel_loop3A_1203 = arith.constant 0 : i32
      %parallel_loop3A_1204 = arith.cmpi sgt, %parallel_loop3A_1200, %parallel_loop3A_1203 : i32
      %parallel_loop3A_1205 = arith.extui %parallel_loop3A_1204 : i1 to i32
      %parallel_loop3A_1206 = arith.constant 0 : i32
      %parallel_loop3A_1207 = arith.cmpi slt, %parallel_loop3A_1200, %parallel_loop3A_1206 : i32
      %parallel_loop3A_1208 = arith.extui %parallel_loop3A_1207 : i1 to i32
      %parallel_loop3A_1209 = arith.subi %parallel_loop3A_1205, %parallel_loop3A_1208 : i32
      %parallel_loop3A_1210 = arith.constant 0 : i32
      %parallel_loop3A_1211 = arith.cmpi sgt, %parallel_loop3A_1201, %parallel_loop3A_1210 : i32
      %parallel_loop3A_1212 = arith.extui %parallel_loop3A_1211 : i1 to i32
      %parallel_loop3A_1213 = arith.constant 0 : i32
      %parallel_loop3A_1214 = arith.cmpi slt, %parallel_loop3A_1201, %parallel_loop3A_1213 : i32
      %parallel_loop3A_1215 = arith.extui %parallel_loop3A_1214 : i1 to i32
      %parallel_loop3A_1216 = arith.subi %parallel_loop3A_1212, %parallel_loop3A_1215 : i32
      %parallel_loop3A_1217 = arith.cmpi ne, %parallel_loop3A_1209, %parallel_loop3A_1216 : i32
      %parallel_loop3A_1218 = arith.remsi %parallel_loop3A_1200, %parallel_loop3A_1201 : i32
      %parallel_loop3A_1219 = arith.constant 0 : i32
      %parallel_loop3A_1220 = arith.cmpi ne, %parallel_loop3A_1218, %parallel_loop3A_1219 : i32
      %parallel_loop3A_1221 = arith.andi %parallel_loop3A_1217, %parallel_loop3A_1220 : i1
      %parallel_loop3A_1222 = arith.constant 1 : i32
      %parallel_loop3A_1223 = arith.subi %parallel_loop3A_1202, %parallel_loop3A_1222 : i32
      %parallel_loop3A_1224 = arith.select %parallel_loop3A_1221, %parallel_loop3A_1223, %parallel_loop3A_1202 : i32
      %parallel_loop3A_1225 = arith.constant 64 : i32
      %parallel_loop3A_1226 = arith.constant 0 : i32
      %parallel_loop3A_1227 = arith.cmpi eq, %parallel_loop3A_1225, %parallel_loop3A_1226 : i32
      %parallel_loop3A_1228 = arith.constant 1 : i32
      %parallel_loop3A_1229 = arith.select %parallel_loop3A_1227, %parallel_loop3A_1228, %parallel_loop3A_1225 : i32
      %parallel_loop3A_1230 = arith.remsi %parallel_loop3A_1200, %parallel_loop3A_1229 : i32
      %parallel_loop3A_1231 = arith.constant 0 : i32
      %parallel_loop3A_1232 = arith.cmpi ne, %parallel_loop3A_1230, %parallel_loop3A_1231 : i32
      %parallel_loop3A_1233 = arith.constant 0 : i32
      %parallel_loop3A_1234 = arith.cmpi slt, %parallel_loop3A_1230, %parallel_loop3A_1233 : i32
      %parallel_loop3A_1235 = arith.constant 0 : i32
      %parallel_loop3A_1236 = arith.cmpi slt, %parallel_loop3A_1229, %parallel_loop3A_1235 : i32
      %parallel_loop3A_1237 = arith.xori %parallel_loop3A_1234, %parallel_loop3A_1236 : i1
      %parallel_loop3A_1238 = arith.andi %parallel_loop3A_1237, %parallel_loop3A_1232 : i1
      %parallel_loop3A_1239 = arith.addi %parallel_loop3A_1230, %parallel_loop3A_1229 : i32
      %parallel_loop3A_1240 = arith.select %parallel_loop3A_1238, %parallel_loop3A_1239, %parallel_loop3A_1230 : i32
      %parallel_loop3A_1241 = arith.constant 16 : i32
      %parallel_loop3A_1242 = arith.muli %parallel_loop3A_1240, %parallel_loop3A_1241 : i32
      %parallel_loop3A_1243 = arith.index_cast %parallel_loop3A_1224 : i32 to index
      %parallel_loop3A_1244 = arith.index_cast %parallel_loop3A_1242 : i32 to index
      %parallel_loop3A_1245 = tpu.vector_load %arg10[%parallel_loop3A_1243, %parallel_loop3A_1244] {strides = array<i32>} : memref<16x1024xf32, #tpu.memory_space<vmem>>, vector<1x16xf32>,
      %parallel_loop3A_1246 = vector.shape_cast %parallel_loop3A_1245 : vector<1x16xf32> to vector<16xf32>
      %parallel_loop3A_1247 = arith.index_cast %parallel_loop3A_1224 : i32 to index
      %parallel_loop3A_1248 = arith.index_cast %parallel_loop3A_1242 : i32 to index
      %parallel_loop3A_1249 = tpu.vector_load %arg5[%parallel_loop3A_1247, %parallel_loop3A_1248] {strides = array<i32>} : memref<16x1024xf32, #tpu.memory_space<vmem>>, vector<1x16xf32>,
      %parallel_loop3A_1250 = vector.shape_cast %parallel_loop3A_1249 : vector<1x16xf32> to vector<16xf32>
      %parallel_loop3A_1251 = arith.addf %parallel_loop3A_1246, %parallel_loop3A_1250 : vector<16xf32>
      %parallel_loop3A_1252 = arith.index_cast %parallel_loop3A_1224 : i32 to index
      %parallel_loop3A_1253 = arith.index_cast %parallel_loop3A_1242 : i32 to index
      %parallel_loop3A_1254 = tpu.vector_load %arg10[%parallel_loop3A_1252, %parallel_loop3A_1253] {strides = array<i32>} : memref<16x1024xf32, #tpu.memory_space<vmem>>, vector<1x16xf32>,
      %parallel_loop3A_1255 = vector.shape_cast %parallel_loop3A_1254 : vector<1x16xf32> to vector<16xf32>
      %parallel_loop3A_1256 = vector.shape_cast %parallel_loop3A_1251 : vector<16xf32> to vector<1x16xf32>
      tpu.vector_store %arg10[%parallel_loop3A_1252, %parallel_loop3A_1253], %parallel_loop3A_1256 {strides = array<i32>} : memref<16x1024xf32, #tpu.memory_space<vmem>>, vector<1x16xf32>,
    } {sc.loop_unroll_factor = 8 : i64, sc.parallel_access}
    %add3A_151 = arith.constant 0 : i32
    %add3A_152 = arith.addi %mul3A_2, %add3A_151 : i32
    %dma_start3A_153 = arith.constant 3 : i32
    %dma_start3A_154 = arith.constant 0 : i32
    %dma_start3A_155 = tpu.memref_slice %arg4[%dma_start3A_153, %add3A_152, %dma_start3A_154] : memref<4x4096x1024xf32, #tpu.memory_space<hbm>> -> memref<1x16x1024xf32, #tpu.memory_space<hbm>>
    %dma_start3A_156 = tpu.memref_squeeze %dma_start3A_155 : memref<1x16x1024xf32, #tpu.memory_space<hbm>> -> memref<16x1024xf32, #tpu.memory_space<hbm>>
    %dma_start3A_157 = arith.constant 0 : i32
    %dma_start3A_158 = tpu.memref_slice %arg4[%dma_start3A_153, %add3A_152, %dma_start3A_157] : memref<4x4096x1024xf32, #tpu.memory_space<hbm>> -> memref<1x16x1024xf32, #tpu.memory_space<hbm>>
    %dma_start3A_159 = tpu.memref_squeeze %dma_start3A_158 : memref<1x16x1024xf32, #tpu.memory_space<hbm>> -> memref<16x1024xf32, #tpu.memory_space<hbm>>
    tpu.enqueue_dma source(%arg10 : memref<16x1024xf32, #tpu.memory_space<vmem>>) target(%dma_start3A_159 : memref<16x1024xf32, #tpu.memory_space<hbm>>) target_semaphore(%arg20 : memref<!tpu.dma_semaphore, #tpu.memory_space<semaphore_mem>>)
    %dma_wait3A_160 = arith.constant 2 : i32
    %dma_wait3A_161 = arith.constant 0 : i32
    %dma_wait3A_162 = tpu.memref_slice %arg4[%dma_wait3A_160, %add3A_117, %dma_wait3A_161] : memref<4x4096x1024xf32, #tpu.memory_space<hbm>> -> memref<1x16x1024xf32, #tpu.memory_space<hbm>>
    %dma_wait3A_163 = tpu.memref_squeeze %dma_wait3A_162 : memref<1x16x1024xf32, #tpu.memory_space<hbm>> -> memref<16x1024xf32, #tpu.memory_space<hbm>>
    %dma_wait3A_164 = arith.constant 0 : i32
    %dma_wait3A_165 = tpu.memref_slice %arg4[%dma_wait3A_160, %add3A_117, %dma_wait3A_164] : memref<4x4096x1024xf32, #tpu.memory_space<hbm>> -> memref<1x16x1024xf32, #tpu.memory_space<hbm>>
    %dma_wait3A_166 = tpu.memref_squeeze %dma_wait3A_165 : memref<1x16x1024xf32, #tpu.memory_space<hbm>> -> memref<16x1024xf32, #tpu.memory_space<hbm>>
    tpu.wait_dma2 semaphore(%arg19 : memref<!tpu.dma_semaphore, #tpu.memory_space<semaphore_mem>>) src(%arg9 : memref<16x1024xf32, #tpu.memory_space<vmem>>) dst(%dma_wait3A_166 : memref<16x1024xf32, #tpu.memory_space<hbm>>)
    %add3A_167 = arith.constant 16 : i32
    %add3A_168 = arith.addi %mul3A_2, %add3A_167 : i32
    %dma_start3A_169 = arith.constant 2 : i32
    %dma_start3A_170 = arith.constant 0 : i32
    %dma_start3A_171 = tpu.memref_slice %arg2[%dma_start3A_169, %add3A_168, %dma_start3A_170] : memref<4x4096x1024xf32, #tpu.memory_space<hbm>> -> memref<1x16x1024xf32, #tpu.memory_space<hbm>>
    %dma_start3A_172 = tpu.memref_squeeze %dma_start3A_171 : memref<1x16x1024xf32, #tpu.memory_space<hbm>> -> memref<16x1024xf32, #tpu.memory_space<hbm>>
    %dma_start3A_173 = arith.constant 0 : i32
    %dma_start3A_174 = tpu.memref_slice %arg2[%dma_start3A_169, %add3A_168, %dma_start3A_173] : memref<4x4096x1024xf32, #tpu.memory_space<hbm>> -> memref<1x16x1024xf32, #tpu.memory_space<hbm>>
    %dma_start3A_175 = tpu.memref_squeeze %dma_start3A_174 : memref<1x16x1024xf32, #tpu.memory_space<hbm>> -> memref<16x1024xf32, #tpu.memory_space<hbm>>
    tpu.enqueue_dma source(%dma_start3A_175 : memref<16x1024xf32, #tpu.memory_space<hbm>>) target(%arg9 : memref<16x1024xf32, #tpu.memory_space<vmem>>) target_semaphore(%arg15 : memref<!tpu.dma_semaphore, #tpu.memory_space<semaphore_mem>>)
    %dma_wait3A_176 = arith.constant 0 : i32
    %dma_wait3A_177 = arith.constant 0 : i32
    %dma_wait3A_178 = tpu.memref_slice %arg2[%dma_wait3A_176, %add3A_98, %dma_wait3A_177] : memref<4x4096x1024xf32, #tpu.memory_space<hbm>> -> memref<1x16x1024xf32, #tpu.memory_space<hbm>>
    %dma_wait3A_179 = tpu.memref_squeeze %dma_wait3A_178 : memref<1x16x1024xf32, #tpu.memory_space<hbm>> -> memref<16x1024xf32, #tpu.memory_space<hbm>>
    %dma_wait3A_180 = arith.constant 0 : i32
    %dma_wait3A_181 = tpu.memref_slice %arg2[%dma_wait3A_176, %add3A_98, %dma_wait3A_180] : memref<4x4096x1024xf32, #tpu.memory_space<hbm>> -> memref<1x16x1024xf32, #tpu.memory_space<hbm>>
    %dma_wait3A_182 = tpu.memref_squeeze %dma_wait3A_181 : memref<1x16x1024xf32, #tpu.memory_space<hbm>> -> memref<16x1024xf32, #tpu.memory_space<hbm>>
    tpu.wait_dma2 semaphore(%arg13 : memref<!tpu.dma_semaphore, #tpu.memory_space<semaphore_mem>>) src(%dma_wait3A_182 : memref<16x1024xf32, #tpu.memory_space<hbm>>) dst(%arg7 : memref<16x1024xf32, #tpu.memory_space<vmem>>)
    %dma_wait3A_183 = arith.constant 0 : i32
    %dma_wait3A_184 = tpu.memref_slice %arg3[%add3A_57, %dma_wait3A_183] : memref<8192x1024xf32, #tpu.memory_space<hbm>> -> memref<16x1024xf32, #tpu.memory_space<hbm>>
    %dma_wait3A_185 = arith.constant 0 : i32
    %dma_wait3A_186 = tpu.memref_slice %arg3[%add3A_57, %dma_wait3A_185] : memref<8192x1024xf32, #tpu.memory_space<hbm>> -> memref<16x1024xf32, #tpu.memory_space<hbm>>
    tpu.wait_dma2 semaphore(%arg12 : memref<!tpu.dma_semaphore, #tpu.memory_space<semaphore_mem>>) src(%dma_wait3A_186 : memref<16x1024xf32, #tpu.memory_space<hbm>>) dst(%arg6 : memref<16x1024xf32, #tpu.memory_space<vmem>>)
    %parallel_loop3A_187 = arith.constant 0 : i32
    %parallel_loop3A_188 = arith.constant 1024 : i32
    %parallel_loop3A_189 = arith.constant 1 : i32
    scf.for %parallel_loop3A_1200 = %parallel_loop3A_187 to %parallel_loop3A_188 step %parallel_loop3A_189  : i32 {
      %parallel_loop3A_1201 = arith.constant 64 : i32
      %parallel_loop3A_1202 = arith.divsi %parallel_loop3A_1200, %parallel_loop3A_1201 : i32
      %parallel_loop3A_1203 = arith.constant 0 : i32
      %parallel_loop3A_1204 = arith.cmpi sgt, %parallel_loop3A_1200, %parallel_loop3A_1203 : i32
      %parallel_loop3A_1205 = arith.extui %parallel_loop3A_1204 : i1 to i32
      %parallel_loop3A_1206 = arith.constant 0 : i32
      %parallel_loop3A_1207 = arith.cmpi slt, %parallel_loop3A_1200, %parallel_loop3A_1206 : i32
      %parallel_loop3A_1208 = arith.extui %parallel_loop3A_1207 : i1 to i32
      %parallel_loop3A_1209 = arith.subi %parallel_loop3A_1205, %parallel_loop3A_1208 : i32
      %parallel_loop3A_1210 = arith.constant 0 : i32
      %parallel_loop3A_1211 = arith.cmpi sgt, %parallel_loop3A_1201, %parallel_loop3A_1210 : i32
      %parallel_loop3A_1212 = arith.extui %parallel_loop3A_1211 : i1 to i32
      %parallel_loop3A_1213 = arith.constant 0 : i32
      %parallel_loop3A_1214 = arith.cmpi slt, %parallel_loop3A_1201, %parallel_loop3A_1213 : i32
      %parallel_loop3A_1215 = arith.extui %parallel_loop3A_1214 : i1 to i32
      %parallel_loop3A_1216 = arith.subi %parallel_loop3A_1212, %parallel_loop3A_1215 : i32
      %parallel_loop3A_1217 = arith.cmpi ne, %parallel_loop3A_1209, %parallel_loop3A_1216 : i32
      %parallel_loop3A_1218 = arith.remsi %parallel_loop3A_1200, %parallel_loop3A_1201 : i32
      %parallel_loop3A_1219 = arith.constant 0 : i32
      %parallel_loop3A_1220 = arith.cmpi ne, %parallel_loop3A_1218, %parallel_loop3A_1219 : i32
      %parallel_loop3A_1221 = arith.andi %parallel_loop3A_1217, %parallel_loop3A_1220 : i1
      %parallel_loop3A_1222 = arith.constant 1 : i32
      %parallel_loop3A_1223 = arith.subi %parallel_loop3A_1202, %parallel_loop3A_1222 : i32
      %parallel_loop3A_1224 = arith.select %parallel_loop3A_1221, %parallel_loop3A_1223, %parallel_loop3A_1202 : i32
      %parallel_loop3A_1225 = arith.constant 64 : i32
      %parallel_loop3A_1226 = arith.constant 0 : i32
      %parallel_loop3A_1227 = arith.cmpi eq, %parallel_loop3A_1225, %parallel_loop3A_1226 : i32
      %parallel_loop3A_1228 = arith.constant 1 : i32
      %parallel_loop3A_1229 = arith.select %parallel_loop3A_1227, %parallel_loop3A_1228, %parallel_loop3A_1225 : i32
      %parallel_loop3A_1230 = arith.remsi %parallel_loop3A_1200, %parallel_loop3A_1229 : i32
      %parallel_loop3A_1231 = arith.constant 0 : i32
      %parallel_loop3A_1232 = arith.cmpi ne, %parallel_loop3A_1230, %parallel_loop3A_1231 : i32
      %parallel_loop3A_1233 = arith.constant 0 : i32
      %parallel_loop3A_1234 = arith.cmpi slt, %parallel_loop3A_1230, %parallel_loop3A_1233 : i32
      %parallel_loop3A_1235 = arith.constant 0 : i32
      %parallel_loop3A_1236 = arith.cmpi slt, %parallel_loop3A_1229, %parallel_loop3A_1235 : i32
      %parallel_loop3A_1237 = arith.xori %parallel_loop3A_1234, %parallel_loop3A_1236 : i1
      %parallel_loop3A_1238 = arith.andi %parallel_loop3A_1237, %parallel_loop3A_1232 : i1
      %parallel_loop3A_1239 = arith.addi %parallel_loop3A_1230, %parallel_loop3A_1229 : i32
      %parallel_loop3A_1240 = arith.select %parallel_loop3A_1238, %parallel_loop3A_1239, %parallel_loop3A_1230 : i32
      %parallel_loop3A_1241 = arith.constant 16 : i32
      %parallel_loop3A_1242 = arith.muli %parallel_loop3A_1240, %parallel_loop3A_1241 : i32
      %parallel_loop3A_1243 = arith.index_cast %parallel_loop3A_1224 : i32 to index
      %parallel_loop3A_1244 = arith.index_cast %parallel_loop3A_1242 : i32 to index
      %parallel_loop3A_1245 = tpu.vector_load %arg7[%parallel_loop3A_1243, %parallel_loop3A_1244] {strides = array<i32>} : memref<16x1024xf32, #tpu.memory_space<vmem>>, vector<1x16xf32>,
      %parallel_loop3A_1246 = vector.shape_cast %parallel_loop3A_1245 : vector<1x16xf32> to vector<16xf32>
      %parallel_loop3A_1247 = arith.index_cast %parallel_loop3A_1224 : i32 to index
      %parallel_loop3A_1248 = arith.index_cast %parallel_loop3A_1242 : i32 to index
      %parallel_loop3A_1249 = tpu.vector_load %arg6[%parallel_loop3A_1247, %parallel_loop3A_1248] {strides = array<i32>} : memref<16x1024xf32, #tpu.memory_space<vmem>>, vector<1x16xf32>,
      %parallel_loop3A_1250 = vector.shape_cast %parallel_loop3A_1249 : vector<1x16xf32> to vector<16xf32>
      %parallel_loop3A_1251 = arith.addf %parallel_loop3A_1246, %parallel_loop3A_1250 : vector<16xf32>
      %parallel_loop3A_1252 = arith.index_cast %parallel_loop3A_1224 : i32 to index
      %parallel_loop3A_1253 = arith.index_cast %parallel_loop3A_1242 : i32 to index
      %parallel_loop3A_1254 = tpu.vector_load %arg7[%parallel_loop3A_1252, %parallel_loop3A_1253] {strides = array<i32>} : memref<16x1024xf32, #tpu.memory_space<vmem>>, vector<1x16xf32>,
      %parallel_loop3A_1255 = vector.shape_cast %parallel_loop3A_1254 : vector<1x16xf32> to vector<16xf32>
      %parallel_loop3A_1256 = vector.shape_cast %parallel_loop3A_1251 : vector<16xf32> to vector<1x16xf32>
      tpu.vector_store %arg7[%parallel_loop3A_1252, %parallel_loop3A_1253], %parallel_loop3A_1256 {strides = array<i32>} : memref<16x1024xf32, #tpu.memory_space<vmem>>, vector<1x16xf32>,
    } {sc.loop_unroll_factor = 8 : i64, sc.parallel_access}
    %add3A_190 = arith.constant 16 : i32
    %add3A_191 = arith.addi %mul3A_2, %add3A_190 : i32
    %dma_start3A_192 = arith.constant 0 : i32
    %dma_start3A_193 = arith.constant 0 : i32
    %dma_start3A_194 = tpu.memref_slice %arg4[%dma_start3A_192, %add3A_191, %dma_start3A_193] : memref<4x4096x1024xf32, #tpu.memory_space<hbm>> -> memref<1x16x1024xf32, #tpu.memory_space<hbm>>
    %dma_start3A_195 = tpu.memref_squeeze %dma_start3A_194 : memref<1x16x1024xf32, #tpu.memory_space<hbm>> -> memref<16x1024xf32, #tpu.memory_space<hbm>>
    %dma_start3A_196 = arith.constant 0 : i32
    %dma_start3A_197 = tpu.memref_slice %arg4[%dma_start3A_192, %add3A_191, %dma_start3A_196] : memref<4x4096x1024xf32, #tpu.memory_space<hbm>> -> memref<1x16x1024xf32, #tpu.memory_space<hbm>>
    %dma_start3A_198 = tpu.memref_squeeze %dma_start3A_197 : memref<1x16x1024xf32, #tpu.memory_space<hbm>> -> memref<16x1024xf32, #tpu.memory_space<hbm>>
    tpu.enqueue_dma source(%arg7 : memref<16x1024xf32, #tpu.memory_space<vmem>>) target(%dma_start3A_198 : memref<16x1024xf32, #tpu.memory_space<hbm>>) target_semaphore(%arg17 : memref<!tpu.dma_semaphore, #tpu.memory_space<semaphore_mem>>)
    %add3A_199 = arith.constant 32 : i32
    %add3A_200 = arith.addi %mul3A_2, %add3A_199 : i32
    %dma_start3A_201 = arith.constant 0 : i32
    %dma_start3A_202 = tpu.memref_slice %arg3[%add3A_200, %dma_start3A_201] : memref<8192x1024xf32, #tpu.memory_space<hbm>> -> memref<16x1024xf32, #tpu.memory_space<hbm>>
    %dma_start3A_203 = arith.constant 0 : i32
    %dma_start3A_204 = tpu.memref_slice %arg3[%add3A_200, %dma_start3A_203] : memref<8192x1024xf32, #tpu.memory_space<hbm>> -> memref<16x1024xf32, #tpu.memory_space<hbm>>
    tpu.enqueue_dma source(%dma_start3A_204 : memref<16x1024xf32, #tpu.memory_space<hbm>>) target(%arg5 : memref<16x1024xf32, #tpu.memory_space<vmem>>) target_semaphore(%arg11 : memref<!tpu.dma_semaphore, #tpu.memory_space<semaphore_mem>>)
    %dma_wait3A_205 = arith.constant 3 : i32
    %dma_wait3A_206 = arith.constant 0 : i32
    %dma_wait3A_207 = tpu.memref_slice %arg4[%dma_wait3A_205, %add3A_152, %dma_wait3A_206] : memref<4x4096x1024xf32, #tpu.memory_space<hbm>> -> memref<1x16x1024xf32, #tpu.memory_space<hbm>>
    %dma_wait3A_208 = tpu.memref_squeeze %dma_wait3A_207 : memref<1x16x1024xf32, #tpu.memory_space<hbm>> -> memref<16x1024xf32, #tpu.memory_space<hbm>>
    %dma_wait3A_209 = arith.constant 0 : i32
    %dma_wait3A_210 = tpu.memref_slice %arg4[%dma_wait3A_205, %add3A_152, %dma_wait3A_209] : memref<4x4096x1024xf32, #tpu.memory_space<hbm>> -> memref<1x16x1024xf32, #tpu.memory_space<hbm>>
    %dma_wait3A_211 = tpu.memref_squeeze %dma_wait3A_210 : memref<1x16x1024xf32, #tpu.memory_space<hbm>> -> memref<16x1024xf32, #tpu.memory_space<hbm>>
    tpu.wait_dma2 semaphore(%arg20 : memref<!tpu.dma_semaphore, #tpu.memory_space<semaphore_mem>>) src(%arg10 : memref<16x1024xf32, #tpu.memory_space<vmem>>) dst(%dma_wait3A_211 : memref<16x1024xf32, #tpu.memory_space<hbm>>)
    %add3A_212 = arith.constant 16 : i32
    %add3A_213 = arith.addi %mul3A_2, %add3A_212 : i32
    %dma_start3A_214 = arith.constant 3 : i32
    %dma_start3A_215 = arith.constant 0 : i32
    %dma_start3A_216 = tpu.memref_slice %arg2[%dma_start3A_214, %add3A_213, %dma_start3A_215] : memref<4x4096x1024xf32, #tpu.memory_space<hbm>> -> memref<1x16x1024xf32, #tpu.memory_space<hbm>>
    %dma_start3A_217 = tpu.memref_squeeze %dma_start3A_216 : memref<1x16x1024xf32, #tpu.memory_space<hbm>> -> memref<16x1024xf32, #tpu.memory_space<hbm>>
    %dma_start3A_218 = arith.constant 0 : i32
    %dma_start3A_219 = tpu.memref_slice %arg2[%dma_start3A_214, %add3A_213, %dma_start3A_218] : memref<4x4096x1024xf32, #tpu.memory_space<hbm>> -> memref<1x16x1024xf32, #tpu.memory_space<hbm>>
    %dma_start3A_220 = tpu.memref_squeeze %dma_start3A_219 : memref<1x16x1024xf32, #tpu.memory_space<hbm>> -> memref<16x1024xf32, #tpu.memory_space<hbm>>
    tpu.enqueue_dma source(%dma_start3A_220 : memref<16x1024xf32, #tpu.memory_space<hbm>>) target(%arg10 : memref<16x1024xf32, #tpu.memory_space<vmem>>) target_semaphore(%arg16 : memref<!tpu.dma_semaphore, #tpu.memory_space<semaphore_mem>>)
    %dma_wait3A_221 = arith.constant 1 : i32
    %dma_wait3A_222 = arith.constant 0 : i32
    %dma_wait3A_223 = tpu.memref_slice %arg2[%dma_wait3A_221, %add3A_133, %dma_wait3A_222] : memref<4x4096x1024xf32, #tpu.memory_space<hbm>> -> memref<1x16x1024xf32, #tpu.memory_space<hbm>>
    %dma_wait3A_224 = tpu.memref_squeeze %dma_wait3A_223 : memref<1x16x1024xf32, #tpu.memory_space<hbm>> -> memref<16x1024xf32, #tpu.memory_space<hbm>>
    %dma_wait3A_225 = arith.constant 0 : i32
    %dma_wait3A_226 = tpu.memref_slice %arg2[%dma_wait3A_221, %add3A_133, %dma_wait3A_225] : memref<4x4096x1024xf32, #tpu.memory_space<hbm>> -> memref<1x16x1024xf32, #tpu.memory_space<hbm>>
    %dma_wait3A_227 = tpu.memref_squeeze %dma_wait3A_226 : memref<1x16x1024xf32, #tpu.memory_space<hbm>> -> memref<16x1024xf32, #tpu.memory_space<hbm>>
    tpu.wait_dma2 semaphore(%arg14 : memref<!tpu.dma_semaphore, #tpu.memory_space<semaphore_mem>>) src(%dma_wait3A_227 : memref<16x1024xf32, #tpu.memory_space<hbm>>) dst(%arg8 : memref<16x1024xf32, #tpu.memory_space<vmem>>)
    %parallel_loop3A_228 = arith.constant 0 : i32
    %parallel_loop3A_229 = arith.constant 1024 : i32
    %parallel_loop3A_230 = arith.constant 1 : i32
    scf.for %parallel_loop3A_1200 = %parallel_loop3A_228 to %parallel_loop3A_229 step %parallel_loop3A_230  : i32 {
      %parallel_loop3A_1201 = arith.constant 64 : i32
      %parallel_loop3A_1202 = arith.divsi %parallel_loop3A_1200, %parallel_loop3A_1201 : i32
      %parallel_loop3A_1203 = arith.constant 0 : i32
      %parallel_loop3A_1204 = arith.cmpi sgt, %parallel_loop3A_1200, %parallel_loop3A_1203 : i32
      %parallel_loop3A_1205 = arith.extui %parallel_loop3A_1204 : i1 to i32
      %parallel_loop3A_1206 = arith.constant 0 : i32
      %parallel_loop3A_1207 = arith.cmpi slt, %parallel_loop3A_1200, %parallel_loop3A_1206 : i32
      %parallel_loop3A_1208 = arith.extui %parallel_loop3A_1207 : i1 to i32
      %parallel_loop3A_1209 = arith.subi %parallel_loop3A_1205, %parallel_loop3A_1208 : i32
      %parallel_loop3A_1210 = arith.constant 0 : i32
      %parallel_loop3A_1211 = arith.cmpi sgt, %parallel_loop3A_1201, %parallel_loop3A_1210 : i32
      %parallel_loop3A_1212 = arith.extui %parallel_loop3A_1211 : i1 to i32
      %parallel_loop3A_1213 = arith.constant 0 : i32
      %parallel_loop3A_1214 = arith.cmpi slt, %parallel_loop3A_1201, %parallel_loop3A_1213 : i32
      %parallel_loop3A_1215 = arith.extui %parallel_loop3A_1214 : i1 to i32
      %parallel_loop3A_1216 = arith.subi %parallel_loop3A_1212, %parallel_loop3A_1215 : i32
      %parallel_loop3A_1217 = arith.cmpi ne, %parallel_loop3A_1209, %parallel_loop3A_1216 : i32
      %parallel_loop3A_1218 = arith.remsi %parallel_loop3A_1200, %parallel_loop3A_1201 : i32
      %parallel_loop3A_1219 = arith.constant 0 : i32
      %parallel_loop3A_1220 = arith.cmpi ne, %parallel_loop3A_1218, %parallel_loop3A_1219 : i32
      %parallel_loop3A_1221 = arith.andi %parallel_loop3A_1217, %parallel_loop3A_1220 : i1
      %parallel_loop3A_1222 = arith.constant 1 : i32
      %parallel_loop3A_1223 = arith.subi %parallel_loop3A_1202, %parallel_loop3A_1222 : i32
      %parallel_loop3A_1224 = arith.select %parallel_loop3A_1221, %parallel_loop3A_1223, %parallel_loop3A_1202 : i32
      %parallel_loop3A_1225 = arith.constant 64 : i32
      %parallel_loop3A_1226 = arith.constant 0 : i32
      %parallel_loop3A_1227 = arith.cmpi eq, %parallel_loop3A_1225, %parallel_loop3A_1226 : i32
      %parallel_loop3A_1228 = arith.constant 1 : i32
      %parallel_loop3A_1229 = arith.select %parallel_loop3A_1227, %parallel_loop3A_1228, %parallel_loop3A_1225 : i32
      %parallel_loop3A_1230 = arith.remsi %parallel_loop3A_1200, %parallel_loop3A_1229 : i32
      %parallel_loop3A_1231 = arith.constant 0 : i32
      %parallel_loop3A_1232 = arith.cmpi ne, %parallel_loop3A_1230, %parallel_loop3A_1231 : i32
      %parallel_loop3A_1233 = arith.constant 0 : i32
      %parallel_loop3A_1234 = arith.cmpi slt, %parallel_loop3A_1230, %parallel_loop3A_1233 : i32
      %parallel_loop3A_1235 = arith.constant 0 : i32
      %parallel_loop3A_1236 = arith.cmpi slt, %parallel_loop3A_1229, %parallel_loop3A_1235 : i32
      %parallel_loop3A_1237 = arith.xori %parallel_loop3A_1234, %parallel_loop3A_1236 : i1
      %parallel_loop3A_1238 = arith.andi %parallel_loop3A_1237, %parallel_loop3A_1232 : i1
      %parallel_loop3A_1239 = arith.addi %parallel_loop3A_1230, %parallel_loop3A_1229 : i32
      %parallel_loop3A_1240 = arith.select %parallel_loop3A_1238, %parallel_loop3A_1239, %parallel_loop3A_1230 : i32
      %parallel_loop3A_1241 = arith.constant 16 : i32
      %parallel_loop3A_1242 = arith.muli %parallel_loop3A_1240, %parallel_loop3A_1241 : i32
      %parallel_loop3A_1243 = arith.index_cast %parallel_loop3A_1224 : i32 to index
      %parallel_loop3A_1244 = arith.index_cast %parallel_loop3A_1242 : i32 to index
      %parallel_loop3A_1245 = tpu.vector_load %arg8[%parallel_loop3A_1243, %parallel_loop3A_1244] {strides = array<i32>} : memref<16x1024xf32, #tpu.memory_space<vmem>>, vector<1x16xf32>,
      %parallel_loop3A_1246 = vector.shape_cast %parallel_loop3A_1245 : vector<1x16xf32> to vector<16xf32>
      %parallel_loop3A_1247 = arith.index_cast %parallel_loop3A_1224 : i32 to index
      %parallel_loop3A_1248 = arith.index_cast %parallel_loop3A_1242 : i32 to index
      %parallel_loop3A_1249 = tpu.vector_load %arg6[%parallel_loop3A_1247, %parallel_loop3A_1248] {strides = array<i32>} : memref<16x1024xf32, #tpu.memory_space<vmem>>, vector<1x16xf32>,
      %parallel_loop3A_1250 = vector.shape_cast %parallel_loop3A_1249 : vector<1x16xf32> to vector<16xf32>
      %parallel_loop3A_1251 = arith.addf %parallel_loop3A_1246, %parallel_loop3A_1250 : vector<16xf32>
      %parallel_loop3A_1252 = arith.index_cast %parallel_loop3A_1224 : i32 to index
      %parallel_loop3A_1253 = arith.index_cast %parallel_loop3A_1242 : i32 to index
      %parallel_loop3A_1254 = tpu.vector_load %arg8[%parallel_loop3A_1252, %parallel_loop3A_1253] {strides = array<i32>} : memref<16x1024xf32, #tpu.memory_space<vmem>>, vector<1x16xf32>,
      %parallel_loop3A_1255 = vector.shape_cast %parallel_loop3A_1254 : vector<1x16xf32> to vector<16xf32>
      %parallel_loop3A_1256 = vector.shape_cast %parallel_loop3A_1251 : vector<16xf32> to vector<1x16xf32>
      tpu.vector_store %arg8[%parallel_loop3A_1252, %parallel_loop3A_1253], %parallel_loop3A_1256 {strides = array<i32>} : memref<16x1024xf32, #tpu.memory_space<vmem>>, vector<1x16xf32>,
    } {sc.loop_unroll_factor = 8 : i64, sc.parallel_access}
    %add3A_231 = arith.constant 16 : i32
    %add3A_232 = arith.addi %mul3A_2, %add3A_231 : i32
    %dma_start3A_233 = arith.constant 1 : i32
    %dma_start3A_234 = arith.constant 0 : i32
    %dma_start3A_235 = tpu.memref_slice %arg4[%dma_start3A_233, %add3A_232, %dma_start3A_234] : memref<4x4096x1024xf32, #tpu.memory_space<hbm>> -> memref<1x16x1024xf32, #tpu.memory_space<hbm>>
    %dma_start3A_236 = tpu.memref_squeeze %dma_start3A_235 : memref<1x16x1024xf32, #tpu.memory_space<hbm>> -> memref<16x1024xf32, #tpu.memory_space<hbm>>
    %dma_start3A_237 = arith.constant 0 : i32
    %dma_start3A_238 = tpu.memref_slice %arg4[%dma_start3A_233, %add3A_232, %dma_start3A_237] : memref<4x4096x1024xf32, #tpu.memory_space<hbm>> -> memref<1x16x1024xf32, #tpu.memory_space<hbm>>
    %dma_start3A_239 = tpu.memref_squeeze %dma_start3A_238 : memref<1x16x1024xf32, #tpu.memory_space<hbm>> -> memref<16x1024xf32, #tpu.memory_space<hbm>>
    tpu.enqueue_dma source(%arg8 : memref<16x1024xf32, #tpu.memory_space<vmem>>) target(%dma_start3A_239 : memref<16x1024xf32, #tpu.memory_space<hbm>>) target_semaphore(%arg18 : memref<!tpu.dma_semaphore, #tpu.memory_space<semaphore_mem>>)
    %dma_wait3A_240 = arith.constant 0 : i32
    %dma_wait3A_241 = arith.constant 0 : i32
    %dma_wait3A_242 = tpu.memref_slice %arg4[%dma_wait3A_240, %add3A_191, %dma_wait3A_241] : memref<4x4096x1024xf32, #tpu.memory_space<hbm>> -> memref<1x16x1024xf32, #tpu.memory_space<hbm>>
    %dma_wait3A_243 = tpu.memref_squeeze %dma_wait3A_242 : memref<1x16x1024xf32, #tpu.memory_space<hbm>> -> memref<16x1024xf32, #tpu.memory_space<hbm>>
    %dma_wait3A_244 = arith.constant 0 : i32
    %dma_wait3A_245 = tpu.memref_slice %arg4[%dma_wait3A_240, %add3A_191, %dma_wait3A_244] : memref<4x4096x1024xf32, #tpu.memory_space<hbm>> -> memref<1x16x1024xf32, #tpu.memory_space<hbm>>
    %dma_wait3A_246 = tpu.memref_squeeze %dma_wait3A_245 : memref<1x16x1024xf32, #tpu.memory_space<hbm>> -> memref<16x1024xf32, #tpu.memory_space<hbm>>
    tpu.wait_dma2 semaphore(%arg17 : memref<!tpu.dma_semaphore, #tpu.memory_space<semaphore_mem>>) src(%arg7 : memref<16x1024xf32, #tpu.memory_space<vmem>>) dst(%dma_wait3A_246 : memref<16x1024xf32, #tpu.memory_space<hbm>>)
    %add3A_247 = arith.constant 32 : i32
    %add3A_248 = arith.addi %mul3A_2, %add3A_247 : i32
    %dma_start3A_249 = arith.constant 0 : i32
    %dma_start3A_250 = arith.constant 0 : i32
    %dma_start3A_251 = tpu.memref_slice %arg2[%dma_start3A_249, %add3A_248, %dma_start3A_250] : memref<4x4096x1024xf32, #tpu.memory_space<hbm>> -> memref<1x16x1024xf32, #tpu.memory_space<hbm>>
    %dma_start3A_252 = tpu.memref_squeeze %dma_start3A_251 : memref<1x16x1024xf32, #tpu.memory_space<hbm>> -> memref<16x1024xf32, #tpu.memory_space<hbm>>
    %dma_start3A_253 = arith.constant 0 : i32
    %dma_start3A_254 = tpu.memref_slice %arg2[%dma_start3A_249, %add3A_248, %dma_start3A_253] : memref<4x4096x1024xf32, #tpu.memory_space<hbm>> -> memref<1x16x1024xf32, #tpu.memory_space<hbm>>
    %dma_start3A_255 = tpu.memref_squeeze %dma_start3A_254 : memref<1x16x1024xf32, #tpu.memory_space<hbm>> -> memref<16x1024xf32, #tpu.memory_space<hbm>>
    tpu.enqueue_dma source(%dma_start3A_255 : memref<16x1024xf32, #tpu.memory_space<hbm>>) target(%arg7 : memref<16x1024xf32, #tpu.memory_space<vmem>>) target_semaphore(%arg13 : memref<!tpu.dma_semaphore, #tpu.memory_space<semaphore_mem>>)
    %dma_wait3A_256 = arith.constant 2 : i32
    %dma_wait3A_257 = arith.constant 0 : i32
    %dma_wait3A_258 = tpu.memref_slice %arg2[%dma_wait3A_256, %add3A_168, %dma_wait3A_257] : memref<4x4096x1024xf32, #tpu.memory_space<hbm>> -> memref<1x16x1024xf32, #tpu.memory_space<hbm>>
    %dma_wait3A_259 = tpu.memref_squeeze %dma_wait3A_258 : memref<1x16x1024xf32, #tpu.memory_space<hbm>> -> memref<16x1024xf32, #tpu.memory_space<hbm>>
    %dma_wait3A_260 = arith.constant 0 : i32
    %dma_wait3A_261 = tpu.memref_slice %arg2[%dma_wait3A_256, %add3A_168, %dma_wait3A_260] : memref<4x4096x1024xf32, #tpu.memory_space<hbm>> -> memref<1x16x1024xf32, #tpu.memory_space<hbm>>
    %dma_wait3A_262 = tpu.memref_squeeze %dma_wait3A_261 : memref<1x16x1024xf32, #tpu.memory_space<hbm>> -> memref<16x1024xf32, #tpu.memory_space<hbm>>
    tpu.wait_dma2 semaphore(%arg15 : memref<!tpu.dma_semaphore, #tpu.memory_space<semaphore_mem>>) src(%dma_wait3A_262 : memref<16x1024xf32, #tpu.memory_space<hbm>>) dst(%arg9 : memref<16x1024xf32, #tpu.memory_space<vmem>>)
    %parallel_loop3A_263 = arith.constant 0 : i32
    %parallel_loop3A_264 = arith.constant 1024 : i32
    %parallel_loop3A_265 = arith.constant 1 : i32
    scf.for %parallel_loop3A_1200 = %parallel_loop3A_263 to %parallel_loop3A_264 step %parallel_loop3A_265  : i32 {
      %parallel_loop3A_1201 = arith.constant 64 : i32
      %parallel_loop3A_1202 = arith.divsi %parallel_loop3A_1200, %parallel_loop3A_1201 : i32
      %parallel_loop3A_1203 = arith.constant 0 : i32
      %parallel_loop3A_1204 = arith.cmpi sgt, %parallel_loop3A_1200, %parallel_loop3A_1203 : i32
      %parallel_loop3A_1205 = arith.extui %parallel_loop3A_1204 : i1 to i32
      %parallel_loop3A_1206 = arith.constant 0 : i32
      %parallel_loop3A_1207 = arith.cmpi slt, %parallel_loop3A_1200, %parallel_loop3A_1206 : i32
      %parallel_loop3A_1208 = arith.extui %parallel_loop3A_1207 : i1 to i32
      %parallel_loop3A_1209 = arith.subi %parallel_loop3A_1205, %parallel_loop3A_1208 : i32
      %parallel_loop3A_1210 = arith.constant 0 : i32
      %parallel_loop3A_1211 = arith.cmpi sgt, %parallel_loop3A_1201, %parallel_loop3A_1210 : i32
      %parallel_loop3A_1212 = arith.extui %parallel_loop3A_1211 : i1 to i32
      %parallel_loop3A_1213 = arith.constant 0 : i32
      %parallel_loop3A_1214 = arith.cmpi slt, %parallel_loop3A_1201, %parallel_loop3A_1213 : i32
      %parallel_loop3A_1215 = arith.extui %parallel_loop3A_1214 : i1 to i32
      %parallel_loop3A_1216 = arith.subi %parallel_loop3A_1212, %parallel_loop3A_1215 : i32
      %parallel_loop3A_1217 = arith.cmpi ne, %parallel_loop3A_1209, %parallel_loop3A_1216 : i32
      %parallel_loop3A_1218 = arith.remsi %parallel_loop3A_1200, %parallel_loop3A_1201 : i32
      %parallel_loop3A_1219 = arith.constant 0 : i32
      %parallel_loop3A_1220 = arith.cmpi ne, %parallel_loop3A_1218, %parallel_loop3A_1219 : i32
      %parallel_loop3A_1221 = arith.andi %parallel_loop3A_1217, %parallel_loop3A_1220 : i1
      %parallel_loop3A_1222 = arith.constant 1 : i32
      %parallel_loop3A_1223 = arith.subi %parallel_loop3A_1202, %parallel_loop3A_1222 : i32
      %parallel_loop3A_1224 = arith.select %parallel_loop3A_1221, %parallel_loop3A_1223, %parallel_loop3A_1202 : i32
      %parallel_loop3A_1225 = arith.constant 64 : i32
      %parallel_loop3A_1226 = arith.constant 0 : i32
      %parallel_loop3A_1227 = arith.cmpi eq, %parallel_loop3A_1225, %parallel_loop3A_1226 : i32
      %parallel_loop3A_1228 = arith.constant 1 : i32
      %parallel_loop3A_1229 = arith.select %parallel_loop3A_1227, %parallel_loop3A_1228, %parallel_loop3A_1225 : i32
      %parallel_loop3A_1230 = arith.remsi %parallel_loop3A_1200, %parallel_loop3A_1229 : i32
      %parallel_loop3A_1231 = arith.constant 0 : i32
      %parallel_loop3A_1232 = arith.cmpi ne, %parallel_loop3A_1230, %parallel_loop3A_1231 : i32
      %parallel_loop3A_1233 = arith.constant 0 : i32
      %parallel_loop3A_1234 = arith.cmpi slt, %parallel_loop3A_1230, %parallel_loop3A_1233 : i32
      %parallel_loop3A_1235 = arith.constant 0 : i32
      %parallel_loop3A_1236 = arith.cmpi slt, %parallel_loop3A_1229, %parallel_loop3A_1235 : i32
      %parallel_loop3A_1237 = arith.xori %parallel_loop3A_1234, %parallel_loop3A_1236 : i1
      %parallel_loop3A_1238 = arith.andi %parallel_loop3A_1237, %parallel_loop3A_1232 : i1
      %parallel_loop3A_1239 = arith.addi %parallel_loop3A_1230, %parallel_loop3A_1229 : i32
      %parallel_loop3A_1240 = arith.select %parallel_loop3A_1238, %parallel_loop3A_1239, %parallel_loop3A_1230 : i32
      %parallel_loop3A_1241 = arith.constant 16 : i32
      %parallel_loop3A_1242 = arith.muli %parallel_loop3A_1240, %parallel_loop3A_1241 : i32
      %parallel_loop3A_1243 = arith.index_cast %parallel_loop3A_1224 : i32 to index
      %parallel_loop3A_1244 = arith.index_cast %parallel_loop3A_1242 : i32 to index
      %parallel_loop3A_1245 = tpu.vector_load %arg9[%parallel_loop3A_1243, %parallel_loop3A_1244] {strides = array<i32>} : memref<16x1024xf32, #tpu.memory_space<vmem>>, vector<1x16xf32>,
      %parallel_loop3A_1246 = vector.shape_cast %parallel_loop3A_1245 : vector<1x16xf32> to vector<16xf32>
      %parallel_loop3A_1247 = arith.index_cast %parallel_loop3A_1224 : i32 to index
      %parallel_loop3A_1248 = arith.index_cast %parallel_loop3A_1242 : i32 to index
      %parallel_loop3A_1249 = tpu.vector_load %arg6[%parallel_loop3A_1247, %parallel_loop3A_1248] {strides = array<i32>} : memref<16x1024xf32, #tpu.memory_space<vmem>>, vector<1x16xf32>,
      %parallel_loop3A_1250 = vector.shape_cast %parallel_loop3A_1249 : vector<1x16xf32> to vector<16xf32>
      %parallel_loop3A_1251 = arith.addf %parallel_loop3A_1246, %parallel_loop3A_1250 : vector<16xf32>
      %parallel_loop3A_1252 = arith.index_cast %parallel_loop3A_1224 : i32 to index
      %parallel_loop3A_1253 = arith.index_cast %parallel_loop3A_1242 : i32 to index
      %parallel_loop3A_1254 = tpu.vector_load %arg9[%parallel_loop3A_1252, %parallel_loop3A_1253] {strides = array<i32>} : memref<16x1024xf32, #tpu.memory_space<vmem>>, vector<1x16xf32>,
      %parallel_loop3A_1255 = vector.shape_cast %parallel_loop3A_1254 : vector<1x16xf32> to vector<16xf32>
      %parallel_loop3A_1256 = vector.shape_cast %parallel_loop3A_1251 : vector<16xf32> to vector<1x16xf32>
      tpu.vector_store %arg9[%parallel_loop3A_1252, %parallel_loop3A_1253], %parallel_loop3A_1256 {strides = array<i32>} : memref<16x1024xf32, #tpu.memory_space<vmem>>, vector<1x16xf32>,
    } {sc.loop_unroll_factor = 8 : i64, sc.parallel_access}
    %add3A_266 = arith.constant 16 : i32
    %add3A_267 = arith.addi %mul3A_2, %add3A_266 : i32
    %dma_start3A_268 = arith.constant 2 : i32
    %dma_start3A_269 = arith.constant 0 : i32
    %dma_start3A_270 = tpu.memref_slice %arg4[%dma_start3A_268, %add3A_267, %dma_start3A_269] : memref<4x4096x1024xf32, #tpu.memory_space<hbm>> -> memref<1x16x1024xf32, #tpu.memory_space<hbm>>
    %dma_start3A_271 = tpu.memref_squeeze %dma_start3A_270 : memref<1x16x1024xf32, #tpu.memory_space<hbm>> -> memref<16x1024xf32, #tpu.memory_space<hbm>>
    %dma_start3A_272 = arith.constant 0 : i32
    %dma_start3A_273 = tpu.memref_slice %arg4[%dma_start3A_268, %add3A_267, %dma_start3A_272] : memref<4x4096x1024xf32, #tpu.memory_space<hbm>> -> memref<1x16x1024xf32, #tpu.memory_space<hbm>>
    %dma_start3A_274 = tpu.memref_squeeze %dma_start3A_273 : memref<1x16x1024xf32, #tpu.memory_space<hbm>> -> memref<16x1024xf32, #tpu.memory_space<hbm>>
    tpu.enqueue_dma source(%arg9 : memref<16x1024xf32, #tpu.memory_space<vmem>>) target(%dma_start3A_274 : memref<16x1024xf32, #tpu.memory_space<hbm>>) target_semaphore(%arg19 : memref<!tpu.dma_semaphore, #tpu.memory_space<semaphore_mem>>)
    %dma_wait3A_275 = arith.constant 1 : i32
    %dma_wait3A_276 = arith.constant 0 : i32
    %dma_wait3A_277 = tpu.memref_slice %arg4[%dma_wait3A_275, %add3A_232, %dma_wait3A_276] : memref<4x4096x1024xf32, #tpu.memory_space<hbm>> -> memref<1x16x1024xf32, #tpu.memory_space<hbm>>
    %dma_wait3A_278 = tpu.memref_squeeze %dma_wait3A_277 : memref<1x16x1024xf32, #tpu.memory_space<hbm>> -> memref<16x1024xf32, #tpu.memory_space<hbm>>
    %dma_wait3A_279 = arith.constant 0 : i32
    %dma_wait3A_280 = tpu.memref_slice %arg4[%dma_wait3A_275, %add3A_232, %dma_wait3A_279] : memref<4x4096x1024xf32, #tpu.memory_space<hbm>> -> memref<1x16x1024xf32, #tpu.memory_space<hbm>>
    %dma_wait3A_281 = tpu.memref_squeeze %dma_wait3A_280 : memref<1x16x1024xf32, #tpu.memory_space<hbm>> -> memref<16x1024xf32, #tpu.memory_space<hbm>>
    tpu.wait_dma2 semaphore(%arg18 : memref<!tpu.dma_semaphore, #tpu.memory_space<semaphore_mem>>) src(%arg8 : memref<16x1024xf32, #tpu.memory_space<vmem>>) dst(%dma_wait3A_281 : memref<16x1024xf32, #tpu.memory_space<hbm>>)
    %add3A_282 = arith.constant 32 : i32
    %add3A_283 = arith.addi %mul3A_2, %add3A_282 : i32
    %dma_start3A_284 = arith.constant 1 : i32
    %dma_start3A_285 = arith.constant 0 : i32
    %dma_start3A_286 = tpu.memref_slice %arg2[%dma_start3A_284, %add3A_283, %dma_start3A_285] : memref<4x4096x1024xf32, #tpu.memory_space<hbm>> -> memref<1x16x1024xf32, #tpu.memory_space<hbm>>
    %dma_start3A_287 = tpu.memref_squeeze %dma_start3A_286 : memref<1x16x1024xf32, #tpu.memory_space<hbm>> -> memref<16x1024xf32, #tpu.memory_space<hbm>>
    %dma_start3A_288 = arith.constant 0 : i32
    %dma_start3A_289 = tpu.memref_slice %arg2[%dma_start3A_284, %add3A_283, %dma_start3A_288] : memref<4x4096x1024xf32, #tpu.memory_space<hbm>> -> memref<1x16x1024xf32, #tpu.memory_space<hbm>>
    %dma_start3A_290 = tpu.memref_squeeze %dma_start3A_289 : memref<1x16x1024xf32, #tpu.memory_space<hbm>> -> memref<16x1024xf32, #tpu.memory_space<hbm>>
    tpu.enqueue_dma source(%dma_start3A_290 : memref<16x1024xf32, #tpu.memory_space<hbm>>) target(%arg8 : memref<16x1024xf32, #tpu.memory_space<vmem>>) target_semaphore(%arg14 : memref<!tpu.dma_semaphore, #tpu.memory_space<semaphore_mem>>)
    %dma_wait3A_291 = arith.constant 3 : i32
    %dma_wait3A_292 = arith.constant 0 : i32
    %dma_wait3A_293 = tpu.memref_slice %arg2[%dma_wait3A_291, %add3A_213, %dma_wait3A_292] : memref<4x4096x1024xf32, #tpu.memory_space<hbm>> -> memref<1x16x1024xf32, #tpu.memory_space<hbm>>
    %dma_wait3A_294 = tpu.memref_squeeze %dma_wait3A_293 : memref<1x16x1024xf32, #tpu.memory_space<hbm>> -> memref<16x1024xf32, #tpu.memory_space<hbm>>
    %dma_wait3A_295 = arith.constant 0 : i32
    %dma_wait3A_296 = tpu.memref_slice %arg2[%dma_wait3A_291, %add3A_213, %dma_wait3A_295] : memref<4x4096x1024xf32, #tpu.memory_space<hbm>> -> memref<1x16x1024xf32, #tpu.memory_space<hbm>>
    %dma_wait3A_297 = tpu.memref_squeeze %dma_wait3A_296 : memref<1x16x1024xf32, #tpu.memory_space<hbm>> -> memref<16x1024xf32, #tpu.memory_space<hbm>>
    tpu.wait_dma2 semaphore(%arg16 : memref<!tpu.dma_semaphore, #tpu.memory_space<semaphore_mem>>) src(%dma_wait3A_297 : memref<16x1024xf32, #tpu.memory_space<hbm>>) dst(%arg10 : memref<16x1024xf32, #tpu.memory_space<vmem>>)
    %parallel_loop3A_298 = arith.constant 0 : i32
    %parallel_loop3A_299 = arith.constant 1024 : i32
    %parallel_loop3A_300 = arith.constant 1 : i32
    scf.for %parallel_loop3A_1200 = %parallel_loop3A_298 to %parallel_loop3A_299 step %parallel_loop3A_300  : i32 {
      %parallel_loop3A_1201 = arith.constant 64 : i32
      %parallel_loop3A_1202 = arith.divsi %parallel_loop3A_1200, %parallel_loop3A_1201 : i32
      %parallel_loop3A_1203 = arith.constant 0 : i32
      %parallel_loop3A_1204 = arith.cmpi sgt, %parallel_loop3A_1200, %parallel_loop3A_1203 : i32
      %parallel_loop3A_1205 = arith.extui %parallel_loop3A_1204 : i1 to i32
      %parallel_loop3A_1206 = arith.constant 0 : i32
      %parallel_loop3A_1207 = arith.cmpi slt, %parallel_loop3A_1200, %parallel_loop3A_1206 : i32
      %parallel_loop3A_1208 = arith.extui %parallel_loop3A_1207 : i1 to i32
      %parallel_loop3A_1209 = arith.subi %parallel_loop3A_1205, %parallel_loop3A_1208 : i32
      %parallel_loop3A_1210 = arith.constant 0 : i32
      %parallel_loop3A_1211 = arith.cmpi sgt, %parallel_loop3A_1201, %parallel_loop3A_1210 : i32
      %parallel_loop3A_1212 = arith.extui %parallel_loop3A_1211 : i1 to i32
      %parallel_loop3A_1213 = arith.constant 0 : i32
      %parallel_loop3A_1214 = arith.cmpi slt, %parallel_loop3A_1201, %parallel_loop3A_1213 : i32
      %parallel_loop3A_1215 = arith.extui %parallel_loop3A_1214 : i1 to i32
      %parallel_loop3A_1216 = arith.subi %parallel_loop3A_1212, %parallel_loop3A_1215 : i32
      %parallel_loop3A_1217 = arith.cmpi ne, %parallel_loop3A_1209, %parallel_loop3A_1216 : i32
      %parallel_loop3A_1218 = arith.remsi %parallel_loop3A_1200, %parallel_loop3A_1201 : i32
      %parallel_loop3A_1219 = arith.constant 0 : i32
      %parallel_loop3A_1220 = arith.cmpi ne, %parallel_loop3A_1218, %parallel_loop3A_1219 : i32
      %parallel_loop3A_1221 = arith.andi %parallel_loop3A_1217, %parallel_loop3A_1220 : i1
      %parallel_loop3A_1222 = arith.constant 1 : i32
      %parallel_loop3A_1223 = arith.subi %parallel_loop3A_1202, %parallel_loop3A_1222 : i32
      %parallel_loop3A_1224 = arith.select %parallel_loop3A_1221, %parallel_loop3A_1223, %parallel_loop3A_1202 : i32
      %parallel_loop3A_1225 = arith.constant 64 : i32
      %parallel_loop3A_1226 = arith.constant 0 : i32
      %parallel_loop3A_1227 = arith.cmpi eq, %parallel_loop3A_1225, %parallel_loop3A_1226 : i32
      %parallel_loop3A_1228 = arith.constant 1 : i32
      %parallel_loop3A_1229 = arith.select %parallel_loop3A_1227, %parallel_loop3A_1228, %parallel_loop3A_1225 : i32
      %parallel_loop3A_1230 = arith.remsi %parallel_loop3A_1200, %parallel_loop3A_1229 : i32
      %parallel_loop3A_1231 = arith.constant 0 : i32
      %parallel_loop3A_1232 = arith.cmpi ne, %parallel_loop3A_1230, %parallel_loop3A_1231 : i32
      %parallel_loop3A_1233 = arith.constant 0 : i32
      %parallel_loop3A_1234 = arith.cmpi slt, %parallel_loop3A_1230, %parallel_loop3A_1233 : i32
      %parallel_loop3A_1235 = arith.constant 0 : i32
      %parallel_loop3A_1236 = arith.cmpi slt, %parallel_loop3A_1229, %parallel_loop3A_1235 : i32
      %parallel_loop3A_1237 = arith.xori %parallel_loop3A_1234, %parallel_loop3A_1236 : i1
      %parallel_loop3A_1238 = arith.andi %parallel_loop3A_1237, %parallel_loop3A_1232 : i1
      %parallel_loop3A_1239 = arith.addi %parallel_loop3A_1230, %parallel_loop3A_1229 : i32
      %parallel_loop3A_1240 = arith.select %parallel_loop3A_1238, %parallel_loop3A_1239, %parallel_loop3A_1230 : i32
      %parallel_loop3A_1241 = arith.constant 16 : i32
      %parallel_loop3A_1242 = arith.muli %parallel_loop3A_1240, %parallel_loop3A_1241 : i32
      %parallel_loop3A_1243 = arith.index_cast %parallel_loop3A_1224 : i32 to index
      %parallel_loop3A_1244 = arith.index_cast %parallel_loop3A_1242 : i32 to index
      %parallel_loop3A_1245 = tpu.vector_load %arg10[%parallel_loop3A_1243, %parallel_loop3A_1244] {strides = array<i32>} : memref<16x1024xf32, #tpu.memory_space<vmem>>, vector<1x16xf32>,
      %parallel_loop3A_1246 = vector.shape_cast %parallel_loop3A_1245 : vector<1x16xf32> to vector<16xf32>
      %parallel_loop3A_1247 = arith.index_cast %parallel_loop3A_1224 : i32 to index
      %parallel_loop3A_1248 = arith.index_cast %parallel_loop3A_1242 : i32 to index
      %parallel_loop3A_1249 = tpu.vector_load %arg6[%parallel_loop3A_1247, %parallel_loop3A_1248] {strides = array<i32>} : memref<16x1024xf32, #tpu.memory_space<vmem>>, vector<1x16xf32>,
      %parallel_loop3A_1250 = vector.shape_cast %parallel_loop3A_1249 : vector<1x16xf32> to vector<16xf32>
      %parallel_loop3A_1251 = arith.addf %parallel_loop3A_1246, %parallel_loop3A_1250 : vector<16xf32>
      %parallel_loop3A_1252 = arith.index_cast %parallel_loop3A_1224 : i32 to index
      %parallel_loop3A_1253 = arith.index_cast %parallel_loop3A_1242 : i32 to index
      %parallel_loop3A_1254 = tpu.vector_load %arg10[%parallel_loop3A_1252, %parallel_loop3A_1253] {strides = array<i32>} : memref<16x1024xf32, #tpu.memory_space<vmem>>, vector<1x16xf32>,
      %parallel_loop3A_1255 = vector.shape_cast %parallel_loop3A_1254 : vector<1x16xf32> to vector<16xf32>
      %parallel_loop3A_1256 = vector.shape_cast %parallel_loop3A_1251 : vector<16xf32> to vector<1x16xf32>
      tpu.vector_store %arg10[%parallel_loop3A_1252, %parallel_loop3A_1253], %parallel_loop3A_1256 {strides = array<i32>} : memref<16x1024xf32, #tpu.memory_space<vmem>>, vector<1x16xf32>,
    } {sc.loop_unroll_factor = 8 : i64, sc.parallel_access}
    %add3A_301 = arith.constant 16 : i32
    %add3A_302 = arith.addi %mul3A_2, %add3A_301 : i32
    %dma_start3A_303 = arith.constant 3 : i32
    %dma_start3A_304 = arith.constant 0 : i32
    %dma_start3A_305 = tpu.memref_slice %arg4[%dma_start3A_303, %add3A_302, %dma_start3A_304] : memref<4x4096x1024xf32, #tpu.memory_space<hbm>> -> memref<1x16x1024xf32, #tpu.memory_space<hbm>>
    %dma_start3A_306 = tpu.memref_squeeze %dma_start3A_305 : memref<1x16x1024xf32, #tpu.memory_space<hbm>> -> memref<16x1024xf32, #tpu.memory_space<hbm>>
    %dma_start3A_307 = arith.constant 0 : i32
    %dma_start3A_308 = tpu.memref_slice %arg4[%dma_start3A_303, %add3A_302, %dma_start3A_307] : memref<4x4096x1024xf32, #tpu.memory_space<hbm>> -> memref<1x16x1024xf32, #tpu.memory_space<hbm>>
    %dma_start3A_309 = tpu.memref_squeeze %dma_start3A_308 : memref<1x16x1024xf32, #tpu.memory_space<hbm>> -> memref<16x1024xf32, #tpu.memory_space<hbm>>
    tpu.enqueue_dma source(%arg10 : memref<16x1024xf32, #tpu.memory_space<vmem>>) target(%dma_start3A_309 : memref<16x1024xf32, #tpu.memory_space<hbm>>) target_semaphore(%arg20 : memref<!tpu.dma_semaphore, #tpu.memory_space<semaphore_mem>>)
    %dma_wait3A_310 = arith.constant 2 : i32
    %dma_wait3A_311 = arith.constant 0 : i32
    %dma_wait3A_312 = tpu.memref_slice %arg4[%dma_wait3A_310, %add3A_267, %dma_wait3A_311] : memref<4x4096x1024xf32, #tpu.memory_space<hbm>> -> memref<1x16x1024xf32, #tpu.memory_space<hbm>>
    %dma_wait3A_313 = tpu.memref_squeeze %dma_wait3A_312 : memref<1x16x1024xf32, #tpu.memory_space<hbm>> -> memref<16x1024xf32, #tpu.memory_space<hbm>>
    %dma_wait3A_314 = arith.constant 0 : i32
    %dma_wait3A_315 = tpu.memref_slice %arg4[%dma_wait3A_310, %add3A_267, %dma_wait3A_314] : memref<4x4096x1024xf32, #tpu.memory_space<hbm>> -> memref<1x16x1024xf32, #tpu.memory_space<hbm>>
    %dma_wait3A_316 = tpu.memref_squeeze %dma_wait3A_315 : memref<1x16x1024xf32, #tpu.memory_space<hbm>> -> memref<16x1024xf32, #tpu.memory_space<hbm>>
    tpu.wait_dma2 semaphore(%arg19 : memref<!tpu.dma_semaphore, #tpu.memory_space<semaphore_mem>>) src(%arg9 : memref<16x1024xf32, #tpu.memory_space<vmem>>) dst(%dma_wait3A_316 : memref<16x1024xf32, #tpu.memory_space<hbm>>)
    %add3A_317 = arith.constant 32 : i32
    %add3A_318 = arith.addi %mul3A_2, %add3A_317 : i32
    %dma_start3A_319 = arith.constant 2 : i32
    %dma_start3A_320 = arith.constant 0 : i32
    %dma_start3A_321 = tpu.memref_slice %arg2[%dma_start3A_319, %add3A_318, %dma_start3A_320] : memref<4x4096x1024xf32, #tpu.memory_space<hbm>> -> memref<1x16x1024xf32, #tpu.memory_space<hbm>>
    %dma_start3A_322 = tpu.memref_squeeze %dma_start3A_321 : memref<1x16x1024xf32, #tpu.memory_space<hbm>> -> memref<16x1024xf32, #tpu.memory_space<hbm>>
    %dma_start3A_323 = arith.constant 0 : i32
    %dma_start3A_324 = tpu.memref_slice %arg2[%dma_start3A_319, %add3A_318, %dma_start3A_323] : memref<4x4096x1024xf32, #tpu.memory_space<hbm>> -> memref<1x16x1024xf32, #tpu.memory_space<hbm>>
    %dma_start3A_325 = tpu.memref_squeeze %dma_start3A_324 : memref<1x16x1024xf32, #tpu.memory_space<hbm>> -> memref<16x1024xf32, #tpu.memory_space<hbm>>
    tpu.enqueue_dma source(%dma_start3A_325 : memref<16x1024xf32, #tpu.memory_space<hbm>>) target(%arg9 : memref<16x1024xf32, #tpu.memory_space<vmem>>) target_semaphore(%arg15 : memref<!tpu.dma_semaphore, #tpu.memory_space<semaphore_mem>>)
    %dma_wait3A_326 = arith.constant 0 : i32
    %dma_wait3A_327 = arith.constant 0 : i32
    %dma_wait3A_328 = tpu.memref_slice %arg2[%dma_wait3A_326, %add3A_248, %dma_wait3A_327] : memref<4x4096x1024xf32, #tpu.memory_space<hbm>> -> memref<1x16x1024xf32, #tpu.memory_space<hbm>>
    %dma_wait3A_329 = tpu.memref_squeeze %dma_wait3A_328 : memref<1x16x1024xf32, #tpu.memory_space<hbm>> -> memref<16x1024xf32, #tpu.memory_space<hbm>>
    %dma_wait3A_330 = arith.constant 0 : i32
    %dma_wait3A_331 = tpu.memref_slice %arg2[%dma_wait3A_326, %add3A_248, %dma_wait3A_330] : memref<4x4096x1024xf32, #tpu.memory_space<hbm>> -> memref<1x16x1024xf32, #tpu.memory_space<hbm>>
    %dma_wait3A_332 = tpu.memref_squeeze %dma_wait3A_331 : memref<1x16x1024xf32, #tpu.memory_space<hbm>> -> memref<16x1024xf32, #tpu.memory_space<hbm>>
    tpu.wait_dma2 semaphore(%arg13 : memref<!tpu.dma_semaphore, #tpu.memory_space<semaphore_mem>>) src(%dma_wait3A_332 : memref<16x1024xf32, #tpu.memory_space<hbm>>) dst(%arg7 : memref<16x1024xf32, #tpu.memory_space<vmem>>)
    %dma_wait3A_333 = arith.constant 0 : i32
    %dma_wait3A_334 = tpu.memref_slice %arg3[%add3A_200, %dma_wait3A_333] : memref<8192x1024xf32, #tpu.memory_space<hbm>> -> memref<16x1024xf32, #tpu.memory_space<hbm>>
    %dma_wait3A_335 = arith.constant 0 : i32
    %dma_wait3A_336 = tpu.memref_slice %arg3[%add3A_200, %dma_wait3A_335] : memref<8192x1024xf32, #tpu.memory_space<hbm>> -> memref<16x1024xf32, #tpu.memory_space<hbm>>
    tpu.wait_dma2 semaphore(%arg11 : memref<!tpu.dma_semaphore, #tpu.memory_space<semaphore_mem>>) src(%dma_wait3A_336 : memref<16x1024xf32, #tpu.memory_space<hbm>>) dst(%arg5 : memref<16x1024xf32, #tpu.memory_space<vmem>>)
    %parallel_loop3A_337 = arith.constant 0 : i32
    %parallel_loop3A_338 = arith.constant 1024 : i32
    %parallel_loop3A_339 = arith.constant 1 : i32
    scf.for %parallel_loop3A_1200 = %parallel_loop3A_337 to %parallel_loop3A_338 step %parallel_loop3A_339  : i32 {
      %parallel_loop3A_1201 = arith.constant 64 : i32
      %parallel_loop3A_1202 = arith.divsi %parallel_loop3A_1200, %parallel_loop3A_1201 : i32
      %parallel_loop3A_1203 = arith.constant 0 : i32
      %parallel_loop3A_1204 = arith.cmpi sgt, %parallel_loop3A_1200, %parallel_loop3A_1203 : i32
      %parallel_loop3A_1205 = arith.extui %parallel_loop3A_1204 : i1 to i32
      %parallel_loop3A_1206 = arith.constant 0 : i32
      %parallel_loop3A_1207 = arith.cmpi slt, %parallel_loop3A_1200, %parallel_loop3A_1206 : i32
      %parallel_loop3A_1208 = arith.extui %parallel_loop3A_1207 : i1 to i32
      %parallel_loop3A_1209 = arith.subi %parallel_loop3A_1205, %parallel_loop3A_1208 : i32
      %parallel_loop3A_1210 = arith.constant 0 : i32
      %parallel_loop3A_1211 = arith.cmpi sgt, %parallel_loop3A_1201, %parallel_loop3A_1210 : i32
      %parallel_loop3A_1212 = arith.extui %parallel_loop3A_1211 : i1 to i32
      %parallel_loop3A_1213 = arith.constant 0 : i32
      %parallel_loop3A_1214 = arith.cmpi slt, %parallel_loop3A_1201, %parallel_loop3A_1213 : i32
      %parallel_loop3A_1215 = arith.extui %parallel_loop3A_1214 : i1 to i32
      %parallel_loop3A_1216 = arith.subi %parallel_loop3A_1212, %parallel_loop3A_1215 : i32
      %parallel_loop3A_1217 = arith.cmpi ne, %parallel_loop3A_1209, %parallel_loop3A_1216 : i32
      %parallel_loop3A_1218 = arith.remsi %parallel_loop3A_1200, %parallel_loop3A_1201 : i32
      %parallel_loop3A_1219 = arith.constant 0 : i32
      %parallel_loop3A_1220 = arith.cmpi ne, %parallel_loop3A_1218, %parallel_loop3A_1219 : i32
      %parallel_loop3A_1221 = arith.andi %parallel_loop3A_1217, %parallel_loop3A_1220 : i1
      %parallel_loop3A_1222 = arith.constant 1 : i32
      %parallel_loop3A_1223 = arith.subi %parallel_loop3A_1202, %parallel_loop3A_1222 : i32
      %parallel_loop3A_1224 = arith.select %parallel_loop3A_1221, %parallel_loop3A_1223, %parallel_loop3A_1202 : i32
      %parallel_loop3A_1225 = arith.constant 64 : i32
      %parallel_loop3A_1226 = arith.constant 0 : i32
      %parallel_loop3A_1227 = arith.cmpi eq, %parallel_loop3A_1225, %parallel_loop3A_1226 : i32
      %parallel_loop3A_1228 = arith.constant 1 : i32
      %parallel_loop3A_1229 = arith.select %parallel_loop3A_1227, %parallel_loop3A_1228, %parallel_loop3A_1225 : i32
      %parallel_loop3A_1230 = arith.remsi %parallel_loop3A_1200, %parallel_loop3A_1229 : i32
      %parallel_loop3A_1231 = arith.constant 0 : i32
      %parallel_loop3A_1232 = arith.cmpi ne, %parallel_loop3A_1230, %parallel_loop3A_1231 : i32
      %parallel_loop3A_1233 = arith.constant 0 : i32
      %parallel_loop3A_1234 = arith.cmpi slt, %parallel_loop3A_1230, %parallel_loop3A_1233 : i32
      %parallel_loop3A_1235 = arith.constant 0 : i32
      %parallel_loop3A_1236 = arith.cmpi slt, %parallel_loop3A_1229, %parallel_loop3A_1235 : i32
      %parallel_loop3A_1237 = arith.xori %parallel_loop3A_1234, %parallel_loop3A_1236 : i1
      %parallel_loop3A_1238 = arith.andi %parallel_loop3A_1237, %parallel_loop3A_1232 : i1
      %parallel_loop3A_1239 = arith.addi %parallel_loop3A_1230, %parallel_loop3A_1229 : i32
      %parallel_loop3A_1240 = arith.select %parallel_loop3A_1238, %parallel_loop3A_1239, %parallel_loop3A_1230 : i32
      %parallel_loop3A_1241 = arith.constant 16 : i32
      %parallel_loop3A_1242 = arith.muli %parallel_loop3A_1240, %parallel_loop3A_1241 : i32
      %parallel_loop3A_1243 = arith.index_cast %parallel_loop3A_1224 : i32 to index
      %parallel_loop3A_1244 = arith.index_cast %parallel_loop3A_1242 : i32 to index
      %parallel_loop3A_1245 = tpu.vector_load %arg7[%parallel_loop3A_1243, %parallel_loop3A_1244] {strides = array<i32>} : memref<16x1024xf32, #tpu.memory_space<vmem>>, vector<1x16xf32>,
      %parallel_loop3A_1246 = vector.shape_cast %parallel_loop3A_1245 : vector<1x16xf32> to vector<16xf32>
      %parallel_loop3A_1247 = arith.index_cast %parallel_loop3A_1224 : i32 to index
      %parallel_loop3A_1248 = arith.index_cast %parallel_loop3A_1242 : i32 to index
      %parallel_loop3A_1249 = tpu.vector_load %arg5[%parallel_loop3A_1247, %parallel_loop3A_1248] {strides = array<i32>} : memref<16x1024xf32, #tpu.memory_space<vmem>>, vector<1x16xf32>,
      %parallel_loop3A_1250 = vector.shape_cast %parallel_loop3A_1249 : vector<1x16xf32> to vector<16xf32>
      %parallel_loop3A_1251 = arith.addf %parallel_loop3A_1246, %parallel_loop3A_1250 : vector<16xf32>
      %parallel_loop3A_1252 = arith.index_cast %parallel_loop3A_1224 : i32 to index
      %parallel_loop3A_1253 = arith.index_cast %parallel_loop3A_1242 : i32 to index
      %parallel_loop3A_1254 = tpu.vector_load %arg7[%parallel_loop3A_1252, %parallel_loop3A_1253] {strides = array<i32>} : memref<16x1024xf32, #tpu.memory_space<vmem>>, vector<1x16xf32>,
      %parallel_loop3A_1255 = vector.shape_cast %parallel_loop3A_1254 : vector<1x16xf32> to vector<16xf32>
      %parallel_loop3A_1256 = vector.shape_cast %parallel_loop3A_1251 : vector<16xf32> to vector<1x16xf32>
      tpu.vector_store %arg7[%parallel_loop3A_1252, %parallel_loop3A_1253], %parallel_loop3A_1256 {strides = array<i32>} : memref<16x1024xf32, #tpu.memory_space<vmem>>, vector<1x16xf32>,
    } {sc.loop_unroll_factor = 8 : i64, sc.parallel_access}
    %add3A_340 = arith.constant 32 : i32
    %add3A_341 = arith.addi %mul3A_2, %add3A_340 : i32
    %dma_start3A_342 = arith.constant 0 : i32
    %dma_start3A_343 = arith.constant 0 : i32
    %dma_start3A_344 = tpu.memref_slice %arg4[%dma_start3A_342, %add3A_341, %dma_start3A_343] : memref<4x4096x1024xf32, #tpu.memory_space<hbm>> -> memref<1x16x1024xf32, #tpu.memory_space<hbm>>
    %dma_start3A_345 = tpu.memref_squeeze %dma_start3A_344 : memref<1x16x1024xf32, #tpu.memory_space<hbm>> -> memref<16x1024xf32, #tpu.memory_space<hbm>>
    %dma_start3A_346 = arith.constant 0 : i32
    %dma_start3A_347 = tpu.memref_slice %arg4[%dma_start3A_342, %add3A_341, %dma_start3A_346] : memref<4x4096x1024xf32, #tpu.memory_space<hbm>> -> memref<1x16x1024xf32, #tpu.memory_space<hbm>>
    %dma_start3A_348 = tpu.memref_squeeze %dma_start3A_347 : memref<1x16x1024xf32, #tpu.memory_space<hbm>> -> memref<16x1024xf32, #tpu.memory_space<hbm>>
    tpu.enqueue_dma source(%arg7 : memref<16x1024xf32, #tpu.memory_space<vmem>>) target(%dma_start3A_348 : memref<16x1024xf32, #tpu.memory_space<hbm>>) target_semaphore(%arg17 : memref<!tpu.dma_semaphore, #tpu.memory_space<semaphore_mem>>)
    %add3A_349 = arith.constant 48 : i32
    %add3A_350 = arith.addi %mul3A_2, %add3A_349 : i32
    %dma_start3A_351 = arith.constant 0 : i32
    %dma_start3A_352 = tpu.memref_slice %arg3[%add3A_350, %dma_start3A_351] : memref<8192x1024xf32, #tpu.memory_space<hbm>> -> memref<16x1024xf32, #tpu.memory_space<hbm>>
    %dma_start3A_353 = arith.constant 0 : i32
    %dma_start3A_354 = tpu.memref_slice %arg3[%add3A_350, %dma_start3A_353] : memref<8192x1024xf32, #tpu.memory_space<hbm>> -> memref<16x1024xf32, #tpu.memory_space<hbm>>
    tpu.enqueue_dma source(%dma_start3A_354 : memref<16x1024xf32, #tpu.memory_space<hbm>>) target(%arg6 : memref<16x1024xf32, #tpu.memory_space<vmem>>) target_semaphore(%arg12 : memref<!tpu.dma_semaphore, #tpu.memory_space<semaphore_mem>>)
    %dma_wait3A_355 = arith.constant 3 : i32
    %dma_wait3A_356 = arith.constant 0 : i32
    %dma_wait3A_357 = tpu.memref_slice %arg4[%dma_wait3A_355, %add3A_302, %dma_wait3A_356] : memref<4x4096x1024xf32, #tpu.memory_space<hbm>> -> memref<1x16x1024xf32, #tpu.memory_space<hbm>>
    %dma_wait3A_358 = tpu.memref_squeeze %dma_wait3A_357 : memref<1x16x1024xf32, #tpu.memory_space<hbm>> -> memref<16x1024xf32, #tpu.memory_space<hbm>>
    %dma_wait3A_359 = arith.constant 0 : i32
    %dma_wait3A_360 = tpu.memref_slice %arg4[%dma_wait3A_355, %add3A_302, %dma_wait3A_359] : memref<4x4096x1024xf32, #tpu.memory_space<hbm>> -> memref<1x16x1024xf32, #tpu.memory_space<hbm>>
    %dma_wait3A_361 = tpu.memref_squeeze %dma_wait3A_360 : memref<1x16x1024xf32, #tpu.memory_space<hbm>> -> memref<16x1024xf32, #tpu.memory_space<hbm>>
    tpu.wait_dma2 semaphore(%arg20 : memref<!tpu.dma_semaphore, #tpu.memory_space<semaphore_mem>>) src(%arg10 : memref<16x1024xf32, #tpu.memory_space<vmem>>) dst(%dma_wait3A_361 : memref<16x1024xf32, #tpu.memory_space<hbm>>)
    %add3A_362 = arith.constant 32 : i32
    %add3A_363 = arith.addi %mul3A_2, %add3A_362 : i32
    %dma_start3A_364 = arith.constant 3 : i32
    %dma_start3A_365 = arith.constant 0 : i32
    %dma_start3A_366 = tpu.memref_slice %arg2[%dma_start3A_364, %add3A_363, %dma_start3A_365] : memref<4x4096x1024xf32, #tpu.memory_space<hbm>> -> memref<1x16x1024xf32, #tpu.memory_space<hbm>>
    %dma_start3A_367 = tpu.memref_squeeze %dma_start3A_366 : memref<1x16x1024xf32, #tpu.memory_space<hbm>> -> memref<16x1024xf32, #tpu.memory_space<hbm>>
    %dma_start3A_368 = arith.constant 0 : i32
    %dma_start3A_369 = tpu.memref_slice %arg2[%dma_start3A_364, %add3A_363, %dma_start3A_368] : memref<4x4096x1024xf32, #tpu.memory_space<hbm>> -> memref<1x16x1024xf32, #tpu.memory_space<hbm>>
    %dma_start3A_370 = tpu.memref_squeeze %dma_start3A_369 : memref<1x16x1024xf32, #tpu.memory_space<hbm>> -> memref<16x1024xf32, #tpu.memory_space<hbm>>
    tpu.enqueue_dma source(%dma_start3A_370 : memref<16x1024xf32, #tpu.memory_space<hbm>>) target(%arg10 : memref<16x1024xf32, #tpu.memory_space<vmem>>) target_semaphore(%arg16 : memref<!tpu.dma_semaphore, #tpu.memory_space<semaphore_mem>>)
    %dma_wait3A_371 = arith.constant 1 : i32
    %dma_wait3A_372 = arith.constant 0 : i32
    %dma_wait3A_373 = tpu.memref_slice %arg2[%dma_wait3A_371, %add3A_283, %dma_wait3A_372] : memref<4x4096x1024xf32, #tpu.memory_space<hbm>> -> memref<1x16x1024xf32, #tpu.memory_space<hbm>>
    %dma_wait3A_374 = tpu.memref_squeeze %dma_wait3A_373 : memref<1x16x1024xf32, #tpu.memory_space<hbm>> -> memref<16x1024xf32, #tpu.memory_space<hbm>>
    %dma_wait3A_375 = arith.constant 0 : i32
    %dma_wait3A_376 = tpu.memref_slice %arg2[%dma_wait3A_371, %add3A_283, %dma_wait3A_375] : memref<4x4096x1024xf32, #tpu.memory_space<hbm>> -> memref<1x16x1024xf32, #tpu.memory_space<hbm>>
    %dma_wait3A_377 = tpu.memref_squeeze %dma_wait3A_376 : memref<1x16x1024xf32, #tpu.memory_space<hbm>> -> memref<16x1024xf32, #tpu.memory_space<hbm>>
    tpu.wait_dma2 semaphore(%arg14 : memref<!tpu.dma_semaphore, #tpu.memory_space<semaphore_mem>>) src(%dma_wait3A_377 : memref<16x1024xf32, #tpu.memory_space<hbm>>) dst(%arg8 : memref<16x1024xf32, #tpu.memory_space<vmem>>)
    %parallel_loop3A_378 = arith.constant 0 : i32
    %parallel_loop3A_379 = arith.constant 1024 : i32
    %parallel_loop3A_380 = arith.constant 1 : i32
    scf.for %parallel_loop3A_1200 = %parallel_loop3A_378 to %parallel_loop3A_379 step %parallel_loop3A_380  : i32 {
      %parallel_loop3A_1201 = arith.constant 64 : i32
      %parallel_loop3A_1202 = arith.divsi %parallel_loop3A_1200, %parallel_loop3A_1201 : i32
      %parallel_loop3A_1203 = arith.constant 0 : i32
      %parallel_loop3A_1204 = arith.cmpi sgt, %parallel_loop3A_1200, %parallel_loop3A_1203 : i32
      %parallel_loop3A_1205 = arith.extui %parallel_loop3A_1204 : i1 to i32
      %parallel_loop3A_1206 = arith.constant 0 : i32
      %parallel_loop3A_1207 = arith.cmpi slt, %parallel_loop3A_1200, %parallel_loop3A_1206 : i32
      %parallel_loop3A_1208 = arith.extui %parallel_loop3A_1207 : i1 to i32
      %parallel_loop3A_1209 = arith.subi %parallel_loop3A_1205, %parallel_loop3A_1208 : i32
      %parallel_loop3A_1210 = arith.constant 0 : i32
      %parallel_loop3A_1211 = arith.cmpi sgt, %parallel_loop3A_1201, %parallel_loop3A_1210 : i32
      %parallel_loop3A_1212 = arith.extui %parallel_loop3A_1211 : i1 to i32
      %parallel_loop3A_1213 = arith.constant 0 : i32
      %parallel_loop3A_1214 = arith.cmpi slt, %parallel_loop3A_1201, %parallel_loop3A_1213 : i32
      %parallel_loop3A_1215 = arith.extui %parallel_loop3A_1214 : i1 to i32
      %parallel_loop3A_1216 = arith.subi %parallel_loop3A_1212, %parallel_loop3A_1215 : i32
      %parallel_loop3A_1217 = arith.cmpi ne, %parallel_loop3A_1209, %parallel_loop3A_1216 : i32
      %parallel_loop3A_1218 = arith.remsi %parallel_loop3A_1200, %parallel_loop3A_1201 : i32
      %parallel_loop3A_1219 = arith.constant 0 : i32
      %parallel_loop3A_1220 = arith.cmpi ne, %parallel_loop3A_1218, %parallel_loop3A_1219 : i32
      %parallel_loop3A_1221 = arith.andi %parallel_loop3A_1217, %parallel_loop3A_1220 : i1
      %parallel_loop3A_1222 = arith.constant 1 : i32
      %parallel_loop3A_1223 = arith.subi %parallel_loop3A_1202, %parallel_loop3A_1222 : i32
      %parallel_loop3A_1224 = arith.select %parallel_loop3A_1221, %parallel_loop3A_1223, %parallel_loop3A_1202 : i32
      %parallel_loop3A_1225 = arith.constant 64 : i32
      %parallel_loop3A_1226 = arith.constant 0 : i32
      %parallel_loop3A_1227 = arith.cmpi eq, %parallel_loop3A_1225, %parallel_loop3A_1226 : i32
      %parallel_loop3A_1228 = arith.constant 1 : i32
      %parallel_loop3A_1229 = arith.select %parallel_loop3A_1227, %parallel_loop3A_1228, %parallel_loop3A_1225 : i32
      %parallel_loop3A_1230 = arith.remsi %parallel_loop3A_1200, %parallel_loop3A_1229 : i32
      %parallel_loop3A_1231 = arith.constant 0 : i32
      %parallel_loop3A_1232 = arith.cmpi ne, %parallel_loop3A_1230, %parallel_loop3A_1231 : i32
      %parallel_loop3A_1233 = arith.constant 0 : i32
      %parallel_loop3A_1234 = arith.cmpi slt, %parallel_loop3A_1230, %parallel_loop3A_1233 : i32
      %parallel_loop3A_1235 = arith.constant 0 : i32
      %parallel_loop3A_1236 = arith.cmpi slt, %parallel_loop3A_1229, %parallel_loop3A_1235 : i32
      %parallel_loop3A_1237 = arith.xori %parallel_loop3A_1234, %parallel_loop3A_1236 : i1
      %parallel_loop3A_1238 = arith.andi %parallel_loop3A_1237, %parallel_loop3A_1232 : i1
      %parallel_loop3A_1239 = arith.addi %parallel_loop3A_1230, %parallel_loop3A_1229 : i32
      %parallel_loop3A_1240 = arith.select %parallel_loop3A_1238, %parallel_loop3A_1239, %parallel_loop3A_1230 : i32
      %parallel_loop3A_1241 = arith.constant 16 : i32
      %parallel_loop3A_1242 = arith.muli %parallel_loop3A_1240, %parallel_loop3A_1241 : i32
      %parallel_loop3A_1243 = arith.index_cast %parallel_loop3A_1224 : i32 to index
      %parallel_loop3A_1244 = arith.index_cast %parallel_loop3A_1242 : i32 to index
      %parallel_loop3A_1245 = tpu.vector_load %arg8[%parallel_loop3A_1243, %parallel_loop3A_1244] {strides = array<i32>} : memref<16x1024xf32, #tpu.memory_space<vmem>>, vector<1x16xf32>,
      %parallel_loop3A_1246 = vector.shape_cast %parallel_loop3A_1245 : vector<1x16xf32> to vector<16xf32>
      %parallel_loop3A_1247 = arith.index_cast %parallel_loop3A_1224 : i32 to index
      %parallel_loop3A_1248 = arith.index_cast %parallel_loop3A_1242 : i32 to index
      %parallel_loop3A_1249 = tpu.vector_load %arg5[%parallel_loop3A_1247, %parallel_loop3A_1248] {strides = array<i32>} : memref<16x1024xf32, #tpu.memory_space<vmem>>, vector<1x16xf32>,
      %parallel_loop3A_1250 = vector.shape_cast %parallel_loop3A_1249 : vector<1x16xf32> to vector<16xf32>
      %parallel_loop3A_1251 = arith.addf %parallel_loop3A_1246, %parallel_loop3A_1250 : vector<16xf32>
      %parallel_loop3A_1252 = arith.index_cast %parallel_loop3A_1224 : i32 to index
      %parallel_loop3A_1253 = arith.index_cast %parallel_loop3A_1242 : i32 to index
      %parallel_loop3A_1254 = tpu.vector_load %arg8[%parallel_loop3A_1252, %parallel_loop3A_1253] {strides = array<i32>} : memref<16x1024xf32, #tpu.memory_space<vmem>>, vector<1x16xf32>,
      %parallel_loop3A_1255 = vector.shape_cast %parallel_loop3A_1254 : vector<1x16xf32> to vector<16xf32>
      %parallel_loop3A_1256 = vector.shape_cast %parallel_loop3A_1251 : vector<16xf32> to vector<1x16xf32>
      tpu.vector_store %arg8[%parallel_loop3A_1252, %parallel_loop3A_1253], %parallel_loop3A_1256 {strides = array<i32>} : memref<16x1024xf32, #tpu.memory_space<vmem>>, vector<1x16xf32>,
    } {sc.loop_unroll_factor = 8 : i64, sc.parallel_access}
    %add3A_381 = arith.constant 32 : i32
    %add3A_382 = arith.addi %mul3A_2, %add3A_381 : i32
    %dma_start3A_383 = arith.constant 1 : i32
    %dma_start3A_384 = arith.constant 0 : i32
    %dma_start3A_385 = tpu.memref_slice %arg4[%dma_start3A_383, %add3A_382, %dma_start3A_384] : memref<4x4096x1024xf32, #tpu.memory_space<hbm>> -> memref<1x16x1024xf32, #tpu.memory_space<hbm>>
    %dma_start3A_386 = tpu.memref_squeeze %dma_start3A_385 : memref<1x16x1024xf32, #tpu.memory_space<hbm>> -> memref<16x1024xf32, #tpu.memory_space<hbm>>
    %dma_start3A_387 = arith.constant 0 : i32
    %dma_start3A_388 = tpu.memref_slice %arg4[%dma_start3A_383, %add3A_382, %dma_start3A_387] : memref<4x4096x1024xf32, #tpu.memory_space<hbm>> -> memref<1x16x1024xf32, #tpu.memory_space<hbm>>
    %dma_start3A_389 = tpu.memref_squeeze %dma_start3A_388 : memref<1x16x1024xf32, #tpu.memory_space<hbm>> -> memref<16x1024xf32, #tpu.memory_space<hbm>>
    tpu.enqueue_dma source(%arg8 : memref<16x1024xf32, #tpu.memory_space<vmem>>) target(%dma_start3A_389 : memref<16x1024xf32, #tpu.memory_space<hbm>>) target_semaphore(%arg18 : memref<!tpu.dma_semaphore, #tpu.memory_space<semaphore_mem>>)
    %dma_wait3A_390 = arith.constant 0 : i32
    %dma_wait3A_391 = arith.constant 0 : i32
    %dma_wait3A_392 = tpu.memref_slice %arg4[%dma_wait3A_390, %add3A_341, %dma_wait3A_391] : memref<4x4096x1024xf32, #tpu.memory_space<hbm>> -> memref<1x16x1024xf32, #tpu.memory_space<hbm>>
    %dma_wait3A_393 = tpu.memref_squeeze %dma_wait3A_392 : memref<1x16x1024xf32, #tpu.memory_space<hbm>> -> memref<16x1024xf32, #tpu.memory_space<hbm>>
    %dma_wait3A_394 = arith.constant 0 : i32
    %dma_wait3A_395 = tpu.memref_slice %arg4[%dma_wait3A_390, %add3A_341, %dma_wait3A_394] : memref<4x4096x1024xf32, #tpu.memory_space<hbm>> -> memref<1x16x1024xf32, #tpu.memory_space<hbm>>
    %dma_wait3A_396 = tpu.memref_squeeze %dma_wait3A_395 : memref<1x16x1024xf32, #tpu.memory_space<hbm>> -> memref<16x1024xf32, #tpu.memory_space<hbm>>
    tpu.wait_dma2 semaphore(%arg17 : memref<!tpu.dma_semaphore, #tpu.memory_space<semaphore_mem>>) src(%arg7 : memref<16x1024xf32, #tpu.memory_space<vmem>>) dst(%dma_wait3A_396 : memref<16x1024xf32, #tpu.memory_space<hbm>>)
    %add3A_397 = arith.constant 48 : i32
    %add3A_398 = arith.addi %mul3A_2, %add3A_397 : i32
    %dma_start3A_399 = arith.constant 0 : i32
    %dma_start3A_400 = arith.constant 0 : i32
    %dma_start3A_401 = tpu.memref_slice %arg2[%dma_start3A_399, %add3A_398, %dma_start3A_400] : memref<4x4096x1024xf32, #tpu.memory_space<hbm>> -> memref<1x16x1024xf32, #tpu.memory_space<hbm>>
    %dma_start3A_402 = tpu.memref_squeeze %dma_start3A_401 : memref<1x16x1024xf32, #tpu.memory_space<hbm>> -> memref<16x1024xf32, #tpu.memory_space<hbm>>
    %dma_start3A_403 = arith.constant 0 : i32
    %dma_start3A_404 = tpu.memref_slice %arg2[%dma_start3A_399, %add3A_398, %dma_start3A_403] : memref<4x4096x1024xf32, #tpu.memory_space<hbm>> -> memref<1x16x1024xf32, #tpu.memory_space<hbm>>
    %dma_start3A_405 = tpu.memref_squeeze %dma_start3A_404 : memref<1x16x1024xf32, #tpu.memory_space<hbm>> -> memref<16x1024xf32, #tpu.memory_space<hbm>>
    tpu.enqueue_dma source(%dma_start3A_405 : memref<16x1024xf32, #tpu.memory_space<hbm>>) target(%arg7 : memref<16x1024xf32, #tpu.memory_space<vmem>>) target_semaphore(%arg13 : memref<!tpu.dma_semaphore, #tpu.memory_space<semaphore_mem>>)
    %dma_wait3A_406 = arith.constant 2 : i32
    %dma_wait3A_407 = arith.constant 0 : i32
    %dma_wait3A_408 = tpu.memref_slice %arg2[%dma_wait3A_406, %add3A_318, %dma_wait3A_407] : memref<4x4096x1024xf32, #tpu.memory_space<hbm>> -> memref<1x16x1024xf32, #tpu.memory_space<hbm>>
    %dma_wait3A_409 = tpu.memref_squeeze %dma_wait3A_408 : memref<1x16x1024xf32, #tpu.memory_space<hbm>> -> memref<16x1024xf32, #tpu.memory_space<hbm>>
    %dma_wait3A_410 = arith.constant 0 : i32
    %dma_wait3A_411 = tpu.memref_slice %arg2[%dma_wait3A_406, %add3A_318, %dma_wait3A_410] : memref<4x4096x1024xf32, #tpu.memory_space<hbm>> -> memref<1x16x1024xf32, #tpu.memory_space<hbm>>
    %dma_wait3A_412 = tpu.memref_squeeze %dma_wait3A_411 : memref<1x16x1024xf32, #tpu.memory_space<hbm>> -> memref<16x1024xf32, #tpu.memory_space<hbm>>
    tpu.wait_dma2 semaphore(%arg15 : memref<!tpu.dma_semaphore, #tpu.memory_space<semaphore_mem>>) src(%dma_wait3A_412 : memref<16x1024xf32, #tpu.memory_space<hbm>>) dst(%arg9 : memref<16x1024xf32, #tpu.memory_space<vmem>>)
    %parallel_loop3A_413 = arith.constant 0 : i32
    %parallel_loop3A_414 = arith.constant 1024 : i32
    %parallel_loop3A_415 = arith.constant 1 : i32
    scf.for %parallel_loop3A_1200 = %parallel_loop3A_413 to %parallel_loop3A_414 step %parallel_loop3A_415  : i32 {
      %parallel_loop3A_1201 = arith.constant 64 : i32
      %parallel_loop3A_1202 = arith.divsi %parallel_loop3A_1200, %parallel_loop3A_1201 : i32
      %parallel_loop3A_1203 = arith.constant 0 : i32
      %parallel_loop3A_1204 = arith.cmpi sgt, %parallel_loop3A_1200, %parallel_loop3A_1203 : i32
      %parallel_loop3A_1205 = arith.extui %parallel_loop3A_1204 : i1 to i32
      %parallel_loop3A_1206 = arith.constant 0 : i32
      %parallel_loop3A_1207 = arith.cmpi slt, %parallel_loop3A_1200, %parallel_loop3A_1206 : i32
      %parallel_loop3A_1208 = arith.extui %parallel_loop3A_1207 : i1 to i32
      %parallel_loop3A_1209 = arith.subi %parallel_loop3A_1205, %parallel_loop3A_1208 : i32
      %parallel_loop3A_1210 = arith.constant 0 : i32
      %parallel_loop3A_1211 = arith.cmpi sgt, %parallel_loop3A_1201, %parallel_loop3A_1210 : i32
      %parallel_loop3A_1212 = arith.extui %parallel_loop3A_1211 : i1 to i32
      %parallel_loop3A_1213 = arith.constant 0 : i32
      %parallel_loop3A_1214 = arith.cmpi slt, %parallel_loop3A_1201, %parallel_loop3A_1213 : i32
      %parallel_loop3A_1215 = arith.extui %parallel_loop3A_1214 : i1 to i32
      %parallel_loop3A_1216 = arith.subi %parallel_loop3A_1212, %parallel_loop3A_1215 : i32
      %parallel_loop3A_1217 = arith.cmpi ne, %parallel_loop3A_1209, %parallel_loop3A_1216 : i32
      %parallel_loop3A_1218 = arith.remsi %parallel_loop3A_1200, %parallel_loop3A_1201 : i32
      %parallel_loop3A_1219 = arith.constant 0 : i32
      %parallel_loop3A_1220 = arith.cmpi ne, %parallel_loop3A_1218, %parallel_loop3A_1219 : i32
      %parallel_loop3A_1221 = arith.andi %parallel_loop3A_1217, %parallel_loop3A_1220 : i1
      %parallel_loop3A_1222 = arith.constant 1 : i32
      %parallel_loop3A_1223 = arith.subi %parallel_loop3A_1202, %parallel_loop3A_1222 : i32
      %parallel_loop3A_1224 = arith.select %parallel_loop3A_1221, %parallel_loop3A_1223, %parallel_loop3A_1202 : i32
      %parallel_loop3A_1225 = arith.constant 64 : i32
      %parallel_loop3A_1226 = arith.constant 0 : i32
      %parallel_loop3A_1227 = arith.cmpi eq, %parallel_loop3A_1225, %parallel_loop3A_1226 : i32
      %parallel_loop3A_1228 = arith.constant 1 : i32
      %parallel_loop3A_1229 = arith.select %parallel_loop3A_1227, %parallel_loop3A_1228, %parallel_loop3A_1225 : i32
      %parallel_loop3A_1230 = arith.remsi %parallel_loop3A_1200, %parallel_loop3A_1229 : i32
      %parallel_loop3A_1231 = arith.constant 0 : i32
      %parallel_loop3A_1232 = arith.cmpi ne, %parallel_loop3A_1230, %parallel_loop3A_1231 : i32
      %parallel_loop3A_1233 = arith.constant 0 : i32
      %parallel_loop3A_1234 = arith.cmpi slt, %parallel_loop3A_1230, %parallel_loop3A_1233 : i32
      %parallel_loop3A_1235 = arith.constant 0 : i32
      %parallel_loop3A_1236 = arith.cmpi slt, %parallel_loop3A_1229, %parallel_loop3A_1235 : i32
      %parallel_loop3A_1237 = arith.xori %parallel_loop3A_1234, %parallel_loop3A_1236 : i1
      %parallel_loop3A_1238 = arith.andi %parallel_loop3A_1237, %parallel_loop3A_1232 : i1
      %parallel_loop3A_1239 = arith.addi %parallel_loop3A_1230, %parallel_loop3A_1229 : i32
      %parallel_loop3A_1240 = arith.select %parallel_loop3A_1238, %parallel_loop3A_1239, %parallel_loop3A_1230 : i32
      %parallel_loop3A_1241 = arith.constant 16 : i32
      %parallel_loop3A_1242 = arith.muli %parallel_loop3A_1240, %parallel_loop3A_1241 : i32
      %parallel_loop3A_1243 = arith.index_cast %parallel_loop3A_1224 : i32 to index
      %parallel_loop3A_1244 = arith.index_cast %parallel_loop3A_1242 : i32 to index
      %parallel_loop3A_1245 = tpu.vector_load %arg9[%parallel_loop3A_1243, %parallel_loop3A_1244] {strides = array<i32>} : memref<16x1024xf32, #tpu.memory_space<vmem>>, vector<1x16xf32>,
      %parallel_loop3A_1246 = vector.shape_cast %parallel_loop3A_1245 : vector<1x16xf32> to vector<16xf32>
      %parallel_loop3A_1247 = arith.index_cast %parallel_loop3A_1224 : i32 to index
      %parallel_loop3A_1248 = arith.index_cast %parallel_loop3A_1242 : i32 to index
      %parallel_loop3A_1249 = tpu.vector_load %arg5[%parallel_loop3A_1247, %parallel_loop3A_1248] {strides = array<i32>} : memref<16x1024xf32, #tpu.memory_space<vmem>>, vector<1x16xf32>,
      %parallel_loop3A_1250 = vector.shape_cast %parallel_loop3A_1249 : vector<1x16xf32> to vector<16xf32>
      %parallel_loop3A_1251 = arith.addf %parallel_loop3A_1246, %parallel_loop3A_1250 : vector<16xf32>
      %parallel_loop3A_1252 = arith.index_cast %parallel_loop3A_1224 : i32 to index
      %parallel_loop3A_1253 = arith.index_cast %parallel_loop3A_1242 : i32 to index
      %parallel_loop3A_1254 = tpu.vector_load %arg9[%parallel_loop3A_1252, %parallel_loop3A_1253] {strides = array<i32>} : memref<16x1024xf32, #tpu.memory_space<vmem>>, vector<1x16xf32>,
      %parallel_loop3A_1255 = vector.shape_cast %parallel_loop3A_1254 : vector<1x16xf32> to vector<16xf32>
      %parallel_loop3A_1256 = vector.shape_cast %parallel_loop3A_1251 : vector<16xf32> to vector<1x16xf32>
      tpu.vector_store %arg9[%parallel_loop3A_1252, %parallel_loop3A_1253], %parallel_loop3A_1256 {strides = array<i32>} : memref<16x1024xf32, #tpu.memory_space<vmem>>, vector<1x16xf32>,
    } {sc.loop_unroll_factor = 8 : i64, sc.parallel_access}
    %add3A_416 = arith.constant 32 : i32
    %add3A_417 = arith.addi %mul3A_2, %add3A_416 : i32
    %dma_start3A_418 = arith.constant 2 : i32
    %dma_start3A_419 = arith.constant 0 : i32
    %dma_start3A_420 = tpu.memref_slice %arg4[%dma_start3A_418, %add3A_417, %dma_start3A_419] : memref<4x4096x1024xf32, #tpu.memory_space<hbm>> -> memref<1x16x1024xf32, #tpu.memory_space<hbm>>
    %dma_start3A_421 = tpu.memref_squeeze %dma_start3A_420 : memref<1x16x1024xf32, #tpu.memory_space<hbm>> -> memref<16x1024xf32, #tpu.memory_space<hbm>>
    %dma_start3A_422 = arith.constant 0 : i32
    %dma_start3A_423 = tpu.memref_slice %arg4[%dma_start3A_418, %add3A_417, %dma_start3A_422] : memref<4x4096x1024xf32, #tpu.memory_space<hbm>> -> memref<1x16x1024xf32, #tpu.memory_space<hbm>>
    %dma_start3A_424 = tpu.memref_squeeze %dma_start3A_423 : memref<1x16x1024xf32, #tpu.memory_space<hbm>> -> memref<16x1024xf32, #tpu.memory_space<hbm>>
    tpu.enqueue_dma source(%arg9 : memref<16x1024xf32, #tpu.memory_space<vmem>>) target(%dma_start3A_424 : memref<16x1024xf32, #tpu.memory_space<hbm>>) target_semaphore(%arg19 : memref<!tpu.dma_semaphore, #tpu.memory_space<semaphore_mem>>)
    %dma_wait3A_425 = arith.constant 1 : i32
    %dma_wait3A_426 = arith.constant 0 : i32
    %dma_wait3A_427 = tpu.memref_slice %arg4[%dma_wait3A_425, %add3A_382, %dma_wait3A_426] : memref<4x4096x1024xf32, #tpu.memory_space<hbm>> -> memref<1x16x1024xf32, #tpu.memory_space<hbm>>
    %dma_wait3A_428 = tpu.memref_squeeze %dma_wait3A_427 : memref<1x16x1024xf32, #tpu.memory_space<hbm>> -> memref<16x1024xf32, #tpu.memory_space<hbm>>
    %dma_wait3A_429 = arith.constant 0 : i32
    %dma_wait3A_430 = tpu.memref_slice %arg4[%dma_wait3A_425, %add3A_382, %dma_wait3A_429] : memref<4x4096x1024xf32, #tpu.memory_space<hbm>> -> memref<1x16x1024xf32, #tpu.memory_space<hbm>>
    %dma_wait3A_431 = tpu.memref_squeeze %dma_wait3A_430 : memref<1x16x1024xf32, #tpu.memory_space<hbm>> -> memref<16x1024xf32, #tpu.memory_space<hbm>>
    tpu.wait_dma2 semaphore(%arg18 : memref<!tpu.dma_semaphore, #tpu.memory_space<semaphore_mem>>) src(%arg8 : memref<16x1024xf32, #tpu.memory_space<vmem>>) dst(%dma_wait3A_431 : memref<16x1024xf32, #tpu.memory_space<hbm>>)
    %add3A_432 = arith.constant 48 : i32
    %add3A_433 = arith.addi %mul3A_2, %add3A_432 : i32
    %dma_start3A_434 = arith.constant 1 : i32
    %dma_start3A_435 = arith.constant 0 : i32
    %dma_start3A_436 = tpu.memref_slice %arg2[%dma_start3A_434, %add3A_433, %dma_start3A_435] : memref<4x4096x1024xf32, #tpu.memory_space<hbm>> -> memref<1x16x1024xf32, #tpu.memory_space<hbm>>
    %dma_start3A_437 = tpu.memref_squeeze %dma_start3A_436 : memref<1x16x1024xf32, #tpu.memory_space<hbm>> -> memref<16x1024xf32, #tpu.memory_space<hbm>>
    %dma_start3A_438 = arith.constant 0 : i32
    %dma_start3A_439 = tpu.memref_slice %arg2[%dma_start3A_434, %add3A_433, %dma_start3A_438] : memref<4x4096x1024xf32, #tpu.memory_space<hbm>> -> memref<1x16x1024xf32, #tpu.memory_space<hbm>>
    %dma_start3A_440 = tpu.memref_squeeze %dma_start3A_439 : memref<1x16x1024xf32, #tpu.memory_space<hbm>> -> memref<16x1024xf32, #tpu.memory_space<hbm>>
    tpu.enqueue_dma source(%dma_start3A_440 : memref<16x1024xf32, #tpu.memory_space<hbm>>) target(%arg8 : memref<16x1024xf32, #tpu.memory_space<vmem>>) target_semaphore(%arg14 : memref<!tpu.dma_semaphore, #tpu.memory_space<semaphore_mem>>)
    %dma_wait3A_441 = arith.constant 3 : i32
    %dma_wait3A_442 = arith.constant 0 : i32
    %dma_wait3A_443 = tpu.memref_slice %arg2[%dma_wait3A_441, %add3A_363, %dma_wait3A_442] : memref<4x4096x1024xf32, #tpu.memory_space<hbm>> -> memref<1x16x1024xf32, #tpu.memory_space<hbm>>
    %dma_wait3A_444 = tpu.memref_squeeze %dma_wait3A_443 : memref<1x16x1024xf32, #tpu.memory_space<hbm>> -> memref<16x1024xf32, #tpu.memory_space<hbm>>
    %dma_wait3A_445 = arith.constant 0 : i32
    %dma_wait3A_446 = tpu.memref_slice %arg2[%dma_wait3A_441, %add3A_363, %dma_wait3A_445] : memref<4x4096x1024xf32, #tpu.memory_space<hbm>> -> memref<1x16x1024xf32, #tpu.memory_space<hbm>>
    %dma_wait3A_447 = tpu.memref_squeeze %dma_wait3A_446 : memref<1x16x1024xf32, #tpu.memory_space<hbm>> -> memref<16x1024xf32, #tpu.memory_space<hbm>>
    tpu.wait_dma2 semaphore(%arg16 : memref<!tpu.dma_semaphore, #tpu.memory_space<semaphore_mem>>) src(%dma_wait3A_447 : memref<16x1024xf32, #tpu.memory_space<hbm>>) dst(%arg10 : memref<16x1024xf32, #tpu.memory_space<vmem>>)
    %parallel_loop3A_448 = arith.constant 0 : i32
    %parallel_loop3A_449 = arith.constant 1024 : i32
    %parallel_loop3A_450 = arith.constant 1 : i32
    scf.for %parallel_loop3A_1200 = %parallel_loop3A_448 to %parallel_loop3A_449 step %parallel_loop3A_450  : i32 {
      %parallel_loop3A_1201 = arith.constant 64 : i32
      %parallel_loop3A_1202 = arith.divsi %parallel_loop3A_1200, %parallel_loop3A_1201 : i32
      %parallel_loop3A_1203 = arith.constant 0 : i32
      %parallel_loop3A_1204 = arith.cmpi sgt, %parallel_loop3A_1200, %parallel_loop3A_1203 : i32
      %parallel_loop3A_1205 = arith.extui %parallel_loop3A_1204 : i1 to i32
      %parallel_loop3A_1206 = arith.constant 0 : i32
      %parallel_loop3A_1207 = arith.cmpi slt, %parallel_loop3A_1200, %parallel_loop3A_1206 : i32
      %parallel_loop3A_1208 = arith.extui %parallel_loop3A_1207 : i1 to i32
      %parallel_loop3A_1209 = arith.subi %parallel_loop3A_1205, %parallel_loop3A_1208 : i32
      %parallel_loop3A_1210 = arith.constant 0 : i32
      %parallel_loop3A_1211 = arith.cmpi sgt, %parallel_loop3A_1201, %parallel_loop3A_1210 : i32
      %parallel_loop3A_1212 = arith.extui %parallel_loop3A_1211 : i1 to i32
      %parallel_loop3A_1213 = arith.constant 0 : i32
      %parallel_loop3A_1214 = arith.cmpi slt, %parallel_loop3A_1201, %parallel_loop3A_1213 : i32
      %parallel_loop3A_1215 = arith.extui %parallel_loop3A_1214 : i1 to i32
      %parallel_loop3A_1216 = arith.subi %parallel_loop3A_1212, %parallel_loop3A_1215 : i32
      %parallel_loop3A_1217 = arith.cmpi ne, %parallel_loop3A_1209, %parallel_loop3A_1216 : i32
      %parallel_loop3A_1218 = arith.remsi %parallel_loop3A_1200, %parallel_loop3A_1201 : i32
      %parallel_loop3A_1219 = arith.constant 0 : i32
      %parallel_loop3A_1220 = arith.cmpi ne, %parallel_loop3A_1218, %parallel_loop3A_1219 : i32
      %parallel_loop3A_1221 = arith.andi %parallel_loop3A_1217, %parallel_loop3A_1220 : i1
      %parallel_loop3A_1222 = arith.constant 1 : i32
      %parallel_loop3A_1223 = arith.subi %parallel_loop3A_1202, %parallel_loop3A_1222 : i32
      %parallel_loop3A_1224 = arith.select %parallel_loop3A_1221, %parallel_loop3A_1223, %parallel_loop3A_1202 : i32
      %parallel_loop3A_1225 = arith.constant 64 : i32
      %parallel_loop3A_1226 = arith.constant 0 : i32
      %parallel_loop3A_1227 = arith.cmpi eq, %parallel_loop3A_1225, %parallel_loop3A_1226 : i32
      %parallel_loop3A_1228 = arith.constant 1 : i32
      %parallel_loop3A_1229 = arith.select %parallel_loop3A_1227, %parallel_loop3A_1228, %parallel_loop3A_1225 : i32
      %parallel_loop3A_1230 = arith.remsi %parallel_loop3A_1200, %parallel_loop3A_1229 : i32
      %parallel_loop3A_1231 = arith.constant 0 : i32
      %parallel_loop3A_1232 = arith.cmpi ne, %parallel_loop3A_1230, %parallel_loop3A_1231 : i32
      %parallel_loop3A_1233 = arith.constant 0 : i32
      %parallel_loop3A_1234 = arith.cmpi slt, %parallel_loop3A_1230, %parallel_loop3A_1233 : i32
      %parallel_loop3A_1235 = arith.constant 0 : i32
      %parallel_loop3A_1236 = arith.cmpi slt, %parallel_loop3A_1229, %parallel_loop3A_1235 : i32
      %parallel_loop3A_1237 = arith.xori %parallel_loop3A_1234, %parallel_loop3A_1236 : i1
      %parallel_loop3A_1238 = arith.andi %parallel_loop3A_1237, %parallel_loop3A_1232 : i1
      %parallel_loop3A_1239 = arith.addi %parallel_loop3A_1230, %parallel_loop3A_1229 : i32
      %parallel_loop3A_1240 = arith.select %parallel_loop3A_1238, %parallel_loop3A_1239, %parallel_loop3A_1230 : i32
      %parallel_loop3A_1241 = arith.constant 16 : i32
      %parallel_loop3A_1242 = arith.muli %parallel_loop3A_1240, %parallel_loop3A_1241 : i32
      %parallel_loop3A_1243 = arith.index_cast %parallel_loop3A_1224 : i32 to index
      %parallel_loop3A_1244 = arith.index_cast %parallel_loop3A_1242 : i32 to index
      %parallel_loop3A_1245 = tpu.vector_load %arg10[%parallel_loop3A_1243, %parallel_loop3A_1244] {strides = array<i32>} : memref<16x1024xf32, #tpu.memory_space<vmem>>, vector<1x16xf32>,
      %parallel_loop3A_1246 = vector.shape_cast %parallel_loop3A_1245 : vector<1x16xf32> to vector<16xf32>
      %parallel_loop3A_1247 = arith.index_cast %parallel_loop3A_1224 : i32 to index
      %parallel_loop3A_1248 = arith.index_cast %parallel_loop3A_1242 : i32 to index
      %parallel_loop3A_1249 = tpu.vector_load %arg5[%parallel_loop3A_1247, %parallel_loop3A_1248] {strides = array<i32>} : memref<16x1024xf32, #tpu.memory_space<vmem>>, vector<1x16xf32>,
      %parallel_loop3A_1250 = vector.shape_cast %parallel_loop3A_1249 : vector<1x16xf32> to vector<16xf32>
      %parallel_loop3A_1251 = arith.addf %parallel_loop3A_1246, %parallel_loop3A_1250 : vector<16xf32>
      %parallel_loop3A_1252 = arith.index_cast %parallel_loop3A_1224 : i32 to index
      %parallel_loop3A_1253 = arith.index_cast %parallel_loop3A_1242 : i32 to index
      %parallel_loop3A_1254 = tpu.vector_load %arg10[%parallel_loop3A_1252, %parallel_loop3A_1253] {strides = array<i32>} : memref<16x1024xf32, #tpu.memory_space<vmem>>, vector<1x16xf32>,
      %parallel_loop3A_1255 = vector.shape_cast %parallel_loop3A_1254 : vector<1x16xf32> to vector<16xf32>
      %parallel_loop3A_1256 = vector.shape_cast %parallel_loop3A_1251 : vector<16xf32> to vector<1x16xf32>
      tpu.vector_store %arg10[%parallel_loop3A_1252, %parallel_loop3A_1253], %parallel_loop3A_1256 {strides = array<i32>} : memref<16x1024xf32, #tpu.memory_space<vmem>>, vector<1x16xf32>,
    } {sc.loop_unroll_factor = 8 : i64, sc.parallel_access}
    %add3A_451 = arith.constant 32 : i32
    %add3A_452 = arith.addi %mul3A_2, %add3A_451 : i32
    %dma_start3A_453 = arith.constant 3 : i32
    %dma_start3A_454 = arith.constant 0 : i32
    %dma_start3A_455 = tpu.memref_slice %arg4[%dma_start3A_453, %add3A_452, %dma_start3A_454] : memref<4x4096x1024xf32, #tpu.memory_space<hbm>> -> memref<1x16x1024xf32, #tpu.memory_space<hbm>>
    %dma_start3A_456 = tpu.memref_squeeze %dma_start3A_455 : memref<1x16x1024xf32, #tpu.memory_space<hbm>> -> memref<16x1024xf32, #tpu.memory_space<hbm>>
    %dma_start3A_457 = arith.constant 0 : i32
    %dma_start3A_458 = tpu.memref_slice %arg4[%dma_start3A_453, %add3A_452, %dma_start3A_457] : memref<4x4096x1024xf32, #tpu.memory_space<hbm>> -> memref<1x16x1024xf32, #tpu.memory_space<hbm>>
    %dma_start3A_459 = tpu.memref_squeeze %dma_start3A_458 : memref<1x16x1024xf32, #tpu.memory_space<hbm>> -> memref<16x1024xf32, #tpu.memory_space<hbm>>
    tpu.enqueue_dma source(%arg10 : memref<16x1024xf32, #tpu.memory_space<vmem>>) target(%dma_start3A_459 : memref<16x1024xf32, #tpu.memory_space<hbm>>) target_semaphore(%arg20 : memref<!tpu.dma_semaphore, #tpu.memory_space<semaphore_mem>>)
    %dma_wait3A_460 = arith.constant 2 : i32
    %dma_wait3A_461 = arith.constant 0 : i32
    %dma_wait3A_462 = tpu.memref_slice %arg4[%dma_wait3A_460, %add3A_417, %dma_wait3A_461] : memref<4x4096x1024xf32, #tpu.memory_space<hbm>> -> memref<1x16x1024xf32, #tpu.memory_space<hbm>>
    %dma_wait3A_463 = tpu.memref_squeeze %dma_wait3A_462 : memref<1x16x1024xf32, #tpu.memory_space<hbm>> -> memref<16x1024xf32, #tpu.memory_space<hbm>>
    %dma_wait3A_464 = arith.constant 0 : i32
    %dma_wait3A_465 = tpu.memref_slice %arg4[%dma_wait3A_460, %add3A_417, %dma_wait3A_464] : memref<4x4096x1024xf32, #tpu.memory_space<hbm>> -> memref<1x16x1024xf32, #tpu.memory_space<hbm>>
    %dma_wait3A_466 = tpu.memref_squeeze %dma_wait3A_465 : memref<1x16x1024xf32, #tpu.memory_space<hbm>> -> memref<16x1024xf32, #tpu.memory_space<hbm>>
    tpu.wait_dma2 semaphore(%arg19 : memref<!tpu.dma_semaphore, #tpu.memory_space<semaphore_mem>>) src(%arg9 : memref<16x1024xf32, #tpu.memory_space<vmem>>) dst(%dma_wait3A_466 : memref<16x1024xf32, #tpu.memory_space<hbm>>)
    %add3A_467 = arith.constant 48 : i32
    %add3A_468 = arith.addi %mul3A_2, %add3A_467 : i32
    %dma_start3A_469 = arith.constant 2 : i32
    %dma_start3A_470 = arith.constant 0 : i32
    %dma_start3A_471 = tpu.memref_slice %arg2[%dma_start3A_469, %add3A_468, %dma_start3A_470] : memref<4x4096x1024xf32, #tpu.memory_space<hbm>> -> memref<1x16x1024xf32, #tpu.memory_space<hbm>>
    %dma_start3A_472 = tpu.memref_squeeze %dma_start3A_471 : memref<1x16x1024xf32, #tpu.memory_space<hbm>> -> memref<16x1024xf32, #tpu.memory_space<hbm>>
    %dma_start3A_473 = arith.constant 0 : i32
    %dma_start3A_474 = tpu.memref_slice %arg2[%dma_start3A_469, %add3A_468, %dma_start3A_473] : memref<4x4096x1024xf32, #tpu.memory_space<hbm>> -> memref<1x16x1024xf32, #tpu.memory_space<hbm>>
    %dma_start3A_475 = tpu.memref_squeeze %dma_start3A_474 : memref<1x16x1024xf32, #tpu.memory_space<hbm>> -> memref<16x1024xf32, #tpu.memory_space<hbm>>
    tpu.enqueue_dma source(%dma_start3A_475 : memref<16x1024xf32, #tpu.memory_space<hbm>>) target(%arg9 : memref<16x1024xf32, #tpu.memory_space<vmem>>) target_semaphore(%arg15 : memref<!tpu.dma_semaphore, #tpu.memory_space<semaphore_mem>>)
    %dma_wait3A_476 = arith.constant 0 : i32
    %dma_wait3A_477 = arith.constant 0 : i32
    %dma_wait3A_478 = tpu.memref_slice %arg2[%dma_wait3A_476, %add3A_398, %dma_wait3A_477] : memref<4x4096x1024xf32, #tpu.memory_space<hbm>> -> memref<1x16x1024xf32, #tpu.memory_space<hbm>>
    %dma_wait3A_479 = tpu.memref_squeeze %dma_wait3A_478 : memref<1x16x1024xf32, #tpu.memory_space<hbm>> -> memref<16x1024xf32, #tpu.memory_space<hbm>>
    %dma_wait3A_480 = arith.constant 0 : i32
    %dma_wait3A_481 = tpu.memref_slice %arg2[%dma_wait3A_476, %add3A_398, %dma_wait3A_480] : memref<4x4096x1024xf32, #tpu.memory_space<hbm>> -> memref<1x16x1024xf32, #tpu.memory_space<hbm>>
    %dma_wait3A_482 = tpu.memref_squeeze %dma_wait3A_481 : memref<1x16x1024xf32, #tpu.memory_space<hbm>> -> memref<16x1024xf32, #tpu.memory_space<hbm>>
    tpu.wait_dma2 semaphore(%arg13 : memref<!tpu.dma_semaphore, #tpu.memory_space<semaphore_mem>>) src(%dma_wait3A_482 : memref<16x1024xf32, #tpu.memory_space<hbm>>) dst(%arg7 : memref<16x1024xf32, #tpu.memory_space<vmem>>)
    %dma_wait3A_483 = arith.constant 0 : i32
    %dma_wait3A_484 = tpu.memref_slice %arg3[%add3A_350, %dma_wait3A_483] : memref<8192x1024xf32, #tpu.memory_space<hbm>> -> memref<16x1024xf32, #tpu.memory_space<hbm>>
    %dma_wait3A_485 = arith.constant 0 : i32
    %dma_wait3A_486 = tpu.memref_slice %arg3[%add3A_350, %dma_wait3A_485] : memref<8192x1024xf32, #tpu.memory_space<hbm>> -> memref<16x1024xf32, #tpu.memory_space<hbm>>
    tpu.wait_dma2 semaphore(%arg12 : memref<!tpu.dma_semaphore, #tpu.memory_space<semaphore_mem>>) src(%dma_wait3A_486 : memref<16x1024xf32, #tpu.memory_space<hbm>>) dst(%arg6 : memref<16x1024xf32, #tpu.memory_space<vmem>>)
    %parallel_loop3A_487 = arith.constant 0 : i32
    %parallel_loop3A_488 = arith.constant 1024 : i32
    %parallel_loop3A_489 = arith.constant 1 : i32
    scf.for %parallel_loop3A_1200 = %parallel_loop3A_487 to %parallel_loop3A_488 step %parallel_loop3A_489  : i32 {
      %parallel_loop3A_1201 = arith.constant 64 : i32
      %parallel_loop3A_1202 = arith.divsi %parallel_loop3A_1200, %parallel_loop3A_1201 : i32
      %parallel_loop3A_1203 = arith.constant 0 : i32
      %parallel_loop3A_1204 = arith.cmpi sgt, %parallel_loop3A_1200, %parallel_loop3A_1203 : i32
      %parallel_loop3A_1205 = arith.extui %parallel_loop3A_1204 : i1 to i32
      %parallel_loop3A_1206 = arith.constant 0 : i32
      %parallel_loop3A_1207 = arith.cmpi slt, %parallel_loop3A_1200, %parallel_loop3A_1206 : i32
      %parallel_loop3A_1208 = arith.extui %parallel_loop3A_1207 : i1 to i32
      %parallel_loop3A_1209 = arith.subi %parallel_loop3A_1205, %parallel_loop3A_1208 : i32
      %parallel_loop3A_1210 = arith.constant 0 : i32
      %parallel_loop3A_1211 = arith.cmpi sgt, %parallel_loop3A_1201, %parallel_loop3A_1210 : i32
      %parallel_loop3A_1212 = arith.extui %parallel_loop3A_1211 : i1 to i32
      %parallel_loop3A_1213 = arith.constant 0 : i32
      %parallel_loop3A_1214 = arith.cmpi slt, %parallel_loop3A_1201, %parallel_loop3A_1213 : i32
      %parallel_loop3A_1215 = arith.extui %parallel_loop3A_1214 : i1 to i32
      %parallel_loop3A_1216 = arith.subi %parallel_loop3A_1212, %parallel_loop3A_1215 : i32
      %parallel_loop3A_1217 = arith.cmpi ne, %parallel_loop3A_1209, %parallel_loop3A_1216 : i32
      %parallel_loop3A_1218 = arith.remsi %parallel_loop3A_1200, %parallel_loop3A_1201 : i32
      %parallel_loop3A_1219 = arith.constant 0 : i32
      %parallel_loop3A_1220 = arith.cmpi ne, %parallel_loop3A_1218, %parallel_loop3A_1219 : i32
      %parallel_loop3A_1221 = arith.andi %parallel_loop3A_1217, %parallel_loop3A_1220 : i1
      %parallel_loop3A_1222 = arith.constant 1 : i32
      %parallel_loop3A_1223 = arith.subi %parallel_loop3A_1202, %parallel_loop3A_1222 : i32
      %parallel_loop3A_1224 = arith.select %parallel_loop3A_1221, %parallel_loop3A_1223, %parallel_loop3A_1202 : i32
      %parallel_loop3A_1225 = arith.constant 64 : i32
      %parallel_loop3A_1226 = arith.constant 0 : i32
      %parallel_loop3A_1227 = arith.cmpi eq, %parallel_loop3A_1225, %parallel_loop3A_1226 : i32
      %parallel_loop3A_1228 = arith.constant 1 : i32
      %parallel_loop3A_1229 = arith.select %parallel_loop3A_1227, %parallel_loop3A_1228, %parallel_loop3A_1225 : i32
      %parallel_loop3A_1230 = arith.remsi %parallel_loop3A_1200, %parallel_loop3A_1229 : i32
      %parallel_loop3A_1231 = arith.constant 0 : i32
      %parallel_loop3A_1232 = arith.cmpi ne, %parallel_loop3A_1230, %parallel_loop3A_1231 : i32
      %parallel_loop3A_1233 = arith.constant 0 : i32
      %parallel_loop3A_1234 = arith.cmpi slt, %parallel_loop3A_1230, %parallel_loop3A_1233 : i32
      %parallel_loop3A_1235 = arith.constant 0 : i32
      %parallel_loop3A_1236 = arith.cmpi slt, %parallel_loop3A_1229, %parallel_loop3A_1235 : i32
      %parallel_loop3A_1237 = arith.xori %parallel_loop3A_1234, %parallel_loop3A_1236 : i1
      %parallel_loop3A_1238 = arith.andi %parallel_loop3A_1237, %parallel_loop3A_1232 : i1
      %parallel_loop3A_1239 = arith.addi %parallel_loop3A_1230, %parallel_loop3A_1229 : i32
      %parallel_loop3A_1240 = arith.select %parallel_loop3A_1238, %parallel_loop3A_1239, %parallel_loop3A_1230 : i32
      %parallel_loop3A_1241 = arith.constant 16 : i32
      %parallel_loop3A_1242 = arith.muli %parallel_loop3A_1240, %parallel_loop3A_1241 : i32
      %parallel_loop3A_1243 = arith.index_cast %parallel_loop3A_1224 : i32 to index
      %parallel_loop3A_1244 = arith.index_cast %parallel_loop3A_1242 : i32 to index
      %parallel_loop3A_1245 = tpu.vector_load %arg7[%parallel_loop3A_1243, %parallel_loop3A_1244] {strides = array<i32>} : memref<16x1024xf32, #tpu.memory_space<vmem>>, vector<1x16xf32>,
      %parallel_loop3A_1246 = vector.shape_cast %parallel_loop3A_1245 : vector<1x16xf32> to vector<16xf32>
      %parallel_loop3A_1247 = arith.index_cast %parallel_loop3A_1224 : i32 to index
      %parallel_loop3A_1248 = arith.index_cast %parallel_loop3A_1242 : i32 to index
      %parallel_loop3A_1249 = tpu.vector_load %arg6[%parallel_loop3A_1247, %parallel_loop3A_1248] {strides = array<i32>} : memref<16x1024xf32, #tpu.memory_space<vmem>>, vector<1x16xf32>,
      %parallel_loop3A_1250 = vector.shape_cast %parallel_loop3A_1249 : vector<1x16xf32> to vector<16xf32>
      %parallel_loop3A_1251 = arith.addf %parallel_loop3A_1246, %parallel_loop3A_1250 : vector<16xf32>
      %parallel_loop3A_1252 = arith.index_cast %parallel_loop3A_1224 : i32 to index
      %parallel_loop3A_1253 = arith.index_cast %parallel_loop3A_1242 : i32 to index
      %parallel_loop3A_1254 = tpu.vector_load %arg7[%parallel_loop3A_1252, %parallel_loop3A_1253] {strides = array<i32>} : memref<16x1024xf32, #tpu.memory_space<vmem>>, vector<1x16xf32>,
      %parallel_loop3A_1255 = vector.shape_cast %parallel_loop3A_1254 : vector<1x16xf32> to vector<16xf32>
      %parallel_loop3A_1256 = vector.shape_cast %parallel_loop3A_1251 : vector<16xf32> to vector<1x16xf32>
      tpu.vector_store %arg7[%parallel_loop3A_1252, %parallel_loop3A_1253], %parallel_loop3A_1256 {strides = array<i32>} : memref<16x1024xf32, #tpu.memory_space<vmem>>, vector<1x16xf32>,
    } {sc.loop_unroll_factor = 8 : i64, sc.parallel_access}
    %add3A_490 = arith.constant 48 : i32
    %add3A_491 = arith.addi %mul3A_2, %add3A_490 : i32
    %dma_start3A_492 = arith.constant 0 : i32
    %dma_start3A_493 = arith.constant 0 : i32
    %dma_start3A_494 = tpu.memref_slice %arg4[%dma_start3A_492, %add3A_491, %dma_start3A_493] : memref<4x4096x1024xf32, #tpu.memory_space<hbm>> -> memref<1x16x1024xf32, #tpu.memory_space<hbm>>
    %dma_start3A_495 = tpu.memref_squeeze %dma_start3A_494 : memref<1x16x1024xf32, #tpu.memory_space<hbm>> -> memref<16x1024xf32, #tpu.memory_space<hbm>>
    %dma_start3A_496 = arith.constant 0 : i32
    %dma_start3A_497 = tpu.memref_slice %arg4[%dma_start3A_492, %add3A_491, %dma_start3A_496] : memref<4x4096x1024xf32, #tpu.memory_space<hbm>> -> memref<1x16x1024xf32, #tpu.memory_space<hbm>>
    %dma_start3A_498 = tpu.memref_squeeze %dma_start3A_497 : memref<1x16x1024xf32, #tpu.memory_space<hbm>> -> memref<16x1024xf32, #tpu.memory_space<hbm>>
    tpu.enqueue_dma source(%arg7 : memref<16x1024xf32, #tpu.memory_space<vmem>>) target(%dma_start3A_498 : memref<16x1024xf32, #tpu.memory_space<hbm>>) target_semaphore(%arg17 : memref<!tpu.dma_semaphore, #tpu.memory_space<semaphore_mem>>)
    %add3A_499 = arith.constant 64 : i32
    %add3A_500 = arith.addi %mul3A_2, %add3A_499 : i32
    %dma_start3A_501 = arith.constant 0 : i32
    %dma_start3A_502 = tpu.memref_slice %arg3[%add3A_500, %dma_start3A_501] : memref<8192x1024xf32, #tpu.memory_space<hbm>> -> memref<16x1024xf32, #tpu.memory_space<hbm>>
    %dma_start3A_503 = arith.constant 0 : i32
    %dma_start3A_504 = tpu.memref_slice %arg3[%add3A_500, %dma_start3A_503] : memref<8192x1024xf32, #tpu.memory_space<hbm>> -> memref<16x1024xf32, #tpu.memory_space<hbm>>
    tpu.enqueue_dma source(%dma_start3A_504 : memref<16x1024xf32, #tpu.memory_space<hbm>>) target(%arg5 : memref<16x1024xf32, #tpu.memory_space<vmem>>) target_semaphore(%arg11 : memref<!tpu.dma_semaphore, #tpu.memory_space<semaphore_mem>>)
    %dma_wait3A_505 = arith.constant 3 : i32
    %dma_wait3A_506 = arith.constant 0 : i32
    %dma_wait3A_507 = tpu.memref_slice %arg4[%dma_wait3A_505, %add3A_452, %dma_wait3A_506] : memref<4x4096x1024xf32, #tpu.memory_space<hbm>> -> memref<1x16x1024xf32, #tpu.memory_space<hbm>>
    %dma_wait3A_508 = tpu.memref_squeeze %dma_wait3A_507 : memref<1x16x1024xf32, #tpu.memory_space<hbm>> -> memref<16x1024xf32, #tpu.memory_space<hbm>>
    %dma_wait3A_509 = arith.constant 0 : i32
    %dma_wait3A_510 = tpu.memref_slice %arg4[%dma_wait3A_505, %add3A_452, %dma_wait3A_509] : memref<4x4096x1024xf32, #tpu.memory_space<hbm>> -> memref<1x16x1024xf32, #tpu.memory_space<hbm>>
    %dma_wait3A_511 = tpu.memref_squeeze %dma_wait3A_510 : memref<1x16x1024xf32, #tpu.memory_space<hbm>> -> memref<16x1024xf32, #tpu.memory_space<hbm>>
    tpu.wait_dma2 semaphore(%arg20 : memref<!tpu.dma_semaphore, #tpu.memory_space<semaphore_mem>>) src(%arg10 : memref<16x1024xf32, #tpu.memory_space<vmem>>) dst(%dma_wait3A_511 : memref<16x1024xf32, #tpu.memory_space<hbm>>)
    %add3A_512 = arith.constant 48 : i32
    %add3A_513 = arith.addi %mul3A_2, %add3A_512 : i32
    %dma_start3A_514 = arith.constant 3 : i32
    %dma_start3A_515 = arith.constant 0 : i32
    %dma_start3A_516 = tpu.memref_slice %arg2[%dma_start3A_514, %add3A_513, %dma_start3A_515] : memref<4x4096x1024xf32, #tpu.memory_space<hbm>> -> memref<1x16x1024xf32, #tpu.memory_space<hbm>>
    %dma_start3A_517 = tpu.memref_squeeze %dma_start3A_516 : memref<1x16x1024xf32, #tpu.memory_space<hbm>> -> memref<16x1024xf32, #tpu.memory_space<hbm>>
    %dma_start3A_518 = arith.constant 0 : i32
    %dma_start3A_519 = tpu.memref_slice %arg2[%dma_start3A_514, %add3A_513, %dma_start3A_518] : memref<4x4096x1024xf32, #tpu.memory_space<hbm>> -> memref<1x16x1024xf32, #tpu.memory_space<hbm>>
    %dma_start3A_520 = tpu.memref_squeeze %dma_start3A_519 : memref<1x16x1024xf32, #tpu.memory_space<hbm>> -> memref<16x1024xf32, #tpu.memory_space<hbm>>
    tpu.enqueue_dma source(%dma_start3A_520 : memref<16x1024xf32, #tpu.memory_space<hbm>>) target(%arg10 : memref<16x1024xf32, #tpu.memory_space<vmem>>) target_semaphore(%arg16 : memref<!tpu.dma_semaphore, #tpu.memory_space<semaphore_mem>>)
    %dma_wait3A_521 = arith.constant 1 : i32
    %dma_wait3A_522 = arith.constant 0 : i32
    %dma_wait3A_523 = tpu.memref_slice %arg2[%dma_wait3A_521, %add3A_433, %dma_wait3A_522] : memref<4x4096x1024xf32, #tpu.memory_space<hbm>> -> memref<1x16x1024xf32, #tpu.memory_space<hbm>>
    %dma_wait3A_524 = tpu.memref_squeeze %dma_wait3A_523 : memref<1x16x1024xf32, #tpu.memory_space<hbm>> -> memref<16x1024xf32, #tpu.memory_space<hbm>>
    %dma_wait3A_525 = arith.constant 0 : i32
    %dma_wait3A_526 = tpu.memref_slice %arg2[%dma_wait3A_521, %add3A_433, %dma_wait3A_525] : memref<4x4096x1024xf32, #tpu.memory_space<hbm>> -> memref<1x16x1024xf32, #tpu.memory_space<hbm>>
    %dma_wait3A_527 = tpu.memref_squeeze %dma_wait3A_526 : memref<1x16x1024xf32, #tpu.memory_space<hbm>> -> memref<16x1024xf32, #tpu.memory_space<hbm>>
    tpu.wait_dma2 semaphore(%arg14 : memref<!tpu.dma_semaphore, #tpu.memory_space<semaphore_mem>>) src(%dma_wait3A_527 : memref<16x1024xf32, #tpu.memory_space<hbm>>) dst(%arg8 : memref<16x1024xf32, #tpu.memory_space<vmem>>)
    %parallel_loop3A_528 = arith.constant 0 : i32
    %parallel_loop3A_529 = arith.constant 1024 : i32
    %parallel_loop3A_530 = arith.constant 1 : i32
    scf.for %parallel_loop3A_1200 = %parallel_loop3A_528 to %parallel_loop3A_529 step %parallel_loop3A_530  : i32 {
      %parallel_loop3A_1201 = arith.constant 64 : i32
      %parallel_loop3A_1202 = arith.divsi %parallel_loop3A_1200, %parallel_loop3A_1201 : i32
      %parallel_loop3A_1203 = arith.constant 0 : i32
      %parallel_loop3A_1204 = arith.cmpi sgt, %parallel_loop3A_1200, %parallel_loop3A_1203 : i32
      %parallel_loop3A_1205 = arith.extui %parallel_loop3A_1204 : i1 to i32
      %parallel_loop3A_1206 = arith.constant 0 : i32
      %parallel_loop3A_1207 = arith.cmpi slt, %parallel_loop3A_1200, %parallel_loop3A_1206 : i32
      %parallel_loop3A_1208 = arith.extui %parallel_loop3A_1207 : i1 to i32
      %parallel_loop3A_1209 = arith.subi %parallel_loop3A_1205, %parallel_loop3A_1208 : i32
      %parallel_loop3A_1210 = arith.constant 0 : i32
      %parallel_loop3A_1211 = arith.cmpi sgt, %parallel_loop3A_1201, %parallel_loop3A_1210 : i32
      %parallel_loop3A_1212 = arith.extui %parallel_loop3A_1211 : i1 to i32
      %parallel_loop3A_1213 = arith.constant 0 : i32
      %parallel_loop3A_1214 = arith.cmpi slt, %parallel_loop3A_1201, %parallel_loop3A_1213 : i32
      %parallel_loop3A_1215 = arith.extui %parallel_loop3A_1214 : i1 to i32
      %parallel_loop3A_1216 = arith.subi %parallel_loop3A_1212, %parallel_loop3A_1215 : i32
      %parallel_loop3A_1217 = arith.cmpi ne, %parallel_loop3A_1209, %parallel_loop3A_1216 : i32
      %parallel_loop3A_1218 = arith.remsi %parallel_loop3A_1200, %parallel_loop3A_1201 : i32
      %parallel_loop3A_1219 = arith.constant 0 : i32
      %parallel_loop3A_1220 = arith.cmpi ne, %parallel_loop3A_1218, %parallel_loop3A_1219 : i32
      %parallel_loop3A_1221 = arith.andi %parallel_loop3A_1217, %parallel_loop3A_1220 : i1
      %parallel_loop3A_1222 = arith.constant 1 : i32
      %parallel_loop3A_1223 = arith.subi %parallel_loop3A_1202, %parallel_loop3A_1222 : i32
      %parallel_loop3A_1224 = arith.select %parallel_loop3A_1221, %parallel_loop3A_1223, %parallel_loop3A_1202 : i32
      %parallel_loop3A_1225 = arith.constant 64 : i32
      %parallel_loop3A_1226 = arith.constant 0 : i32
      %parallel_loop3A_1227 = arith.cmpi eq, %parallel_loop3A_1225, %parallel_loop3A_1226 : i32
      %parallel_loop3A_1228 = arith.constant 1 : i32
      %parallel_loop3A_1229 = arith.select %parallel_loop3A_1227, %parallel_loop3A_1228, %parallel_loop3A_1225 : i32
      %parallel_loop3A_1230 = arith.remsi %parallel_loop3A_1200, %parallel_loop3A_1229 : i32
      %parallel_loop3A_1231 = arith.constant 0 : i32
      %parallel_loop3A_1232 = arith.cmpi ne, %parallel_loop3A_1230, %parallel_loop3A_1231 : i32
      %parallel_loop3A_1233 = arith.constant 0 : i32
      %parallel_loop3A_1234 = arith.cmpi slt, %parallel_loop3A_1230, %parallel_loop3A_1233 : i32
      %parallel_loop3A_1235 = arith.constant 0 : i32
      %parallel_loop3A_1236 = arith.cmpi slt, %parallel_loop3A_1229, %parallel_loop3A_1235 : i32
      %parallel_loop3A_1237 = arith.xori %parallel_loop3A_1234, %parallel_loop3A_1236 : i1
      %parallel_loop3A_1238 = arith.andi %parallel_loop3A_1237, %parallel_loop3A_1232 : i1
      %parallel_loop3A_1239 = arith.addi %parallel_loop3A_1230, %parallel_loop3A_1229 : i32
      %parallel_loop3A_1240 = arith.select %parallel_loop3A_1238, %parallel_loop3A_1239, %parallel_loop3A_1230 : i32
      %parallel_loop3A_1241 = arith.constant 16 : i32
      %parallel_loop3A_1242 = arith.muli %parallel_loop3A_1240, %parallel_loop3A_1241 : i32
      %parallel_loop3A_1243 = arith.index_cast %parallel_loop3A_1224 : i32 to index
      %parallel_loop3A_1244 = arith.index_cast %parallel_loop3A_1242 : i32 to index
      %parallel_loop3A_1245 = tpu.vector_load %arg8[%parallel_loop3A_1243, %parallel_loop3A_1244] {strides = array<i32>} : memref<16x1024xf32, #tpu.memory_space<vmem>>, vector<1x16xf32>,
      %parallel_loop3A_1246 = vector.shape_cast %parallel_loop3A_1245 : vector<1x16xf32> to vector<16xf32>
      %parallel_loop3A_1247 = arith.index_cast %parallel_loop3A_1224 : i32 to index
      %parallel_loop3A_1248 = arith.index_cast %parallel_loop3A_1242 : i32 to index
      %parallel_loop3A_1249 = tpu.vector_load %arg6[%parallel_loop3A_1247, %parallel_loop3A_1248] {strides = array<i32>} : memref<16x1024xf32, #tpu.memory_space<vmem>>, vector<1x16xf32>,
      %parallel_loop3A_1250 = vector.shape_cast %parallel_loop3A_1249 : vector<1x16xf32> to vector<16xf32>
      %parallel_loop3A_1251 = arith.addf %parallel_loop3A_1246, %parallel_loop3A_1250 : vector<16xf32>
      %parallel_loop3A_1252 = arith.index_cast %parallel_loop3A_1224 : i32 to index
      %parallel_loop3A_1253 = arith.index_cast %parallel_loop3A_1242 : i32 to index
      %parallel_loop3A_1254 = tpu.vector_load %arg8[%parallel_loop3A_1252, %parallel_loop3A_1253] {strides = array<i32>} : memref<16x1024xf32, #tpu.memory_space<vmem>>, vector<1x16xf32>,
      %parallel_loop3A_1255 = vector.shape_cast %parallel_loop3A_1254 : vector<1x16xf32> to vector<16xf32>
      %parallel_loop3A_1256 = vector.shape_cast %parallel_loop3A_1251 : vector<16xf32> to vector<1x16xf32>
      tpu.vector_store %arg8[%parallel_loop3A_1252, %parallel_loop3A_1253], %parallel_loop3A_1256 {strides = array<i32>} : memref<16x1024xf32, #tpu.memory_space<vmem>>, vector<1x16xf32>,
    } {sc.loop_unroll_factor = 8 : i64, sc.parallel_access}
    %add3A_531 = arith.constant 48 : i32
    %add3A_532 = arith.addi %mul3A_2, %add3A_531 : i32
    %dma_start3A_533 = arith.constant 1 : i32
    %dma_start3A_534 = arith.constant 0 : i32
    %dma_start3A_535 = tpu.memref_slice %arg4[%dma_start3A_533, %add3A_532, %dma_start3A_534] : memref<4x4096x1024xf32, #tpu.memory_space<hbm>> -> memref<1x16x1024xf32, #tpu.memory_space<hbm>>
    %dma_start3A_536 = tpu.memref_squeeze %dma_start3A_535 : memref<1x16x1024xf32, #tpu.memory_space<hbm>> -> memref<16x1024xf32, #tpu.memory_space<hbm>>
    %dma_start3A_537 = arith.constant 0 : i32
    %dma_start3A_538 = tpu.memref_slice %arg4[%dma_start3A_533, %add3A_532, %dma_start3A_537] : memref<4x4096x1024xf32, #tpu.memory_space<hbm>> -> memref<1x16x1024xf32, #tpu.memory_space<hbm>>
    %dma_start3A_539 = tpu.memref_squeeze %dma_start3A_538 : memref<1x16x1024xf32, #tpu.memory_space<hbm>> -> memref<16x1024xf32, #tpu.memory_space<hbm>>
    tpu.enqueue_dma source(%arg8 : memref<16x1024xf32, #tpu.memory_space<vmem>>) target(%dma_start3A_539 : memref<16x1024xf32, #tpu.memory_space<hbm>>) target_semaphore(%arg18 : memref<!tpu.dma_semaphore, #tpu.memory_space<semaphore_mem>>)
    %dma_wait3A_540 = arith.constant 0 : i32
    %dma_wait3A_541 = arith.constant 0 : i32
    %dma_wait3A_542 = tpu.memref_slice %arg4[%dma_wait3A_540, %add3A_491, %dma_wait3A_541] : memref<4x4096x1024xf32, #tpu.memory_space<hbm>> -> memref<1x16x1024xf32, #tpu.memory_space<hbm>>
    %dma_wait3A_543 = tpu.memref_squeeze %dma_wait3A_542 : memref<1x16x1024xf32, #tpu.memory_space<hbm>> -> memref<16x1024xf32, #tpu.memory_space<hbm>>
    %dma_wait3A_544 = arith.constant 0 : i32
    %dma_wait3A_545 = tpu.memref_slice %arg4[%dma_wait3A_540, %add3A_491, %dma_wait3A_544] : memref<4x4096x1024xf32, #tpu.memory_space<hbm>> -> memref<1x16x1024xf32, #tpu.memory_space<hbm>>
    %dma_wait3A_546 = tpu.memref_squeeze %dma_wait3A_545 : memref<1x16x1024xf32, #tpu.memory_space<hbm>> -> memref<16x1024xf32, #tpu.memory_space<hbm>>
    tpu.wait_dma2 semaphore(%arg17 : memref<!tpu.dma_semaphore, #tpu.memory_space<semaphore_mem>>) src(%arg7 : memref<16x1024xf32, #tpu.memory_space<vmem>>) dst(%dma_wait3A_546 : memref<16x1024xf32, #tpu.memory_space<hbm>>)
    %add3A_547 = arith.constant 64 : i32
    %add3A_548 = arith.addi %mul3A_2, %add3A_547 : i32
    %dma_start3A_549 = arith.constant 0 : i32
    %dma_start3A_550 = arith.constant 0 : i32
    %dma_start3A_551 = tpu.memref_slice %arg2[%dma_start3A_549, %add3A_548, %dma_start3A_550] : memref<4x4096x1024xf32, #tpu.memory_space<hbm>> -> memref<1x16x1024xf32, #tpu.memory_space<hbm>>
    %dma_start3A_552 = tpu.memref_squeeze %dma_start3A_551 : memref<1x16x1024xf32, #tpu.memory_space<hbm>> -> memref<16x1024xf32, #tpu.memory_space<hbm>>
    %dma_start3A_553 = arith.constant 0 : i32
    %dma_start3A_554 = tpu.memref_slice %arg2[%dma_start3A_549, %add3A_548, %dma_start3A_553] : memref<4x4096x1024xf32, #tpu.memory_space<hbm>> -> memref<1x16x1024xf32, #tpu.memory_space<hbm>>
    %dma_start3A_555 = tpu.memref_squeeze %dma_start3A_554 : memref<1x16x1024xf32, #tpu.memory_space<hbm>> -> memref<16x1024xf32, #tpu.memory_space<hbm>>
    tpu.enqueue_dma source(%dma_start3A_555 : memref<16x1024xf32, #tpu.memory_space<hbm>>) target(%arg7 : memref<16x1024xf32, #tpu.memory_space<vmem>>) target_semaphore(%arg13 : memref<!tpu.dma_semaphore, #tpu.memory_space<semaphore_mem>>)
    %dma_wait3A_556 = arith.constant 2 : i32
    %dma_wait3A_557 = arith.constant 0 : i32
    %dma_wait3A_558 = tpu.memref_slice %arg2[%dma_wait3A_556, %add3A_468, %dma_wait3A_557] : memref<4x4096x1024xf32, #tpu.memory_space<hbm>> -> memref<1x16x1024xf32, #tpu.memory_space<hbm>>
    %dma_wait3A_559 = tpu.memref_squeeze %dma_wait3A_558 : memref<1x16x1024xf32, #tpu.memory_space<hbm>> -> memref<16x1024xf32, #tpu.memory_space<hbm>>
    %dma_wait3A_560 = arith.constant 0 : i32
    %dma_wait3A_561 = tpu.memref_slice %arg2[%dma_wait3A_556, %add3A_468, %dma_wait3A_560] : memref<4x4096x1024xf32, #tpu.memory_space<hbm>> -> memref<1x16x1024xf32, #tpu.memory_space<hbm>>
    %dma_wait3A_562 = tpu.memref_squeeze %dma_wait3A_561 : memref<1x16x1024xf32, #tpu.memory_space<hbm>> -> memref<16x1024xf32, #tpu.memory_space<hbm>>
    tpu.wait_dma2 semaphore(%arg15 : memref<!tpu.dma_semaphore, #tpu.memory_space<semaphore_mem>>) src(%dma_wait3A_562 : memref<16x1024xf32, #tpu.memory_space<hbm>>) dst(%arg9 : memref<16x1024xf32, #tpu.memory_space<vmem>>)
    %parallel_loop3A_563 = arith.constant 0 : i32
    %parallel_loop3A_564 = arith.constant 1024 : i32
    %parallel_loop3A_565 = arith.constant 1 : i32
    scf.for %parallel_loop3A_1200 = %parallel_loop3A_563 to %parallel_loop3A_564 step %parallel_loop3A_565  : i32 {
      %parallel_loop3A_1201 = arith.constant 64 : i32
      %parallel_loop3A_1202 = arith.divsi %parallel_loop3A_1200, %parallel_loop3A_1201 : i32
      %parallel_loop3A_1203 = arith.constant 0 : i32
      %parallel_loop3A_1204 = arith.cmpi sgt, %parallel_loop3A_1200, %parallel_loop3A_1203 : i32
      %parallel_loop3A_1205 = arith.extui %parallel_loop3A_1204 : i1 to i32
      %parallel_loop3A_1206 = arith.constant 0 : i32
      %parallel_loop3A_1207 = arith.cmpi slt, %parallel_loop3A_1200, %parallel_loop3A_1206 : i32
      %parallel_loop3A_1208 = arith.extui %parallel_loop3A_1207 : i1 to i32
      %parallel_loop3A_1209 = arith.subi %parallel_loop3A_1205, %parallel_loop3A_1208 : i32
      %parallel_loop3A_1210 = arith.constant 0 : i32
      %parallel_loop3A_1211 = arith.cmpi sgt, %parallel_loop3A_1201, %parallel_loop3A_1210 : i32
      %parallel_loop3A_1212 = arith.extui %parallel_loop3A_1211 : i1 to i32
      %parallel_loop3A_1213 = arith.constant 0 : i32
      %parallel_loop3A_1214 = arith.cmpi slt, %parallel_loop3A_1201, %parallel_loop3A_1213 : i32
      %parallel_loop3A_1215 = arith.extui %parallel_loop3A_1214 : i1 to i32
      %parallel_loop3A_1216 = arith.subi %parallel_loop3A_1212, %parallel_loop3A_1215 : i32
      %parallel_loop3A_1217 = arith.cmpi ne, %parallel_loop3A_1209, %parallel_loop3A_1216 : i32
      %parallel_loop3A_1218 = arith.remsi %parallel_loop3A_1200, %parallel_loop3A_1201 : i32
      %parallel_loop3A_1219 = arith.constant 0 : i32
      %parallel_loop3A_1220 = arith.cmpi ne, %parallel_loop3A_1218, %parallel_loop3A_1219 : i32
      %parallel_loop3A_1221 = arith.andi %parallel_loop3A_1217, %parallel_loop3A_1220 : i1
      %parallel_loop3A_1222 = arith.constant 1 : i32
      %parallel_loop3A_1223 = arith.subi %parallel_loop3A_1202, %parallel_loop3A_1222 : i32
      %parallel_loop3A_1224 = arith.select %parallel_loop3A_1221, %parallel_loop3A_1223, %parallel_loop3A_1202 : i32
      %parallel_loop3A_1225 = arith.constant 64 : i32
      %parallel_loop3A_1226 = arith.constant 0 : i32
      %parallel_loop3A_1227 = arith.cmpi eq, %parallel_loop3A_1225, %parallel_loop3A_1226 : i32
      %parallel_loop3A_1228 = arith.constant 1 : i32
      %parallel_loop3A_1229 = arith.select %parallel_loop3A_1227, %parallel_loop3A_1228, %parallel_loop3A_1225 : i32
      %parallel_loop3A_1230 = arith.remsi %parallel_loop3A_1200, %parallel_loop3A_1229 : i32
      %parallel_loop3A_1231 = arith.constant 0 : i32
      %parallel_loop3A_1232 = arith.cmpi ne, %parallel_loop3A_1230, %parallel_loop3A_1231 : i32
      %parallel_loop3A_1233 = arith.constant 0 : i32
      %parallel_loop3A_1234 = arith.cmpi slt, %parallel_loop3A_1230, %parallel_loop3A_1233 : i32
      %parallel_loop3A_1235 = arith.constant 0 : i32
      %parallel_loop3A_1236 = arith.cmpi slt, %parallel_loop3A_1229, %parallel_loop3A_1235 : i32
      %parallel_loop3A_1237 = arith.xori %parallel_loop3A_1234, %parallel_loop3A_1236 : i1
      %parallel_loop3A_1238 = arith.andi %parallel_loop3A_1237, %parallel_loop3A_1232 : i1
      %parallel_loop3A_1239 = arith.addi %parallel_loop3A_1230, %parallel_loop3A_1229 : i32
      %parallel_loop3A_1240 = arith.select %parallel_loop3A_1238, %parallel_loop3A_1239, %parallel_loop3A_1230 : i32
      %parallel_loop3A_1241 = arith.constant 16 : i32
      %parallel_loop3A_1242 = arith.muli %parallel_loop3A_1240, %parallel_loop3A_1241 : i32
      %parallel_loop3A_1243 = arith.index_cast %parallel_loop3A_1224 : i32 to index
      %parallel_loop3A_1244 = arith.index_cast %parallel_loop3A_1242 : i32 to index
      %parallel_loop3A_1245 = tpu.vector_load %arg9[%parallel_loop3A_1243, %parallel_loop3A_1244] {strides = array<i32>} : memref<16x1024xf32, #tpu.memory_space<vmem>>, vector<1x16xf32>,
      %parallel_loop3A_1246 = vector.shape_cast %parallel_loop3A_1245 : vector<1x16xf32> to vector<16xf32>
      %parallel_loop3A_1247 = arith.index_cast %parallel_loop3A_1224 : i32 to index
      %parallel_loop3A_1248 = arith.index_cast %parallel_loop3A_1242 : i32 to index
      %parallel_loop3A_1249 = tpu.vector_load %arg6[%parallel_loop3A_1247, %parallel_loop3A_1248] {strides = array<i32>} : memref<16x1024xf32, #tpu.memory_space<vmem>>, vector<1x16xf32>,
      %parallel_loop3A_1250 = vector.shape_cast %parallel_loop3A_1249 : vector<1x16xf32> to vector<16xf32>
      %parallel_loop3A_1251 = arith.addf %parallel_loop3A_1246, %parallel_loop3A_1250 : vector<16xf32>
      %parallel_loop3A_1252 = arith.index_cast %parallel_loop3A_1224 : i32 to index
      %parallel_loop3A_1253 = arith.index_cast %parallel_loop3A_1242 : i32 to index
      %parallel_loop3A_1254 = tpu.vector_load %arg9[%parallel_loop3A_1252, %parallel_loop3A_1253] {strides = array<i32>} : memref<16x1024xf32, #tpu.memory_space<vmem>>, vector<1x16xf32>,
      %parallel_loop3A_1255 = vector.shape_cast %parallel_loop3A_1254 : vector<1x16xf32> to vector<16xf32>
      %parallel_loop3A_1256 = vector.shape_cast %parallel_loop3A_1251 : vector<16xf32> to vector<1x16xf32>
      tpu.vector_store %arg9[%parallel_loop3A_1252, %parallel_loop3A_1253], %parallel_loop3A_1256 {strides = array<i32>} : memref<16x1024xf32, #tpu.memory_space<vmem>>, vector<1x16xf32>,
    } {sc.loop_unroll_factor = 8 : i64, sc.parallel_access}
    %add3A_566 = arith.constant 48 : i32
    %add3A_567 = arith.addi %mul3A_2, %add3A_566 : i32
    %dma_start3A_568 = arith.constant 2 : i32
    %dma_start3A_569 = arith.constant 0 : i32
    %dma_start3A_570 = tpu.memref_slice %arg4[%dma_start3A_568, %add3A_567, %dma_start3A_569] : memref<4x4096x1024xf32, #tpu.memory_space<hbm>> -> memref<1x16x1024xf32, #tpu.memory_space<hbm>>
    %dma_start3A_571 = tpu.memref_squeeze %dma_start3A_570 : memref<1x16x1024xf32, #tpu.memory_space<hbm>> -> memref<16x1024xf32, #tpu.memory_space<hbm>>
    %dma_start3A_572 = arith.constant 0 : i32
    %dma_start3A_573 = tpu.memref_slice %arg4[%dma_start3A_568, %add3A_567, %dma_start3A_572] : memref<4x4096x1024xf32, #tpu.memory_space<hbm>> -> memref<1x16x1024xf32, #tpu.memory_space<hbm>>
    %dma_start3A_574 = tpu.memref_squeeze %dma_start3A_573 : memref<1x16x1024xf32, #tpu.memory_space<hbm>> -> memref<16x1024xf32, #tpu.memory_space<hbm>>
    tpu.enqueue_dma source(%arg9 : memref<16x1024xf32, #tpu.memory_space<vmem>>) target(%dma_start3A_574 : memref<16x1024xf32, #tpu.memory_space<hbm>>) target_semaphore(%arg19 : memref<!tpu.dma_semaphore, #tpu.memory_space<semaphore_mem>>)
    %dma_wait3A_575 = arith.constant 1 : i32
    %dma_wait3A_576 = arith.constant 0 : i32
    %dma_wait3A_577 = tpu.memref_slice %arg4[%dma_wait3A_575, %add3A_532, %dma_wait3A_576] : memref<4x4096x1024xf32, #tpu.memory_space<hbm>> -> memref<1x16x1024xf32, #tpu.memory_space<hbm>>
    %dma_wait3A_578 = tpu.memref_squeeze %dma_wait3A_577 : memref<1x16x1024xf32, #tpu.memory_space<hbm>> -> memref<16x1024xf32, #tpu.memory_space<hbm>>
    %dma_wait3A_579 = arith.constant 0 : i32
    %dma_wait3A_580 = tpu.memref_slice %arg4[%dma_wait3A_575, %add3A_532, %dma_wait3A_579] : memref<4x4096x1024xf32, #tpu.memory_space<hbm>> -> memref<1x16x1024xf32, #tpu.memory_space<hbm>>
    %dma_wait3A_581 = tpu.memref_squeeze %dma_wait3A_580 : memref<1x16x1024xf32, #tpu.memory_space<hbm>> -> memref<16x1024xf32, #tpu.memory_space<hbm>>
    tpu.wait_dma2 semaphore(%arg18 : memref<!tpu.dma_semaphore, #tpu.memory_space<semaphore_mem>>) src(%arg8 : memref<16x1024xf32, #tpu.memory_space<vmem>>) dst(%dma_wait3A_581 : memref<16x1024xf32, #tpu.memory_space<hbm>>)
    %add3A_582 = arith.constant 64 : i32
    %add3A_583 = arith.addi %mul3A_2, %add3A_582 : i32
    %dma_start3A_584 = arith.constant 1 : i32
    %dma_start3A_585 = arith.constant 0 : i32
    %dma_start3A_586 = tpu.memref_slice %arg2[%dma_start3A_584, %add3A_583, %dma_start3A_585] : memref<4x4096x1024xf32, #tpu.memory_space<hbm>> -> memref<1x16x1024xf32, #tpu.memory_space<hbm>>
    %dma_start3A_587 = tpu.memref_squeeze %dma_start3A_586 : memref<1x16x1024xf32, #tpu.memory_space<hbm>> -> memref<16x1024xf32, #tpu.memory_space<hbm>>
    %dma_start3A_588 = arith.constant 0 : i32
    %dma_start3A_589 = tpu.memref_slice %arg2[%dma_start3A_584, %add3A_583, %dma_start3A_588] : memref<4x4096x1024xf32, #tpu.memory_space<hbm>> -> memref<1x16x1024xf32, #tpu.memory_space<hbm>>
    %dma_start3A_590 = tpu.memref_squeeze %dma_start3A_589 : memref<1x16x1024xf32, #tpu.memory_space<hbm>> -> memref<16x1024xf32, #tpu.memory_space<hbm>>
    tpu.enqueue_dma source(%dma_start3A_590 : memref<16x1024xf32, #tpu.memory_space<hbm>>) target(%arg8 : memref<16x1024xf32, #tpu.memory_space<vmem>>) target_semaphore(%arg14 : memref<!tpu.dma_semaphore, #tpu.memory_space<semaphore_mem>>)
    %dma_wait3A_591 = arith.constant 3 : i32
    %dma_wait3A_592 = arith.constant 0 : i32
    %dma_wait3A_593 = tpu.memref_slice %arg2[%dma_wait3A_591, %add3A_513, %dma_wait3A_592] : memref<4x4096x1024xf32, #tpu.memory_space<hbm>> -> memref<1x16x1024xf32, #tpu.memory_space<hbm>>
    %dma_wait3A_594 = tpu.memref_squeeze %dma_wait3A_593 : memref<1x16x1024xf32, #tpu.memory_space<hbm>> -> memref<16x1024xf32, #tpu.memory_space<hbm>>
    %dma_wait3A_595 = arith.constant 0 : i32
    %dma_wait3A_596 = tpu.memref_slice %arg2[%dma_wait3A_591, %add3A_513, %dma_wait3A_595] : memref<4x4096x1024xf32, #tpu.memory_space<hbm>> -> memref<1x16x1024xf32, #tpu.memory_space<hbm>>
    %dma_wait3A_597 = tpu.memref_squeeze %dma_wait3A_596 : memref<1x16x1024xf32, #tpu.memory_space<hbm>> -> memref<16x1024xf32, #tpu.memory_space<hbm>>
    tpu.wait_dma2 semaphore(%arg16 : memref<!tpu.dma_semaphore, #tpu.memory_space<semaphore_mem>>) src(%dma_wait3A_597 : memref<16x1024xf32, #tpu.memory_space<hbm>>) dst(%arg10 : memref<16x1024xf32, #tpu.memory_space<vmem>>)
    %parallel_loop3A_598 = arith.constant 0 : i32
    %parallel_loop3A_599 = arith.constant 1024 : i32
    %parallel_loop3A_600 = arith.constant 1 : i32
    scf.for %parallel_loop3A_1200 = %parallel_loop3A_598 to %parallel_loop3A_599 step %parallel_loop3A_600  : i32 {
      %parallel_loop3A_1201 = arith.constant 64 : i32
      %parallel_loop3A_1202 = arith.divsi %parallel_loop3A_1200, %parallel_loop3A_1201 : i32
      %parallel_loop3A_1203 = arith.constant 0 : i32
      %parallel_loop3A_1204 = arith.cmpi sgt, %parallel_loop3A_1200, %parallel_loop3A_1203 : i32
      %parallel_loop3A_1205 = arith.extui %parallel_loop3A_1204 : i1 to i32
      %parallel_loop3A_1206 = arith.constant 0 : i32
      %parallel_loop3A_1207 = arith.cmpi slt, %parallel_loop3A_1200, %parallel_loop3A_1206 : i32
      %parallel_loop3A_1208 = arith.extui %parallel_loop3A_1207 : i1 to i32
      %parallel_loop3A_1209 = arith.subi %parallel_loop3A_1205, %parallel_loop3A_1208 : i32
      %parallel_loop3A_1210 = arith.constant 0 : i32
      %parallel_loop3A_1211 = arith.cmpi sgt, %parallel_loop3A_1201, %parallel_loop3A_1210 : i32
      %parallel_loop3A_1212 = arith.extui %parallel_loop3A_1211 : i1 to i32
      %parallel_loop3A_1213 = arith.constant 0 : i32
      %parallel_loop3A_1214 = arith.cmpi slt, %parallel_loop3A_1201, %parallel_loop3A_1213 : i32
      %parallel_loop3A_1215 = arith.extui %parallel_loop3A_1214 : i1 to i32
      %parallel_loop3A_1216 = arith.subi %parallel_loop3A_1212, %parallel_loop3A_1215 : i32
      %parallel_loop3A_1217 = arith.cmpi ne, %parallel_loop3A_1209, %parallel_loop3A_1216 : i32
      %parallel_loop3A_1218 = arith.remsi %parallel_loop3A_1200, %parallel_loop3A_1201 : i32
      %parallel_loop3A_1219 = arith.constant 0 : i32
      %parallel_loop3A_1220 = arith.cmpi ne, %parallel_loop3A_1218, %parallel_loop3A_1219 : i32
      %parallel_loop3A_1221 = arith.andi %parallel_loop3A_1217, %parallel_loop3A_1220 : i1
      %parallel_loop3A_1222 = arith.constant 1 : i32
      %parallel_loop3A_1223 = arith.subi %parallel_loop3A_1202, %parallel_loop3A_1222 : i32
      %parallel_loop3A_1224 = arith.select %parallel_loop3A_1221, %parallel_loop3A_1223, %parallel_loop3A_1202 : i32
      %parallel_loop3A_1225 = arith.constant 64 : i32
      %parallel_loop3A_1226 = arith.constant 0 : i32
      %parallel_loop3A_1227 = arith.cmpi eq, %parallel_loop3A_1225, %parallel_loop3A_1226 : i32
      %parallel_loop3A_1228 = arith.constant 1 : i32
      %parallel_loop3A_1229 = arith.select %parallel_loop3A_1227, %parallel_loop3A_1228, %parallel_loop3A_1225 : i32
      %parallel_loop3A_1230 = arith.remsi %parallel_loop3A_1200, %parallel_loop3A_1229 : i32
      %parallel_loop3A_1231 = arith.constant 0 : i32
      %parallel_loop3A_1232 = arith.cmpi ne, %parallel_loop3A_1230, %parallel_loop3A_1231 : i32
      %parallel_loop3A_1233 = arith.constant 0 : i32
      %parallel_loop3A_1234 = arith.cmpi slt, %parallel_loop3A_1230, %parallel_loop3A_1233 : i32
      %parallel_loop3A_1235 = arith.constant 0 : i32
      %parallel_loop3A_1236 = arith.cmpi slt, %parallel_loop3A_1229, %parallel_loop3A_1235 : i32
      %parallel_loop3A_1237 = arith.xori %parallel_loop3A_1234, %parallel_loop3A_1236 : i1
      %parallel_loop3A_1238 = arith.andi %parallel_loop3A_1237, %parallel_loop3A_1232 : i1
      %parallel_loop3A_1239 = arith.addi %parallel_loop3A_1230, %parallel_loop3A_1229 : i32
      %parallel_loop3A_1240 = arith.select %parallel_loop3A_1238, %parallel_loop3A_1239, %parallel_loop3A_1230 : i32
      %parallel_loop3A_1241 = arith.constant 16 : i32
      %parallel_loop3A_1242 = arith.muli %parallel_loop3A_1240, %parallel_loop3A_1241 : i32
      %parallel_loop3A_1243 = arith.index_cast %parallel_loop3A_1224 : i32 to index
      %parallel_loop3A_1244 = arith.index_cast %parallel_loop3A_1242 : i32 to index
      %parallel_loop3A_1245 = tpu.vector_load %arg10[%parallel_loop3A_1243, %parallel_loop3A_1244] {strides = array<i32>} : memref<16x1024xf32, #tpu.memory_space<vmem>>, vector<1x16xf32>,
      %parallel_loop3A_1246 = vector.shape_cast %parallel_loop3A_1245 : vector<1x16xf32> to vector<16xf32>
      %parallel_loop3A_1247 = arith.index_cast %parallel_loop3A_1224 : i32 to index
      %parallel_loop3A_1248 = arith.index_cast %parallel_loop3A_1242 : i32 to index
      %parallel_loop3A_1249 = tpu.vector_load %arg6[%parallel_loop3A_1247, %parallel_loop3A_1248] {strides = array<i32>} : memref<16x1024xf32, #tpu.memory_space<vmem>>, vector<1x16xf32>,
      %parallel_loop3A_1250 = vector.shape_cast %parallel_loop3A_1249 : vector<1x16xf32> to vector<16xf32>
      %parallel_loop3A_1251 = arith.addf %parallel_loop3A_1246, %parallel_loop3A_1250 : vector<16xf32>
      %parallel_loop3A_1252 = arith.index_cast %parallel_loop3A_1224 : i32 to index
      %parallel_loop3A_1253 = arith.index_cast %parallel_loop3A_1242 : i32 to index
      %parallel_loop3A_1254 = tpu.vector_load %arg10[%parallel_loop3A_1252, %parallel_loop3A_1253] {strides = array<i32>} : memref<16x1024xf32, #tpu.memory_space<vmem>>, vector<1x16xf32>,
      %parallel_loop3A_1255 = vector.shape_cast %parallel_loop3A_1254 : vector<1x16xf32> to vector<16xf32>
      %parallel_loop3A_1256 = vector.shape_cast %parallel_loop3A_1251 : vector<16xf32> to vector<1x16xf32>
      tpu.vector_store %arg10[%parallel_loop3A_1252, %parallel_loop3A_1253], %parallel_loop3A_1256 {strides = array<i32>} : memref<16x1024xf32, #tpu.memory_space<vmem>>, vector<1x16xf32>,
    } {sc.loop_unroll_factor = 8 : i64, sc.parallel_access}
    %add3A_601 = arith.constant 48 : i32
    %add3A_602 = arith.addi %mul3A_2, %add3A_601 : i32
    %dma_start3A_603 = arith.constant 3 : i32
    %dma_start3A_604 = arith.constant 0 : i32
    %dma_start3A_605 = tpu.memref_slice %arg4[%dma_start3A_603, %add3A_602, %dma_start3A_604] : memref<4x4096x1024xf32, #tpu.memory_space<hbm>> -> memref<1x16x1024xf32, #tpu.memory_space<hbm>>
    %dma_start3A_606 = tpu.memref_squeeze %dma_start3A_605 : memref<1x16x1024xf32, #tpu.memory_space<hbm>> -> memref<16x1024xf32, #tpu.memory_space<hbm>>
    %dma_start3A_607 = arith.constant 0 : i32
    %dma_start3A_608 = tpu.memref_slice %arg4[%dma_start3A_603, %add3A_602, %dma_start3A_607] : memref<4x4096x1024xf32, #tpu.memory_space<hbm>> -> memref<1x16x1024xf32, #tpu.memory_space<hbm>>
    %dma_start3A_609 = tpu.memref_squeeze %dma_start3A_608 : memref<1x16x1024xf32, #tpu.memory_space<hbm>> -> memref<16x1024xf32, #tpu.memory_space<hbm>>
    tpu.enqueue_dma source(%arg10 : memref<16x1024xf32, #tpu.memory_space<vmem>>) target(%dma_start3A_609 : memref<16x1024xf32, #tpu.memory_space<hbm>>) target_semaphore(%arg20 : memref<!tpu.dma_semaphore, #tpu.memory_space<semaphore_mem>>)
    %dma_wait3A_610 = arith.constant 2 : i32
    %dma_wait3A_611 = arith.constant 0 : i32
    %dma_wait3A_612 = tpu.memref_slice %arg4[%dma_wait3A_610, %add3A_567, %dma_wait3A_611] : memref<4x4096x1024xf32, #tpu.memory_space<hbm>> -> memref<1x16x1024xf32, #tpu.memory_space<hbm>>
    %dma_wait3A_613 = tpu.memref_squeeze %dma_wait3A_612 : memref<1x16x1024xf32, #tpu.memory_space<hbm>> -> memref<16x1024xf32, #tpu.memory_space<hbm>>
    %dma_wait3A_614 = arith.constant 0 : i32
    %dma_wait3A_615 = tpu.memref_slice %arg4[%dma_wait3A_610, %add3A_567, %dma_wait3A_614] : memref<4x4096x1024xf32, #tpu.memory_space<hbm>> -> memref<1x16x1024xf32, #tpu.memory_space<hbm>>
    %dma_wait3A_616 = tpu.memref_squeeze %dma_wait3A_615 : memref<1x16x1024xf32, #tpu.memory_space<hbm>> -> memref<16x1024xf32, #tpu.memory_space<hbm>>
    tpu.wait_dma2 semaphore(%arg19 : memref<!tpu.dma_semaphore, #tpu.memory_space<semaphore_mem>>) src(%arg9 : memref<16x1024xf32, #tpu.memory_space<vmem>>) dst(%dma_wait3A_616 : memref<16x1024xf32, #tpu.memory_space<hbm>>)
    %add3A_617 = arith.constant 64 : i32
    %add3A_618 = arith.addi %mul3A_2, %add3A_617 : i32
    %dma_start3A_619 = arith.constant 2 : i32
    %dma_start3A_620 = arith.constant 0 : i32
    %dma_start3A_621 = tpu.memref_slice %arg2[%dma_start3A_619, %add3A_618, %dma_start3A_620] : memref<4x4096x1024xf32, #tpu.memory_space<hbm>> -> memref<1x16x1024xf32, #tpu.memory_space<hbm>>
    %dma_start3A_622 = tpu.memref_squeeze %dma_start3A_621 : memref<1x16x1024xf32, #tpu.memory_space<hbm>> -> memref<16x1024xf32, #tpu.memory_space<hbm>>
    %dma_start3A_623 = arith.constant 0 : i32
    %dma_start3A_624 = tpu.memref_slice %arg2[%dma_start3A_619, %add3A_618, %dma_start3A_623] : memref<4x4096x1024xf32, #tpu.memory_space<hbm>> -> memref<1x16x1024xf32, #tpu.memory_space<hbm>>
    %dma_start3A_625 = tpu.memref_squeeze %dma_start3A_624 : memref<1x16x1024xf32, #tpu.memory_space<hbm>> -> memref<16x1024xf32, #tpu.memory_space<hbm>>
    tpu.enqueue_dma source(%dma_start3A_625 : memref<16x1024xf32, #tpu.memory_space<hbm>>) target(%arg9 : memref<16x1024xf32, #tpu.memory_space<vmem>>) target_semaphore(%arg15 : memref<!tpu.dma_semaphore, #tpu.memory_space<semaphore_mem>>)
    %dma_wait3A_626 = arith.constant 0 : i32
    %dma_wait3A_627 = arith.constant 0 : i32
    %dma_wait3A_628 = tpu.memref_slice %arg2[%dma_wait3A_626, %add3A_548, %dma_wait3A_627] : memref<4x4096x1024xf32, #tpu.memory_space<hbm>> -> memref<1x16x1024xf32, #tpu.memory_space<hbm>>
    %dma_wait3A_629 = tpu.memref_squeeze %dma_wait3A_628 : memref<1x16x1024xf32, #tpu.memory_space<hbm>> -> memref<16x1024xf32, #tpu.memory_space<hbm>>
    %dma_wait3A_630 = arith.constant 0 : i32
    %dma_wait3A_631 = tpu.memref_slice %arg2[%dma_wait3A_626, %add3A_548, %dma_wait3A_630] : memref<4x4096x1024xf32, #tpu.memory_space<hbm>> -> memref<1x16x1024xf32, #tpu.memory_space<hbm>>
    %dma_wait3A_632 = tpu.memref_squeeze %dma_wait3A_631 : memref<1x16x1024xf32, #tpu.memory_space<hbm>> -> memref<16x1024xf32, #tpu.memory_space<hbm>>
    tpu.wait_dma2 semaphore(%arg13 : memref<!tpu.dma_semaphore, #tpu.memory_space<semaphore_mem>>) src(%dma_wait3A_632 : memref<16x1024xf32, #tpu.memory_space<hbm>>) dst(%arg7 : memref<16x1024xf32, #tpu.memory_space<vmem>>)
    %dma_wait3A_633 = arith.constant 0 : i32
    %dma_wait3A_634 = tpu.memref_slice %arg3[%add3A_500, %dma_wait3A_633] : memref<8192x1024xf32, #tpu.memory_space<hbm>> -> memref<16x1024xf32, #tpu.memory_space<hbm>>
    %dma_wait3A_635 = arith.constant 0 : i32
    %dma_wait3A_636 = tpu.memref_slice %arg3[%add3A_500, %dma_wait3A_635] : memref<8192x1024xf32, #tpu.memory_space<hbm>> -> memref<16x1024xf32, #tpu.memory_space<hbm>>
    tpu.wait_dma2 semaphore(%arg11 : memref<!tpu.dma_semaphore, #tpu.memory_space<semaphore_mem>>) src(%dma_wait3A_636 : memref<16x1024xf32, #tpu.memory_space<hbm>>) dst(%arg5 : memref<16x1024xf32, #tpu.memory_space<vmem>>)
    %parallel_loop3A_637 = arith.constant 0 : i32
    %parallel_loop3A_638 = arith.constant 1024 : i32
    %parallel_loop3A_639 = arith.constant 1 : i32
    scf.for %parallel_loop3A_1200 = %parallel_loop3A_637 to %parallel_loop3A_638 step %parallel_loop3A_639  : i32 {
      %parallel_loop3A_1201 = arith.constant 64 : i32
      %parallel_loop3A_1202 = arith.divsi %parallel_loop3A_1200, %parallel_loop3A_1201 : i32
      %parallel_loop3A_1203 = arith.constant 0 : i32
      %parallel_loop3A_1204 = arith.cmpi sgt, %parallel_loop3A_1200, %parallel_loop3A_1203 : i32
      %parallel_loop3A_1205 = arith.extui %parallel_loop3A_1204 : i1 to i32
      %parallel_loop3A_1206 = arith.constant 0 : i32
      %parallel_loop3A_1207 = arith.cmpi slt, %parallel_loop3A_1200, %parallel_loop3A_1206 : i32
      %parallel_loop3A_1208 = arith.extui %parallel_loop3A_1207 : i1 to i32
      %parallel_loop3A_1209 = arith.subi %parallel_loop3A_1205, %parallel_loop3A_1208 : i32
      %parallel_loop3A_1210 = arith.constant 0 : i32
      %parallel_loop3A_1211 = arith.cmpi sgt, %parallel_loop3A_1201, %parallel_loop3A_1210 : i32
      %parallel_loop3A_1212 = arith.extui %parallel_loop3A_1211 : i1 to i32
      %parallel_loop3A_1213 = arith.constant 0 : i32
      %parallel_loop3A_1214 = arith.cmpi slt, %parallel_loop3A_1201, %parallel_loop3A_1213 : i32
      %parallel_loop3A_1215 = arith.extui %parallel_loop3A_1214 : i1 to i32
      %parallel_loop3A_1216 = arith.subi %parallel_loop3A_1212, %parallel_loop3A_1215 : i32
      %parallel_loop3A_1217 = arith.cmpi ne, %parallel_loop3A_1209, %parallel_loop3A_1216 : i32
      %parallel_loop3A_1218 = arith.remsi %parallel_loop3A_1200, %parallel_loop3A_1201 : i32
      %parallel_loop3A_1219 = arith.constant 0 : i32
      %parallel_loop3A_1220 = arith.cmpi ne, %parallel_loop3A_1218, %parallel_loop3A_1219 : i32
      %parallel_loop3A_1221 = arith.andi %parallel_loop3A_1217, %parallel_loop3A_1220 : i1
      %parallel_loop3A_1222 = arith.constant 1 : i32
      %parallel_loop3A_1223 = arith.subi %parallel_loop3A_1202, %parallel_loop3A_1222 : i32
      %parallel_loop3A_1224 = arith.select %parallel_loop3A_1221, %parallel_loop3A_1223, %parallel_loop3A_1202 : i32
      %parallel_loop3A_1225 = arith.constant 64 : i32
      %parallel_loop3A_1226 = arith.constant 0 : i32
      %parallel_loop3A_1227 = arith.cmpi eq, %parallel_loop3A_1225, %parallel_loop3A_1226 : i32
      %parallel_loop3A_1228 = arith.constant 1 : i32
      %parallel_loop3A_1229 = arith.select %parallel_loop3A_1227, %parallel_loop3A_1228, %parallel_loop3A_1225 : i32
      %parallel_loop3A_1230 = arith.remsi %parallel_loop3A_1200, %parallel_loop3A_1229 : i32
      %parallel_loop3A_1231 = arith.constant 0 : i32
      %parallel_loop3A_1232 = arith.cmpi ne, %parallel_loop3A_1230, %parallel_loop3A_1231 : i32
      %parallel_loop3A_1233 = arith.constant 0 : i32
      %parallel_loop3A_1234 = arith.cmpi slt, %parallel_loop3A_1230, %parallel_loop3A_1233 : i32
      %parallel_loop3A_1235 = arith.constant 0 : i32
      %parallel_loop3A_1236 = arith.cmpi slt, %parallel_loop3A_1229, %parallel_loop3A_1235 : i32
      %parallel_loop3A_1237 = arith.xori %parallel_loop3A_1234, %parallel_loop3A_1236 : i1
      %parallel_loop3A_1238 = arith.andi %parallel_loop3A_1237, %parallel_loop3A_1232 : i1
      %parallel_loop3A_1239 = arith.addi %parallel_loop3A_1230, %parallel_loop3A_1229 : i32
      %parallel_loop3A_1240 = arith.select %parallel_loop3A_1238, %parallel_loop3A_1239, %parallel_loop3A_1230 : i32
      %parallel_loop3A_1241 = arith.constant 16 : i32
      %parallel_loop3A_1242 = arith.muli %parallel_loop3A_1240, %parallel_loop3A_1241 : i32
      %parallel_loop3A_1243 = arith.index_cast %parallel_loop3A_1224 : i32 to index
      %parallel_loop3A_1244 = arith.index_cast %parallel_loop3A_1242 : i32 to index
      %parallel_loop3A_1245 = tpu.vector_load %arg7[%parallel_loop3A_1243, %parallel_loop3A_1244] {strides = array<i32>} : memref<16x1024xf32, #tpu.memory_space<vmem>>, vector<1x16xf32>,
      %parallel_loop3A_1246 = vector.shape_cast %parallel_loop3A_1245 : vector<1x16xf32> to vector<16xf32>
      %parallel_loop3A_1247 = arith.index_cast %parallel_loop3A_1224 : i32 to index
      %parallel_loop3A_1248 = arith.index_cast %parallel_loop3A_1242 : i32 to index
      %parallel_loop3A_1249 = tpu.vector_load %arg5[%parallel_loop3A_1247, %parallel_loop3A_1248] {strides = array<i32>} : memref<16x1024xf32, #tpu.memory_space<vmem>>, vector<1x16xf32>,
      %parallel_loop3A_1250 = vector.shape_cast %parallel_loop3A_1249 : vector<1x16xf32> to vector<16xf32>
      %parallel_loop3A_1251 = arith.addf %parallel_loop3A_1246, %parallel_loop3A_1250 : vector<16xf32>
      %parallel_loop3A_1252 = arith.index_cast %parallel_loop3A_1224 : i32 to index
      %parallel_loop3A_1253 = arith.index_cast %parallel_loop3A_1242 : i32 to index
      %parallel_loop3A_1254 = tpu.vector_load %arg7[%parallel_loop3A_1252, %parallel_loop3A_1253] {strides = array<i32>} : memref<16x1024xf32, #tpu.memory_space<vmem>>, vector<1x16xf32>,
      %parallel_loop3A_1255 = vector.shape_cast %parallel_loop3A_1254 : vector<1x16xf32> to vector<16xf32>
      %parallel_loop3A_1256 = vector.shape_cast %parallel_loop3A_1251 : vector<16xf32> to vector<1x16xf32>
      tpu.vector_store %arg7[%parallel_loop3A_1252, %parallel_loop3A_1253], %parallel_loop3A_1256 {strides = array<i32>} : memref<16x1024xf32, #tpu.memory_space<vmem>>, vector<1x16xf32>,
    } {sc.loop_unroll_factor = 8 : i64, sc.parallel_access}
    %add3A_640 = arith.constant 64 : i32
    %add3A_641 = arith.addi %mul3A_2, %add3A_640 : i32
    %dma_start3A_642 = arith.constant 0 : i32
    %dma_start3A_643 = arith.constant 0 : i32
    %dma_start3A_644 = tpu.memref_slice %arg4[%dma_start3A_642, %add3A_641, %dma_start3A_643] : memref<4x4096x1024xf32, #tpu.memory_space<hbm>> -> memref<1x16x1024xf32, #tpu.memory_space<hbm>>
    %dma_start3A_645 = tpu.memref_squeeze %dma_start3A_644 : memref<1x16x1024xf32, #tpu.memory_space<hbm>> -> memref<16x1024xf32, #tpu.memory_space<hbm>>
    %dma_start3A_646 = arith.constant 0 : i32
    %dma_start3A_647 = tpu.memref_slice %arg4[%dma_start3A_642, %add3A_641, %dma_start3A_646] : memref<4x4096x1024xf32, #tpu.memory_space<hbm>> -> memref<1x16x1024xf32, #tpu.memory_space<hbm>>
    %dma_start3A_648 = tpu.memref_squeeze %dma_start3A_647 : memref<1x16x1024xf32, #tpu.memory_space<hbm>> -> memref<16x1024xf32, #tpu.memory_space<hbm>>
    tpu.enqueue_dma source(%arg7 : memref<16x1024xf32, #tpu.memory_space<vmem>>) target(%dma_start3A_648 : memref<16x1024xf32, #tpu.memory_space<hbm>>) target_semaphore(%arg17 : memref<!tpu.dma_semaphore, #tpu.memory_space<semaphore_mem>>)
    %add3A_649 = arith.constant 80 : i32
    %add3A_650 = arith.addi %mul3A_2, %add3A_649 : i32
    %dma_start3A_651 = arith.constant 0 : i32
    %dma_start3A_652 = tpu.memref_slice %arg3[%add3A_650, %dma_start3A_651] : memref<8192x1024xf32, #tpu.memory_space<hbm>> -> memref<16x1024xf32, #tpu.memory_space<hbm>>
    %dma_start3A_653 = arith.constant 0 : i32
    %dma_start3A_654 = tpu.memref_slice %arg3[%add3A_650, %dma_start3A_653] : memref<8192x1024xf32, #tpu.memory_space<hbm>> -> memref<16x1024xf32, #tpu.memory_space<hbm>>
    tpu.enqueue_dma source(%dma_start3A_654 : memref<16x1024xf32, #tpu.memory_space<hbm>>) target(%arg6 : memref<16x1024xf32, #tpu.memory_space<vmem>>) target_semaphore(%arg12 : memref<!tpu.dma_semaphore, #tpu.memory_space<semaphore_mem>>)
    %dma_wait3A_655 = arith.constant 3 : i32
    %dma_wait3A_656 = arith.constant 0 : i32
    %dma_wait3A_657 = tpu.memref_slice %arg4[%dma_wait3A_655, %add3A_602, %dma_wait3A_656] : memref<4x4096x1024xf32, #tpu.memory_space<hbm>> -> memref<1x16x1024xf32, #tpu.memory_space<hbm>>
    %dma_wait3A_658 = tpu.memref_squeeze %dma_wait3A_657 : memref<1x16x1024xf32, #tpu.memory_space<hbm>> -> memref<16x1024xf32, #tpu.memory_space<hbm>>
    %dma_wait3A_659 = arith.constant 0 : i32
    %dma_wait3A_660 = tpu.memref_slice %arg4[%dma_wait3A_655, %add3A_602, %dma_wait3A_659] : memref<4x4096x1024xf32, #tpu.memory_space<hbm>> -> memref<1x16x1024xf32, #tpu.memory_space<hbm>>
    %dma_wait3A_661 = tpu.memref_squeeze %dma_wait3A_660 : memref<1x16x1024xf32, #tpu.memory_space<hbm>> -> memref<16x1024xf32, #tpu.memory_space<hbm>>
    tpu.wait_dma2 semaphore(%arg20 : memref<!tpu.dma_semaphore, #tpu.memory_space<semaphore_mem>>) src(%arg10 : memref<16x1024xf32, #tpu.memory_space<vmem>>) dst(%dma_wait3A_661 : memref<16x1024xf32, #tpu.memory_space<hbm>>)
    %add3A_662 = arith.constant 64 : i32
    %add3A_663 = arith.addi %mul3A_2, %add3A_662 : i32
    %dma_start3A_664 = arith.constant 3 : i32
    %dma_start3A_665 = arith.constant 0 : i32
    %dma_start3A_666 = tpu.memref_slice %arg2[%dma_start3A_664, %add3A_663, %dma_start3A_665] : memref<4x4096x1024xf32, #tpu.memory_space<hbm>> -> memref<1x16x1024xf32, #tpu.memory_space<hbm>>
    %dma_start3A_667 = tpu.memref_squeeze %dma_start3A_666 : memref<1x16x1024xf32, #tpu.memory_space<hbm>> -> memref<16x1024xf32, #tpu.memory_space<hbm>>
    %dma_start3A_668 = arith.constant 0 : i32
    %dma_start3A_669 = tpu.memref_slice %arg2[%dma_start3A_664, %add3A_663, %dma_start3A_668] : memref<4x4096x1024xf32, #tpu.memory_space<hbm>> -> memref<1x16x1024xf32, #tpu.memory_space<hbm>>
    %dma_start3A_670 = tpu.memref_squeeze %dma_start3A_669 : memref<1x16x1024xf32, #tpu.memory_space<hbm>> -> memref<16x1024xf32, #tpu.memory_space<hbm>>
    tpu.enqueue_dma source(%dma_start3A_670 : memref<16x1024xf32, #tpu.memory_space<hbm>>) target(%arg10 : memref<16x1024xf32, #tpu.memory_space<vmem>>) target_semaphore(%arg16 : memref<!tpu.dma_semaphore, #tpu.memory_space<semaphore_mem>>)
    %dma_wait3A_671 = arith.constant 1 : i32
    %dma_wait3A_672 = arith.constant 0 : i32
    %dma_wait3A_673 = tpu.memref_slice %arg2[%dma_wait3A_671, %add3A_583, %dma_wait3A_672] : memref<4x4096x1024xf32, #tpu.memory_space<hbm>> -> memref<1x16x1024xf32, #tpu.memory_space<hbm>>
    %dma_wait3A_674 = tpu.memref_squeeze %dma_wait3A_673 : memref<1x16x1024xf32, #tpu.memory_space<hbm>> -> memref<16x1024xf32, #tpu.memory_space<hbm>>
    %dma_wait3A_675 = arith.constant 0 : i32
    %dma_wait3A_676 = tpu.memref_slice %arg2[%dma_wait3A_671, %add3A_583, %dma_wait3A_675] : memref<4x4096x1024xf32, #tpu.memory_space<hbm>> -> memref<1x16x1024xf32, #tpu.memory_space<hbm>>
    %dma_wait3A_677 = tpu.memref_squeeze %dma_wait3A_676 : memref<1x16x1024xf32, #tpu.memory_space<hbm>> -> memref<16x1024xf32, #tpu.memory_space<hbm>>
    tpu.wait_dma2 semaphore(%arg14 : memref<!tpu.dma_semaphore, #tpu.memory_space<semaphore_mem>>) src(%dma_wait3A_677 : memref<16x1024xf32, #tpu.memory_space<hbm>>) dst(%arg8 : memref<16x1024xf32, #tpu.memory_space<vmem>>)
    %parallel_loop3A_678 = arith.constant 0 : i32
    %parallel_loop3A_679 = arith.constant 1024 : i32
    %parallel_loop3A_680 = arith.constant 1 : i32
    scf.for %parallel_loop3A_1200 = %parallel_loop3A_678 to %parallel_loop3A_679 step %parallel_loop3A_680  : i32 {
      %parallel_loop3A_1201 = arith.constant 64 : i32
      %parallel_loop3A_1202 = arith.divsi %parallel_loop3A_1200, %parallel_loop3A_1201 : i32
      %parallel_loop3A_1203 = arith.constant 0 : i32
      %parallel_loop3A_1204 = arith.cmpi sgt, %parallel_loop3A_1200, %parallel_loop3A_1203 : i32
      %parallel_loop3A_1205 = arith.extui %parallel_loop3A_1204 : i1 to i32
      %parallel_loop3A_1206 = arith.constant 0 : i32
      %parallel_loop3A_1207 = arith.cmpi slt, %parallel_loop3A_1200, %parallel_loop3A_1206 : i32
      %parallel_loop3A_1208 = arith.extui %parallel_loop3A_1207 : i1 to i32
      %parallel_loop3A_1209 = arith.subi %parallel_loop3A_1205, %parallel_loop3A_1208 : i32
      %parallel_loop3A_1210 = arith.constant 0 : i32
      %parallel_loop3A_1211 = arith.cmpi sgt, %parallel_loop3A_1201, %parallel_loop3A_1210 : i32
      %parallel_loop3A_1212 = arith.extui %parallel_loop3A_1211 : i1 to i32
      %parallel_loop3A_1213 = arith.constant 0 : i32
      %parallel_loop3A_1214 = arith.cmpi slt, %parallel_loop3A_1201, %parallel_loop3A_1213 : i32
      %parallel_loop3A_1215 = arith.extui %parallel_loop3A_1214 : i1 to i32
      %parallel_loop3A_1216 = arith.subi %parallel_loop3A_1212, %parallel_loop3A_1215 : i32
      %parallel_loop3A_1217 = arith.cmpi ne, %parallel_loop3A_1209, %parallel_loop3A_1216 : i32
      %parallel_loop3A_1218 = arith.remsi %parallel_loop3A_1200, %parallel_loop3A_1201 : i32
      %parallel_loop3A_1219 = arith.constant 0 : i32
      %parallel_loop3A_1220 = arith.cmpi ne, %parallel_loop3A_1218, %parallel_loop3A_1219 : i32
      %parallel_loop3A_1221 = arith.andi %parallel_loop3A_1217, %parallel_loop3A_1220 : i1
      %parallel_loop3A_1222 = arith.constant 1 : i32
      %parallel_loop3A_1223 = arith.subi %parallel_loop3A_1202, %parallel_loop3A_1222 : i32
      %parallel_loop3A_1224 = arith.select %parallel_loop3A_1221, %parallel_loop3A_1223, %parallel_loop3A_1202 : i32
      %parallel_loop3A_1225 = arith.constant 64 : i32
      %parallel_loop3A_1226 = arith.constant 0 : i32
      %parallel_loop3A_1227 = arith.cmpi eq, %parallel_loop3A_1225, %parallel_loop3A_1226 : i32
      %parallel_loop3A_1228 = arith.constant 1 : i32
      %parallel_loop3A_1229 = arith.select %parallel_loop3A_1227, %parallel_loop3A_1228, %parallel_loop3A_1225 : i32
      %parallel_loop3A_1230 = arith.remsi %parallel_loop3A_1200, %parallel_loop3A_1229 : i32
      %parallel_loop3A_1231 = arith.constant 0 : i32
      %parallel_loop3A_1232 = arith.cmpi ne, %parallel_loop3A_1230, %parallel_loop3A_1231 : i32
      %parallel_loop3A_1233 = arith.constant 0 : i32
      %parallel_loop3A_1234 = arith.cmpi slt, %parallel_loop3A_1230, %parallel_loop3A_1233 : i32
      %parallel_loop3A_1235 = arith.constant 0 : i32
      %parallel_loop3A_1236 = arith.cmpi slt, %parallel_loop3A_1229, %parallel_loop3A_1235 : i32
      %parallel_loop3A_1237 = arith.xori %parallel_loop3A_1234, %parallel_loop3A_1236 : i1
      %parallel_loop3A_1238 = arith.andi %parallel_loop3A_1237, %parallel_loop3A_1232 : i1
      %parallel_loop3A_1239 = arith.addi %parallel_loop3A_1230, %parallel_loop3A_1229 : i32
      %parallel_loop3A_1240 = arith.select %parallel_loop3A_1238, %parallel_loop3A_1239, %parallel_loop3A_1230 : i32
      %parallel_loop3A_1241 = arith.constant 16 : i32
      %parallel_loop3A_1242 = arith.muli %parallel_loop3A_1240, %parallel_loop3A_1241 : i32
      %parallel_loop3A_1243 = arith.index_cast %parallel_loop3A_1224 : i32 to index
      %parallel_loop3A_1244 = arith.index_cast %parallel_loop3A_1242 : i32 to index
      %parallel_loop3A_1245 = tpu.vector_load %arg8[%parallel_loop3A_1243, %parallel_loop3A_1244] {strides = array<i32>} : memref<16x1024xf32, #tpu.memory_space<vmem>>, vector<1x16xf32>,
      %parallel_loop3A_1246 = vector.shape_cast %parallel_loop3A_1245 : vector<1x16xf32> to vector<16xf32>
      %parallel_loop3A_1247 = arith.index_cast %parallel_loop3A_1224 : i32 to index
      %parallel_loop3A_1248 = arith.index_cast %parallel_loop3A_1242 : i32 to index
      %parallel_loop3A_1249 = tpu.vector_load %arg5[%parallel_loop3A_1247, %parallel_loop3A_1248] {strides = array<i32>} : memref<16x1024xf32, #tpu.memory_space<vmem>>, vector<1x16xf32>,
      %parallel_loop3A_1250 = vector.shape_cast %parallel_loop3A_1249 : vector<1x16xf32> to vector<16xf32>
      %parallel_loop3A_1251 = arith.addf %parallel_loop3A_1246, %parallel_loop3A_1250 : vector<16xf32>
      %parallel_loop3A_1252 = arith.index_cast %parallel_loop3A_1224 : i32 to index
      %parallel_loop3A_1253 = arith.index_cast %parallel_loop3A_1242 : i32 to index
      %parallel_loop3A_1254 = tpu.vector_load %arg8[%parallel_loop3A_1252, %parallel_loop3A_1253] {strides = array<i32>} : memref<16x1024xf32, #tpu.memory_space<vmem>>, vector<1x16xf32>,
      %parallel_loop3A_1255 = vector.shape_cast %parallel_loop3A_1254 : vector<1x16xf32> to vector<16xf32>
      %parallel_loop3A_1256 = vector.shape_cast %parallel_loop3A_1251 : vector<16xf32> to vector<1x16xf32>
      tpu.vector_store %arg8[%parallel_loop3A_1252, %parallel_loop3A_1253], %parallel_loop3A_1256 {strides = array<i32>} : memref<16x1024xf32, #tpu.memory_space<vmem>>, vector<1x16xf32>,
    } {sc.loop_unroll_factor = 8 : i64, sc.parallel_access}
    %add3A_681 = arith.constant 64 : i32
    %add3A_682 = arith.addi %mul3A_2, %add3A_681 : i32
    %dma_start3A_683 = arith.constant 1 : i32
    %dma_start3A_684 = arith.constant 0 : i32
    %dma_start3A_685 = tpu.memref_slice %arg4[%dma_start3A_683, %add3A_682, %dma_start3A_684] : memref<4x4096x1024xf32, #tpu.memory_space<hbm>> -> memref<1x16x1024xf32, #tpu.memory_space<hbm>>
    %dma_start3A_686 = tpu.memref_squeeze %dma_start3A_685 : memref<1x16x1024xf32, #tpu.memory_space<hbm>> -> memref<16x1024xf32, #tpu.memory_space<hbm>>
    %dma_start3A_687 = arith.constant 0 : i32
    %dma_start3A_688 = tpu.memref_slice %arg4[%dma_start3A_683, %add3A_682, %dma_start3A_687] : memref<4x4096x1024xf32, #tpu.memory_space<hbm>> -> memref<1x16x1024xf32, #tpu.memory_space<hbm>>
    %dma_start3A_689 = tpu.memref_squeeze %dma_start3A_688 : memref<1x16x1024xf32, #tpu.memory_space<hbm>> -> memref<16x1024xf32, #tpu.memory_space<hbm>>
    tpu.enqueue_dma source(%arg8 : memref<16x1024xf32, #tpu.memory_space<vmem>>) target(%dma_start3A_689 : memref<16x1024xf32, #tpu.memory_space<hbm>>) target_semaphore(%arg18 : memref<!tpu.dma_semaphore, #tpu.memory_space<semaphore_mem>>)
    %dma_wait3A_690 = arith.constant 0 : i32
    %dma_wait3A_691 = arith.constant 0 : i32
    %dma_wait3A_692 = tpu.memref_slice %arg4[%dma_wait3A_690, %add3A_641, %dma_wait3A_691] : memref<4x4096x1024xf32, #tpu.memory_space<hbm>> -> memref<1x16x1024xf32, #tpu.memory_space<hbm>>
    %dma_wait3A_693 = tpu.memref_squeeze %dma_wait3A_692 : memref<1x16x1024xf32, #tpu.memory_space<hbm>> -> memref<16x1024xf32, #tpu.memory_space<hbm>>
    %dma_wait3A_694 = arith.constant 0 : i32
    %dma_wait3A_695 = tpu.memref_slice %arg4[%dma_wait3A_690, %add3A_641, %dma_wait3A_694] : memref<4x4096x1024xf32, #tpu.memory_space<hbm>> -> memref<1x16x1024xf32, #tpu.memory_space<hbm>>
    %dma_wait3A_696 = tpu.memref_squeeze %dma_wait3A_695 : memref<1x16x1024xf32, #tpu.memory_space<hbm>> -> memref<16x1024xf32, #tpu.memory_space<hbm>>
    tpu.wait_dma2 semaphore(%arg17 : memref<!tpu.dma_semaphore, #tpu.memory_space<semaphore_mem>>) src(%arg7 : memref<16x1024xf32, #tpu.memory_space<vmem>>) dst(%dma_wait3A_696 : memref<16x1024xf32, #tpu.memory_space<hbm>>)
    %add3A_697 = arith.constant 80 : i32
    %add3A_698 = arith.addi %mul3A_2, %add3A_697 : i32
    %dma_start3A_699 = arith.constant 0 : i32
    %dma_start3A_700 = arith.constant 0 : i32
    %dma_start3A_701 = tpu.memref_slice %arg2[%dma_start3A_699, %add3A_698, %dma_start3A_700] : memref<4x4096x1024xf32, #tpu.memory_space<hbm>> -> memref<1x16x1024xf32, #tpu.memory_space<hbm>>
    %dma_start3A_702 = tpu.memref_squeeze %dma_start3A_701 : memref<1x16x1024xf32, #tpu.memory_space<hbm>> -> memref<16x1024xf32, #tpu.memory_space<hbm>>
    %dma_start3A_703 = arith.constant 0 : i32
    %dma_start3A_704 = tpu.memref_slice %arg2[%dma_start3A_699, %add3A_698, %dma_start3A_703] : memref<4x4096x1024xf32, #tpu.memory_space<hbm>> -> memref<1x16x1024xf32, #tpu.memory_space<hbm>>
    %dma_start3A_705 = tpu.memref_squeeze %dma_start3A_704 : memref<1x16x1024xf32, #tpu.memory_space<hbm>> -> memref<16x1024xf32, #tpu.memory_space<hbm>>
    tpu.enqueue_dma source(%dma_start3A_705 : memref<16x1024xf32, #tpu.memory_space<hbm>>) target(%arg7 : memref<16x1024xf32, #tpu.memory_space<vmem>>) target_semaphore(%arg13 : memref<!tpu.dma_semaphore, #tpu.memory_space<semaphore_mem>>)
    %dma_wait3A_706 = arith.constant 2 : i32
    %dma_wait3A_707 = arith.constant 0 : i32
    %dma_wait3A_708 = tpu.memref_slice %arg2[%dma_wait3A_706, %add3A_618, %dma_wait3A_707] : memref<4x4096x1024xf32, #tpu.memory_space<hbm>> -> memref<1x16x1024xf32, #tpu.memory_space<hbm>>
    %dma_wait3A_709 = tpu.memref_squeeze %dma_wait3A_708 : memref<1x16x1024xf32, #tpu.memory_space<hbm>> -> memref<16x1024xf32, #tpu.memory_space<hbm>>
    %dma_wait3A_710 = arith.constant 0 : i32
    %dma_wait3A_711 = tpu.memref_slice %arg2[%dma_wait3A_706, %add3A_618, %dma_wait3A_710] : memref<4x4096x1024xf32, #tpu.memory_space<hbm>> -> memref<1x16x1024xf32, #tpu.memory_space<hbm>>
    %dma_wait3A_712 = tpu.memref_squeeze %dma_wait3A_711 : memref<1x16x1024xf32, #tpu.memory_space<hbm>> -> memref<16x1024xf32, #tpu.memory_space<hbm>>
    tpu.wait_dma2 semaphore(%arg15 : memref<!tpu.dma_semaphore, #tpu.memory_space<semaphore_mem>>) src(%dma_wait3A_712 : memref<16x1024xf32, #tpu.memory_space<hbm>>) dst(%arg9 : memref<16x1024xf32, #tpu.memory_space<vmem>>)
    %parallel_loop3A_713 = arith.constant 0 : i32
    %parallel_loop3A_714 = arith.constant 1024 : i32
    %parallel_loop3A_715 = arith.constant 1 : i32
    scf.for %parallel_loop3A_1200 = %parallel_loop3A_713 to %parallel_loop3A_714 step %parallel_loop3A_715  : i32 {
      %parallel_loop3A_1201 = arith.constant 64 : i32
      %parallel_loop3A_1202 = arith.divsi %parallel_loop3A_1200, %parallel_loop3A_1201 : i32
      %parallel_loop3A_1203 = arith.constant 0 : i32
      %parallel_loop3A_1204 = arith.cmpi sgt, %parallel_loop3A_1200, %parallel_loop3A_1203 : i32
      %parallel_loop3A_1205 = arith.extui %parallel_loop3A_1204 : i1 to i32
      %parallel_loop3A_1206 = arith.constant 0 : i32
      %parallel_loop3A_1207 = arith.cmpi slt, %parallel_loop3A_1200, %parallel_loop3A_1206 : i32
      %parallel_loop3A_1208 = arith.extui %parallel_loop3A_1207 : i1 to i32
      %parallel_loop3A_1209 = arith.subi %parallel_loop3A_1205, %parallel_loop3A_1208 : i32
      %parallel_loop3A_1210 = arith.constant 0 : i32
      %parallel_loop3A_1211 = arith.cmpi sgt, %parallel_loop3A_1201, %parallel_loop3A_1210 : i32
      %parallel_loop3A_1212 = arith.extui %parallel_loop3A_1211 : i1 to i32
      %parallel_loop3A_1213 = arith.constant 0 : i32
      %parallel_loop3A_1214 = arith.cmpi slt, %parallel_loop3A_1201, %parallel_loop3A_1213 : i32
      %parallel_loop3A_1215 = arith.extui %parallel_loop3A_1214 : i1 to i32
      %parallel_loop3A_1216 = arith.subi %parallel_loop3A_1212, %parallel_loop3A_1215 : i32
      %parallel_loop3A_1217 = arith.cmpi ne, %parallel_loop3A_1209, %parallel_loop3A_1216 : i32
      %parallel_loop3A_1218 = arith.remsi %parallel_loop3A_1200, %parallel_loop3A_1201 : i32
      %parallel_loop3A_1219 = arith.constant 0 : i32
      %parallel_loop3A_1220 = arith.cmpi ne, %parallel_loop3A_1218, %parallel_loop3A_1219 : i32
      %parallel_loop3A_1221 = arith.andi %parallel_loop3A_1217, %parallel_loop3A_1220 : i1
      %parallel_loop3A_1222 = arith.constant 1 : i32
      %parallel_loop3A_1223 = arith.subi %parallel_loop3A_1202, %parallel_loop3A_1222 : i32
      %parallel_loop3A_1224 = arith.select %parallel_loop3A_1221, %parallel_loop3A_1223, %parallel_loop3A_1202 : i32
      %parallel_loop3A_1225 = arith.constant 64 : i32
      %parallel_loop3A_1226 = arith.constant 0 : i32
      %parallel_loop3A_1227 = arith.cmpi eq, %parallel_loop3A_1225, %parallel_loop3A_1226 : i32
      %parallel_loop3A_1228 = arith.constant 1 : i32
      %parallel_loop3A_1229 = arith.select %parallel_loop3A_1227, %parallel_loop3A_1228, %parallel_loop3A_1225 : i32
      %parallel_loop3A_1230 = arith.remsi %parallel_loop3A_1200, %parallel_loop3A_1229 : i32
      %parallel_loop3A_1231 = arith.constant 0 : i32
      %parallel_loop3A_1232 = arith.cmpi ne, %parallel_loop3A_1230, %parallel_loop3A_1231 : i32
      %parallel_loop3A_1233 = arith.constant 0 : i32
      %parallel_loop3A_1234 = arith.cmpi slt, %parallel_loop3A_1230, %parallel_loop3A_1233 : i32
      %parallel_loop3A_1235 = arith.constant 0 : i32
      %parallel_loop3A_1236 = arith.cmpi slt, %parallel_loop3A_1229, %parallel_loop3A_1235 : i32
      %parallel_loop3A_1237 = arith.xori %parallel_loop3A_1234, %parallel_loop3A_1236 : i1
      %parallel_loop3A_1238 = arith.andi %parallel_loop3A_1237, %parallel_loop3A_1232 : i1
      %parallel_loop3A_1239 = arith.addi %parallel_loop3A_1230, %parallel_loop3A_1229 : i32
      %parallel_loop3A_1240 = arith.select %parallel_loop3A_1238, %parallel_loop3A_1239, %parallel_loop3A_1230 : i32
      %parallel_loop3A_1241 = arith.constant 16 : i32
      %parallel_loop3A_1242 = arith.muli %parallel_loop3A_1240, %parallel_loop3A_1241 : i32
      %parallel_loop3A_1243 = arith.index_cast %parallel_loop3A_1224 : i32 to index
      %parallel_loop3A_1244 = arith.index_cast %parallel_loop3A_1242 : i32 to index
      %parallel_loop3A_1245 = tpu.vector_load %arg9[%parallel_loop3A_1243, %parallel_loop3A_1244] {strides = array<i32>} : memref<16x1024xf32, #tpu.memory_space<vmem>>, vector<1x16xf32>,
      %parallel_loop3A_1246 = vector.shape_cast %parallel_loop3A_1245 : vector<1x16xf32> to vector<16xf32>
      %parallel_loop3A_1247 = arith.index_cast %parallel_loop3A_1224 : i32 to index
      %parallel_loop3A_1248 = arith.index_cast %parallel_loop3A_1242 : i32 to index
      %parallel_loop3A_1249 = tpu.vector_load %arg5[%parallel_loop3A_1247, %parallel_loop3A_1248] {strides = array<i32>} : memref<16x1024xf32, #tpu.memory_space<vmem>>, vector<1x16xf32>,
      %parallel_loop3A_1250 = vector.shape_cast %parallel_loop3A_1249 : vector<1x16xf32> to vector<16xf32>
      %parallel_loop3A_1251 = arith.addf %parallel_loop3A_1246, %parallel_loop3A_1250 : vector<16xf32>
      %parallel_loop3A_1252 = arith.index_cast %parallel_loop3A_1224 : i32 to index
      %parallel_loop3A_1253 = arith.index_cast %parallel_loop3A_1242 : i32 to index
      %parallel_loop3A_1254 = tpu.vector_load %arg9[%parallel_loop3A_1252, %parallel_loop3A_1253] {strides = array<i32>} : memref<16x1024xf32, #tpu.memory_space<vmem>>, vector<1x16xf32>,
      %parallel_loop3A_1255 = vector.shape_cast %parallel_loop3A_1254 : vector<1x16xf32> to vector<16xf32>
      %parallel_loop3A_1256 = vector.shape_cast %parallel_loop3A_1251 : vector<16xf32> to vector<1x16xf32>
      tpu.vector_store %arg9[%parallel_loop3A_1252, %parallel_loop3A_1253], %parallel_loop3A_1256 {strides = array<i32>} : memref<16x1024xf32, #tpu.memory_space<vmem>>, vector<1x16xf32>,
    } {sc.loop_unroll_factor = 8 : i64, sc.parallel_access}
    %add3A_716 = arith.constant 64 : i32
    %add3A_717 = arith.addi %mul3A_2, %add3A_716 : i32
    %dma_start3A_718 = arith.constant 2 : i32
    %dma_start3A_719 = arith.constant 0 : i32
    %dma_start3A_720 = tpu.memref_slice %arg4[%dma_start3A_718, %add3A_717, %dma_start3A_719] : memref<4x4096x1024xf32, #tpu.memory_space<hbm>> -> memref<1x16x1024xf32, #tpu.memory_space<hbm>>
    %dma_start3A_721 = tpu.memref_squeeze %dma_start3A_720 : memref<1x16x1024xf32, #tpu.memory_space<hbm>> -> memref<16x1024xf32, #tpu.memory_space<hbm>>
    %dma_start3A_722 = arith.constant 0 : i32
    %dma_start3A_723 = tpu.memref_slice %arg4[%dma_start3A_718, %add3A_717, %dma_start3A_722] : memref<4x4096x1024xf32, #tpu.memory_space<hbm>> -> memref<1x16x1024xf32, #tpu.memory_space<hbm>>
    %dma_start3A_724 = tpu.memref_squeeze %dma_start3A_723 : memref<1x16x1024xf32, #tpu.memory_space<hbm>> -> memref<16x1024xf32, #tpu.memory_space<hbm>>
    tpu.enqueue_dma source(%arg9 : memref<16x1024xf32, #tpu.memory_space<vmem>>) target(%dma_start3A_724 : memref<16x1024xf32, #tpu.memory_space<hbm>>) target_semaphore(%arg19 : memref<!tpu.dma_semaphore, #tpu.memory_space<semaphore_mem>>)
    %dma_wait3A_725 = arith.constant 1 : i32
    %dma_wait3A_726 = arith.constant 0 : i32
    %dma_wait3A_727 = tpu.memref_slice %arg4[%dma_wait3A_725, %add3A_682, %dma_wait3A_726] : memref<4x4096x1024xf32, #tpu.memory_space<hbm>> -> memref<1x16x1024xf32, #tpu.memory_space<hbm>>
    %dma_wait3A_728 = tpu.memref_squeeze %dma_wait3A_727 : memref<1x16x1024xf32, #tpu.memory_space<hbm>> -> memref<16x1024xf32, #tpu.memory_space<hbm>>
    %dma_wait3A_729 = arith.constant 0 : i32
    %dma_wait3A_730 = tpu.memref_slice %arg4[%dma_wait3A_725, %add3A_682, %dma_wait3A_729] : memref<4x4096x1024xf32, #tpu.memory_space<hbm>> -> memref<1x16x1024xf32, #tpu.memory_space<hbm>>
    %dma_wait3A_731 = tpu.memref_squeeze %dma_wait3A_730 : memref<1x16x1024xf32, #tpu.memory_space<hbm>> -> memref<16x1024xf32, #tpu.memory_space<hbm>>
    tpu.wait_dma2 semaphore(%arg18 : memref<!tpu.dma_semaphore, #tpu.memory_space<semaphore_mem>>) src(%arg8 : memref<16x1024xf32, #tpu.memory_space<vmem>>) dst(%dma_wait3A_731 : memref<16x1024xf32, #tpu.memory_space<hbm>>)
    %add3A_732 = arith.constant 80 : i32
    %add3A_733 = arith.addi %mul3A_2, %add3A_732 : i32
    %dma_start3A_734 = arith.constant 1 : i32
    %dma_start3A_735 = arith.constant 0 : i32
    %dma_start3A_736 = tpu.memref_slice %arg2[%dma_start3A_734, %add3A_733, %dma_start3A_735] : memref<4x4096x1024xf32, #tpu.memory_space<hbm>> -> memref<1x16x1024xf32, #tpu.memory_space<hbm>>
    %dma_start3A_737 = tpu.memref_squeeze %dma_start3A_736 : memref<1x16x1024xf32, #tpu.memory_space<hbm>> -> memref<16x1024xf32, #tpu.memory_space<hbm>>
    %dma_start3A_738 = arith.constant 0 : i32
    %dma_start3A_739 = tpu.memref_slice %arg2[%dma_start3A_734, %add3A_733, %dma_start3A_738] : memref<4x4096x1024xf32, #tpu.memory_space<hbm>> -> memref<1x16x1024xf32, #tpu.memory_space<hbm>>
    %dma_start3A_740 = tpu.memref_squeeze %dma_start3A_739 : memref<1x16x1024xf32, #tpu.memory_space<hbm>> -> memref<16x1024xf32, #tpu.memory_space<hbm>>
    tpu.enqueue_dma source(%dma_start3A_740 : memref<16x1024xf32, #tpu.memory_space<hbm>>) target(%arg8 : memref<16x1024xf32, #tpu.memory_space<vmem>>) target_semaphore(%arg14 : memref<!tpu.dma_semaphore, #tpu.memory_space<semaphore_mem>>)
    %dma_wait3A_741 = arith.constant 3 : i32
    %dma_wait3A_742 = arith.constant 0 : i32
    %dma_wait3A_743 = tpu.memref_slice %arg2[%dma_wait3A_741, %add3A_663, %dma_wait3A_742] : memref<4x4096x1024xf32, #tpu.memory_space<hbm>> -> memref<1x16x1024xf32, #tpu.memory_space<hbm>>
    %dma_wait3A_744 = tpu.memref_squeeze %dma_wait3A_743 : memref<1x16x1024xf32, #tpu.memory_space<hbm>> -> memref<16x1024xf32, #tpu.memory_space<hbm>>
    %dma_wait3A_745 = arith.constant 0 : i32
    %dma_wait3A_746 = tpu.memref_slice %arg2[%dma_wait3A_741, %add3A_663, %dma_wait3A_745] : memref<4x4096x1024xf32, #tpu.memory_space<hbm>> -> memref<1x16x1024xf32, #tpu.memory_space<hbm>>
    %dma_wait3A_747 = tpu.memref_squeeze %dma_wait3A_746 : memref<1x16x1024xf32, #tpu.memory_space<hbm>> -> memref<16x1024xf32, #tpu.memory_space<hbm>>
    tpu.wait_dma2 semaphore(%arg16 : memref<!tpu.dma_semaphore, #tpu.memory_space<semaphore_mem>>) src(%dma_wait3A_747 : memref<16x1024xf32, #tpu.memory_space<hbm>>) dst(%arg10 : memref<16x1024xf32, #tpu.memory_space<vmem>>)
    %parallel_loop3A_748 = arith.constant 0 : i32
    %parallel_loop3A_749 = arith.constant 1024 : i32
    %parallel_loop3A_750 = arith.constant 1 : i32
    scf.for %parallel_loop3A_1200 = %parallel_loop3A_748 to %parallel_loop3A_749 step %parallel_loop3A_750  : i32 {
      %parallel_loop3A_1201 = arith.constant 64 : i32
      %parallel_loop3A_1202 = arith.divsi %parallel_loop3A_1200, %parallel_loop3A_1201 : i32
      %parallel_loop3A_1203 = arith.constant 0 : i32
      %parallel_loop3A_1204 = arith.cmpi sgt, %parallel_loop3A_1200, %parallel_loop3A_1203 : i32
      %parallel_loop3A_1205 = arith.extui %parallel_loop3A_1204 : i1 to i32
      %parallel_loop3A_1206 = arith.constant 0 : i32
      %parallel_loop3A_1207 = arith.cmpi slt, %parallel_loop3A_1200, %parallel_loop3A_1206 : i32
      %parallel_loop3A_1208 = arith.extui %parallel_loop3A_1207 : i1 to i32
      %parallel_loop3A_1209 = arith.subi %parallel_loop3A_1205, %parallel_loop3A_1208 : i32
      %parallel_loop3A_1210 = arith.constant 0 : i32
      %parallel_loop3A_1211 = arith.cmpi sgt, %parallel_loop3A_1201, %parallel_loop3A_1210 : i32
      %parallel_loop3A_1212 = arith.extui %parallel_loop3A_1211 : i1 to i32
      %parallel_loop3A_1213 = arith.constant 0 : i32
      %parallel_loop3A_1214 = arith.cmpi slt, %parallel_loop3A_1201, %parallel_loop3A_1213 : i32
      %parallel_loop3A_1215 = arith.extui %parallel_loop3A_1214 : i1 to i32
      %parallel_loop3A_1216 = arith.subi %parallel_loop3A_1212, %parallel_loop3A_1215 : i32
      %parallel_loop3A_1217 = arith.cmpi ne, %parallel_loop3A_1209, %parallel_loop3A_1216 : i32
      %parallel_loop3A_1218 = arith.remsi %parallel_loop3A_1200, %parallel_loop3A_1201 : i32
      %parallel_loop3A_1219 = arith.constant 0 : i32
      %parallel_loop3A_1220 = arith.cmpi ne, %parallel_loop3A_1218, %parallel_loop3A_1219 : i32
      %parallel_loop3A_1221 = arith.andi %parallel_loop3A_1217, %parallel_loop3A_1220 : i1
      %parallel_loop3A_1222 = arith.constant 1 : i32
      %parallel_loop3A_1223 = arith.subi %parallel_loop3A_1202, %parallel_loop3A_1222 : i32
      %parallel_loop3A_1224 = arith.select %parallel_loop3A_1221, %parallel_loop3A_1223, %parallel_loop3A_1202 : i32
      %parallel_loop3A_1225 = arith.constant 64 : i32
      %parallel_loop3A_1226 = arith.constant 0 : i32
      %parallel_loop3A_1227 = arith.cmpi eq, %parallel_loop3A_1225, %parallel_loop3A_1226 : i32
      %parallel_loop3A_1228 = arith.constant 1 : i32
      %parallel_loop3A_1229 = arith.select %parallel_loop3A_1227, %parallel_loop3A_1228, %parallel_loop3A_1225 : i32
      %parallel_loop3A_1230 = arith.remsi %parallel_loop3A_1200, %parallel_loop3A_1229 : i32
      %parallel_loop3A_1231 = arith.constant 0 : i32
      %parallel_loop3A_1232 = arith.cmpi ne, %parallel_loop3A_1230, %parallel_loop3A_1231 : i32
      %parallel_loop3A_1233 = arith.constant 0 : i32
      %parallel_loop3A_1234 = arith.cmpi slt, %parallel_loop3A_1230, %parallel_loop3A_1233 : i32
      %parallel_loop3A_1235 = arith.constant 0 : i32
      %parallel_loop3A_1236 = arith.cmpi slt, %parallel_loop3A_1229, %parallel_loop3A_1235 : i32
      %parallel_loop3A_1237 = arith.xori %parallel_loop3A_1234, %parallel_loop3A_1236 : i1
      %parallel_loop3A_1238 = arith.andi %parallel_loop3A_1237, %parallel_loop3A_1232 : i1
      %parallel_loop3A_1239 = arith.addi %parallel_loop3A_1230, %parallel_loop3A_1229 : i32
      %parallel_loop3A_1240 = arith.select %parallel_loop3A_1238, %parallel_loop3A_1239, %parallel_loop3A_1230 : i32
      %parallel_loop3A_1241 = arith.constant 16 : i32
      %parallel_loop3A_1242 = arith.muli %parallel_loop3A_1240, %parallel_loop3A_1241 : i32
      %parallel_loop3A_1243 = arith.index_cast %parallel_loop3A_1224 : i32 to index
      %parallel_loop3A_1244 = arith.index_cast %parallel_loop3A_1242 : i32 to index
      %parallel_loop3A_1245 = tpu.vector_load %arg10[%parallel_loop3A_1243, %parallel_loop3A_1244] {strides = array<i32>} : memref<16x1024xf32, #tpu.memory_space<vmem>>, vector<1x16xf32>,
      %parallel_loop3A_1246 = vector.shape_cast %parallel_loop3A_1245 : vector<1x16xf32> to vector<16xf32>
      %parallel_loop3A_1247 = arith.index_cast %parallel_loop3A_1224 : i32 to index
      %parallel_loop3A_1248 = arith.index_cast %parallel_loop3A_1242 : i32 to index
      %parallel_loop3A_1249 = tpu.vector_load %arg5[%parallel_loop3A_1247, %parallel_loop3A_1248] {strides = array<i32>} : memref<16x1024xf32, #tpu.memory_space<vmem>>, vector<1x16xf32>,
      %parallel_loop3A_1250 = vector.shape_cast %parallel_loop3A_1249 : vector<1x16xf32> to vector<16xf32>
      %parallel_loop3A_1251 = arith.addf %parallel_loop3A_1246, %parallel_loop3A_1250 : vector<16xf32>
      %parallel_loop3A_1252 = arith.index_cast %parallel_loop3A_1224 : i32 to index
      %parallel_loop3A_1253 = arith.index_cast %parallel_loop3A_1242 : i32 to index
      %parallel_loop3A_1254 = tpu.vector_load %arg10[%parallel_loop3A_1252, %parallel_loop3A_1253] {strides = array<i32>} : memref<16x1024xf32, #tpu.memory_space<vmem>>, vector<1x16xf32>,
      %parallel_loop3A_1255 = vector.shape_cast %parallel_loop3A_1254 : vector<1x16xf32> to vector<16xf32>
      %parallel_loop3A_1256 = vector.shape_cast %parallel_loop3A_1251 : vector<16xf32> to vector<1x16xf32>
      tpu.vector_store %arg10[%parallel_loop3A_1252, %parallel_loop3A_1253], %parallel_loop3A_1256 {strides = array<i32>} : memref<16x1024xf32, #tpu.memory_space<vmem>>, vector<1x16xf32>,
    } {sc.loop_unroll_factor = 8 : i64, sc.parallel_access}
    %add3A_751 = arith.constant 64 : i32
    %add3A_752 = arith.addi %mul3A_2, %add3A_751 : i32
    %dma_start3A_753 = arith.constant 3 : i32
    %dma_start3A_754 = arith.constant 0 : i32
    %dma_start3A_755 = tpu.memref_slice %arg4[%dma_start3A_753, %add3A_752, %dma_start3A_754] : memref<4x4096x1024xf32, #tpu.memory_space<hbm>> -> memref<1x16x1024xf32, #tpu.memory_space<hbm>>
    %dma_start3A_756 = tpu.memref_squeeze %dma_start3A_755 : memref<1x16x1024xf32, #tpu.memory_space<hbm>> -> memref<16x1024xf32, #tpu.memory_space<hbm>>
    %dma_start3A_757 = arith.constant 0 : i32
    %dma_start3A_758 = tpu.memref_slice %arg4[%dma_start3A_753, %add3A_752, %dma_start3A_757] : memref<4x4096x1024xf32, #tpu.memory_space<hbm>> -> memref<1x16x1024xf32, #tpu.memory_space<hbm>>
    %dma_start3A_759 = tpu.memref_squeeze %dma_start3A_758 : memref<1x16x1024xf32, #tpu.memory_space<hbm>> -> memref<16x1024xf32, #tpu.memory_space<hbm>>
    tpu.enqueue_dma source(%arg10 : memref<16x1024xf32, #tpu.memory_space<vmem>>) target(%dma_start3A_759 : memref<16x1024xf32, #tpu.memory_space<hbm>>) target_semaphore(%arg20 : memref<!tpu.dma_semaphore, #tpu.memory_space<semaphore_mem>>)
    %dma_wait3A_760 = arith.constant 2 : i32
    %dma_wait3A_761 = arith.constant 0 : i32
    %dma_wait3A_762 = tpu.memref_slice %arg4[%dma_wait3A_760, %add3A_717, %dma_wait3A_761] : memref<4x4096x1024xf32, #tpu.memory_space<hbm>> -> memref<1x16x1024xf32, #tpu.memory_space<hbm>>
    %dma_wait3A_763 = tpu.memref_squeeze %dma_wait3A_762 : memref<1x16x1024xf32, #tpu.memory_space<hbm>> -> memref<16x1024xf32, #tpu.memory_space<hbm>>
    %dma_wait3A_764 = arith.constant 0 : i32
    %dma_wait3A_765 = tpu.memref_slice %arg4[%dma_wait3A_760, %add3A_717, %dma_wait3A_764] : memref<4x4096x1024xf32, #tpu.memory_space<hbm>> -> memref<1x16x1024xf32, #tpu.memory_space<hbm>>
    %dma_wait3A_766 = tpu.memref_squeeze %dma_wait3A_765 : memref<1x16x1024xf32, #tpu.memory_space<hbm>> -> memref<16x1024xf32, #tpu.memory_space<hbm>>
    tpu.wait_dma2 semaphore(%arg19 : memref<!tpu.dma_semaphore, #tpu.memory_space<semaphore_mem>>) src(%arg9 : memref<16x1024xf32, #tpu.memory_space<vmem>>) dst(%dma_wait3A_766 : memref<16x1024xf32, #tpu.memory_space<hbm>>)
    %add3A_767 = arith.constant 80 : i32
    %add3A_768 = arith.addi %mul3A_2, %add3A_767 : i32
    %dma_start3A_769 = arith.constant 2 : i32
    %dma_start3A_770 = arith.constant 0 : i32
    %dma_start3A_771 = tpu.memref_slice %arg2[%dma_start3A_769, %add3A_768, %dma_start3A_770] : memref<4x4096x1024xf32, #tpu.memory_space<hbm>> -> memref<1x16x1024xf32, #tpu.memory_space<hbm>>
    %dma_start3A_772 = tpu.memref_squeeze %dma_start3A_771 : memref<1x16x1024xf32, #tpu.memory_space<hbm>> -> memref<16x1024xf32, #tpu.memory_space<hbm>>
    %dma_start3A_773 = arith.constant 0 : i32
    %dma_start3A_774 = tpu.memref_slice %arg2[%dma_start3A_769, %add3A_768, %dma_start3A_773] : memref<4x4096x1024xf32, #tpu.memory_space<hbm>> -> memref<1x16x1024xf32, #tpu.memory_space<hbm>>
    %dma_start3A_775 = tpu.memref_squeeze %dma_start3A_774 : memref<1x16x1024xf32, #tpu.memory_space<hbm>> -> memref<16x1024xf32, #tpu.memory_space<hbm>>
    tpu.enqueue_dma source(%dma_start3A_775 : memref<16x1024xf32, #tpu.memory_space<hbm>>) target(%arg9 : memref<16x1024xf32, #tpu.memory_space<vmem>>) target_semaphore(%arg15 : memref<!tpu.dma_semaphore, #tpu.memory_space<semaphore_mem>>)
    %dma_wait3A_776 = arith.constant 0 : i32
    %dma_wait3A_777 = arith.constant 0 : i32
    %dma_wait3A_778 = tpu.memref_slice %arg2[%dma_wait3A_776, %add3A_698, %dma_wait3A_777] : memref<4x4096x1024xf32, #tpu.memory_space<hbm>> -> memref<1x16x1024xf32, #tpu.memory_space<hbm>>
    %dma_wait3A_779 = tpu.memref_squeeze %dma_wait3A_778 : memref<1x16x1024xf32, #tpu.memory_space<hbm>> -> memref<16x1024xf32, #tpu.memory_space<hbm>>
    %dma_wait3A_780 = arith.constant 0 : i32
    %dma_wait3A_781 = tpu.memref_slice %arg2[%dma_wait3A_776, %add3A_698, %dma_wait3A_780] : memref<4x4096x1024xf32, #tpu.memory_space<hbm>> -> memref<1x16x1024xf32, #tpu.memory_space<hbm>>
    %dma_wait3A_782 = tpu.memref_squeeze %dma_wait3A_781 : memref<1x16x1024xf32, #tpu.memory_space<hbm>> -> memref<16x1024xf32, #tpu.memory_space<hbm>>
    tpu.wait_dma2 semaphore(%arg13 : memref<!tpu.dma_semaphore, #tpu.memory_space<semaphore_mem>>) src(%dma_wait3A_782 : memref<16x1024xf32, #tpu.memory_space<hbm>>) dst(%arg7 : memref<16x1024xf32, #tpu.memory_space<vmem>>)
    %dma_wait3A_783 = arith.constant 0 : i32
    %dma_wait3A_784 = tpu.memref_slice %arg3[%add3A_650, %dma_wait3A_783] : memref<8192x1024xf32, #tpu.memory_space<hbm>> -> memref<16x1024xf32, #tpu.memory_space<hbm>>
    %dma_wait3A_785 = arith.constant 0 : i32
    %dma_wait3A_786 = tpu.memref_slice %arg3[%add3A_650, %dma_wait3A_785] : memref<8192x1024xf32, #tpu.memory_space<hbm>> -> memref<16x1024xf32, #tpu.memory_space<hbm>>
    tpu.wait_dma2 semaphore(%arg12 : memref<!tpu.dma_semaphore, #tpu.memory_space<semaphore_mem>>) src(%dma_wait3A_786 : memref<16x1024xf32, #tpu.memory_space<hbm>>) dst(%arg6 : memref<16x1024xf32, #tpu.memory_space<vmem>>)
    %parallel_loop3A_787 = arith.constant 0 : i32
    %parallel_loop3A_788 = arith.constant 1024 : i32
    %parallel_loop3A_789 = arith.constant 1 : i32
    scf.for %parallel_loop3A_1200 = %parallel_loop3A_787 to %parallel_loop3A_788 step %parallel_loop3A_789  : i32 {
      %parallel_loop3A_1201 = arith.constant 64 : i32
      %parallel_loop3A_1202 = arith.divsi %parallel_loop3A_1200, %parallel_loop3A_1201 : i32
      %parallel_loop3A_1203 = arith.constant 0 : i32
      %parallel_loop3A_1204 = arith.cmpi sgt, %parallel_loop3A_1200, %parallel_loop3A_1203 : i32
      %parallel_loop3A_1205 = arith.extui %parallel_loop3A_1204 : i1 to i32
      %parallel_loop3A_1206 = arith.constant 0 : i32
      %parallel_loop3A_1207 = arith.cmpi slt, %parallel_loop3A_1200, %parallel_loop3A_1206 : i32
      %parallel_loop3A_1208 = arith.extui %parallel_loop3A_1207 : i1 to i32
      %parallel_loop3A_1209 = arith.subi %parallel_loop3A_1205, %parallel_loop3A_1208 : i32
      %parallel_loop3A_1210 = arith.constant 0 : i32
      %parallel_loop3A_1211 = arith.cmpi sgt, %parallel_loop3A_1201, %parallel_loop3A_1210 : i32
      %parallel_loop3A_1212 = arith.extui %parallel_loop3A_1211 : i1 to i32
      %parallel_loop3A_1213 = arith.constant 0 : i32
      %parallel_loop3A_1214 = arith.cmpi slt, %parallel_loop3A_1201, %parallel_loop3A_1213 : i32
      %parallel_loop3A_1215 = arith.extui %parallel_loop3A_1214 : i1 to i32
      %parallel_loop3A_1216 = arith.subi %parallel_loop3A_1212, %parallel_loop3A_1215 : i32
      %parallel_loop3A_1217 = arith.cmpi ne, %parallel_loop3A_1209, %parallel_loop3A_1216 : i32
      %parallel_loop3A_1218 = arith.remsi %parallel_loop3A_1200, %parallel_loop3A_1201 : i32
      %parallel_loop3A_1219 = arith.constant 0 : i32
      %parallel_loop3A_1220 = arith.cmpi ne, %parallel_loop3A_1218, %parallel_loop3A_1219 : i32
      %parallel_loop3A_1221 = arith.andi %parallel_loop3A_1217, %parallel_loop3A_1220 : i1
      %parallel_loop3A_1222 = arith.constant 1 : i32
      %parallel_loop3A_1223 = arith.subi %parallel_loop3A_1202, %parallel_loop3A_1222 : i32
      %parallel_loop3A_1224 = arith.select %parallel_loop3A_1221, %parallel_loop3A_1223, %parallel_loop3A_1202 : i32
      %parallel_loop3A_1225 = arith.constant 64 : i32
      %parallel_loop3A_1226 = arith.constant 0 : i32
      %parallel_loop3A_1227 = arith.cmpi eq, %parallel_loop3A_1225, %parallel_loop3A_1226 : i32
      %parallel_loop3A_1228 = arith.constant 1 : i32
      %parallel_loop3A_1229 = arith.select %parallel_loop3A_1227, %parallel_loop3A_1228, %parallel_loop3A_1225 : i32
      %parallel_loop3A_1230 = arith.remsi %parallel_loop3A_1200, %parallel_loop3A_1229 : i32
      %parallel_loop3A_1231 = arith.constant 0 : i32
      %parallel_loop3A_1232 = arith.cmpi ne, %parallel_loop3A_1230, %parallel_loop3A_1231 : i32
      %parallel_loop3A_1233 = arith.constant 0 : i32
      %parallel_loop3A_1234 = arith.cmpi slt, %parallel_loop3A_1230, %parallel_loop3A_1233 : i32
      %parallel_loop3A_1235 = arith.constant 0 : i32
      %parallel_loop3A_1236 = arith.cmpi slt, %parallel_loop3A_1229, %parallel_loop3A_1235 : i32
      %parallel_loop3A_1237 = arith.xori %parallel_loop3A_1234, %parallel_loop3A_1236 : i1
      %parallel_loop3A_1238 = arith.andi %parallel_loop3A_1237, %parallel_loop3A_1232 : i1
      %parallel_loop3A_1239 = arith.addi %parallel_loop3A_1230, %parallel_loop3A_1229 : i32
      %parallel_loop3A_1240 = arith.select %parallel_loop3A_1238, %parallel_loop3A_1239, %parallel_loop3A_1230 : i32
      %parallel_loop3A_1241 = arith.constant 16 : i32
      %parallel_loop3A_1242 = arith.muli %parallel_loop3A_1240, %parallel_loop3A_1241 : i32
      %parallel_loop3A_1243 = arith.index_cast %parallel_loop3A_1224 : i32 to index
      %parallel_loop3A_1244 = arith.index_cast %parallel_loop3A_1242 : i32 to index
      %parallel_loop3A_1245 = tpu.vector_load %arg7[%parallel_loop3A_1243, %parallel_loop3A_1244] {strides = array<i32>} : memref<16x1024xf32, #tpu.memory_space<vmem>>, vector<1x16xf32>,
      %parallel_loop3A_1246 = vector.shape_cast %parallel_loop3A_1245 : vector<1x16xf32> to vector<16xf32>
      %parallel_loop3A_1247 = arith.index_cast %parallel_loop3A_1224 : i32 to index
      %parallel_loop3A_1248 = arith.index_cast %parallel_loop3A_1242 : i32 to index
      %parallel_loop3A_1249 = tpu.vector_load %arg6[%parallel_loop3A_1247, %parallel_loop3A_1248] {strides = array<i32>} : memref<16x1024xf32, #tpu.memory_space<vmem>>, vector<1x16xf32>,
      %parallel_loop3A_1250 = vector.shape_cast %parallel_loop3A_1249 : vector<1x16xf32> to vector<16xf32>
      %parallel_loop3A_1251 = arith.addf %parallel_loop3A_1246, %parallel_loop3A_1250 : vector<16xf32>
      %parallel_loop3A_1252 = arith.index_cast %parallel_loop3A_1224 : i32 to index
      %parallel_loop3A_1253 = arith.index_cast %parallel_loop3A_1242 : i32 to index
      %parallel_loop3A_1254 = tpu.vector_load %arg7[%parallel_loop3A_1252, %parallel_loop3A_1253] {strides = array<i32>} : memref<16x1024xf32, #tpu.memory_space<vmem>>, vector<1x16xf32>,
      %parallel_loop3A_1255 = vector.shape_cast %parallel_loop3A_1254 : vector<1x16xf32> to vector<16xf32>
      %parallel_loop3A_1256 = vector.shape_cast %parallel_loop3A_1251 : vector<16xf32> to vector<1x16xf32>
      tpu.vector_store %arg7[%parallel_loop3A_1252, %parallel_loop3A_1253], %parallel_loop3A_1256 {strides = array<i32>} : memref<16x1024xf32, #tpu.memory_space<vmem>>, vector<1x16xf32>,
    } {sc.loop_unroll_factor = 8 : i64, sc.parallel_access}
    %add3A_790 = arith.constant 80 : i32
    %add3A_791 = arith.addi %mul3A_2, %add3A_790 : i32
    %dma_start3A_792 = arith.constant 0 : i32
    %dma_start3A_793 = arith.constant 0 : i32
    %dma_start3A_794 = tpu.memref_slice %arg4[%dma_start3A_792, %add3A_791, %dma_start3A_793] : memref<4x4096x1024xf32, #tpu.memory_space<hbm>> -> memref<1x16x1024xf32, #tpu.memory_space<hbm>>
    %dma_start3A_795 = tpu.memref_squeeze %dma_start3A_794 : memref<1x16x1024xf32, #tpu.memory_space<hbm>> -> memref<16x1024xf32, #tpu.memory_space<hbm>>
    %dma_start3A_796 = arith.constant 0 : i32
    %dma_start3A_797 = tpu.memref_slice %arg4[%dma_start3A_792, %add3A_791, %dma_start3A_796] : memref<4x4096x1024xf32, #tpu.memory_space<hbm>> -> memref<1x16x1024xf32, #tpu.memory_space<hbm>>
    %dma_start3A_798 = tpu.memref_squeeze %dma_start3A_797 : memref<1x16x1024xf32, #tpu.memory_space<hbm>> -> memref<16x1024xf32, #tpu.memory_space<hbm>>
    tpu.enqueue_dma source(%arg7 : memref<16x1024xf32, #tpu.memory_space<vmem>>) target(%dma_start3A_798 : memref<16x1024xf32, #tpu.memory_space<hbm>>) target_semaphore(%arg17 : memref<!tpu.dma_semaphore, #tpu.memory_space<semaphore_mem>>)
    %add3A_799 = arith.constant 96 : i32
    %add3A_800 = arith.addi %mul3A_2, %add3A_799 : i32
    %dma_start3A_801 = arith.constant 0 : i32
    %dma_start3A_802 = tpu.memref_slice %arg3[%add3A_800, %dma_start3A_801] : memref<8192x1024xf32, #tpu.memory_space<hbm>> -> memref<16x1024xf32, #tpu.memory_space<hbm>>
    %dma_start3A_803 = arith.constant 0 : i32
    %dma_start3A_804 = tpu.memref_slice %arg3[%add3A_800, %dma_start3A_803] : memref<8192x1024xf32, #tpu.memory_space<hbm>> -> memref<16x1024xf32, #tpu.memory_space<hbm>>
    tpu.enqueue_dma source(%dma_start3A_804 : memref<16x1024xf32, #tpu.memory_space<hbm>>) target(%arg5 : memref<16x1024xf32, #tpu.memory_space<vmem>>) target_semaphore(%arg11 : memref<!tpu.dma_semaphore, #tpu.memory_space<semaphore_mem>>)
    %dma_wait3A_805 = arith.constant 3 : i32
    %dma_wait3A_806 = arith.constant 0 : i32
    %dma_wait3A_807 = tpu.memref_slice %arg4[%dma_wait3A_805, %add3A_752, %dma_wait3A_806] : memref<4x4096x1024xf32, #tpu.memory_space<hbm>> -> memref<1x16x1024xf32, #tpu.memory_space<hbm>>
    %dma_wait3A_808 = tpu.memref_squeeze %dma_wait3A_807 : memref<1x16x1024xf32, #tpu.memory_space<hbm>> -> memref<16x1024xf32, #tpu.memory_space<hbm>>
    %dma_wait3A_809 = arith.constant 0 : i32
    %dma_wait3A_810 = tpu.memref_slice %arg4[%dma_wait3A_805, %add3A_752, %dma_wait3A_809] : memref<4x4096x1024xf32, #tpu.memory_space<hbm>> -> memref<1x16x1024xf32, #tpu.memory_space<hbm>>
    %dma_wait3A_811 = tpu.memref_squeeze %dma_wait3A_810 : memref<1x16x1024xf32, #tpu.memory_space<hbm>> -> memref<16x1024xf32, #tpu.memory_space<hbm>>
    tpu.wait_dma2 semaphore(%arg20 : memref<!tpu.dma_semaphore, #tpu.memory_space<semaphore_mem>>) src(%arg10 : memref<16x1024xf32, #tpu.memory_space<vmem>>) dst(%dma_wait3A_811 : memref<16x1024xf32, #tpu.memory_space<hbm>>)
    %add3A_812 = arith.constant 80 : i32
    %add3A_813 = arith.addi %mul3A_2, %add3A_812 : i32
    %dma_start3A_814 = arith.constant 3 : i32
    %dma_start3A_815 = arith.constant 0 : i32
    %dma_start3A_816 = tpu.memref_slice %arg2[%dma_start3A_814, %add3A_813, %dma_start3A_815] : memref<4x4096x1024xf32, #tpu.memory_space<hbm>> -> memref<1x16x1024xf32, #tpu.memory_space<hbm>>
    %dma_start3A_817 = tpu.memref_squeeze %dma_start3A_816 : memref<1x16x1024xf32, #tpu.memory_space<hbm>> -> memref<16x1024xf32, #tpu.memory_space<hbm>>
    %dma_start3A_818 = arith.constant 0 : i32
    %dma_start3A_819 = tpu.memref_slice %arg2[%dma_start3A_814, %add3A_813, %dma_start3A_818] : memref<4x4096x1024xf32, #tpu.memory_space<hbm>> -> memref<1x16x1024xf32, #tpu.memory_space<hbm>>
    %dma_start3A_820 = tpu.memref_squeeze %dma_start3A_819 : memref<1x16x1024xf32, #tpu.memory_space<hbm>> -> memref<16x1024xf32, #tpu.memory_space<hbm>>
    tpu.enqueue_dma source(%dma_start3A_820 : memref<16x1024xf32, #tpu.memory_space<hbm>>) target(%arg10 : memref<16x1024xf32, #tpu.memory_space<vmem>>) target_semaphore(%arg16 : memref<!tpu.dma_semaphore, #tpu.memory_space<semaphore_mem>>)
    %dma_wait3A_821 = arith.constant 1 : i32
    %dma_wait3A_822 = arith.constant 0 : i32
    %dma_wait3A_823 = tpu.memref_slice %arg2[%dma_wait3A_821, %add3A_733, %dma_wait3A_822] : memref<4x4096x1024xf32, #tpu.memory_space<hbm>> -> memref<1x16x1024xf32, #tpu.memory_space<hbm>>
    %dma_wait3A_824 = tpu.memref_squeeze %dma_wait3A_823 : memref<1x16x1024xf32, #tpu.memory_space<hbm>> -> memref<16x1024xf32, #tpu.memory_space<hbm>>
    %dma_wait3A_825 = arith.constant 0 : i32
    %dma_wait3A_826 = tpu.memref_slice %arg2[%dma_wait3A_821, %add3A_733, %dma_wait3A_825] : memref<4x4096x1024xf32, #tpu.memory_space<hbm>> -> memref<1x16x1024xf32, #tpu.memory_space<hbm>>
    %dma_wait3A_827 = tpu.memref_squeeze %dma_wait3A_826 : memref<1x16x1024xf32, #tpu.memory_space<hbm>> -> memref<16x1024xf32, #tpu.memory_space<hbm>>
    tpu.wait_dma2 semaphore(%arg14 : memref<!tpu.dma_semaphore, #tpu.memory_space<semaphore_mem>>) src(%dma_wait3A_827 : memref<16x1024xf32, #tpu.memory_space<hbm>>) dst(%arg8 : memref<16x1024xf32, #tpu.memory_space<vmem>>)
    %parallel_loop3A_828 = arith.constant 0 : i32
    %parallel_loop3A_829 = arith.constant 1024 : i32
    %parallel_loop3A_830 = arith.constant 1 : i32
    scf.for %parallel_loop3A_1200 = %parallel_loop3A_828 to %parallel_loop3A_829 step %parallel_loop3A_830  : i32 {
      %parallel_loop3A_1201 = arith.constant 64 : i32
      %parallel_loop3A_1202 = arith.divsi %parallel_loop3A_1200, %parallel_loop3A_1201 : i32
      %parallel_loop3A_1203 = arith.constant 0 : i32
      %parallel_loop3A_1204 = arith.cmpi sgt, %parallel_loop3A_1200, %parallel_loop3A_1203 : i32
      %parallel_loop3A_1205 = arith.extui %parallel_loop3A_1204 : i1 to i32
      %parallel_loop3A_1206 = arith.constant 0 : i32
      %parallel_loop3A_1207 = arith.cmpi slt, %parallel_loop3A_1200, %parallel_loop3A_1206 : i32
      %parallel_loop3A_1208 = arith.extui %parallel_loop3A_1207 : i1 to i32
      %parallel_loop3A_1209 = arith.subi %parallel_loop3A_1205, %parallel_loop3A_1208 : i32
      %parallel_loop3A_1210 = arith.constant 0 : i32
      %parallel_loop3A_1211 = arith.cmpi sgt, %parallel_loop3A_1201, %parallel_loop3A_1210 : i32
      %parallel_loop3A_1212 = arith.extui %parallel_loop3A_1211 : i1 to i32
      %parallel_loop3A_1213 = arith.constant 0 : i32
      %parallel_loop3A_1214 = arith.cmpi slt, %parallel_loop3A_1201, %parallel_loop3A_1213 : i32
      %parallel_loop3A_1215 = arith.extui %parallel_loop3A_1214 : i1 to i32
      %parallel_loop3A_1216 = arith.subi %parallel_loop3A_1212, %parallel_loop3A_1215 : i32
      %parallel_loop3A_1217 = arith.cmpi ne, %parallel_loop3A_1209, %parallel_loop3A_1216 : i32
      %parallel_loop3A_1218 = arith.remsi %parallel_loop3A_1200, %parallel_loop3A_1201 : i32
      %parallel_loop3A_1219 = arith.constant 0 : i32
      %parallel_loop3A_1220 = arith.cmpi ne, %parallel_loop3A_1218, %parallel_loop3A_1219 : i32
      %parallel_loop3A_1221 = arith.andi %parallel_loop3A_1217, %parallel_loop3A_1220 : i1
      %parallel_loop3A_1222 = arith.constant 1 : i32
      %parallel_loop3A_1223 = arith.subi %parallel_loop3A_1202, %parallel_loop3A_1222 : i32
      %parallel_loop3A_1224 = arith.select %parallel_loop3A_1221, %parallel_loop3A_1223, %parallel_loop3A_1202 : i32
      %parallel_loop3A_1225 = arith.constant 64 : i32
      %parallel_loop3A_1226 = arith.constant 0 : i32
      %parallel_loop3A_1227 = arith.cmpi eq, %parallel_loop3A_1225, %parallel_loop3A_1226 : i32
      %parallel_loop3A_1228 = arith.constant 1 : i32
      %parallel_loop3A_1229 = arith.select %parallel_loop3A_1227, %parallel_loop3A_1228, %parallel_loop3A_1225 : i32
      %parallel_loop3A_1230 = arith.remsi %parallel_loop3A_1200, %parallel_loop3A_1229 : i32
      %parallel_loop3A_1231 = arith.constant 0 : i32
      %parallel_loop3A_1232 = arith.cmpi ne, %parallel_loop3A_1230, %parallel_loop3A_1231 : i32
      %parallel_loop3A_1233 = arith.constant 0 : i32
      %parallel_loop3A_1234 = arith.cmpi slt, %parallel_loop3A_1230, %parallel_loop3A_1233 : i32
      %parallel_loop3A_1235 = arith.constant 0 : i32
      %parallel_loop3A_1236 = arith.cmpi slt, %parallel_loop3A_1229, %parallel_loop3A_1235 : i32
      %parallel_loop3A_1237 = arith.xori %parallel_loop3A_1234, %parallel_loop3A_1236 : i1
      %parallel_loop3A_1238 = arith.andi %parallel_loop3A_1237, %parallel_loop3A_1232 : i1
      %parallel_loop3A_1239 = arith.addi %parallel_loop3A_1230, %parallel_loop3A_1229 : i32
      %parallel_loop3A_1240 = arith.select %parallel_loop3A_1238, %parallel_loop3A_1239, %parallel_loop3A_1230 : i32
      %parallel_loop3A_1241 = arith.constant 16 : i32
      %parallel_loop3A_1242 = arith.muli %parallel_loop3A_1240, %parallel_loop3A_1241 : i32
      %parallel_loop3A_1243 = arith.index_cast %parallel_loop3A_1224 : i32 to index
      %parallel_loop3A_1244 = arith.index_cast %parallel_loop3A_1242 : i32 to index
      %parallel_loop3A_1245 = tpu.vector_load %arg8[%parallel_loop3A_1243, %parallel_loop3A_1244] {strides = array<i32>} : memref<16x1024xf32, #tpu.memory_space<vmem>>, vector<1x16xf32>,
      %parallel_loop3A_1246 = vector.shape_cast %parallel_loop3A_1245 : vector<1x16xf32> to vector<16xf32>
      %parallel_loop3A_1247 = arith.index_cast %parallel_loop3A_1224 : i32 to index
      %parallel_loop3A_1248 = arith.index_cast %parallel_loop3A_1242 : i32 to index
      %parallel_loop3A_1249 = tpu.vector_load %arg6[%parallel_loop3A_1247, %parallel_loop3A_1248] {strides = array<i32>} : memref<16x1024xf32, #tpu.memory_space<vmem>>, vector<1x16xf32>,
      %parallel_loop3A_1250 = vector.shape_cast %parallel_loop3A_1249 : vector<1x16xf32> to vector<16xf32>
      %parallel_loop3A_1251 = arith.addf %parallel_loop3A_1246, %parallel_loop3A_1250 : vector<16xf32>
      %parallel_loop3A_1252 = arith.index_cast %parallel_loop3A_1224 : i32 to index
      %parallel_loop3A_1253 = arith.index_cast %parallel_loop3A_1242 : i32 to index
      %parallel_loop3A_1254 = tpu.vector_load %arg8[%parallel_loop3A_1252, %parallel_loop3A_1253] {strides = array<i32>} : memref<16x1024xf32, #tpu.memory_space<vmem>>, vector<1x16xf32>,
      %parallel_loop3A_1255 = vector.shape_cast %parallel_loop3A_1254 : vector<1x16xf32> to vector<16xf32>
      %parallel_loop3A_1256 = vector.shape_cast %parallel_loop3A_1251 : vector<16xf32> to vector<1x16xf32>
      tpu.vector_store %arg8[%parallel_loop3A_1252, %parallel_loop3A_1253], %parallel_loop3A_1256 {strides = array<i32>} : memref<16x1024xf32, #tpu.memory_space<vmem>>, vector<1x16xf32>,
    } {sc.loop_unroll_factor = 8 : i64, sc.parallel_access}
    %add3A_831 = arith.constant 80 : i32
    %add3A_832 = arith.addi %mul3A_2, %add3A_831 : i32
    %dma_start3A_833 = arith.constant 1 : i32
    %dma_start3A_834 = arith.constant 0 : i32
    %dma_start3A_835 = tpu.memref_slice %arg4[%dma_start3A_833, %add3A_832, %dma_start3A_834] : memref<4x4096x1024xf32, #tpu.memory_space<hbm>> -> memref<1x16x1024xf32, #tpu.memory_space<hbm>>
    %dma_start3A_836 = tpu.memref_squeeze %dma_start3A_835 : memref<1x16x1024xf32, #tpu.memory_space<hbm>> -> memref<16x1024xf32, #tpu.memory_space<hbm>>
    %dma_start3A_837 = arith.constant 0 : i32
    %dma_start3A_838 = tpu.memref_slice %arg4[%dma_start3A_833, %add3A_832, %dma_start3A_837] : memref<4x4096x1024xf32, #tpu.memory_space<hbm>> -> memref<1x16x1024xf32, #tpu.memory_space<hbm>>
    %dma_start3A_839 = tpu.memref_squeeze %dma_start3A_838 : memref<1x16x1024xf32, #tpu.memory_space<hbm>> -> memref<16x1024xf32, #tpu.memory_space<hbm>>
    tpu.enqueue_dma source(%arg8 : memref<16x1024xf32, #tpu.memory_space<vmem>>) target(%dma_start3A_839 : memref<16x1024xf32, #tpu.memory_space<hbm>>) target_semaphore(%arg18 : memref<!tpu.dma_semaphore, #tpu.memory_space<semaphore_mem>>)
    %dma_wait3A_840 = arith.constant 0 : i32
    %dma_wait3A_841 = arith.constant 0 : i32
    %dma_wait3A_842 = tpu.memref_slice %arg4[%dma_wait3A_840, %add3A_791, %dma_wait3A_841] : memref<4x4096x1024xf32, #tpu.memory_space<hbm>> -> memref<1x16x1024xf32, #tpu.memory_space<hbm>>
    %dma_wait3A_843 = tpu.memref_squeeze %dma_wait3A_842 : memref<1x16x1024xf32, #tpu.memory_space<hbm>> -> memref<16x1024xf32, #tpu.memory_space<hbm>>
    %dma_wait3A_844 = arith.constant 0 : i32
    %dma_wait3A_845 = tpu.memref_slice %arg4[%dma_wait3A_840, %add3A_791, %dma_wait3A_844] : memref<4x4096x1024xf32, #tpu.memory_space<hbm>> -> memref<1x16x1024xf32, #tpu.memory_space<hbm>>
    %dma_wait3A_846 = tpu.memref_squeeze %dma_wait3A_845 : memref<1x16x1024xf32, #tpu.memory_space<hbm>> -> memref<16x1024xf32, #tpu.memory_space<hbm>>
    tpu.wait_dma2 semaphore(%arg17 : memref<!tpu.dma_semaphore, #tpu.memory_space<semaphore_mem>>) src(%arg7 : memref<16x1024xf32, #tpu.memory_space<vmem>>) dst(%dma_wait3A_846 : memref<16x1024xf32, #tpu.memory_space<hbm>>)
    %add3A_847 = arith.constant 96 : i32
    %add3A_848 = arith.addi %mul3A_2, %add3A_847 : i32
    %dma_start3A_849 = arith.constant 0 : i32
    %dma_start3A_850 = arith.constant 0 : i32
    %dma_start3A_851 = tpu.memref_slice %arg2[%dma_start3A_849, %add3A_848, %dma_start3A_850] : memref<4x4096x1024xf32, #tpu.memory_space<hbm>> -> memref<1x16x1024xf32, #tpu.memory_space<hbm>>
    %dma_start3A_852 = tpu.memref_squeeze %dma_start3A_851 : memref<1x16x1024xf32, #tpu.memory_space<hbm>> -> memref<16x1024xf32, #tpu.memory_space<hbm>>
    %dma_start3A_853 = arith.constant 0 : i32
    %dma_start3A_854 = tpu.memref_slice %arg2[%dma_start3A_849, %add3A_848, %dma_start3A_853] : memref<4x4096x1024xf32, #tpu.memory_space<hbm>> -> memref<1x16x1024xf32, #tpu.memory_space<hbm>>
    %dma_start3A_855 = tpu.memref_squeeze %dma_start3A_854 : memref<1x16x1024xf32, #tpu.memory_space<hbm>> -> memref<16x1024xf32, #tpu.memory_space<hbm>>
    tpu.enqueue_dma source(%dma_start3A_855 : memref<16x1024xf32, #tpu.memory_space<hbm>>) target(%arg7 : memref<16x1024xf32, #tpu.memory_space<vmem>>) target_semaphore(%arg13 : memref<!tpu.dma_semaphore, #tpu.memory_space<semaphore_mem>>)
    %dma_wait3A_856 = arith.constant 2 : i32
    %dma_wait3A_857 = arith.constant 0 : i32
    %dma_wait3A_858 = tpu.memref_slice %arg2[%dma_wait3A_856, %add3A_768, %dma_wait3A_857] : memref<4x4096x1024xf32, #tpu.memory_space<hbm>> -> memref<1x16x1024xf32, #tpu.memory_space<hbm>>
    %dma_wait3A_859 = tpu.memref_squeeze %dma_wait3A_858 : memref<1x16x1024xf32, #tpu.memory_space<hbm>> -> memref<16x1024xf32, #tpu.memory_space<hbm>>
    %dma_wait3A_860 = arith.constant 0 : i32
    %dma_wait3A_861 = tpu.memref_slice %arg2[%dma_wait3A_856, %add3A_768, %dma_wait3A_860] : memref<4x4096x1024xf32, #tpu.memory_space<hbm>> -> memref<1x16x1024xf32, #tpu.memory_space<hbm>>
    %dma_wait3A_862 = tpu.memref_squeeze %dma_wait3A_861 : memref<1x16x1024xf32, #tpu.memory_space<hbm>> -> memref<16x1024xf32, #tpu.memory_space<hbm>>
    tpu.wait_dma2 semaphore(%arg15 : memref<!tpu.dma_semaphore, #tpu.memory_space<semaphore_mem>>) src(%dma_wait3A_862 : memref<16x1024xf32, #tpu.memory_space<hbm>>) dst(%arg9 : memref<16x1024xf32, #tpu.memory_space<vmem>>)
    %parallel_loop3A_863 = arith.constant 0 : i32
    %parallel_loop3A_864 = arith.constant 1024 : i32
    %parallel_loop3A_865 = arith.constant 1 : i32
    scf.for %parallel_loop3A_1200 = %parallel_loop3A_863 to %parallel_loop3A_864 step %parallel_loop3A_865  : i32 {
      %parallel_loop3A_1201 = arith.constant 64 : i32
      %parallel_loop3A_1202 = arith.divsi %parallel_loop3A_1200, %parallel_loop3A_1201 : i32
      %parallel_loop3A_1203 = arith.constant 0 : i32
      %parallel_loop3A_1204 = arith.cmpi sgt, %parallel_loop3A_1200, %parallel_loop3A_1203 : i32
      %parallel_loop3A_1205 = arith.extui %parallel_loop3A_1204 : i1 to i32
      %parallel_loop3A_1206 = arith.constant 0 : i32
      %parallel_loop3A_1207 = arith.cmpi slt, %parallel_loop3A_1200, %parallel_loop3A_1206 : i32
      %parallel_loop3A_1208 = arith.extui %parallel_loop3A_1207 : i1 to i32
      %parallel_loop3A_1209 = arith.subi %parallel_loop3A_1205, %parallel_loop3A_1208 : i32
      %parallel_loop3A_1210 = arith.constant 0 : i32
      %parallel_loop3A_1211 = arith.cmpi sgt, %parallel_loop3A_1201, %parallel_loop3A_1210 : i32
      %parallel_loop3A_1212 = arith.extui %parallel_loop3A_1211 : i1 to i32
      %parallel_loop3A_1213 = arith.constant 0 : i32
      %parallel_loop3A_1214 = arith.cmpi slt, %parallel_loop3A_1201, %parallel_loop3A_1213 : i32
      %parallel_loop3A_1215 = arith.extui %parallel_loop3A_1214 : i1 to i32
      %parallel_loop3A_1216 = arith.subi %parallel_loop3A_1212, %parallel_loop3A_1215 : i32
      %parallel_loop3A_1217 = arith.cmpi ne, %parallel_loop3A_1209, %parallel_loop3A_1216 : i32
      %parallel_loop3A_1218 = arith.remsi %parallel_loop3A_1200, %parallel_loop3A_1201 : i32
      %parallel_loop3A_1219 = arith.constant 0 : i32
      %parallel_loop3A_1220 = arith.cmpi ne, %parallel_loop3A_1218, %parallel_loop3A_1219 : i32
      %parallel_loop3A_1221 = arith.andi %parallel_loop3A_1217, %parallel_loop3A_1220 : i1
      %parallel_loop3A_1222 = arith.constant 1 : i32
      %parallel_loop3A_1223 = arith.subi %parallel_loop3A_1202, %parallel_loop3A_1222 : i32
      %parallel_loop3A_1224 = arith.select %parallel_loop3A_1221, %parallel_loop3A_1223, %parallel_loop3A_1202 : i32
      %parallel_loop3A_1225 = arith.constant 64 : i32
      %parallel_loop3A_1226 = arith.constant 0 : i32
      %parallel_loop3A_1227 = arith.cmpi eq, %parallel_loop3A_1225, %parallel_loop3A_1226 : i32
      %parallel_loop3A_1228 = arith.constant 1 : i32
      %parallel_loop3A_1229 = arith.select %parallel_loop3A_1227, %parallel_loop3A_1228, %parallel_loop3A_1225 : i32
      %parallel_loop3A_1230 = arith.remsi %parallel_loop3A_1200, %parallel_loop3A_1229 : i32
      %parallel_loop3A_1231 = arith.constant 0 : i32
      %parallel_loop3A_1232 = arith.cmpi ne, %parallel_loop3A_1230, %parallel_loop3A_1231 : i32
      %parallel_loop3A_1233 = arith.constant 0 : i32
      %parallel_loop3A_1234 = arith.cmpi slt, %parallel_loop3A_1230, %parallel_loop3A_1233 : i32
      %parallel_loop3A_1235 = arith.constant 0 : i32
      %parallel_loop3A_1236 = arith.cmpi slt, %parallel_loop3A_1229, %parallel_loop3A_1235 : i32
      %parallel_loop3A_1237 = arith.xori %parallel_loop3A_1234, %parallel_loop3A_1236 : i1
      %parallel_loop3A_1238 = arith.andi %parallel_loop3A_1237, %parallel_loop3A_1232 : i1
      %parallel_loop3A_1239 = arith.addi %parallel_loop3A_1230, %parallel_loop3A_1229 : i32
      %parallel_loop3A_1240 = arith.select %parallel_loop3A_1238, %parallel_loop3A_1239, %parallel_loop3A_1230 : i32
      %parallel_loop3A_1241 = arith.constant 16 : i32
      %parallel_loop3A_1242 = arith.muli %parallel_loop3A_1240, %parallel_loop3A_1241 : i32
      %parallel_loop3A_1243 = arith.index_cast %parallel_loop3A_1224 : i32 to index
      %parallel_loop3A_1244 = arith.index_cast %parallel_loop3A_1242 : i32 to index
      %parallel_loop3A_1245 = tpu.vector_load %arg9[%parallel_loop3A_1243, %parallel_loop3A_1244] {strides = array<i32>} : memref<16x1024xf32, #tpu.memory_space<vmem>>, vector<1x16xf32>,
      %parallel_loop3A_1246 = vector.shape_cast %parallel_loop3A_1245 : vector<1x16xf32> to vector<16xf32>
      %parallel_loop3A_1247 = arith.index_cast %parallel_loop3A_1224 : i32 to index
      %parallel_loop3A_1248 = arith.index_cast %parallel_loop3A_1242 : i32 to index
      %parallel_loop3A_1249 = tpu.vector_load %arg6[%parallel_loop3A_1247, %parallel_loop3A_1248] {strides = array<i32>} : memref<16x1024xf32, #tpu.memory_space<vmem>>, vector<1x16xf32>,
      %parallel_loop3A_1250 = vector.shape_cast %parallel_loop3A_1249 : vector<1x16xf32> to vector<16xf32>
      %parallel_loop3A_1251 = arith.addf %parallel_loop3A_1246, %parallel_loop3A_1250 : vector<16xf32>
      %parallel_loop3A_1252 = arith.index_cast %parallel_loop3A_1224 : i32 to index
      %parallel_loop3A_1253 = arith.index_cast %parallel_loop3A_1242 : i32 to index
      %parallel_loop3A_1254 = tpu.vector_load %arg9[%parallel_loop3A_1252, %parallel_loop3A_1253] {strides = array<i32>} : memref<16x1024xf32, #tpu.memory_space<vmem>>, vector<1x16xf32>,
      %parallel_loop3A_1255 = vector.shape_cast %parallel_loop3A_1254 : vector<1x16xf32> to vector<16xf32>
      %parallel_loop3A_1256 = vector.shape_cast %parallel_loop3A_1251 : vector<16xf32> to vector<1x16xf32>
      tpu.vector_store %arg9[%parallel_loop3A_1252, %parallel_loop3A_1253], %parallel_loop3A_1256 {strides = array<i32>} : memref<16x1024xf32, #tpu.memory_space<vmem>>, vector<1x16xf32>,
    } {sc.loop_unroll_factor = 8 : i64, sc.parallel_access}
    %add3A_866 = arith.constant 80 : i32
    %add3A_867 = arith.addi %mul3A_2, %add3A_866 : i32
    %dma_start3A_868 = arith.constant 2 : i32
    %dma_start3A_869 = arith.constant 0 : i32
    %dma_start3A_870 = tpu.memref_slice %arg4[%dma_start3A_868, %add3A_867, %dma_start3A_869] : memref<4x4096x1024xf32, #tpu.memory_space<hbm>> -> memref<1x16x1024xf32, #tpu.memory_space<hbm>>
    %dma_start3A_871 = tpu.memref_squeeze %dma_start3A_870 : memref<1x16x1024xf32, #tpu.memory_space<hbm>> -> memref<16x1024xf32, #tpu.memory_space<hbm>>
    %dma_start3A_872 = arith.constant 0 : i32
    %dma_start3A_873 = tpu.memref_slice %arg4[%dma_start3A_868, %add3A_867, %dma_start3A_872] : memref<4x4096x1024xf32, #tpu.memory_space<hbm>> -> memref<1x16x1024xf32, #tpu.memory_space<hbm>>
    %dma_start3A_874 = tpu.memref_squeeze %dma_start3A_873 : memref<1x16x1024xf32, #tpu.memory_space<hbm>> -> memref<16x1024xf32, #tpu.memory_space<hbm>>
    tpu.enqueue_dma source(%arg9 : memref<16x1024xf32, #tpu.memory_space<vmem>>) target(%dma_start3A_874 : memref<16x1024xf32, #tpu.memory_space<hbm>>) target_semaphore(%arg19 : memref<!tpu.dma_semaphore, #tpu.memory_space<semaphore_mem>>)
    %dma_wait3A_875 = arith.constant 1 : i32
    %dma_wait3A_876 = arith.constant 0 : i32
    %dma_wait3A_877 = tpu.memref_slice %arg4[%dma_wait3A_875, %add3A_832, %dma_wait3A_876] : memref<4x4096x1024xf32, #tpu.memory_space<hbm>> -> memref<1x16x1024xf32, #tpu.memory_space<hbm>>
    %dma_wait3A_878 = tpu.memref_squeeze %dma_wait3A_877 : memref<1x16x1024xf32, #tpu.memory_space<hbm>> -> memref<16x1024xf32, #tpu.memory_space<hbm>>
    %dma_wait3A_879 = arith.constant 0 : i32
    %dma_wait3A_880 = tpu.memref_slice %arg4[%dma_wait3A_875, %add3A_832, %dma_wait3A_879] : memref<4x4096x1024xf32, #tpu.memory_space<hbm>> -> memref<1x16x1024xf32, #tpu.memory_space<hbm>>
    %dma_wait3A_881 = tpu.memref_squeeze %dma_wait3A_880 : memref<1x16x1024xf32, #tpu.memory_space<hbm>> -> memref<16x1024xf32, #tpu.memory_space<hbm>>
    tpu.wait_dma2 semaphore(%arg18 : memref<!tpu.dma_semaphore, #tpu.memory_space<semaphore_mem>>) src(%arg8 : memref<16x1024xf32, #tpu.memory_space<vmem>>) dst(%dma_wait3A_881 : memref<16x1024xf32, #tpu.memory_space<hbm>>)
    %add3A_882 = arith.constant 96 : i32
    %add3A_883 = arith.addi %mul3A_2, %add3A_882 : i32
    %dma_start3A_884 = arith.constant 1 : i32
    %dma_start3A_885 = arith.constant 0 : i32
    %dma_start3A_886 = tpu.memref_slice %arg2[%dma_start3A_884, %add3A_883, %dma_start3A_885] : memref<4x4096x1024xf32, #tpu.memory_space<hbm>> -> memref<1x16x1024xf32, #tpu.memory_space<hbm>>
    %dma_start3A_887 = tpu.memref_squeeze %dma_start3A_886 : memref<1x16x1024xf32, #tpu.memory_space<hbm>> -> memref<16x1024xf32, #tpu.memory_space<hbm>>
    %dma_start3A_888 = arith.constant 0 : i32
    %dma_start3A_889 = tpu.memref_slice %arg2[%dma_start3A_884, %add3A_883, %dma_start3A_888] : memref<4x4096x1024xf32, #tpu.memory_space<hbm>> -> memref<1x16x1024xf32, #tpu.memory_space<hbm>>
    %dma_start3A_890 = tpu.memref_squeeze %dma_start3A_889 : memref<1x16x1024xf32, #tpu.memory_space<hbm>> -> memref<16x1024xf32, #tpu.memory_space<hbm>>
    tpu.enqueue_dma source(%dma_start3A_890 : memref<16x1024xf32, #tpu.memory_space<hbm>>) target(%arg8 : memref<16x1024xf32, #tpu.memory_space<vmem>>) target_semaphore(%arg14 : memref<!tpu.dma_semaphore, #tpu.memory_space<semaphore_mem>>)
    %dma_wait3A_891 = arith.constant 3 : i32
    %dma_wait3A_892 = arith.constant 0 : i32
    %dma_wait3A_893 = tpu.memref_slice %arg2[%dma_wait3A_891, %add3A_813, %dma_wait3A_892] : memref<4x4096x1024xf32, #tpu.memory_space<hbm>> -> memref<1x16x1024xf32, #tpu.memory_space<hbm>>
    %dma_wait3A_894 = tpu.memref_squeeze %dma_wait3A_893 : memref<1x16x1024xf32, #tpu.memory_space<hbm>> -> memref<16x1024xf32, #tpu.memory_space<hbm>>
    %dma_wait3A_895 = arith.constant 0 : i32
    %dma_wait3A_896 = tpu.memref_slice %arg2[%dma_wait3A_891, %add3A_813, %dma_wait3A_895] : memref<4x4096x1024xf32, #tpu.memory_space<hbm>> -> memref<1x16x1024xf32, #tpu.memory_space<hbm>>
    %dma_wait3A_897 = tpu.memref_squeeze %dma_wait3A_896 : memref<1x16x1024xf32, #tpu.memory_space<hbm>> -> memref<16x1024xf32, #tpu.memory_space<hbm>>
    tpu.wait_dma2 semaphore(%arg16 : memref<!tpu.dma_semaphore, #tpu.memory_space<semaphore_mem>>) src(%dma_wait3A_897 : memref<16x1024xf32, #tpu.memory_space<hbm>>) dst(%arg10 : memref<16x1024xf32, #tpu.memory_space<vmem>>)
    %parallel_loop3A_898 = arith.constant 0 : i32
    %parallel_loop3A_899 = arith.constant 1024 : i32
    %parallel_loop3A_900 = arith.constant 1 : i32
    scf.for %parallel_loop3A_1200 = %parallel_loop3A_898 to %parallel_loop3A_899 step %parallel_loop3A_900  : i32 {
      %parallel_loop3A_1201 = arith.constant 64 : i32
      %parallel_loop3A_1202 = arith.divsi %parallel_loop3A_1200, %parallel_loop3A_1201 : i32
      %parallel_loop3A_1203 = arith.constant 0 : i32
      %parallel_loop3A_1204 = arith.cmpi sgt, %parallel_loop3A_1200, %parallel_loop3A_1203 : i32
      %parallel_loop3A_1205 = arith.extui %parallel_loop3A_1204 : i1 to i32
      %parallel_loop3A_1206 = arith.constant 0 : i32
      %parallel_loop3A_1207 = arith.cmpi slt, %parallel_loop3A_1200, %parallel_loop3A_1206 : i32
      %parallel_loop3A_1208 = arith.extui %parallel_loop3A_1207 : i1 to i32
      %parallel_loop3A_1209 = arith.subi %parallel_loop3A_1205, %parallel_loop3A_1208 : i32
      %parallel_loop3A_1210 = arith.constant 0 : i32
      %parallel_loop3A_1211 = arith.cmpi sgt, %parallel_loop3A_1201, %parallel_loop3A_1210 : i32
      %parallel_loop3A_1212 = arith.extui %parallel_loop3A_1211 : i1 to i32
      %parallel_loop3A_1213 = arith.constant 0 : i32
      %parallel_loop3A_1214 = arith.cmpi slt, %parallel_loop3A_1201, %parallel_loop3A_1213 : i32
      %parallel_loop3A_1215 = arith.extui %parallel_loop3A_1214 : i1 to i32
      %parallel_loop3A_1216 = arith.subi %parallel_loop3A_1212, %parallel_loop3A_1215 : i32
      %parallel_loop3A_1217 = arith.cmpi ne, %parallel_loop3A_1209, %parallel_loop3A_1216 : i32
      %parallel_loop3A_1218 = arith.remsi %parallel_loop3A_1200, %parallel_loop3A_1201 : i32
      %parallel_loop3A_1219 = arith.constant 0 : i32
      %parallel_loop3A_1220 = arith.cmpi ne, %parallel_loop3A_1218, %parallel_loop3A_1219 : i32
      %parallel_loop3A_1221 = arith.andi %parallel_loop3A_1217, %parallel_loop3A_1220 : i1
      %parallel_loop3A_1222 = arith.constant 1 : i32
      %parallel_loop3A_1223 = arith.subi %parallel_loop3A_1202, %parallel_loop3A_1222 : i32
      %parallel_loop3A_1224 = arith.select %parallel_loop3A_1221, %parallel_loop3A_1223, %parallel_loop3A_1202 : i32
      %parallel_loop3A_1225 = arith.constant 64 : i32
      %parallel_loop3A_1226 = arith.constant 0 : i32
      %parallel_loop3A_1227 = arith.cmpi eq, %parallel_loop3A_1225, %parallel_loop3A_1226 : i32
      %parallel_loop3A_1228 = arith.constant 1 : i32
      %parallel_loop3A_1229 = arith.select %parallel_loop3A_1227, %parallel_loop3A_1228, %parallel_loop3A_1225 : i32
      %parallel_loop3A_1230 = arith.remsi %parallel_loop3A_1200, %parallel_loop3A_1229 : i32
      %parallel_loop3A_1231 = arith.constant 0 : i32
      %parallel_loop3A_1232 = arith.cmpi ne, %parallel_loop3A_1230, %parallel_loop3A_1231 : i32
      %parallel_loop3A_1233 = arith.constant 0 : i32
      %parallel_loop3A_1234 = arith.cmpi slt, %parallel_loop3A_1230, %parallel_loop3A_1233 : i32
      %parallel_loop3A_1235 = arith.constant 0 : i32
      %parallel_loop3A_1236 = arith.cmpi slt, %parallel_loop3A_1229, %parallel_loop3A_1235 : i32
      %parallel_loop3A_1237 = arith.xori %parallel_loop3A_1234, %parallel_loop3A_1236 : i1
      %parallel_loop3A_1238 = arith.andi %parallel_loop3A_1237, %parallel_loop3A_1232 : i1
      %parallel_loop3A_1239 = arith.addi %parallel_loop3A_1230, %parallel_loop3A_1229 : i32
      %parallel_loop3A_1240 = arith.select %parallel_loop3A_1238, %parallel_loop3A_1239, %parallel_loop3A_1230 : i32
      %parallel_loop3A_1241 = arith.constant 16 : i32
      %parallel_loop3A_1242 = arith.muli %parallel_loop3A_1240, %parallel_loop3A_1241 : i32
      %parallel_loop3A_1243 = arith.index_cast %parallel_loop3A_1224 : i32 to index
      %parallel_loop3A_1244 = arith.index_cast %parallel_loop3A_1242 : i32 to index
      %parallel_loop3A_1245 = tpu.vector_load %arg10[%parallel_loop3A_1243, %parallel_loop3A_1244] {strides = array<i32>} : memref<16x1024xf32, #tpu.memory_space<vmem>>, vector<1x16xf32>,
      %parallel_loop3A_1246 = vector.shape_cast %parallel_loop3A_1245 : vector<1x16xf32> to vector<16xf32>
      %parallel_loop3A_1247 = arith.index_cast %parallel_loop3A_1224 : i32 to index
      %parallel_loop3A_1248 = arith.index_cast %parallel_loop3A_1242 : i32 to index
      %parallel_loop3A_1249 = tpu.vector_load %arg6[%parallel_loop3A_1247, %parallel_loop3A_1248] {strides = array<i32>} : memref<16x1024xf32, #tpu.memory_space<vmem>>, vector<1x16xf32>,
      %parallel_loop3A_1250 = vector.shape_cast %parallel_loop3A_1249 : vector<1x16xf32> to vector<16xf32>
      %parallel_loop3A_1251 = arith.addf %parallel_loop3A_1246, %parallel_loop3A_1250 : vector<16xf32>
      %parallel_loop3A_1252 = arith.index_cast %parallel_loop3A_1224 : i32 to index
      %parallel_loop3A_1253 = arith.index_cast %parallel_loop3A_1242 : i32 to index
      %parallel_loop3A_1254 = tpu.vector_load %arg10[%parallel_loop3A_1252, %parallel_loop3A_1253] {strides = array<i32>} : memref<16x1024xf32, #tpu.memory_space<vmem>>, vector<1x16xf32>,
      %parallel_loop3A_1255 = vector.shape_cast %parallel_loop3A_1254 : vector<1x16xf32> to vector<16xf32>
      %parallel_loop3A_1256 = vector.shape_cast %parallel_loop3A_1251 : vector<16xf32> to vector<1x16xf32>
      tpu.vector_store %arg10[%parallel_loop3A_1252, %parallel_loop3A_1253], %parallel_loop3A_1256 {strides = array<i32>} : memref<16x1024xf32, #tpu.memory_space<vmem>>, vector<1x16xf32>,
    } {sc.loop_unroll_factor = 8 : i64, sc.parallel_access}
    %add3A_901 = arith.constant 80 : i32
    %add3A_902 = arith.addi %mul3A_2, %add3A_901 : i32
    %dma_start3A_903 = arith.constant 3 : i32
    %dma_start3A_904 = arith.constant 0 : i32
    %dma_start3A_905 = tpu.memref_slice %arg4[%dma_start3A_903, %add3A_902, %dma_start3A_904] : memref<4x4096x1024xf32, #tpu.memory_space<hbm>> -> memref<1x16x1024xf32, #tpu.memory_space<hbm>>
    %dma_start3A_906 = tpu.memref_squeeze %dma_start3A_905 : memref<1x16x1024xf32, #tpu.memory_space<hbm>> -> memref<16x1024xf32, #tpu.memory_space<hbm>>
    %dma_start3A_907 = arith.constant 0 : i32
    %dma_start3A_908 = tpu.memref_slice %arg4[%dma_start3A_903, %add3A_902, %dma_start3A_907] : memref<4x4096x1024xf32, #tpu.memory_space<hbm>> -> memref<1x16x1024xf32, #tpu.memory_space<hbm>>
    %dma_start3A_909 = tpu.memref_squeeze %dma_start3A_908 : memref<1x16x1024xf32, #tpu.memory_space<hbm>> -> memref<16x1024xf32, #tpu.memory_space<hbm>>
    tpu.enqueue_dma source(%arg10 : memref<16x1024xf32, #tpu.memory_space<vmem>>) target(%dma_start3A_909 : memref<16x1024xf32, #tpu.memory_space<hbm>>) target_semaphore(%arg20 : memref<!tpu.dma_semaphore, #tpu.memory_space<semaphore_mem>>)
    %dma_wait3A_910 = arith.constant 2 : i32
    %dma_wait3A_911 = arith.constant 0 : i32
    %dma_wait3A_912 = tpu.memref_slice %arg4[%dma_wait3A_910, %add3A_867, %dma_wait3A_911] : memref<4x4096x1024xf32, #tpu.memory_space<hbm>> -> memref<1x16x1024xf32, #tpu.memory_space<hbm>>
    %dma_wait3A_913 = tpu.memref_squeeze %dma_wait3A_912 : memref<1x16x1024xf32, #tpu.memory_space<hbm>> -> memref<16x1024xf32, #tpu.memory_space<hbm>>
    %dma_wait3A_914 = arith.constant 0 : i32
    %dma_wait3A_915 = tpu.memref_slice %arg4[%dma_wait3A_910, %add3A_867, %dma_wait3A_914] : memref<4x4096x1024xf32, #tpu.memory_space<hbm>> -> memref<1x16x1024xf32, #tpu.memory_space<hbm>>
    %dma_wait3A_916 = tpu.memref_squeeze %dma_wait3A_915 : memref<1x16x1024xf32, #tpu.memory_space<hbm>> -> memref<16x1024xf32, #tpu.memory_space<hbm>>
    tpu.wait_dma2 semaphore(%arg19 : memref<!tpu.dma_semaphore, #tpu.memory_space<semaphore_mem>>) src(%arg9 : memref<16x1024xf32, #tpu.memory_space<vmem>>) dst(%dma_wait3A_916 : memref<16x1024xf32, #tpu.memory_space<hbm>>)
    %add3A_917 = arith.constant 96 : i32
    %add3A_918 = arith.addi %mul3A_2, %add3A_917 : i32
    %dma_start3A_919 = arith.constant 2 : i32
    %dma_start3A_920 = arith.constant 0 : i32
    %dma_start3A_921 = tpu.memref_slice %arg2[%dma_start3A_919, %add3A_918, %dma_start3A_920] : memref<4x4096x1024xf32, #tpu.memory_space<hbm>> -> memref<1x16x1024xf32, #tpu.memory_space<hbm>>
    %dma_start3A_922 = tpu.memref_squeeze %dma_start3A_921 : memref<1x16x1024xf32, #tpu.memory_space<hbm>> -> memref<16x1024xf32, #tpu.memory_space<hbm>>
    %dma_start3A_923 = arith.constant 0 : i32
    %dma_start3A_924 = tpu.memref_slice %arg2[%dma_start3A_919, %add3A_918, %dma_start3A_923] : memref<4x4096x1024xf32, #tpu.memory_space<hbm>> -> memref<1x16x1024xf32, #tpu.memory_space<hbm>>
    %dma_start3A_925 = tpu.memref_squeeze %dma_start3A_924 : memref<1x16x1024xf32, #tpu.memory_space<hbm>> -> memref<16x1024xf32, #tpu.memory_space<hbm>>
    tpu.enqueue_dma source(%dma_start3A_925 : memref<16x1024xf32, #tpu.memory_space<hbm>>) target(%arg9 : memref<16x1024xf32, #tpu.memory_space<vmem>>) target_semaphore(%arg15 : memref<!tpu.dma_semaphore, #tpu.memory_space<semaphore_mem>>)
    %dma_wait3A_926 = arith.constant 0 : i32
    %dma_wait3A_927 = arith.constant 0 : i32
    %dma_wait3A_928 = tpu.memref_slice %arg2[%dma_wait3A_926, %add3A_848, %dma_wait3A_927] : memref<4x4096x1024xf32, #tpu.memory_space<hbm>> -> memref<1x16x1024xf32, #tpu.memory_space<hbm>>
    %dma_wait3A_929 = tpu.memref_squeeze %dma_wait3A_928 : memref<1x16x1024xf32, #tpu.memory_space<hbm>> -> memref<16x1024xf32, #tpu.memory_space<hbm>>
    %dma_wait3A_930 = arith.constant 0 : i32
    %dma_wait3A_931 = tpu.memref_slice %arg2[%dma_wait3A_926, %add3A_848, %dma_wait3A_930] : memref<4x4096x1024xf32, #tpu.memory_space<hbm>> -> memref<1x16x1024xf32, #tpu.memory_space<hbm>>
    %dma_wait3A_932 = tpu.memref_squeeze %dma_wait3A_931 : memref<1x16x1024xf32, #tpu.memory_space<hbm>> -> memref<16x1024xf32, #tpu.memory_space<hbm>>
    tpu.wait_dma2 semaphore(%arg13 : memref<!tpu.dma_semaphore, #tpu.memory_space<semaphore_mem>>) src(%dma_wait3A_932 : memref<16x1024xf32, #tpu.memory_space<hbm>>) dst(%arg7 : memref<16x1024xf32, #tpu.memory_space<vmem>>)
    %dma_wait3A_933 = arith.constant 0 : i32
    %dma_wait3A_934 = tpu.memref_slice %arg3[%add3A_800, %dma_wait3A_933] : memref<8192x1024xf32, #tpu.memory_space<hbm>> -> memref<16x1024xf32, #tpu.memory_space<hbm>>
    %dma_wait3A_935 = arith.constant 0 : i32
    %dma_wait3A_936 = tpu.memref_slice %arg3[%add3A_800, %dma_wait3A_935] : memref<8192x1024xf32, #tpu.memory_space<hbm>> -> memref<16x1024xf32, #tpu.memory_space<hbm>>
    tpu.wait_dma2 semaphore(%arg11 : memref<!tpu.dma_semaphore, #tpu.memory_space<semaphore_mem>>) src(%dma_wait3A_936 : memref<16x1024xf32, #tpu.memory_space<hbm>>) dst(%arg5 : memref<16x1024xf32, #tpu.memory_space<vmem>>)
    %parallel_loop3A_937 = arith.constant 0 : i32
    %parallel_loop3A_938 = arith.constant 1024 : i32
    %parallel_loop3A_939 = arith.constant 1 : i32
    scf.for %parallel_loop3A_1200 = %parallel_loop3A_937 to %parallel_loop3A_938 step %parallel_loop3A_939  : i32 {
      %parallel_loop3A_1201 = arith.constant 64 : i32
      %parallel_loop3A_1202 = arith.divsi %parallel_loop3A_1200, %parallel_loop3A_1201 : i32
      %parallel_loop3A_1203 = arith.constant 0 : i32
      %parallel_loop3A_1204 = arith.cmpi sgt, %parallel_loop3A_1200, %parallel_loop3A_1203 : i32
      %parallel_loop3A_1205 = arith.extui %parallel_loop3A_1204 : i1 to i32
      %parallel_loop3A_1206 = arith.constant 0 : i32
      %parallel_loop3A_1207 = arith.cmpi slt, %parallel_loop3A_1200, %parallel_loop3A_1206 : i32
      %parallel_loop3A_1208 = arith.extui %parallel_loop3A_1207 : i1 to i32
      %parallel_loop3A_1209 = arith.subi %parallel_loop3A_1205, %parallel_loop3A_1208 : i32
      %parallel_loop3A_1210 = arith.constant 0 : i32
      %parallel_loop3A_1211 = arith.cmpi sgt, %parallel_loop3A_1201, %parallel_loop3A_1210 : i32
      %parallel_loop3A_1212 = arith.extui %parallel_loop3A_1211 : i1 to i32
      %parallel_loop3A_1213 = arith.constant 0 : i32
      %parallel_loop3A_1214 = arith.cmpi slt, %parallel_loop3A_1201, %parallel_loop3A_1213 : i32
      %parallel_loop3A_1215 = arith.extui %parallel_loop3A_1214 : i1 to i32
      %parallel_loop3A_1216 = arith.subi %parallel_loop3A_1212, %parallel_loop3A_1215 : i32
      %parallel_loop3A_1217 = arith.cmpi ne, %parallel_loop3A_1209, %parallel_loop3A_1216 : i32
      %parallel_loop3A_1218 = arith.remsi %parallel_loop3A_1200, %parallel_loop3A_1201 : i32
      %parallel_loop3A_1219 = arith.constant 0 : i32
      %parallel_loop3A_1220 = arith.cmpi ne, %parallel_loop3A_1218, %parallel_loop3A_1219 : i32
      %parallel_loop3A_1221 = arith.andi %parallel_loop3A_1217, %parallel_loop3A_1220 : i1
      %parallel_loop3A_1222 = arith.constant 1 : i32
      %parallel_loop3A_1223 = arith.subi %parallel_loop3A_1202, %parallel_loop3A_1222 : i32
      %parallel_loop3A_1224 = arith.select %parallel_loop3A_1221, %parallel_loop3A_1223, %parallel_loop3A_1202 : i32
      %parallel_loop3A_1225 = arith.constant 64 : i32
      %parallel_loop3A_1226 = arith.constant 0 : i32
      %parallel_loop3A_1227 = arith.cmpi eq, %parallel_loop3A_1225, %parallel_loop3A_1226 : i32
      %parallel_loop3A_1228 = arith.constant 1 : i32
      %parallel_loop3A_1229 = arith.select %parallel_loop3A_1227, %parallel_loop3A_1228, %parallel_loop3A_1225 : i32
      %parallel_loop3A_1230 = arith.remsi %parallel_loop3A_1200, %parallel_loop3A_1229 : i32
      %parallel_loop3A_1231 = arith.constant 0 : i32
      %parallel_loop3A_1232 = arith.cmpi ne, %parallel_loop3A_1230, %parallel_loop3A_1231 : i32
      %parallel_loop3A_1233 = arith.constant 0 : i32
      %parallel_loop3A_1234 = arith.cmpi slt, %parallel_loop3A_1230, %parallel_loop3A_1233 : i32
      %parallel_loop3A_1235 = arith.constant 0 : i32
      %parallel_loop3A_1236 = arith.cmpi slt, %parallel_loop3A_1229, %parallel_loop3A_1235 : i32
      %parallel_loop3A_1237 = arith.xori %parallel_loop3A_1234, %parallel_loop3A_1236 : i1
      %parallel_loop3A_1238 = arith.andi %parallel_loop3A_1237, %parallel_loop3A_1232 : i1
      %parallel_loop3A_1239 = arith.addi %parallel_loop3A_1230, %parallel_loop3A_1229 : i32
      %parallel_loop3A_1240 = arith.select %parallel_loop3A_1238, %parallel_loop3A_1239, %parallel_loop3A_1230 : i32
      %parallel_loop3A_1241 = arith.constant 16 : i32
      %parallel_loop3A_1242 = arith.muli %parallel_loop3A_1240, %parallel_loop3A_1241 : i32
      %parallel_loop3A_1243 = arith.index_cast %parallel_loop3A_1224 : i32 to index
      %parallel_loop3A_1244 = arith.index_cast %parallel_loop3A_1242 : i32 to index
      %parallel_loop3A_1245 = tpu.vector_load %arg7[%parallel_loop3A_1243, %parallel_loop3A_1244] {strides = array<i32>} : memref<16x1024xf32, #tpu.memory_space<vmem>>, vector<1x16xf32>,
      %parallel_loop3A_1246 = vector.shape_cast %parallel_loop3A_1245 : vector<1x16xf32> to vector<16xf32>
      %parallel_loop3A_1247 = arith.index_cast %parallel_loop3A_1224 : i32 to index
      %parallel_loop3A_1248 = arith.index_cast %parallel_loop3A_1242 : i32 to index
      %parallel_loop3A_1249 = tpu.vector_load %arg5[%parallel_loop3A_1247, %parallel_loop3A_1248] {strides = array<i32>} : memref<16x1024xf32, #tpu.memory_space<vmem>>, vector<1x16xf32>,
      %parallel_loop3A_1250 = vector.shape_cast %parallel_loop3A_1249 : vector<1x16xf32> to vector<16xf32>
      %parallel_loop3A_1251 = arith.addf %parallel_loop3A_1246, %parallel_loop3A_1250 : vector<16xf32>
      %parallel_loop3A_1252 = arith.index_cast %parallel_loop3A_1224 : i32 to index
      %parallel_loop3A_1253 = arith.index_cast %parallel_loop3A_1242 : i32 to index
      %parallel_loop3A_1254 = tpu.vector_load %arg7[%parallel_loop3A_1252, %parallel_loop3A_1253] {strides = array<i32>} : memref<16x1024xf32, #tpu.memory_space<vmem>>, vector<1x16xf32>,
      %parallel_loop3A_1255 = vector.shape_cast %parallel_loop3A_1254 : vector<1x16xf32> to vector<16xf32>
      %parallel_loop3A_1256 = vector.shape_cast %parallel_loop3A_1251 : vector<16xf32> to vector<1x16xf32>
      tpu.vector_store %arg7[%parallel_loop3A_1252, %parallel_loop3A_1253], %parallel_loop3A_1256 {strides = array<i32>} : memref<16x1024xf32, #tpu.memory_space<vmem>>, vector<1x16xf32>,
    } {sc.loop_unroll_factor = 8 : i64, sc.parallel_access}
    %add3A_940 = arith.constant 96 : i32
    %add3A_941 = arith.addi %mul3A_2, %add3A_940 : i32
    %dma_start3A_942 = arith.constant 0 : i32
    %dma_start3A_943 = arith.constant 0 : i32
    %dma_start3A_944 = tpu.memref_slice %arg4[%dma_start3A_942, %add3A_941, %dma_start3A_943] : memref<4x4096x1024xf32, #tpu.memory_space<hbm>> -> memref<1x16x1024xf32, #tpu.memory_space<hbm>>
    %dma_start3A_945 = tpu.memref_squeeze %dma_start3A_944 : memref<1x16x1024xf32, #tpu.memory_space<hbm>> -> memref<16x1024xf32, #tpu.memory_space<hbm>>
    %dma_start3A_946 = arith.constant 0 : i32
    %dma_start3A_947 = tpu.memref_slice %arg4[%dma_start3A_942, %add3A_941, %dma_start3A_946] : memref<4x4096x1024xf32, #tpu.memory_space<hbm>> -> memref<1x16x1024xf32, #tpu.memory_space<hbm>>
    %dma_start3A_948 = tpu.memref_squeeze %dma_start3A_947 : memref<1x16x1024xf32, #tpu.memory_space<hbm>> -> memref<16x1024xf32, #tpu.memory_space<hbm>>
    tpu.enqueue_dma source(%arg7 : memref<16x1024xf32, #tpu.memory_space<vmem>>) target(%dma_start3A_948 : memref<16x1024xf32, #tpu.memory_space<hbm>>) target_semaphore(%arg17 : memref<!tpu.dma_semaphore, #tpu.memory_space<semaphore_mem>>)
    %add3A_949 = arith.constant 112 : i32
    %add3A_950 = arith.addi %mul3A_2, %add3A_949 : i32
    %dma_start3A_951 = arith.constant 0 : i32
    %dma_start3A_952 = tpu.memref_slice %arg3[%add3A_950, %dma_start3A_951] : memref<8192x1024xf32, #tpu.memory_space<hbm>> -> memref<16x1024xf32, #tpu.memory_space<hbm>>
    %dma_start3A_953 = arith.constant 0 : i32
    %dma_start3A_954 = tpu.memref_slice %arg3[%add3A_950, %dma_start3A_953] : memref<8192x1024xf32, #tpu.memory_space<hbm>> -> memref<16x1024xf32, #tpu.memory_space<hbm>>
    tpu.enqueue_dma source(%dma_start3A_954 : memref<16x1024xf32, #tpu.memory_space<hbm>>) target(%arg6 : memref<16x1024xf32, #tpu.memory_space<vmem>>) target_semaphore(%arg12 : memref<!tpu.dma_semaphore, #tpu.memory_space<semaphore_mem>>)
    %dma_wait3A_955 = arith.constant 3 : i32
    %dma_wait3A_956 = arith.constant 0 : i32
    %dma_wait3A_957 = tpu.memref_slice %arg4[%dma_wait3A_955, %add3A_902, %dma_wait3A_956] : memref<4x4096x1024xf32, #tpu.memory_space<hbm>> -> memref<1x16x1024xf32, #tpu.memory_space<hbm>>
    %dma_wait3A_958 = tpu.memref_squeeze %dma_wait3A_957 : memref<1x16x1024xf32, #tpu.memory_space<hbm>> -> memref<16x1024xf32, #tpu.memory_space<hbm>>
    %dma_wait3A_959 = arith.constant 0 : i32
    %dma_wait3A_960 = tpu.memref_slice %arg4[%dma_wait3A_955, %add3A_902, %dma_wait3A_959] : memref<4x4096x1024xf32, #tpu.memory_space<hbm>> -> memref<1x16x1024xf32, #tpu.memory_space<hbm>>
    %dma_wait3A_961 = tpu.memref_squeeze %dma_wait3A_960 : memref<1x16x1024xf32, #tpu.memory_space<hbm>> -> memref<16x1024xf32, #tpu.memory_space<hbm>>
    tpu.wait_dma2 semaphore(%arg20 : memref<!tpu.dma_semaphore, #tpu.memory_space<semaphore_mem>>) src(%arg10 : memref<16x1024xf32, #tpu.memory_space<vmem>>) dst(%dma_wait3A_961 : memref<16x1024xf32, #tpu.memory_space<hbm>>)
    %add3A_962 = arith.constant 96 : i32
    %add3A_963 = arith.addi %mul3A_2, %add3A_962 : i32
    %dma_start3A_964 = arith.constant 3 : i32
    %dma_start3A_965 = arith.constant 0 : i32
    %dma_start3A_966 = tpu.memref_slice %arg2[%dma_start3A_964, %add3A_963, %dma_start3A_965] : memref<4x4096x1024xf32, #tpu.memory_space<hbm>> -> memref<1x16x1024xf32, #tpu.memory_space<hbm>>
    %dma_start3A_967 = tpu.memref_squeeze %dma_start3A_966 : memref<1x16x1024xf32, #tpu.memory_space<hbm>> -> memref<16x1024xf32, #tpu.memory_space<hbm>>
    %dma_start3A_968 = arith.constant 0 : i32
    %dma_start3A_969 = tpu.memref_slice %arg2[%dma_start3A_964, %add3A_963, %dma_start3A_968] : memref<4x4096x1024xf32, #tpu.memory_space<hbm>> -> memref<1x16x1024xf32, #tpu.memory_space<hbm>>
    %dma_start3A_970 = tpu.memref_squeeze %dma_start3A_969 : memref<1x16x1024xf32, #tpu.memory_space<hbm>> -> memref<16x1024xf32, #tpu.memory_space<hbm>>
    tpu.enqueue_dma source(%dma_start3A_970 : memref<16x1024xf32, #tpu.memory_space<hbm>>) target(%arg10 : memref<16x1024xf32, #tpu.memory_space<vmem>>) target_semaphore(%arg16 : memref<!tpu.dma_semaphore, #tpu.memory_space<semaphore_mem>>)
    %dma_wait3A_971 = arith.constant 1 : i32
    %dma_wait3A_972 = arith.constant 0 : i32
    %dma_wait3A_973 = tpu.memref_slice %arg2[%dma_wait3A_971, %add3A_883, %dma_wait3A_972] : memref<4x4096x1024xf32, #tpu.memory_space<hbm>> -> memref<1x16x1024xf32, #tpu.memory_space<hbm>>
    %dma_wait3A_974 = tpu.memref_squeeze %dma_wait3A_973 : memref<1x16x1024xf32, #tpu.memory_space<hbm>> -> memref<16x1024xf32, #tpu.memory_space<hbm>>
    %dma_wait3A_975 = arith.constant 0 : i32
    %dma_wait3A_976 = tpu.memref_slice %arg2[%dma_wait3A_971, %add3A_883, %dma_wait3A_975] : memref<4x4096x1024xf32, #tpu.memory_space<hbm>> -> memref<1x16x1024xf32, #tpu.memory_space<hbm>>
    %dma_wait3A_977 = tpu.memref_squeeze %dma_wait3A_976 : memref<1x16x1024xf32, #tpu.memory_space<hbm>> -> memref<16x1024xf32, #tpu.memory_space<hbm>>
    tpu.wait_dma2 semaphore(%arg14 : memref<!tpu.dma_semaphore, #tpu.memory_space<semaphore_mem>>) src(%dma_wait3A_977 : memref<16x1024xf32, #tpu.memory_space<hbm>>) dst(%arg8 : memref<16x1024xf32, #tpu.memory_space<vmem>>)
    %parallel_loop3A_978 = arith.constant 0 : i32
    %parallel_loop3A_979 = arith.constant 1024 : i32
    %parallel_loop3A_980 = arith.constant 1 : i32
    scf.for %parallel_loop3A_1200 = %parallel_loop3A_978 to %parallel_loop3A_979 step %parallel_loop3A_980  : i32 {
      %parallel_loop3A_1201 = arith.constant 64 : i32
      %parallel_loop3A_1202 = arith.divsi %parallel_loop3A_1200, %parallel_loop3A_1201 : i32
      %parallel_loop3A_1203 = arith.constant 0 : i32
      %parallel_loop3A_1204 = arith.cmpi sgt, %parallel_loop3A_1200, %parallel_loop3A_1203 : i32
      %parallel_loop3A_1205 = arith.extui %parallel_loop3A_1204 : i1 to i32
      %parallel_loop3A_1206 = arith.constant 0 : i32
      %parallel_loop3A_1207 = arith.cmpi slt, %parallel_loop3A_1200, %parallel_loop3A_1206 : i32
      %parallel_loop3A_1208 = arith.extui %parallel_loop3A_1207 : i1 to i32
      %parallel_loop3A_1209 = arith.subi %parallel_loop3A_1205, %parallel_loop3A_1208 : i32
      %parallel_loop3A_1210 = arith.constant 0 : i32
      %parallel_loop3A_1211 = arith.cmpi sgt, %parallel_loop3A_1201, %parallel_loop3A_1210 : i32
      %parallel_loop3A_1212 = arith.extui %parallel_loop3A_1211 : i1 to i32
      %parallel_loop3A_1213 = arith.constant 0 : i32
      %parallel_loop3A_1214 = arith.cmpi slt, %parallel_loop3A_1201, %parallel_loop3A_1213 : i32
      %parallel_loop3A_1215 = arith.extui %parallel_loop3A_1214 : i1 to i32
      %parallel_loop3A_1216 = arith.subi %parallel_loop3A_1212, %parallel_loop3A_1215 : i32
      %parallel_loop3A_1217 = arith.cmpi ne, %parallel_loop3A_1209, %parallel_loop3A_1216 : i32
      %parallel_loop3A_1218 = arith.remsi %parallel_loop3A_1200, %parallel_loop3A_1201 : i32
      %parallel_loop3A_1219 = arith.constant 0 : i32
      %parallel_loop3A_1220 = arith.cmpi ne, %parallel_loop3A_1218, %parallel_loop3A_1219 : i32
      %parallel_loop3A_1221 = arith.andi %parallel_loop3A_1217, %parallel_loop3A_1220 : i1
      %parallel_loop3A_1222 = arith.constant 1 : i32
      %parallel_loop3A_1223 = arith.subi %parallel_loop3A_1202, %parallel_loop3A_1222 : i32
      %parallel_loop3A_1224 = arith.select %parallel_loop3A_1221, %parallel_loop3A_1223, %parallel_loop3A_1202 : i32
      %parallel_loop3A_1225 = arith.constant 64 : i32
      %parallel_loop3A_1226 = arith.constant 0 : i32
      %parallel_loop3A_1227 = arith.cmpi eq, %parallel_loop3A_1225, %parallel_loop3A_1226 : i32
      %parallel_loop3A_1228 = arith.constant 1 : i32
      %parallel_loop3A_1229 = arith.select %parallel_loop3A_1227, %parallel_loop3A_1228, %parallel_loop3A_1225 : i32
      %parallel_loop3A_1230 = arith.remsi %parallel_loop3A_1200, %parallel_loop3A_1229 : i32
      %parallel_loop3A_1231 = arith.constant 0 : i32
      %parallel_loop3A_1232 = arith.cmpi ne, %parallel_loop3A_1230, %parallel_loop3A_1231 : i32
      %parallel_loop3A_1233 = arith.constant 0 : i32
      %parallel_loop3A_1234 = arith.cmpi slt, %parallel_loop3A_1230, %parallel_loop3A_1233 : i32
      %parallel_loop3A_1235 = arith.constant 0 : i32
      %parallel_loop3A_1236 = arith.cmpi slt, %parallel_loop3A_1229, %parallel_loop3A_1235 : i32
      %parallel_loop3A_1237 = arith.xori %parallel_loop3A_1234, %parallel_loop3A_1236 : i1
      %parallel_loop3A_1238 = arith.andi %parallel_loop3A_1237, %parallel_loop3A_1232 : i1
      %parallel_loop3A_1239 = arith.addi %parallel_loop3A_1230, %parallel_loop3A_1229 : i32
      %parallel_loop3A_1240 = arith.select %parallel_loop3A_1238, %parallel_loop3A_1239, %parallel_loop3A_1230 : i32
      %parallel_loop3A_1241 = arith.constant 16 : i32
      %parallel_loop3A_1242 = arith.muli %parallel_loop3A_1240, %parallel_loop3A_1241 : i32
      %parallel_loop3A_1243 = arith.index_cast %parallel_loop3A_1224 : i32 to index
      %parallel_loop3A_1244 = arith.index_cast %parallel_loop3A_1242 : i32 to index
      %parallel_loop3A_1245 = tpu.vector_load %arg8[%parallel_loop3A_1243, %parallel_loop3A_1244] {strides = array<i32>} : memref<16x1024xf32, #tpu.memory_space<vmem>>, vector<1x16xf32>,
      %parallel_loop3A_1246 = vector.shape_cast %parallel_loop3A_1245 : vector<1x16xf32> to vector<16xf32>
      %parallel_loop3A_1247 = arith.index_cast %parallel_loop3A_1224 : i32 to index
      %parallel_loop3A_1248 = arith.index_cast %parallel_loop3A_1242 : i32 to index
      %parallel_loop3A_1249 = tpu.vector_load %arg5[%parallel_loop3A_1247, %parallel_loop3A_1248] {strides = array<i32>} : memref<16x1024xf32, #tpu.memory_space<vmem>>, vector<1x16xf32>,
      %parallel_loop3A_1250 = vector.shape_cast %parallel_loop3A_1249 : vector<1x16xf32> to vector<16xf32>
      %parallel_loop3A_1251 = arith.addf %parallel_loop3A_1246, %parallel_loop3A_1250 : vector<16xf32>
      %parallel_loop3A_1252 = arith.index_cast %parallel_loop3A_1224 : i32 to index
      %parallel_loop3A_1253 = arith.index_cast %parallel_loop3A_1242 : i32 to index
      %parallel_loop3A_1254 = tpu.vector_load %arg8[%parallel_loop3A_1252, %parallel_loop3A_1253] {strides = array<i32>} : memref<16x1024xf32, #tpu.memory_space<vmem>>, vector<1x16xf32>,
      %parallel_loop3A_1255 = vector.shape_cast %parallel_loop3A_1254 : vector<1x16xf32> to vector<16xf32>
      %parallel_loop3A_1256 = vector.shape_cast %parallel_loop3A_1251 : vector<16xf32> to vector<1x16xf32>
      tpu.vector_store %arg8[%parallel_loop3A_1252, %parallel_loop3A_1253], %parallel_loop3A_1256 {strides = array<i32>} : memref<16x1024xf32, #tpu.memory_space<vmem>>, vector<1x16xf32>,
    } {sc.loop_unroll_factor = 8 : i64, sc.parallel_access}
    %add3A_981 = arith.constant 96 : i32
    %add3A_982 = arith.addi %mul3A_2, %add3A_981 : i32
    %dma_start3A_983 = arith.constant 1 : i32
    %dma_start3A_984 = arith.constant 0 : i32
    %dma_start3A_985 = tpu.memref_slice %arg4[%dma_start3A_983, %add3A_982, %dma_start3A_984] : memref<4x4096x1024xf32, #tpu.memory_space<hbm>> -> memref<1x16x1024xf32, #tpu.memory_space<hbm>>
    %dma_start3A_986 = tpu.memref_squeeze %dma_start3A_985 : memref<1x16x1024xf32, #tpu.memory_space<hbm>> -> memref<16x1024xf32, #tpu.memory_space<hbm>>
    %dma_start3A_987 = arith.constant 0 : i32
    %dma_start3A_988 = tpu.memref_slice %arg4[%dma_start3A_983, %add3A_982, %dma_start3A_987] : memref<4x4096x1024xf32, #tpu.memory_space<hbm>> -> memref<1x16x1024xf32, #tpu.memory_space<hbm>>
    %dma_start3A_989 = tpu.memref_squeeze %dma_start3A_988 : memref<1x16x1024xf32, #tpu.memory_space<hbm>> -> memref<16x1024xf32, #tpu.memory_space<hbm>>
    tpu.enqueue_dma source(%arg8 : memref<16x1024xf32, #tpu.memory_space<vmem>>) target(%dma_start3A_989 : memref<16x1024xf32, #tpu.memory_space<hbm>>) target_semaphore(%arg18 : memref<!tpu.dma_semaphore, #tpu.memory_space<semaphore_mem>>)
    %dma_wait3A_990 = arith.constant 0 : i32
    %dma_wait3A_991 = arith.constant 0 : i32
    %dma_wait3A_992 = tpu.memref_slice %arg4[%dma_wait3A_990, %add3A_941, %dma_wait3A_991] : memref<4x4096x1024xf32, #tpu.memory_space<hbm>> -> memref<1x16x1024xf32, #tpu.memory_space<hbm>>
    %dma_wait3A_993 = tpu.memref_squeeze %dma_wait3A_992 : memref<1x16x1024xf32, #tpu.memory_space<hbm>> -> memref<16x1024xf32, #tpu.memory_space<hbm>>
    %dma_wait3A_994 = arith.constant 0 : i32
    %dma_wait3A_995 = tpu.memref_slice %arg4[%dma_wait3A_990, %add3A_941, %dma_wait3A_994] : memref<4x4096x1024xf32, #tpu.memory_space<hbm>> -> memref<1x16x1024xf32, #tpu.memory_space<hbm>>
    %dma_wait3A_996 = tpu.memref_squeeze %dma_wait3A_995 : memref<1x16x1024xf32, #tpu.memory_space<hbm>> -> memref<16x1024xf32, #tpu.memory_space<hbm>>
    tpu.wait_dma2 semaphore(%arg17 : memref<!tpu.dma_semaphore, #tpu.memory_space<semaphore_mem>>) src(%arg7 : memref<16x1024xf32, #tpu.memory_space<vmem>>) dst(%dma_wait3A_996 : memref<16x1024xf32, #tpu.memory_space<hbm>>)
    %add3A_997 = arith.constant 112 : i32
    %add3A_998 = arith.addi %mul3A_2, %add3A_997 : i32
    %dma_start3A_999 = arith.constant 0 : i32
    %dma_start3A_1000 = arith.constant 0 : i32
    %dma_start3A_1001 = tpu.memref_slice %arg2[%dma_start3A_999, %add3A_998, %dma_start3A_1000] : memref<4x4096x1024xf32, #tpu.memory_space<hbm>> -> memref<1x16x1024xf32, #tpu.memory_space<hbm>>
    %dma_start3A_1002 = tpu.memref_squeeze %dma_start3A_1001 : memref<1x16x1024xf32, #tpu.memory_space<hbm>> -> memref<16x1024xf32, #tpu.memory_space<hbm>>
    %dma_start3A_1003 = arith.constant 0 : i32
    %dma_start3A_1004 = tpu.memref_slice %arg2[%dma_start3A_999, %add3A_998, %dma_start3A_1003] : memref<4x4096x1024xf32, #tpu.memory_space<hbm>> -> memref<1x16x1024xf32, #tpu.memory_space<hbm>>
    %dma_start3A_1005 = tpu.memref_squeeze %dma_start3A_1004 : memref<1x16x1024xf32, #tpu.memory_space<hbm>> -> memref<16x1024xf32, #tpu.memory_space<hbm>>
    tpu.enqueue_dma source(%dma_start3A_1005 : memref<16x1024xf32, #tpu.memory_space<hbm>>) target(%arg7 : memref<16x1024xf32, #tpu.memory_space<vmem>>) target_semaphore(%arg13 : memref<!tpu.dma_semaphore, #tpu.memory_space<semaphore_mem>>)
    %dma_wait3A_1006 = arith.constant 2 : i32
    %dma_wait3A_1007 = arith.constant 0 : i32
    %dma_wait3A_1008 = tpu.memref_slice %arg2[%dma_wait3A_1006, %add3A_918, %dma_wait3A_1007] : memref<4x4096x1024xf32, #tpu.memory_space<hbm>> -> memref<1x16x1024xf32, #tpu.memory_space<hbm>>
    %dma_wait3A_1009 = tpu.memref_squeeze %dma_wait3A_1008 : memref<1x16x1024xf32, #tpu.memory_space<hbm>> -> memref<16x1024xf32, #tpu.memory_space<hbm>>
    %dma_wait3A_1010 = arith.constant 0 : i32
    %dma_wait3A_1011 = tpu.memref_slice %arg2[%dma_wait3A_1006, %add3A_918, %dma_wait3A_1010] : memref<4x4096x1024xf32, #tpu.memory_space<hbm>> -> memref<1x16x1024xf32, #tpu.memory_space<hbm>>
    %dma_wait3A_1012 = tpu.memref_squeeze %dma_wait3A_1011 : memref<1x16x1024xf32, #tpu.memory_space<hbm>> -> memref<16x1024xf32, #tpu.memory_space<hbm>>
    tpu.wait_dma2 semaphore(%arg15 : memref<!tpu.dma_semaphore, #tpu.memory_space<semaphore_mem>>) src(%dma_wait3A_1012 : memref<16x1024xf32, #tpu.memory_space<hbm>>) dst(%arg9 : memref<16x1024xf32, #tpu.memory_space<vmem>>)
    %parallel_loop3A_1013 = arith.constant 0 : i32
    %parallel_loop3A_1014 = arith.constant 1024 : i32
    %parallel_loop3A_1015 = arith.constant 1 : i32
    scf.for %parallel_loop3A_1200 = %parallel_loop3A_1013 to %parallel_loop3A_1014 step %parallel_loop3A_1015  : i32 {
      %parallel_loop3A_1201 = arith.constant 64 : i32
      %parallel_loop3A_1202 = arith.divsi %parallel_loop3A_1200, %parallel_loop3A_1201 : i32
      %parallel_loop3A_1203 = arith.constant 0 : i32
      %parallel_loop3A_1204 = arith.cmpi sgt, %parallel_loop3A_1200, %parallel_loop3A_1203 : i32
      %parallel_loop3A_1205 = arith.extui %parallel_loop3A_1204 : i1 to i32
      %parallel_loop3A_1206 = arith.constant 0 : i32
      %parallel_loop3A_1207 = arith.cmpi slt, %parallel_loop3A_1200, %parallel_loop3A_1206 : i32
      %parallel_loop3A_1208 = arith.extui %parallel_loop3A_1207 : i1 to i32
      %parallel_loop3A_1209 = arith.subi %parallel_loop3A_1205, %parallel_loop3A_1208 : i32
      %parallel_loop3A_1210 = arith.constant 0 : i32
      %parallel_loop3A_1211 = arith.cmpi sgt, %parallel_loop3A_1201, %parallel_loop3A_1210 : i32
      %parallel_loop3A_1212 = arith.extui %parallel_loop3A_1211 : i1 to i32
      %parallel_loop3A_1213 = arith.constant 0 : i32
      %parallel_loop3A_1214 = arith.cmpi slt, %parallel_loop3A_1201, %parallel_loop3A_1213 : i32
      %parallel_loop3A_1215 = arith.extui %parallel_loop3A_1214 : i1 to i32
      %parallel_loop3A_1216 = arith.subi %parallel_loop3A_1212, %parallel_loop3A_1215 : i32
      %parallel_loop3A_1217 = arith.cmpi ne, %parallel_loop3A_1209, %parallel_loop3A_1216 : i32
      %parallel_loop3A_1218 = arith.remsi %parallel_loop3A_1200, %parallel_loop3A_1201 : i32
      %parallel_loop3A_1219 = arith.constant 0 : i32
      %parallel_loop3A_1220 = arith.cmpi ne, %parallel_loop3A_1218, %parallel_loop3A_1219 : i32
      %parallel_loop3A_1221 = arith.andi %parallel_loop3A_1217, %parallel_loop3A_1220 : i1
      %parallel_loop3A_1222 = arith.constant 1 : i32
      %parallel_loop3A_1223 = arith.subi %parallel_loop3A_1202, %parallel_loop3A_1222 : i32
      %parallel_loop3A_1224 = arith.select %parallel_loop3A_1221, %parallel_loop3A_1223, %parallel_loop3A_1202 : i32
      %parallel_loop3A_1225 = arith.constant 64 : i32
      %parallel_loop3A_1226 = arith.constant 0 : i32
      %parallel_loop3A_1227 = arith.cmpi eq, %parallel_loop3A_1225, %parallel_loop3A_1226 : i32
      %parallel_loop3A_1228 = arith.constant 1 : i32
      %parallel_loop3A_1229 = arith.select %parallel_loop3A_1227, %parallel_loop3A_1228, %parallel_loop3A_1225 : i32
      %parallel_loop3A_1230 = arith.remsi %parallel_loop3A_1200, %parallel_loop3A_1229 : i32
      %parallel_loop3A_1231 = arith.constant 0 : i32
      %parallel_loop3A_1232 = arith.cmpi ne, %parallel_loop3A_1230, %parallel_loop3A_1231 : i32
      %parallel_loop3A_1233 = arith.constant 0 : i32
      %parallel_loop3A_1234 = arith.cmpi slt, %parallel_loop3A_1230, %parallel_loop3A_1233 : i32
      %parallel_loop3A_1235 = arith.constant 0 : i32
      %parallel_loop3A_1236 = arith.cmpi slt, %parallel_loop3A_1229, %parallel_loop3A_1235 : i32
      %parallel_loop3A_1237 = arith.xori %parallel_loop3A_1234, %parallel_loop3A_1236 : i1
      %parallel_loop3A_1238 = arith.andi %parallel_loop3A_1237, %parallel_loop3A_1232 : i1
      %parallel_loop3A_1239 = arith.addi %parallel_loop3A_1230, %parallel_loop3A_1229 : i32
      %parallel_loop3A_1240 = arith.select %parallel_loop3A_1238, %parallel_loop3A_1239, %parallel_loop3A_1230 : i32
      %parallel_loop3A_1241 = arith.constant 16 : i32
      %parallel_loop3A_1242 = arith.muli %parallel_loop3A_1240, %parallel_loop3A_1241 : i32
      %parallel_loop3A_1243 = arith.index_cast %parallel_loop3A_1224 : i32 to index
      %parallel_loop3A_1244 = arith.index_cast %parallel_loop3A_1242 : i32 to index
      %parallel_loop3A_1245 = tpu.vector_load %arg9[%parallel_loop3A_1243, %parallel_loop3A_1244] {strides = array<i32>} : memref<16x1024xf32, #tpu.memory_space<vmem>>, vector<1x16xf32>,
      %parallel_loop3A_1246 = vector.shape_cast %parallel_loop3A_1245 : vector<1x16xf32> to vector<16xf32>
      %parallel_loop3A_1247 = arith.index_cast %parallel_loop3A_1224 : i32 to index
      %parallel_loop3A_1248 = arith.index_cast %parallel_loop3A_1242 : i32 to index
      %parallel_loop3A_1249 = tpu.vector_load %arg5[%parallel_loop3A_1247, %parallel_loop3A_1248] {strides = array<i32>} : memref<16x1024xf32, #tpu.memory_space<vmem>>, vector<1x16xf32>,
      %parallel_loop3A_1250 = vector.shape_cast %parallel_loop3A_1249 : vector<1x16xf32> to vector<16xf32>
      %parallel_loop3A_1251 = arith.addf %parallel_loop3A_1246, %parallel_loop3A_1250 : vector<16xf32>
      %parallel_loop3A_1252 = arith.index_cast %parallel_loop3A_1224 : i32 to index
      %parallel_loop3A_1253 = arith.index_cast %parallel_loop3A_1242 : i32 to index
      %parallel_loop3A_1254 = tpu.vector_load %arg9[%parallel_loop3A_1252, %parallel_loop3A_1253] {strides = array<i32>} : memref<16x1024xf32, #tpu.memory_space<vmem>>, vector<1x16xf32>,
      %parallel_loop3A_1255 = vector.shape_cast %parallel_loop3A_1254 : vector<1x16xf32> to vector<16xf32>
      %parallel_loop3A_1256 = vector.shape_cast %parallel_loop3A_1251 : vector<16xf32> to vector<1x16xf32>
      tpu.vector_store %arg9[%parallel_loop3A_1252, %parallel_loop3A_1253], %parallel_loop3A_1256 {strides = array<i32>} : memref<16x1024xf32, #tpu.memory_space<vmem>>, vector<1x16xf32>,
    } {sc.loop_unroll_factor = 8 : i64, sc.parallel_access}
    %add3A_1016 = arith.constant 96 : i32
    %add3A_1017 = arith.addi %mul3A_2, %add3A_1016 : i32
    %dma_start3A_1018 = arith.constant 2 : i32
    %dma_start3A_1019 = arith.constant 0 : i32
    %dma_start3A_1020 = tpu.memref_slice %arg4[%dma_start3A_1018, %add3A_1017, %dma_start3A_1019] : memref<4x4096x1024xf32, #tpu.memory_space<hbm>> -> memref<1x16x1024xf32, #tpu.memory_space<hbm>>
    %dma_start3A_1021 = tpu.memref_squeeze %dma_start3A_1020 : memref<1x16x1024xf32, #tpu.memory_space<hbm>> -> memref<16x1024xf32, #tpu.memory_space<hbm>>
    %dma_start3A_1022 = arith.constant 0 : i32
    %dma_start3A_1023 = tpu.memref_slice %arg4[%dma_start3A_1018, %add3A_1017, %dma_start3A_1022] : memref<4x4096x1024xf32, #tpu.memory_space<hbm>> -> memref<1x16x1024xf32, #tpu.memory_space<hbm>>
    %dma_start3A_1024 = tpu.memref_squeeze %dma_start3A_1023 : memref<1x16x1024xf32, #tpu.memory_space<hbm>> -> memref<16x1024xf32, #tpu.memory_space<hbm>>
    tpu.enqueue_dma source(%arg9 : memref<16x1024xf32, #tpu.memory_space<vmem>>) target(%dma_start3A_1024 : memref<16x1024xf32, #tpu.memory_space<hbm>>) target_semaphore(%arg19 : memref<!tpu.dma_semaphore, #tpu.memory_space<semaphore_mem>>)
    %dma_wait3A_1025 = arith.constant 1 : i32
    %dma_wait3A_1026 = arith.constant 0 : i32
    %dma_wait3A_1027 = tpu.memref_slice %arg4[%dma_wait3A_1025, %add3A_982, %dma_wait3A_1026] : memref<4x4096x1024xf32, #tpu.memory_space<hbm>> -> memref<1x16x1024xf32, #tpu.memory_space<hbm>>
    %dma_wait3A_1028 = tpu.memref_squeeze %dma_wait3A_1027 : memref<1x16x1024xf32, #tpu.memory_space<hbm>> -> memref<16x1024xf32, #tpu.memory_space<hbm>>
    %dma_wait3A_1029 = arith.constant 0 : i32
    %dma_wait3A_1030 = tpu.memref_slice %arg4[%dma_wait3A_1025, %add3A_982, %dma_wait3A_1029] : memref<4x4096x1024xf32, #tpu.memory_space<hbm>> -> memref<1x16x1024xf32, #tpu.memory_space<hbm>>
    %dma_wait3A_1031 = tpu.memref_squeeze %dma_wait3A_1030 : memref<1x16x1024xf32, #tpu.memory_space<hbm>> -> memref<16x1024xf32, #tpu.memory_space<hbm>>
    tpu.wait_dma2 semaphore(%arg18 : memref<!tpu.dma_semaphore, #tpu.memory_space<semaphore_mem>>) src(%arg8 : memref<16x1024xf32, #tpu.memory_space<vmem>>) dst(%dma_wait3A_1031 : memref<16x1024xf32, #tpu.memory_space<hbm>>)
    %add3A_1032 = arith.constant 112 : i32
    %add3A_1033 = arith.addi %mul3A_2, %add3A_1032 : i32
    %dma_start3A_1034 = arith.constant 1 : i32
    %dma_start3A_1035 = arith.constant 0 : i32
    %dma_start3A_1036 = tpu.memref_slice %arg2[%dma_start3A_1034, %add3A_1033, %dma_start3A_1035] : memref<4x4096x1024xf32, #tpu.memory_space<hbm>> -> memref<1x16x1024xf32, #tpu.memory_space<hbm>>
    %dma_start3A_1037 = tpu.memref_squeeze %dma_start3A_1036 : memref<1x16x1024xf32, #tpu.memory_space<hbm>> -> memref<16x1024xf32, #tpu.memory_space<hbm>>
    %dma_start3A_1038 = arith.constant 0 : i32
    %dma_start3A_1039 = tpu.memref_slice %arg2[%dma_start3A_1034, %add3A_1033, %dma_start3A_1038] : memref<4x4096x1024xf32, #tpu.memory_space<hbm>> -> memref<1x16x1024xf32, #tpu.memory_space<hbm>>
    %dma_start3A_1040 = tpu.memref_squeeze %dma_start3A_1039 : memref<1x16x1024xf32, #tpu.memory_space<hbm>> -> memref<16x1024xf32, #tpu.memory_space<hbm>>
    tpu.enqueue_dma source(%dma_start3A_1040 : memref<16x1024xf32, #tpu.memory_space<hbm>>) target(%arg8 : memref<16x1024xf32, #tpu.memory_space<vmem>>) target_semaphore(%arg14 : memref<!tpu.dma_semaphore, #tpu.memory_space<semaphore_mem>>)
    %dma_wait3A_1041 = arith.constant 3 : i32
    %dma_wait3A_1042 = arith.constant 0 : i32
    %dma_wait3A_1043 = tpu.memref_slice %arg2[%dma_wait3A_1041, %add3A_963, %dma_wait3A_1042] : memref<4x4096x1024xf32, #tpu.memory_space<hbm>> -> memref<1x16x1024xf32, #tpu.memory_space<hbm>>
    %dma_wait3A_1044 = tpu.memref_squeeze %dma_wait3A_1043 : memref<1x16x1024xf32, #tpu.memory_space<hbm>> -> memref<16x1024xf32, #tpu.memory_space<hbm>>
    %dma_wait3A_1045 = arith.constant 0 : i32
    %dma_wait3A_1046 = tpu.memref_slice %arg2[%dma_wait3A_1041, %add3A_963, %dma_wait3A_1045] : memref<4x4096x1024xf32, #tpu.memory_space<hbm>> -> memref<1x16x1024xf32, #tpu.memory_space<hbm>>
    %dma_wait3A_1047 = tpu.memref_squeeze %dma_wait3A_1046 : memref<1x16x1024xf32, #tpu.memory_space<hbm>> -> memref<16x1024xf32, #tpu.memory_space<hbm>>
    tpu.wait_dma2 semaphore(%arg16 : memref<!tpu.dma_semaphore, #tpu.memory_space<semaphore_mem>>) src(%dma_wait3A_1047 : memref<16x1024xf32, #tpu.memory_space<hbm>>) dst(%arg10 : memref<16x1024xf32, #tpu.memory_space<vmem>>)
    %parallel_loop3A_1048 = arith.constant 0 : i32
    %parallel_loop3A_1049 = arith.constant 1024 : i32
    %parallel_loop3A_1050 = arith.constant 1 : i32
    scf.for %parallel_loop3A_1200 = %parallel_loop3A_1048 to %parallel_loop3A_1049 step %parallel_loop3A_1050  : i32 {
      %parallel_loop3A_1201 = arith.constant 64 : i32
      %parallel_loop3A_1202 = arith.divsi %parallel_loop3A_1200, %parallel_loop3A_1201 : i32
      %parallel_loop3A_1203 = arith.constant 0 : i32
      %parallel_loop3A_1204 = arith.cmpi sgt, %parallel_loop3A_1200, %parallel_loop3A_1203 : i32
      %parallel_loop3A_1205 = arith.extui %parallel_loop3A_1204 : i1 to i32
      %parallel_loop3A_1206 = arith.constant 0 : i32
      %parallel_loop3A_1207 = arith.cmpi slt, %parallel_loop3A_1200, %parallel_loop3A_1206 : i32
      %parallel_loop3A_1208 = arith.extui %parallel_loop3A_1207 : i1 to i32
      %parallel_loop3A_1209 = arith.subi %parallel_loop3A_1205, %parallel_loop3A_1208 : i32
      %parallel_loop3A_1210 = arith.constant 0 : i32
      %parallel_loop3A_1211 = arith.cmpi sgt, %parallel_loop3A_1201, %parallel_loop3A_1210 : i32
      %parallel_loop3A_1212 = arith.extui %parallel_loop3A_1211 : i1 to i32
      %parallel_loop3A_1213 = arith.constant 0 : i32
      %parallel_loop3A_1214 = arith.cmpi slt, %parallel_loop3A_1201, %parallel_loop3A_1213 : i32
      %parallel_loop3A_1215 = arith.extui %parallel_loop3A_1214 : i1 to i32
      %parallel_loop3A_1216 = arith.subi %parallel_loop3A_1212, %parallel_loop3A_1215 : i32
      %parallel_loop3A_1217 = arith.cmpi ne, %parallel_loop3A_1209, %parallel_loop3A_1216 : i32
      %parallel_loop3A_1218 = arith.remsi %parallel_loop3A_1200, %parallel_loop3A_1201 : i32
      %parallel_loop3A_1219 = arith.constant 0 : i32
      %parallel_loop3A_1220 = arith.cmpi ne, %parallel_loop3A_1218, %parallel_loop3A_1219 : i32
      %parallel_loop3A_1221 = arith.andi %parallel_loop3A_1217, %parallel_loop3A_1220 : i1
      %parallel_loop3A_1222 = arith.constant 1 : i32
      %parallel_loop3A_1223 = arith.subi %parallel_loop3A_1202, %parallel_loop3A_1222 : i32
      %parallel_loop3A_1224 = arith.select %parallel_loop3A_1221, %parallel_loop3A_1223, %parallel_loop3A_1202 : i32
      %parallel_loop3A_1225 = arith.constant 64 : i32
      %parallel_loop3A_1226 = arith.constant 0 : i32
      %parallel_loop3A_1227 = arith.cmpi eq, %parallel_loop3A_1225, %parallel_loop3A_1226 : i32
      %parallel_loop3A_1228 = arith.constant 1 : i32
      %parallel_loop3A_1229 = arith.select %parallel_loop3A_1227, %parallel_loop3A_1228, %parallel_loop3A_1225 : i32
      %parallel_loop3A_1230 = arith.remsi %parallel_loop3A_1200, %parallel_loop3A_1229 : i32
      %parallel_loop3A_1231 = arith.constant 0 : i32
      %parallel_loop3A_1232 = arith.cmpi ne, %parallel_loop3A_1230, %parallel_loop3A_1231 : i32
      %parallel_loop3A_1233 = arith.constant 0 : i32
      %parallel_loop3A_1234 = arith.cmpi slt, %parallel_loop3A_1230, %parallel_loop3A_1233 : i32
      %parallel_loop3A_1235 = arith.constant 0 : i32
      %parallel_loop3A_1236 = arith.cmpi slt, %parallel_loop3A_1229, %parallel_loop3A_1235 : i32
      %parallel_loop3A_1237 = arith.xori %parallel_loop3A_1234, %parallel_loop3A_1236 : i1
      %parallel_loop3A_1238 = arith.andi %parallel_loop3A_1237, %parallel_loop3A_1232 : i1
      %parallel_loop3A_1239 = arith.addi %parallel_loop3A_1230, %parallel_loop3A_1229 : i32
      %parallel_loop3A_1240 = arith.select %parallel_loop3A_1238, %parallel_loop3A_1239, %parallel_loop3A_1230 : i32
      %parallel_loop3A_1241 = arith.constant 16 : i32
      %parallel_loop3A_1242 = arith.muli %parallel_loop3A_1240, %parallel_loop3A_1241 : i32
      %parallel_loop3A_1243 = arith.index_cast %parallel_loop3A_1224 : i32 to index
      %parallel_loop3A_1244 = arith.index_cast %parallel_loop3A_1242 : i32 to index
      %parallel_loop3A_1245 = tpu.vector_load %arg10[%parallel_loop3A_1243, %parallel_loop3A_1244] {strides = array<i32>} : memref<16x1024xf32, #tpu.memory_space<vmem>>, vector<1x16xf32>,
      %parallel_loop3A_1246 = vector.shape_cast %parallel_loop3A_1245 : vector<1x16xf32> to vector<16xf32>
      %parallel_loop3A_1247 = arith.index_cast %parallel_loop3A_1224 : i32 to index
      %parallel_loop3A_1248 = arith.index_cast %parallel_loop3A_1242 : i32 to index
      %parallel_loop3A_1249 = tpu.vector_load %arg5[%parallel_loop3A_1247, %parallel_loop3A_1248] {strides = array<i32>} : memref<16x1024xf32, #tpu.memory_space<vmem>>, vector<1x16xf32>,
      %parallel_loop3A_1250 = vector.shape_cast %parallel_loop3A_1249 : vector<1x16xf32> to vector<16xf32>
      %parallel_loop3A_1251 = arith.addf %parallel_loop3A_1246, %parallel_loop3A_1250 : vector<16xf32>
      %parallel_loop3A_1252 = arith.index_cast %parallel_loop3A_1224 : i32 to index
      %parallel_loop3A_1253 = arith.index_cast %parallel_loop3A_1242 : i32 to index
      %parallel_loop3A_1254 = tpu.vector_load %arg10[%parallel_loop3A_1252, %parallel_loop3A_1253] {strides = array<i32>} : memref<16x1024xf32, #tpu.memory_space<vmem>>, vector<1x16xf32>,
      %parallel_loop3A_1255 = vector.shape_cast %parallel_loop3A_1254 : vector<1x16xf32> to vector<16xf32>
      %parallel_loop3A_1256 = vector.shape_cast %parallel_loop3A_1251 : vector<16xf32> to vector<1x16xf32>
      tpu.vector_store %arg10[%parallel_loop3A_1252, %parallel_loop3A_1253], %parallel_loop3A_1256 {strides = array<i32>} : memref<16x1024xf32, #tpu.memory_space<vmem>>, vector<1x16xf32>,
    } {sc.loop_unroll_factor = 8 : i64, sc.parallel_access}
    %add3A_1051 = arith.constant 96 : i32
    %add3A_1052 = arith.addi %mul3A_2, %add3A_1051 : i32
    %dma_start3A_1053 = arith.constant 3 : i32
    %dma_start3A_1054 = arith.constant 0 : i32
    %dma_start3A_1055 = tpu.memref_slice %arg4[%dma_start3A_1053, %add3A_1052, %dma_start3A_1054] : memref<4x4096x1024xf32, #tpu.memory_space<hbm>> -> memref<1x16x1024xf32, #tpu.memory_space<hbm>>
    %dma_start3A_1056 = tpu.memref_squeeze %dma_start3A_1055 : memref<1x16x1024xf32, #tpu.memory_space<hbm>> -> memref<16x1024xf32, #tpu.memory_space<hbm>>
    %dma_start3A_1057 = arith.constant 0 : i32
    %dma_start3A_1058 = tpu.memref_slice %arg4[%dma_start3A_1053, %add3A_1052, %dma_start3A_1057] : memref<4x4096x1024xf32, #tpu.memory_space<hbm>> -> memref<1x16x1024xf32, #tpu.memory_space<hbm>>
    %dma_start3A_1059 = tpu.memref_squeeze %dma_start3A_1058 : memref<1x16x1024xf32, #tpu.memory_space<hbm>> -> memref<16x1024xf32, #tpu.memory_space<hbm>>
    tpu.enqueue_dma source(%arg10 : memref<16x1024xf32, #tpu.memory_space<vmem>>) target(%dma_start3A_1059 : memref<16x1024xf32, #tpu.memory_space<hbm>>) target_semaphore(%arg20 : memref<!tpu.dma_semaphore, #tpu.memory_space<semaphore_mem>>)
    %dma_wait3A_1060 = arith.constant 2 : i32
    %dma_wait3A_1061 = arith.constant 0 : i32
    %dma_wait3A_1062 = tpu.memref_slice %arg4[%dma_wait3A_1060, %add3A_1017, %dma_wait3A_1061] : memref<4x4096x1024xf32, #tpu.memory_space<hbm>> -> memref<1x16x1024xf32, #tpu.memory_space<hbm>>
    %dma_wait3A_1063 = tpu.memref_squeeze %dma_wait3A_1062 : memref<1x16x1024xf32, #tpu.memory_space<hbm>> -> memref<16x1024xf32, #tpu.memory_space<hbm>>
    %dma_wait3A_1064 = arith.constant 0 : i32
    %dma_wait3A_1065 = tpu.memref_slice %arg4[%dma_wait3A_1060, %add3A_1017, %dma_wait3A_1064] : memref<4x4096x1024xf32, #tpu.memory_space<hbm>> -> memref<1x16x1024xf32, #tpu.memory_space<hbm>>
    %dma_wait3A_1066 = tpu.memref_squeeze %dma_wait3A_1065 : memref<1x16x1024xf32, #tpu.memory_space<hbm>> -> memref<16x1024xf32, #tpu.memory_space<hbm>>
    tpu.wait_dma2 semaphore(%arg19 : memref<!tpu.dma_semaphore, #tpu.memory_space<semaphore_mem>>) src(%arg9 : memref<16x1024xf32, #tpu.memory_space<vmem>>) dst(%dma_wait3A_1066 : memref<16x1024xf32, #tpu.memory_space<hbm>>)
    %add3A_1067 = arith.constant 112 : i32
    %add3A_1068 = arith.addi %mul3A_2, %add3A_1067 : i32
    %dma_start3A_1069 = arith.constant 2 : i32
    %dma_start3A_1070 = arith.constant 0 : i32
    %dma_start3A_1071 = tpu.memref_slice %arg2[%dma_start3A_1069, %add3A_1068, %dma_start3A_1070] : memref<4x4096x1024xf32, #tpu.memory_space<hbm>> -> memref<1x16x1024xf32, #tpu.memory_space<hbm>>
    %dma_start3A_1072 = tpu.memref_squeeze %dma_start3A_1071 : memref<1x16x1024xf32, #tpu.memory_space<hbm>> -> memref<16x1024xf32, #tpu.memory_space<hbm>>
    %dma_start3A_1073 = arith.constant 0 : i32
    %dma_start3A_1074 = tpu.memref_slice %arg2[%dma_start3A_1069, %add3A_1068, %dma_start3A_1073] : memref<4x4096x1024xf32, #tpu.memory_space<hbm>> -> memref<1x16x1024xf32, #tpu.memory_space<hbm>>
    %dma_start3A_1075 = tpu.memref_squeeze %dma_start3A_1074 : memref<1x16x1024xf32, #tpu.memory_space<hbm>> -> memref<16x1024xf32, #tpu.memory_space<hbm>>
    tpu.enqueue_dma source(%dma_start3A_1075 : memref<16x1024xf32, #tpu.memory_space<hbm>>) target(%arg9 : memref<16x1024xf32, #tpu.memory_space<vmem>>) target_semaphore(%arg15 : memref<!tpu.dma_semaphore, #tpu.memory_space<semaphore_mem>>)
    %dma_wait3A_1076 = arith.constant 0 : i32
    %dma_wait3A_1077 = arith.constant 0 : i32
    %dma_wait3A_1078 = tpu.memref_slice %arg2[%dma_wait3A_1076, %add3A_998, %dma_wait3A_1077] : memref<4x4096x1024xf32, #tpu.memory_space<hbm>> -> memref<1x16x1024xf32, #tpu.memory_space<hbm>>
    %dma_wait3A_1079 = tpu.memref_squeeze %dma_wait3A_1078 : memref<1x16x1024xf32, #tpu.memory_space<hbm>> -> memref<16x1024xf32, #tpu.memory_space<hbm>>
    %dma_wait3A_1080 = arith.constant 0 : i32
    %dma_wait3A_1081 = tpu.memref_slice %arg2[%dma_wait3A_1076, %add3A_998, %dma_wait3A_1080] : memref<4x4096x1024xf32, #tpu.memory_space<hbm>> -> memref<1x16x1024xf32, #tpu.memory_space<hbm>>
    %dma_wait3A_1082 = tpu.memref_squeeze %dma_wait3A_1081 : memref<1x16x1024xf32, #tpu.memory_space<hbm>> -> memref<16x1024xf32, #tpu.memory_space<hbm>>
    tpu.wait_dma2 semaphore(%arg13 : memref<!tpu.dma_semaphore, #tpu.memory_space<semaphore_mem>>) src(%dma_wait3A_1082 : memref<16x1024xf32, #tpu.memory_space<hbm>>) dst(%arg7 : memref<16x1024xf32, #tpu.memory_space<vmem>>)
    %dma_wait3A_1083 = arith.constant 0 : i32
    %dma_wait3A_1084 = tpu.memref_slice %arg3[%add3A_950, %dma_wait3A_1083] : memref<8192x1024xf32, #tpu.memory_space<hbm>> -> memref<16x1024xf32, #tpu.memory_space<hbm>>
    %dma_wait3A_1085 = arith.constant 0 : i32
    %dma_wait3A_1086 = tpu.memref_slice %arg3[%add3A_950, %dma_wait3A_1085] : memref<8192x1024xf32, #tpu.memory_space<hbm>> -> memref<16x1024xf32, #tpu.memory_space<hbm>>
    tpu.wait_dma2 semaphore(%arg12 : memref<!tpu.dma_semaphore, #tpu.memory_space<semaphore_mem>>) src(%dma_wait3A_1086 : memref<16x1024xf32, #tpu.memory_space<hbm>>) dst(%arg6 : memref<16x1024xf32, #tpu.memory_space<vmem>>)
    %parallel_loop3A_1087 = arith.constant 0 : i32
    %parallel_loop3A_1088 = arith.constant 1024 : i32
    %parallel_loop3A_1089 = arith.constant 1 : i32
    scf.for %parallel_loop3A_1200 = %parallel_loop3A_1087 to %parallel_loop3A_1088 step %parallel_loop3A_1089  : i32 {
      %parallel_loop3A_1201 = arith.constant 64 : i32
      %parallel_loop3A_1202 = arith.divsi %parallel_loop3A_1200, %parallel_loop3A_1201 : i32
      %parallel_loop3A_1203 = arith.constant 0 : i32
      %parallel_loop3A_1204 = arith.cmpi sgt, %parallel_loop3A_1200, %parallel_loop3A_1203 : i32
      %parallel_loop3A_1205 = arith.extui %parallel_loop3A_1204 : i1 to i32
      %parallel_loop3A_1206 = arith.constant 0 : i32
      %parallel_loop3A_1207 = arith.cmpi slt, %parallel_loop3A_1200, %parallel_loop3A_1206 : i32
      %parallel_loop3A_1208 = arith.extui %parallel_loop3A_1207 : i1 to i32
      %parallel_loop3A_1209 = arith.subi %parallel_loop3A_1205, %parallel_loop3A_1208 : i32
      %parallel_loop3A_1210 = arith.constant 0 : i32
      %parallel_loop3A_1211 = arith.cmpi sgt, %parallel_loop3A_1201, %parallel_loop3A_1210 : i32
      %parallel_loop3A_1212 = arith.extui %parallel_loop3A_1211 : i1 to i32
      %parallel_loop3A_1213 = arith.constant 0 : i32
      %parallel_loop3A_1214 = arith.cmpi slt, %parallel_loop3A_1201, %parallel_loop3A_1213 : i32
      %parallel_loop3A_1215 = arith.extui %parallel_loop3A_1214 : i1 to i32
      %parallel_loop3A_1216 = arith.subi %parallel_loop3A_1212, %parallel_loop3A_1215 : i32
      %parallel_loop3A_1217 = arith.cmpi ne, %parallel_loop3A_1209, %parallel_loop3A_1216 : i32
      %parallel_loop3A_1218 = arith.remsi %parallel_loop3A_1200, %parallel_loop3A_1201 : i32
      %parallel_loop3A_1219 = arith.constant 0 : i32
      %parallel_loop3A_1220 = arith.cmpi ne, %parallel_loop3A_1218, %parallel_loop3A_1219 : i32
      %parallel_loop3A_1221 = arith.andi %parallel_loop3A_1217, %parallel_loop3A_1220 : i1
      %parallel_loop3A_1222 = arith.constant 1 : i32
      %parallel_loop3A_1223 = arith.subi %parallel_loop3A_1202, %parallel_loop3A_1222 : i32
      %parallel_loop3A_1224 = arith.select %parallel_loop3A_1221, %parallel_loop3A_1223, %parallel_loop3A_1202 : i32
      %parallel_loop3A_1225 = arith.constant 64 : i32
      %parallel_loop3A_1226 = arith.constant 0 : i32
      %parallel_loop3A_1227 = arith.cmpi eq, %parallel_loop3A_1225, %parallel_loop3A_1226 : i32
      %parallel_loop3A_1228 = arith.constant 1 : i32
      %parallel_loop3A_1229 = arith.select %parallel_loop3A_1227, %parallel_loop3A_1228, %parallel_loop3A_1225 : i32
      %parallel_loop3A_1230 = arith.remsi %parallel_loop3A_1200, %parallel_loop3A_1229 : i32
      %parallel_loop3A_1231 = arith.constant 0 : i32
      %parallel_loop3A_1232 = arith.cmpi ne, %parallel_loop3A_1230, %parallel_loop3A_1231 : i32
      %parallel_loop3A_1233 = arith.constant 0 : i32
      %parallel_loop3A_1234 = arith.cmpi slt, %parallel_loop3A_1230, %parallel_loop3A_1233 : i32
      %parallel_loop3A_1235 = arith.constant 0 : i32
      %parallel_loop3A_1236 = arith.cmpi slt, %parallel_loop3A_1229, %parallel_loop3A_1235 : i32
      %parallel_loop3A_1237 = arith.xori %parallel_loop3A_1234, %parallel_loop3A_1236 : i1
      %parallel_loop3A_1238 = arith.andi %parallel_loop3A_1237, %parallel_loop3A_1232 : i1
      %parallel_loop3A_1239 = arith.addi %parallel_loop3A_1230, %parallel_loop3A_1229 : i32
      %parallel_loop3A_1240 = arith.select %parallel_loop3A_1238, %parallel_loop3A_1239, %parallel_loop3A_1230 : i32
      %parallel_loop3A_1241 = arith.constant 16 : i32
      %parallel_loop3A_1242 = arith.muli %parallel_loop3A_1240, %parallel_loop3A_1241 : i32
      %parallel_loop3A_1243 = arith.index_cast %parallel_loop3A_1224 : i32 to index
      %parallel_loop3A_1244 = arith.index_cast %parallel_loop3A_1242 : i32 to index
      %parallel_loop3A_1245 = tpu.vector_load %arg7[%parallel_loop3A_1243, %parallel_loop3A_1244] {strides = array<i32>} : memref<16x1024xf32, #tpu.memory_space<vmem>>, vector<1x16xf32>,
      %parallel_loop3A_1246 = vector.shape_cast %parallel_loop3A_1245 : vector<1x16xf32> to vector<16xf32>
      %parallel_loop3A_1247 = arith.index_cast %parallel_loop3A_1224 : i32 to index
      %parallel_loop3A_1248 = arith.index_cast %parallel_loop3A_1242 : i32 to index
      %parallel_loop3A_1249 = tpu.vector_load %arg6[%parallel_loop3A_1247, %parallel_loop3A_1248] {strides = array<i32>} : memref<16x1024xf32, #tpu.memory_space<vmem>>, vector<1x16xf32>,
      %parallel_loop3A_1250 = vector.shape_cast %parallel_loop3A_1249 : vector<1x16xf32> to vector<16xf32>
      %parallel_loop3A_1251 = arith.addf %parallel_loop3A_1246, %parallel_loop3A_1250 : vector<16xf32>
      %parallel_loop3A_1252 = arith.index_cast %parallel_loop3A_1224 : i32 to index
      %parallel_loop3A_1253 = arith.index_cast %parallel_loop3A_1242 : i32 to index
      %parallel_loop3A_1254 = tpu.vector_load %arg7[%parallel_loop3A_1252, %parallel_loop3A_1253] {strides = array<i32>} : memref<16x1024xf32, #tpu.memory_space<vmem>>, vector<1x16xf32>,
      %parallel_loop3A_1255 = vector.shape_cast %parallel_loop3A_1254 : vector<1x16xf32> to vector<16xf32>
      %parallel_loop3A_1256 = vector.shape_cast %parallel_loop3A_1251 : vector<16xf32> to vector<1x16xf32>
      tpu.vector_store %arg7[%parallel_loop3A_1252, %parallel_loop3A_1253], %parallel_loop3A_1256 {strides = array<i32>} : memref<16x1024xf32, #tpu.memory_space<vmem>>, vector<1x16xf32>,
    } {sc.loop_unroll_factor = 8 : i64, sc.parallel_access}
    %add3A_1090 = arith.constant 112 : i32
    %add3A_1091 = arith.addi %mul3A_2, %add3A_1090 : i32
    %dma_start3A_1092 = arith.constant 0 : i32
    %dma_start3A_1093 = arith.constant 0 : i32
    %dma_start3A_1094 = tpu.memref_slice %arg4[%dma_start3A_1092, %add3A_1091, %dma_start3A_1093] : memref<4x4096x1024xf32, #tpu.memory_space<hbm>> -> memref<1x16x1024xf32, #tpu.memory_space<hbm>>
    %dma_start3A_1095 = tpu.memref_squeeze %dma_start3A_1094 : memref<1x16x1024xf32, #tpu.memory_space<hbm>> -> memref<16x1024xf32, #tpu.memory_space<hbm>>
    %dma_start3A_1096 = arith.constant 0 : i32
    %dma_start3A_1097 = tpu.memref_slice %arg4[%dma_start3A_1092, %add3A_1091, %dma_start3A_1096] : memref<4x4096x1024xf32, #tpu.memory_space<hbm>> -> memref<1x16x1024xf32, #tpu.memory_space<hbm>>
    %dma_start3A_1098 = tpu.memref_squeeze %dma_start3A_1097 : memref<1x16x1024xf32, #tpu.memory_space<hbm>> -> memref<16x1024xf32, #tpu.memory_space<hbm>>
    tpu.enqueue_dma source(%arg7 : memref<16x1024xf32, #tpu.memory_space<vmem>>) target(%dma_start3A_1098 : memref<16x1024xf32, #tpu.memory_space<hbm>>) target_semaphore(%arg17 : memref<!tpu.dma_semaphore, #tpu.memory_space<semaphore_mem>>)
    %dma_wait3A_1099 = arith.constant 3 : i32
    %dma_wait3A_1100 = arith.constant 0 : i32
    %dma_wait3A_1101 = tpu.memref_slice %arg4[%dma_wait3A_1099, %add3A_1052, %dma_wait3A_1100] : memref<4x4096x1024xf32, #tpu.memory_space<hbm>> -> memref<1x16x1024xf32, #tpu.memory_space<hbm>>
    %dma_wait3A_1102 = tpu.memref_squeeze %dma_wait3A_1101 : memref<1x16x1024xf32, #tpu.memory_space<hbm>> -> memref<16x1024xf32, #tpu.memory_space<hbm>>
    %dma_wait3A_1103 = arith.constant 0 : i32
    %dma_wait3A_1104 = tpu.memref_slice %arg4[%dma_wait3A_1099, %add3A_1052, %dma_wait3A_1103] : memref<4x4096x1024xf32, #tpu.memory_space<hbm>> -> memref<1x16x1024xf32, #tpu.memory_space<hbm>>
    %dma_wait3A_1105 = tpu.memref_squeeze %dma_wait3A_1104 : memref<1x16x1024xf32, #tpu.memory_space<hbm>> -> memref<16x1024xf32, #tpu.memory_space<hbm>>
    tpu.wait_dma2 semaphore(%arg20 : memref<!tpu.dma_semaphore, #tpu.memory_space<semaphore_mem>>) src(%arg10 : memref<16x1024xf32, #tpu.memory_space<vmem>>) dst(%dma_wait3A_1105 : memref<16x1024xf32, #tpu.memory_space<hbm>>)
    %add3A_1106 = arith.constant 112 : i32
    %add3A_1107 = arith.addi %mul3A_2, %add3A_1106 : i32
    %dma_start3A_1108 = arith.constant 3 : i32
    %dma_start3A_1109 = arith.constant 0 : i32
    %dma_start3A_1110 = tpu.memref_slice %arg2[%dma_start3A_1108, %add3A_1107, %dma_start3A_1109] : memref<4x4096x1024xf32, #tpu.memory_space<hbm>> -> memref<1x16x1024xf32, #tpu.memory_space<hbm>>
    %dma_start3A_1111 = tpu.memref_squeeze %dma_start3A_1110 : memref<1x16x1024xf32, #tpu.memory_space<hbm>> -> memref<16x1024xf32, #tpu.memory_space<hbm>>
    %dma_start3A_1112 = arith.constant 0 : i32
    %dma_start3A_1113 = tpu.memref_slice %arg2[%dma_start3A_1108, %add3A_1107, %dma_start3A_1112] : memref<4x4096x1024xf32, #tpu.memory_space<hbm>> -> memref<1x16x1024xf32, #tpu.memory_space<hbm>>
    %dma_start3A_1114 = tpu.memref_squeeze %dma_start3A_1113 : memref<1x16x1024xf32, #tpu.memory_space<hbm>> -> memref<16x1024xf32, #tpu.memory_space<hbm>>
    tpu.enqueue_dma source(%dma_start3A_1114 : memref<16x1024xf32, #tpu.memory_space<hbm>>) target(%arg10 : memref<16x1024xf32, #tpu.memory_space<vmem>>) target_semaphore(%arg16 : memref<!tpu.dma_semaphore, #tpu.memory_space<semaphore_mem>>)
    %dma_wait3A_1115 = arith.constant 1 : i32
    %dma_wait3A_1116 = arith.constant 0 : i32
    %dma_wait3A_1117 = tpu.memref_slice %arg2[%dma_wait3A_1115, %add3A_1033, %dma_wait3A_1116] : memref<4x4096x1024xf32, #tpu.memory_space<hbm>> -> memref<1x16x1024xf32, #tpu.memory_space<hbm>>
    %dma_wait3A_1118 = tpu.memref_squeeze %dma_wait3A_1117 : memref<1x16x1024xf32, #tpu.memory_space<hbm>> -> memref<16x1024xf32, #tpu.memory_space<hbm>>
    %dma_wait3A_1119 = arith.constant 0 : i32
    %dma_wait3A_1120 = tpu.memref_slice %arg2[%dma_wait3A_1115, %add3A_1033, %dma_wait3A_1119] : memref<4x4096x1024xf32, #tpu.memory_space<hbm>> -> memref<1x16x1024xf32, #tpu.memory_space<hbm>>
    %dma_wait3A_1121 = tpu.memref_squeeze %dma_wait3A_1120 : memref<1x16x1024xf32, #tpu.memory_space<hbm>> -> memref<16x1024xf32, #tpu.memory_space<hbm>>
    tpu.wait_dma2 semaphore(%arg14 : memref<!tpu.dma_semaphore, #tpu.memory_space<semaphore_mem>>) src(%dma_wait3A_1121 : memref<16x1024xf32, #tpu.memory_space<hbm>>) dst(%arg8 : memref<16x1024xf32, #tpu.memory_space<vmem>>)
    %parallel_loop3A_1122 = arith.constant 0 : i32
    %parallel_loop3A_1123 = arith.constant 1024 : i32
    %parallel_loop3A_1124 = arith.constant 1 : i32
    scf.for %parallel_loop3A_1200 = %parallel_loop3A_1122 to %parallel_loop3A_1123 step %parallel_loop3A_1124  : i32 {
      %parallel_loop3A_1201 = arith.constant 64 : i32
      %parallel_loop3A_1202 = arith.divsi %parallel_loop3A_1200, %parallel_loop3A_1201 : i32
      %parallel_loop3A_1203 = arith.constant 0 : i32
      %parallel_loop3A_1204 = arith.cmpi sgt, %parallel_loop3A_1200, %parallel_loop3A_1203 : i32
      %parallel_loop3A_1205 = arith.extui %parallel_loop3A_1204 : i1 to i32
      %parallel_loop3A_1206 = arith.constant 0 : i32
      %parallel_loop3A_1207 = arith.cmpi slt, %parallel_loop3A_1200, %parallel_loop3A_1206 : i32
      %parallel_loop3A_1208 = arith.extui %parallel_loop3A_1207 : i1 to i32
      %parallel_loop3A_1209 = arith.subi %parallel_loop3A_1205, %parallel_loop3A_1208 : i32
      %parallel_loop3A_1210 = arith.constant 0 : i32
      %parallel_loop3A_1211 = arith.cmpi sgt, %parallel_loop3A_1201, %parallel_loop3A_1210 : i32
      %parallel_loop3A_1212 = arith.extui %parallel_loop3A_1211 : i1 to i32
      %parallel_loop3A_1213 = arith.constant 0 : i32
      %parallel_loop3A_1214 = arith.cmpi slt, %parallel_loop3A_1201, %parallel_loop3A_1213 : i32
      %parallel_loop3A_1215 = arith.extui %parallel_loop3A_1214 : i1 to i32
      %parallel_loop3A_1216 = arith.subi %parallel_loop3A_1212, %parallel_loop3A_1215 : i32
      %parallel_loop3A_1217 = arith.cmpi ne, %parallel_loop3A_1209, %parallel_loop3A_1216 : i32
      %parallel_loop3A_1218 = arith.remsi %parallel_loop3A_1200, %parallel_loop3A_1201 : i32
      %parallel_loop3A_1219 = arith.constant 0 : i32
      %parallel_loop3A_1220 = arith.cmpi ne, %parallel_loop3A_1218, %parallel_loop3A_1219 : i32
      %parallel_loop3A_1221 = arith.andi %parallel_loop3A_1217, %parallel_loop3A_1220 : i1
      %parallel_loop3A_1222 = arith.constant 1 : i32
      %parallel_loop3A_1223 = arith.subi %parallel_loop3A_1202, %parallel_loop3A_1222 : i32
      %parallel_loop3A_1224 = arith.select %parallel_loop3A_1221, %parallel_loop3A_1223, %parallel_loop3A_1202 : i32
      %parallel_loop3A_1225 = arith.constant 64 : i32
      %parallel_loop3A_1226 = arith.constant 0 : i32
      %parallel_loop3A_1227 = arith.cmpi eq, %parallel_loop3A_1225, %parallel_loop3A_1226 : i32
      %parallel_loop3A_1228 = arith.constant 1 : i32
      %parallel_loop3A_1229 = arith.select %parallel_loop3A_1227, %parallel_loop3A_1228, %parallel_loop3A_1225 : i32
      %parallel_loop3A_1230 = arith.remsi %parallel_loop3A_1200, %parallel_loop3A_1229 : i32
      %parallel_loop3A_1231 = arith.constant 0 : i32
      %parallel_loop3A_1232 = arith.cmpi ne, %parallel_loop3A_1230, %parallel_loop3A_1231 : i32
      %parallel_loop3A_1233 = arith.constant 0 : i32
      %parallel_loop3A_1234 = arith.cmpi slt, %parallel_loop3A_1230, %parallel_loop3A_1233 : i32
      %parallel_loop3A_1235 = arith.constant 0 : i32
      %parallel_loop3A_1236 = arith.cmpi slt, %parallel_loop3A_1229, %parallel_loop3A_1235 : i32
      %parallel_loop3A_1237 = arith.xori %parallel_loop3A_1234, %parallel_loop3A_1236 : i1
      %parallel_loop3A_1238 = arith.andi %parallel_loop3A_1237, %parallel_loop3A_1232 : i1
      %parallel_loop3A_1239 = arith.addi %parallel_loop3A_1230, %parallel_loop3A_1229 : i32
      %parallel_loop3A_1240 = arith.select %parallel_loop3A_1238, %parallel_loop3A_1239, %parallel_loop3A_1230 : i32
      %parallel_loop3A_1241 = arith.constant 16 : i32
      %parallel_loop3A_1242 = arith.muli %parallel_loop3A_1240, %parallel_loop3A_1241 : i32
      %parallel_loop3A_1243 = arith.index_cast %parallel_loop3A_1224 : i32 to index
      %parallel_loop3A_1244 = arith.index_cast %parallel_loop3A_1242 : i32 to index
      %parallel_loop3A_1245 = tpu.vector_load %arg8[%parallel_loop3A_1243, %parallel_loop3A_1244] {strides = array<i32>} : memref<16x1024xf32, #tpu.memory_space<vmem>>, vector<1x16xf32>,
      %parallel_loop3A_1246 = vector.shape_cast %parallel_loop3A_1245 : vector<1x16xf32> to vector<16xf32>
      %parallel_loop3A_1247 = arith.index_cast %parallel_loop3A_1224 : i32 to index
      %parallel_loop3A_1248 = arith.index_cast %parallel_loop3A_1242 : i32 to index
      %parallel_loop3A_1249 = tpu.vector_load %arg6[%parallel_loop3A_1247, %parallel_loop3A_1248] {strides = array<i32>} : memref<16x1024xf32, #tpu.memory_space<vmem>>, vector<1x16xf32>,
      %parallel_loop3A_1250 = vector.shape_cast %parallel_loop3A_1249 : vector<1x16xf32> to vector<16xf32>
      %parallel_loop3A_1251 = arith.addf %parallel_loop3A_1246, %parallel_loop3A_1250 : vector<16xf32>
      %parallel_loop3A_1252 = arith.index_cast %parallel_loop3A_1224 : i32 to index
      %parallel_loop3A_1253 = arith.index_cast %parallel_loop3A_1242 : i32 to index
      %parallel_loop3A_1254 = tpu.vector_load %arg8[%parallel_loop3A_1252, %parallel_loop3A_1253] {strides = array<i32>} : memref<16x1024xf32, #tpu.memory_space<vmem>>, vector<1x16xf32>,
      %parallel_loop3A_1255 = vector.shape_cast %parallel_loop3A_1254 : vector<1x16xf32> to vector<16xf32>
      %parallel_loop3A_1256 = vector.shape_cast %parallel_loop3A_1251 : vector<16xf32> to vector<1x16xf32>
      tpu.vector_store %arg8[%parallel_loop3A_1252, %parallel_loop3A_1253], %parallel_loop3A_1256 {strides = array<i32>} : memref<16x1024xf32, #tpu.memory_space<vmem>>, vector<1x16xf32>,
    } {sc.loop_unroll_factor = 8 : i64, sc.parallel_access}
    %add3A_1125 = arith.constant 112 : i32
    %add3A_1126 = arith.addi %mul3A_2, %add3A_1125 : i32
    %dma_start3A_1127 = arith.constant 1 : i32
    %dma_start3A_1128 = arith.constant 0 : i32
    %dma_start3A_1129 = tpu.memref_slice %arg4[%dma_start3A_1127, %add3A_1126, %dma_start3A_1128] : memref<4x4096x1024xf32, #tpu.memory_space<hbm>> -> memref<1x16x1024xf32, #tpu.memory_space<hbm>>
    %dma_start3A_1130 = tpu.memref_squeeze %dma_start3A_1129 : memref<1x16x1024xf32, #tpu.memory_space<hbm>> -> memref<16x1024xf32, #tpu.memory_space<hbm>>
    %dma_start3A_1131 = arith.constant 0 : i32
    %dma_start3A_1132 = tpu.memref_slice %arg4[%dma_start3A_1127, %add3A_1126, %dma_start3A_1131] : memref<4x4096x1024xf32, #tpu.memory_space<hbm>> -> memref<1x16x1024xf32, #tpu.memory_space<hbm>>
    %dma_start3A_1133 = tpu.memref_squeeze %dma_start3A_1132 : memref<1x16x1024xf32, #tpu.memory_space<hbm>> -> memref<16x1024xf32, #tpu.memory_space<hbm>>
    tpu.enqueue_dma source(%arg8 : memref<16x1024xf32, #tpu.memory_space<vmem>>) target(%dma_start3A_1133 : memref<16x1024xf32, #tpu.memory_space<hbm>>) target_semaphore(%arg18 : memref<!tpu.dma_semaphore, #tpu.memory_space<semaphore_mem>>)
    %dma_wait3A_1134 = arith.constant 2 : i32
    %dma_wait3A_1135 = arith.constant 0 : i32
    %dma_wait3A_1136 = tpu.memref_slice %arg2[%dma_wait3A_1134, %add3A_1068, %dma_wait3A_1135] : memref<4x4096x1024xf32, #tpu.memory_space<hbm>> -> memref<1x16x1024xf32, #tpu.memory_space<hbm>>
    %dma_wait3A_1137 = tpu.memref_squeeze %dma_wait3A_1136 : memref<1x16x1024xf32, #tpu.memory_space<hbm>> -> memref<16x1024xf32, #tpu.memory_space<hbm>>
    %dma_wait3A_1138 = arith.constant 0 : i32
    %dma_wait3A_1139 = tpu.memref_slice %arg2[%dma_wait3A_1134, %add3A_1068, %dma_wait3A_1138] : memref<4x4096x1024xf32, #tpu.memory_space<hbm>> -> memref<1x16x1024xf32, #tpu.memory_space<hbm>>
    %dma_wait3A_1140 = tpu.memref_squeeze %dma_wait3A_1139 : memref<1x16x1024xf32, #tpu.memory_space<hbm>> -> memref<16x1024xf32, #tpu.memory_space<hbm>>
    tpu.wait_dma2 semaphore(%arg15 : memref<!tpu.dma_semaphore, #tpu.memory_space<semaphore_mem>>) src(%dma_wait3A_1140 : memref<16x1024xf32, #tpu.memory_space<hbm>>) dst(%arg9 : memref<16x1024xf32, #tpu.memory_space<vmem>>)
    %parallel_loop3A_1141 = arith.constant 0 : i32
    %parallel_loop3A_1142 = arith.constant 1024 : i32
    %parallel_loop3A_1143 = arith.constant 1 : i32
    scf.for %parallel_loop3A_1200 = %parallel_loop3A_1141 to %parallel_loop3A_1142 step %parallel_loop3A_1143  : i32 {
      %parallel_loop3A_1201 = arith.constant 64 : i32
      %parallel_loop3A_1202 = arith.divsi %parallel_loop3A_1200, %parallel_loop3A_1201 : i32
      %parallel_loop3A_1203 = arith.constant 0 : i32
      %parallel_loop3A_1204 = arith.cmpi sgt, %parallel_loop3A_1200, %parallel_loop3A_1203 : i32
      %parallel_loop3A_1205 = arith.extui %parallel_loop3A_1204 : i1 to i32
      %parallel_loop3A_1206 = arith.constant 0 : i32
      %parallel_loop3A_1207 = arith.cmpi slt, %parallel_loop3A_1200, %parallel_loop3A_1206 : i32
      %parallel_loop3A_1208 = arith.extui %parallel_loop3A_1207 : i1 to i32
      %parallel_loop3A_1209 = arith.subi %parallel_loop3A_1205, %parallel_loop3A_1208 : i32
      %parallel_loop3A_1210 = arith.constant 0 : i32
      %parallel_loop3A_1211 = arith.cmpi sgt, %parallel_loop3A_1201, %parallel_loop3A_1210 : i32
      %parallel_loop3A_1212 = arith.extui %parallel_loop3A_1211 : i1 to i32
      %parallel_loop3A_1213 = arith.constant 0 : i32
      %parallel_loop3A_1214 = arith.cmpi slt, %parallel_loop3A_1201, %parallel_loop3A_1213 : i32
      %parallel_loop3A_1215 = arith.extui %parallel_loop3A_1214 : i1 to i32
      %parallel_loop3A_1216 = arith.subi %parallel_loop3A_1212, %parallel_loop3A_1215 : i32
      %parallel_loop3A_1217 = arith.cmpi ne, %parallel_loop3A_1209, %parallel_loop3A_1216 : i32
      %parallel_loop3A_1218 = arith.remsi %parallel_loop3A_1200, %parallel_loop3A_1201 : i32
      %parallel_loop3A_1219 = arith.constant 0 : i32
      %parallel_loop3A_1220 = arith.cmpi ne, %parallel_loop3A_1218, %parallel_loop3A_1219 : i32
      %parallel_loop3A_1221 = arith.andi %parallel_loop3A_1217, %parallel_loop3A_1220 : i1
      %parallel_loop3A_1222 = arith.constant 1 : i32
      %parallel_loop3A_1223 = arith.subi %parallel_loop3A_1202, %parallel_loop3A_1222 : i32
      %parallel_loop3A_1224 = arith.select %parallel_loop3A_1221, %parallel_loop3A_1223, %parallel_loop3A_1202 : i32
      %parallel_loop3A_1225 = arith.constant 64 : i32
      %parallel_loop3A_1226 = arith.constant 0 : i32
      %parallel_loop3A_1227 = arith.cmpi eq, %parallel_loop3A_1225, %parallel_loop3A_1226 : i32
      %parallel_loop3A_1228 = arith.constant 1 : i32
      %parallel_loop3A_1229 = arith.select %parallel_loop3A_1227, %parallel_loop3A_1228, %parallel_loop3A_1225 : i32
      %parallel_loop3A_1230 = arith.remsi %parallel_loop3A_1200, %parallel_loop3A_1229 : i32
      %parallel_loop3A_1231 = arith.constant 0 : i32
      %parallel_loop3A_1232 = arith.cmpi ne, %parallel_loop3A_1230, %parallel_loop3A_1231 : i32
      %parallel_loop3A_1233 = arith.constant 0 : i32
      %parallel_loop3A_1234 = arith.cmpi slt, %parallel_loop3A_1230, %parallel_loop3A_1233 : i32
      %parallel_loop3A_1235 = arith.constant 0 : i32
      %parallel_loop3A_1236 = arith.cmpi slt, %parallel_loop3A_1229, %parallel_loop3A_1235 : i32
      %parallel_loop3A_1237 = arith.xori %parallel_loop3A_1234, %parallel_loop3A_1236 : i1
      %parallel_loop3A_1238 = arith.andi %parallel_loop3A_1237, %parallel_loop3A_1232 : i1
      %parallel_loop3A_1239 = arith.addi %parallel_loop3A_1230, %parallel_loop3A_1229 : i32
      %parallel_loop3A_1240 = arith.select %parallel_loop3A_1238, %parallel_loop3A_1239, %parallel_loop3A_1230 : i32
      %parallel_loop3A_1241 = arith.constant 16 : i32
      %parallel_loop3A_1242 = arith.muli %parallel_loop3A_1240, %parallel_loop3A_1241 : i32
      %parallel_loop3A_1243 = arith.index_cast %parallel_loop3A_1224 : i32 to index
      %parallel_loop3A_1244 = arith.index_cast %parallel_loop3A_1242 : i32 to index
      %parallel_loop3A_1245 = tpu.vector_load %arg9[%parallel_loop3A_1243, %parallel_loop3A_1244] {strides = array<i32>} : memref<16x1024xf32, #tpu.memory_space<vmem>>, vector<1x16xf32>,
      %parallel_loop3A_1246 = vector.shape_cast %parallel_loop3A_1245 : vector<1x16xf32> to vector<16xf32>
      %parallel_loop3A_1247 = arith.index_cast %parallel_loop3A_1224 : i32 to index
      %parallel_loop3A_1248 = arith.index_cast %parallel_loop3A_1242 : i32 to index
      %parallel_loop3A_1249 = tpu.vector_load %arg6[%parallel_loop3A_1247, %parallel_loop3A_1248] {strides = array<i32>} : memref<16x1024xf32, #tpu.memory_space<vmem>>, vector<1x16xf32>,
      %parallel_loop3A_1250 = vector.shape_cast %parallel_loop3A_1249 : vector<1x16xf32> to vector<16xf32>
      %parallel_loop3A_1251 = arith.addf %parallel_loop3A_1246, %parallel_loop3A_1250 : vector<16xf32>
      %parallel_loop3A_1252 = arith.index_cast %parallel_loop3A_1224 : i32 to index
      %parallel_loop3A_1253 = arith.index_cast %parallel_loop3A_1242 : i32 to index
      %parallel_loop3A_1254 = tpu.vector_load %arg9[%parallel_loop3A_1252, %parallel_loop3A_1253] {strides = array<i32>} : memref<16x1024xf32, #tpu.memory_space<vmem>>, vector<1x16xf32>,
      %parallel_loop3A_1255 = vector.shape_cast %parallel_loop3A_1254 : vector<1x16xf32> to vector<16xf32>
      %parallel_loop3A_1256 = vector.shape_cast %parallel_loop3A_1251 : vector<16xf32> to vector<1x16xf32>
      tpu.vector_store %arg9[%parallel_loop3A_1252, %parallel_loop3A_1253], %parallel_loop3A_1256 {strides = array<i32>} : memref<16x1024xf32, #tpu.memory_space<vmem>>, vector<1x16xf32>,
    } {sc.loop_unroll_factor = 8 : i64, sc.parallel_access}
    %add3A_1144 = arith.constant 112 : i32
    %add3A_1145 = arith.addi %mul3A_2, %add3A_1144 : i32
    %dma_start3A_1146 = arith.constant 2 : i32
    %dma_start3A_1147 = arith.constant 0 : i32
    %dma_start3A_1148 = tpu.memref_slice %arg4[%dma_start3A_1146, %add3A_1145, %dma_start3A_1147] : memref<4x4096x1024xf32, #tpu.memory_space<hbm>> -> memref<1x16x1024xf32, #tpu.memory_space<hbm>>
    %dma_start3A_1149 = tpu.memref_squeeze %dma_start3A_1148 : memref<1x16x1024xf32, #tpu.memory_space<hbm>> -> memref<16x1024xf32, #tpu.memory_space<hbm>>
    %dma_start3A_1150 = arith.constant 0 : i32
    %dma_start3A_1151 = tpu.memref_slice %arg4[%dma_start3A_1146, %add3A_1145, %dma_start3A_1150] : memref<4x4096x1024xf32, #tpu.memory_space<hbm>> -> memref<1x16x1024xf32, #tpu.memory_space<hbm>>
    %dma_start3A_1152 = tpu.memref_squeeze %dma_start3A_1151 : memref<1x16x1024xf32, #tpu.memory_space<hbm>> -> memref<16x1024xf32, #tpu.memory_space<hbm>>
    tpu.enqueue_dma source(%arg9 : memref<16x1024xf32, #tpu.memory_space<vmem>>) target(%dma_start3A_1152 : memref<16x1024xf32, #tpu.memory_space<hbm>>) target_semaphore(%arg19 : memref<!tpu.dma_semaphore, #tpu.memory_space<semaphore_mem>>)
    %dma_wait3A_1153 = arith.constant 3 : i32
    %dma_wait3A_1154 = arith.constant 0 : i32
    %dma_wait3A_1155 = tpu.memref_slice %arg2[%dma_wait3A_1153, %add3A_1107, %dma_wait3A_1154] : memref<4x4096x1024xf32, #tpu.memory_space<hbm>> -> memref<1x16x1024xf32, #tpu.memory_space<hbm>>
    %dma_wait3A_1156 = tpu.memref_squeeze %dma_wait3A_1155 : memref<1x16x1024xf32, #tpu.memory_space<hbm>> -> memref<16x1024xf32, #tpu.memory_space<hbm>>
    %dma_wait3A_1157 = arith.constant 0 : i32
    %dma_wait3A_1158 = tpu.memref_slice %arg2[%dma_wait3A_1153, %add3A_1107, %dma_wait3A_1157] : memref<4x4096x1024xf32, #tpu.memory_space<hbm>> -> memref<1x16x1024xf32, #tpu.memory_space<hbm>>
    %dma_wait3A_1159 = tpu.memref_squeeze %dma_wait3A_1158 : memref<1x16x1024xf32, #tpu.memory_space<hbm>> -> memref<16x1024xf32, #tpu.memory_space<hbm>>
    tpu.wait_dma2 semaphore(%arg16 : memref<!tpu.dma_semaphore, #tpu.memory_space<semaphore_mem>>) src(%dma_wait3A_1159 : memref<16x1024xf32, #tpu.memory_space<hbm>>) dst(%arg10 : memref<16x1024xf32, #tpu.memory_space<vmem>>)
    %parallel_loop3A_1160 = arith.constant 0 : i32
    %parallel_loop3A_1161 = arith.constant 1024 : i32
    %parallel_loop3A_1162 = arith.constant 1 : i32
    scf.for %parallel_loop3A_1200 = %parallel_loop3A_1160 to %parallel_loop3A_1161 step %parallel_loop3A_1162  : i32 {
      %parallel_loop3A_1201 = arith.constant 64 : i32
      %parallel_loop3A_1202 = arith.divsi %parallel_loop3A_1200, %parallel_loop3A_1201 : i32
      %parallel_loop3A_1203 = arith.constant 0 : i32
      %parallel_loop3A_1204 = arith.cmpi sgt, %parallel_loop3A_1200, %parallel_loop3A_1203 : i32
      %parallel_loop3A_1205 = arith.extui %parallel_loop3A_1204 : i1 to i32
      %parallel_loop3A_1206 = arith.constant 0 : i32
      %parallel_loop3A_1207 = arith.cmpi slt, %parallel_loop3A_1200, %parallel_loop3A_1206 : i32
      %parallel_loop3A_1208 = arith.extui %parallel_loop3A_1207 : i1 to i32
      %parallel_loop3A_1209 = arith.subi %parallel_loop3A_1205, %parallel_loop3A_1208 : i32
      %parallel_loop3A_1210 = arith.constant 0 : i32
      %parallel_loop3A_1211 = arith.cmpi sgt, %parallel_loop3A_1201, %parallel_loop3A_1210 : i32
      %parallel_loop3A_1212 = arith.extui %parallel_loop3A_1211 : i1 to i32
      %parallel_loop3A_1213 = arith.constant 0 : i32
      %parallel_loop3A_1214 = arith.cmpi slt, %parallel_loop3A_1201, %parallel_loop3A_1213 : i32
      %parallel_loop3A_1215 = arith.extui %parallel_loop3A_1214 : i1 to i32
      %parallel_loop3A_1216 = arith.subi %parallel_loop3A_1212, %parallel_loop3A_1215 : i32
      %parallel_loop3A_1217 = arith.cmpi ne, %parallel_loop3A_1209, %parallel_loop3A_1216 : i32
      %parallel_loop3A_1218 = arith.remsi %parallel_loop3A_1200, %parallel_loop3A_1201 : i32
      %parallel_loop3A_1219 = arith.constant 0 : i32
      %parallel_loop3A_1220 = arith.cmpi ne, %parallel_loop3A_1218, %parallel_loop3A_1219 : i32
      %parallel_loop3A_1221 = arith.andi %parallel_loop3A_1217, %parallel_loop3A_1220 : i1
      %parallel_loop3A_1222 = arith.constant 1 : i32
      %parallel_loop3A_1223 = arith.subi %parallel_loop3A_1202, %parallel_loop3A_1222 : i32
      %parallel_loop3A_1224 = arith.select %parallel_loop3A_1221, %parallel_loop3A_1223, %parallel_loop3A_1202 : i32
      %parallel_loop3A_1225 = arith.constant 64 : i32
      %parallel_loop3A_1226 = arith.constant 0 : i32
      %parallel_loop3A_1227 = arith.cmpi eq, %parallel_loop3A_1225, %parallel_loop3A_1226 : i32
      %parallel_loop3A_1228 = arith.constant 1 : i32
      %parallel_loop3A_1229 = arith.select %parallel_loop3A_1227, %parallel_loop3A_1228, %parallel_loop3A_1225 : i32
      %parallel_loop3A_1230 = arith.remsi %parallel_loop3A_1200, %parallel_loop3A_1229 : i32
      %parallel_loop3A_1231 = arith.constant 0 : i32
      %parallel_loop3A_1232 = arith.cmpi ne, %parallel_loop3A_1230, %parallel_loop3A_1231 : i32
      %parallel_loop3A_1233 = arith.constant 0 : i32
      %parallel_loop3A_1234 = arith.cmpi slt, %parallel_loop3A_1230, %parallel_loop3A_1233 : i32
      %parallel_loop3A_1235 = arith.constant 0 : i32
      %parallel_loop3A_1236 = arith.cmpi slt, %parallel_loop3A_1229, %parallel_loop3A_1235 : i32
      %parallel_loop3A_1237 = arith.xori %parallel_loop3A_1234, %parallel_loop3A_1236 : i1
      %parallel_loop3A_1238 = arith.andi %parallel_loop3A_1237, %parallel_loop3A_1232 : i1
      %parallel_loop3A_1239 = arith.addi %parallel_loop3A_1230, %parallel_loop3A_1229 : i32
      %parallel_loop3A_1240 = arith.select %parallel_loop3A_1238, %parallel_loop3A_1239, %parallel_loop3A_1230 : i32
      %parallel_loop3A_1241 = arith.constant 16 : i32
      %parallel_loop3A_1242 = arith.muli %parallel_loop3A_1240, %parallel_loop3A_1241 : i32
      %parallel_loop3A_1243 = arith.index_cast %parallel_loop3A_1224 : i32 to index
      %parallel_loop3A_1244 = arith.index_cast %parallel_loop3A_1242 : i32 to index
      %parallel_loop3A_1245 = tpu.vector_load %arg10[%parallel_loop3A_1243, %parallel_loop3A_1244] {strides = array<i32>} : memref<16x1024xf32, #tpu.memory_space<vmem>>, vector<1x16xf32>,
      %parallel_loop3A_1246 = vector.shape_cast %parallel_loop3A_1245 : vector<1x16xf32> to vector<16xf32>
      %parallel_loop3A_1247 = arith.index_cast %parallel_loop3A_1224 : i32 to index
      %parallel_loop3A_1248 = arith.index_cast %parallel_loop3A_1242 : i32 to index
      %parallel_loop3A_1249 = tpu.vector_load %arg6[%parallel_loop3A_1247, %parallel_loop3A_1248] {strides = array<i32>} : memref<16x1024xf32, #tpu.memory_space<vmem>>, vector<1x16xf32>,
      %parallel_loop3A_1250 = vector.shape_cast %parallel_loop3A_1249 : vector<1x16xf32> to vector<16xf32>
      %parallel_loop3A_1251 = arith.addf %parallel_loop3A_1246, %parallel_loop3A_1250 : vector<16xf32>
      %parallel_loop3A_1252 = arith.index_cast %parallel_loop3A_1224 : i32 to index
      %parallel_loop3A_1253 = arith.index_cast %parallel_loop3A_1242 : i32 to index
      %parallel_loop3A_1254 = tpu.vector_load %arg10[%parallel_loop3A_1252, %parallel_loop3A_1253] {strides = array<i32>} : memref<16x1024xf32, #tpu.memory_space<vmem>>, vector<1x16xf32>,
      %parallel_loop3A_1255 = vector.shape_cast %parallel_loop3A_1254 : vector<1x16xf32> to vector<16xf32>
      %parallel_loop3A_1256 = vector.shape_cast %parallel_loop3A_1251 : vector<16xf32> to vector<1x16xf32>
      tpu.vector_store %arg10[%parallel_loop3A_1252, %parallel_loop3A_1253], %parallel_loop3A_1256 {strides = array<i32>} : memref<16x1024xf32, #tpu.memory_space<vmem>>, vector<1x16xf32>,
    } {sc.loop_unroll_factor = 8 : i64, sc.parallel_access}
    %add3A_1163 = arith.constant 112 : i32
    %add3A_1164 = arith.addi %mul3A_2, %add3A_1163 : i32
    %dma_start3A_1165 = arith.constant 3 : i32
    %dma_start3A_1166 = arith.constant 0 : i32
    %dma_start3A_1167 = tpu.memref_slice %arg4[%dma_start3A_1165, %add3A_1164, %dma_start3A_1166] : memref<4x4096x1024xf32, #tpu.memory_space<hbm>> -> memref<1x16x1024xf32, #tpu.memory_space<hbm>>
    %dma_start3A_1168 = tpu.memref_squeeze %dma_start3A_1167 : memref<1x16x1024xf32, #tpu.memory_space<hbm>> -> memref<16x1024xf32, #tpu.memory_space<hbm>>
    %dma_start3A_1169 = arith.constant 0 : i32
    %dma_start3A_1170 = tpu.memref_slice %arg4[%dma_start3A_1165, %add3A_1164, %dma_start3A_1169] : memref<4x4096x1024xf32, #tpu.memory_space<hbm>> -> memref<1x16x1024xf32, #tpu.memory_space<hbm>>
    %dma_start3A_1171 = tpu.memref_squeeze %dma_start3A_1170 : memref<1x16x1024xf32, #tpu.memory_space<hbm>> -> memref<16x1024xf32, #tpu.memory_space<hbm>>
    tpu.enqueue_dma source(%arg10 : memref<16x1024xf32, #tpu.memory_space<vmem>>) target(%dma_start3A_1171 : memref<16x1024xf32, #tpu.memory_space<hbm>>) target_semaphore(%arg20 : memref<!tpu.dma_semaphore, #tpu.memory_space<semaphore_mem>>)
    %dma_wait3A_1172 = arith.constant 0 : i32
    %dma_wait3A_1173 = arith.constant 0 : i32
    %dma_wait3A_1174 = tpu.memref_slice %arg4[%dma_wait3A_1172, %add3A_1091, %dma_wait3A_1173] : memref<4x4096x1024xf32, #tpu.memory_space<hbm>> -> memref<1x16x1024xf32, #tpu.memory_space<hbm>>
    %dma_wait3A_1175 = tpu.memref_squeeze %dma_wait3A_1174 : memref<1x16x1024xf32, #tpu.memory_space<hbm>> -> memref<16x1024xf32, #tpu.memory_space<hbm>>
    %dma_wait3A_1176 = arith.constant 0 : i32
    %dma_wait3A_1177 = tpu.memref_slice %arg4[%dma_wait3A_1172, %add3A_1091, %dma_wait3A_1176] : memref<4x4096x1024xf32, #tpu.memory_space<hbm>> -> memref<1x16x1024xf32, #tpu.memory_space<hbm>>
    %dma_wait3A_1178 = tpu.memref_squeeze %dma_wait3A_1177 : memref<1x16x1024xf32, #tpu.memory_space<hbm>> -> memref<16x1024xf32, #tpu.memory_space<hbm>>
    tpu.wait_dma2 semaphore(%arg17 : memref<!tpu.dma_semaphore, #tpu.memory_space<semaphore_mem>>) src(%arg7 : memref<16x1024xf32, #tpu.memory_space<vmem>>) dst(%dma_wait3A_1178 : memref<16x1024xf32, #tpu.memory_space<hbm>>)
    %dma_wait3A_1179 = arith.constant 1 : i32
    %dma_wait3A_1180 = arith.constant 0 : i32
    %dma_wait3A_1181 = tpu.memref_slice %arg4[%dma_wait3A_1179, %add3A_1126, %dma_wait3A_1180] : memref<4x4096x1024xf32, #tpu.memory_space<hbm>> -> memref<1x16x1024xf32, #tpu.memory_space<hbm>>
    %dma_wait3A_1182 = tpu.memref_squeeze %dma_wait3A_1181 : memref<1x16x1024xf32, #tpu.memory_space<hbm>> -> memref<16x1024xf32, #tpu.memory_space<hbm>>
    %dma_wait3A_1183 = arith.constant 0 : i32
    %dma_wait3A_1184 = tpu.memref_slice %arg4[%dma_wait3A_1179, %add3A_1126, %dma_wait3A_1183] : memref<4x4096x1024xf32, #tpu.memory_space<hbm>> -> memref<1x16x1024xf32, #tpu.memory_space<hbm>>
    %dma_wait3A_1185 = tpu.memref_squeeze %dma_wait3A_1184 : memref<1x16x1024xf32, #tpu.memory_space<hbm>> -> memref<16x1024xf32, #tpu.memory_space<hbm>>
    tpu.wait_dma2 semaphore(%arg18 : memref<!tpu.dma_semaphore, #tpu.memory_space<semaphore_mem>>) src(%arg8 : memref<16x1024xf32, #tpu.memory_space<vmem>>) dst(%dma_wait3A_1185 : memref<16x1024xf32, #tpu.memory_space<hbm>>)
    %dma_wait3A_1186 = arith.constant 2 : i32
    %dma_wait3A_1187 = arith.constant 0 : i32
    %dma_wait3A_1188 = tpu.memref_slice %arg4[%dma_wait3A_1186, %add3A_1145, %dma_wait3A_1187] : memref<4x4096x1024xf32, #tpu.memory_space<hbm>> -> memref<1x16x1024xf32, #tpu.memory_space<hbm>>
    %dma_wait3A_1189 = tpu.memref_squeeze %dma_wait3A_1188 : memref<1x16x1024xf32, #tpu.memory_space<hbm>> -> memref<16x1024xf32, #tpu.memory_space<hbm>>
    %dma_wait3A_1190 = arith.constant 0 : i32
    %dma_wait3A_1191 = tpu.memref_slice %arg4[%dma_wait3A_1186, %add3A_1145, %dma_wait3A_1190] : memref<4x4096x1024xf32, #tpu.memory_space<hbm>> -> memref<1x16x1024xf32, #tpu.memory_space<hbm>>
    %dma_wait3A_1192 = tpu.memref_squeeze %dma_wait3A_1191 : memref<1x16x1024xf32, #tpu.memory_space<hbm>> -> memref<16x1024xf32, #tpu.memory_space<hbm>>
    tpu.wait_dma2 semaphore(%arg19 : memref<!tpu.dma_semaphore, #tpu.memory_space<semaphore_mem>>) src(%arg9 : memref<16x1024xf32, #tpu.memory_space<vmem>>) dst(%dma_wait3A_1192 : memref<16x1024xf32, #tpu.memory_space<hbm>>)
    %dma_wait3A_1193 = arith.constant 3 : i32
    %dma_wait3A_1194 = arith.constant 0 : i32
    %dma_wait3A_1195 = tpu.memref_slice %arg4[%dma_wait3A_1193, %add3A_1164, %dma_wait3A_1194] : memref<4x4096x1024xf32, #tpu.memory_space<hbm>> -> memref<1x16x1024xf32, #tpu.memory_space<hbm>>
    %dma_wait3A_1196 = tpu.memref_squeeze %dma_wait3A_1195 : memref<1x16x1024xf32, #tpu.memory_space<hbm>> -> memref<16x1024xf32, #tpu.memory_space<hbm>>
    %dma_wait3A_1197 = arith.constant 0 : i32
    %dma_wait3A_1198 = tpu.memref_slice %arg4[%dma_wait3A_1193, %add3A_1164, %dma_wait3A_1197] : memref<4x4096x1024xf32, #tpu.memory_space<hbm>> -> memref<1x16x1024xf32, #tpu.memory_space<hbm>>
    %dma_wait3A_1199 = tpu.memref_squeeze %dma_wait3A_1198 : memref<1x16x1024xf32, #tpu.memory_space<hbm>> -> memref<16x1024xf32, #tpu.memory_space<hbm>>
    tpu.wait_dma2 semaphore(%arg20 : memref<!tpu.dma_semaphore, #tpu.memory_space<semaphore_mem>>) src(%arg10 : memref<16x1024xf32, #tpu.memory_space<vmem>>) dst(%dma_wait3A_1199 : memref<16x1024xf32, #tpu.memory_space<hbm>>)
    return
  }
}

</mosaic_0001>

<sc_bundles>
// kernel: kernel.3.cloned.1.call-start
scs
__scs_entry_jumppad:
0x0: {  	(pc) =	sbr.rel $0x88, $3  }
0x1: {  	(tag) =	ssettag $0x0;
	lr =	simm.s32 $0x1  }
0x2: {  	[smem:$0x3F9F] =	sst lr;
	_ =	strace $0xD0000000  }
0x3: {  	_ = 	snop  }
0x4: {  	_ = 	snop  }
0x5: {  	_ = 	snop  }
0x6: {  	_ = 	snop  }
0x7: {  	_ = 	snop  }
__scs_overlays_trampoline_lowered:
0x8: {  	[smem:$0x3FAE] =	sst s0  }
0x9: {  	[smem:$0x3FAF] =	sst s1  }
0xa: {  	[smem:$0x3FB0] =	sst s2  }
0xb: {  	[smem:$0x3FB1] =	sst s3  }
0xc: {  	[smem:$0x3FB2] =	sst s4  }
0xd: {  	[smem:$0x3FB3] =	sst s5  }
0xe: {  	[smem:$0x3FB4] =	sst s6  }
0xf: {  	[smem:$0x3FB5] =	sst s7  }
0x10: {  	[smem:$0x3FB6] =	sst s8  }
0x11: {  	[smem:$0x3FB7] =	sst s9;
	s0 =	simm.s32 @!p0 $0x0  }
0x12: {  	s1 =	sld [smem:$0x3F9D];
	s0 =	simm.s32 @p0 $0x1  }
0x13: {  	[smem:$0x3FB8] =	sst s0;
	s0 =	simm.s32 @!p1 $0x0  }
0x14: {  	s2 =	sld [smem:$0x3F9C];
	s0 =	simm.s32 @p1 $0x1  }
0x15: {  	[smem:$0x3FB9] =	sst s0;
	s0 =	simm.s32 @!p2 $0x0  }
0x16: {  	s3 =	sld [smem:$0x3FDB];
	s0 =	simm.s32 @p2 $0x1  }
0x17: {  	s4 =	simm.s32 $0x1BF5;
	[smem:$0x3FBB] =	sst s0  }
0x18: {  	s0 =	sld [smem:$0x3F9E];
	_ =	swait.ge [sflag:s4], $0x0  }
0x19: {  	s7 =	sld [smem:$0x3F9F]  }
0x1a: {  	s8 =	sadd.s32 $0xFFFFE003, lr  }
0x1b: {  	s9 =	sadd.s32 $0xFFFFFEF7, lr;
	s5 =	simm.s32 $0xFFFFFFFF;
	p2 =	slt.u32 s8, $0xFFFFF086  }
0x1c: {  	p1 =	slt.u32 s9, $0xF7A;
	s5 =	simm.s32 @!p2 $0x0  }
0x1d: {  	s5 =	simm.s32 @p1 $0x1;
	p0 =	seq.s32 s7, s2  }
0x1e: {  	s7 =	smul.u32 @!p0 $0xF7A, s2;
	p2 =	seq.s32 @!p0 s5, $0x0  }
0x1f: {  	s9 =	smul.u32 $0xF7A, s1;
	s8 =	simm.s32 @!p0 $0x1BF5;
	p2 =	por !p2, p0  }
0x20: {  	[sflag:s8] =	ssyncset.s32 @!p0 $0xFFFFF086;
	s6 =	sadd.s32 @!p0 s3, s7;
	s7 =	simm.s32 @!p0 $0x108  }
0x21: {  	s3 =	sadd.s32 s3, s9;
	s6 =	sadd.s32 @!p0 $0x88, s6;
	s7 =	simm.s32 @p2 $0x1082  }
0x22: {  	[simem:s7], [sflag:s8] =	dma.local @!p0 [hbm:s6], $0xF7A  }
0x23: {  	s9 =	sor.u32 $0xD0000000, s2;
	s6 =	simm.s32 $0x108;
	_ =	swait.ge @!p0 [sflag:s8], $0x0  }
0x24: {  	s3 =	sadd.s32 $0x88, s3;
	s6 =	simm.s32 @!p1 $0x1082;
	[sflag:s4] =	ssyncset.s32 $0xFFFFF086  }
0x25: {  	[simem:s6], [sflag:s4] =	dma.local [hbm:s3], $0xF7A  }
0x26: {  	[smem:$0x3F9F] =	sst s1;
	(tag) =	ssettag s2;
	_ =	strace s9  }
0x27: {  	s1 =	sld [smem:$0x3FAF]  }
0x28: {  	s2 =	sld [smem:$0x3FB0]  }
0x29: {  	s4 =	sld [smem:$0x3FB2]  }
0x2a: {  	p0 =	seq.s32 s5, $0x0;
	s5 =	sld [smem:$0x3FB3]  }
0x2b: {  	s6 =	sld [smem:$0x3FB4]  }
0x2c: {  	s7 =	sld [smem:$0x3FB5]  }
0x2d: {  	s3 =	simm.s32 $0x108;
	s8 =	sld [smem:$0x3FB6]  }
0x2e: {  	s3 =	simm.s32 @!p0 $0x1082;
	s9 =	sld [smem:$0x3FB7]  }
0x2f: {  	lr =	sadd.s32 s0, s3;
	s0 =	sld [smem:$0x3FAE]  }
0x30: {  	s3 =	sld [smem:$0x3FB1]  }
0x31: {  	[smem:$0x3FBA] =	sst s10  }
0x32: {  	s10 =	sld [smem:$0x3FB8];
	_ =	sdelay $0x3  }
0x33: {  	p0 =	seq.s32 s10, $0x1;
	s10 =	sld [smem:$0x3FBA];
	_ =	sdelay $0x3  }
0x34: {  	[smem:$0x3FBA] =	sst s10  }
0x35: {  	s10 =	sld [smem:$0x3FB9];
	_ =	sdelay $0x3  }
0x36: {  	p1 =	seq.s32 s10, $0x1;
	s10 =	sld [smem:$0x3FBA];
	_ =	sdelay $0x3  }
0x37: {  	[smem:$0x3FBA] =	sst s10  }
0x38: {  	s10 =	sld [smem:$0x3FBB]  }
0x39: {  	_ = 	snop;
	(pc) =	sbr.ind lr, $3  }
0x3a: {  	_ = 	snop  }
0x3b: {  	_ = 	snop  }
0x3c: {  	p2 =	seq.s32 s10, $0x1;
	s10 =	sld [smem:$0x3FBA]  }
0x3d: {  	_ =	shalt  }
0x3e: {  	_ =	shalt  }
0x3f: {  	_ =	shalt  }
0x40: {  	_ =	shalt  }
0x41: {  	_ =	shalt  }
0x42: {  	_ =	shalt  }
0x43: {  	_ =	shalt  }
0x44: {  	_ =	shalt  }
0x45: {  	_ =	shalt  }
0x46: {  	_ =	shalt  }
0x47: {  	_ =	shalt  }
0x48: {  	_ =	shalt  }
0x49: {  	_ =	shalt  }
0x4a: {  	_ =	shalt  }
0x4b: {  	_ =	shalt  }
0x4c: {  	_ =	shalt  }
0x4d: {  	_ =	shalt  }
0x4e: {  	_ =	shalt  }
0x4f: {  	_ =	shalt  }
0x50: {  	_ =	shalt  }
0x51: {  	_ =	shalt  }
0x52: {  	_ =	shalt  }
0x53: {  	_ =	shalt  }
0x54: {  	_ =	shalt  }
0x55: {  	_ =	shalt  }
0x56: {  	_ =	shalt  }
0x57: {  	_ =	shalt  }
0x58: {  	_ =	shalt  }
0x59: {  	_ =	shalt  }
0x5a: {  	_ =	shalt  }
0x5b: {  	_ =	shalt  }
0x5c: {  	_ =	shalt  }
0x5d: {  	_ =	shalt  }
0x5e: {  	_ =	shalt  }
0x5f: {  	_ =	shalt  }
0x60: {  	_ =	shalt  }
0x61: {  	_ =	shalt  }
0x62: {  	_ =	shalt  }
0x63: {  	_ =	shalt  }
0x64: {  	_ =	shalt  }
0x65: {  	_ =	shalt  }
0x66: {  	_ =	shalt  }
0x67: {  	_ =	shalt  }
0x68: {  	_ =	shalt  }
0x69: {  	_ =	shalt  }
0x6a: {  	_ =	shalt  }
0x6b: {  	_ =	shalt  }
0x6c: {  	_ =	shalt  }
0x6d: {  	_ =	shalt  }
0x6e: {  	_ =	shalt  }
0x6f: {  	_ =	shalt  }
0x70: {  	_ =	shalt  }
0x71: {  	_ =	shalt  }
0x72: {  	_ =	shalt  }
0x73: {  	_ =	shalt  }
0x74: {  	_ =	shalt  }
0x75: {  	_ =	shalt  }
0x76: {  	_ =	shalt  }
0x77: {  	_ =	shalt  }
0x78: {  	_ =	shalt  }
0x79: {  	_ =	shalt  }
0x7a: {  	_ =	shalt  }
0x7b: {  	_ =	shalt  }
0x7c: {  	_ =	shalt  }
0x7d: {  	_ =	shalt  }
0x7e: {  	_ =	shalt  }
0x7f: {  	_ =	shalt  }
0x80: {  	_ =	shalt  }
0x81: {  	_ =	shalt  }
0x82: {  	_ =	shalt  }
0x83: {  	_ =	shalt  }
0x84: {  	_ =	shalt  }
0x85: {  	_ =	shalt  }
0x86: {  	_ =	shalt  }
0x87: {  	_ =	shalt  }
.Lfunc_end0:
.L_simem_size_0:
called_computation_lowered:
.L_overlay_start_0:
0x88: {  	s2 =	sld [smem:$0x3FD9]  }
0x89: {  	s3 =	sld [smem:$0x3FFE];
	_ =	sdelay $0x1  }
0x8a: {  	s1 =	srdreg.scid  }
0x8b: {  	s0 =	sand.u32 $0x1, s1  }
0x8c: {  	s18 =	sshll.u32 s0, $0xA;
	s2 =	sadd.s32 s3, s2  }
0x8d: {  	s2 =	sadd.s32 s2, s18  }
0x8e: {  	[smem:$0x3FC6] =	sst s2  }
0x8f: {  	_ = 	snop  }
0x90: {  	s2 =	sld [smem:$0x3FC9]  }
0x91: {  	s19 =	sld [smem:$0x3FC8]  }
0x92: {  	s4 =	sld [smem:$0x3FD0];
	(tm) =	ssettm $0x1  }
0x93: {  	s5 =	sld [smem:$0x3FFB];
	_ =	sdelay $0x3  }
0x94: {  	_ =	strace s5  }
0x95: {  	s5 =	sld [smem:$0x3FFC];
	_ =	sdelay $0x3  }
0x96: {  	_ =	strace s5  }
0x97: {  	s5 =	sld [smem:$0x3FFD];
	_ =	sdelay $0x3  }
0x98: {  	_ =	strace s5  }
0x99: {  	_ =	strace $0x8FFFFFFF  }
0x9a: {  	s20 =	sld [smem:$0x3FDB];
	_ =	sdelay $0x1  }
0x9b: {  	s6 =	simm.s32 $_scs_section_size  }
0x9c: {  	s7 =	simm.s32 $_size__tile_overlayer_lowered;
	s8 =	simm.s32 $_tile_overlayer_lowered  }
0x9d: {  	s23 =	simm.s32 $0x1BFF;
	s22 =	sshll.u32 s8, $0x1;
	s5 =	sadd.s32 s6, s20  }
0x9e: {  	s9 =	simm.s32 $0x0;
	s21 =	sshll.u32 s7, $0x1;
	s7 =	sadd.s32 s22, s5  }
0x9f: {  	[timem:s9], [sflag:s23] =	dma.local [hbm:s7], s21  }
0xa0: {  	_ =	swait.ge [sflag:s23], s21  }
0xa1: {  	s6 =	ssub.s32 $0x0, s21;
	[sflag:s23] =	ssyncset.done $0x0  }
0xa2: {  	[sflag:s23] =	ssyncadd.s32 s6;
	_ =	sdelay $0x1  }
0xa3: {  	s24 =	simm.s32 $0x1B8B  }
0xa4: {  	_ =	swait.ge [sflag:s24], $0x1  }
0xa5: {  	[sflag:s24] =	ssyncset.done $0x0  }
0xa6: {  	s25 =	simm.s32 $0x1B8E;
	[sflag:s24] =	ssyncadd.s32 $0xFFFFFFFF  }
0xa7: {  	s26 =	simm.s32 $execute0_lowered;
	[smem:$0x3FD2] =	sst s25  }
0xa8: {  	s6 =	sshll.u32 s26, $0x1;
	_ =	strace $0x80000046;
	[dreg:$0x1] =	wrdreg $0xFFFFFFFF  }
0xa9: {  	s28 =	simm.s32 $_size_execute0_lowered;
	s5 =	sadd.s32 s5, s6;
	[dreg:$0x0] =	wrdreg $0x0  }
0xaa: {  	s6 =	sshll.u32 s28, $0x1;
	[dreg:$0x2] =	wrdreg s5  }
0xab: {  	[dreg:$0x3] =	wrdreg s6  }
0xac: {  	[dreg:$0x4] =	wrdreg $0xC0  }
0xad: {  	_ =	task [dreg:s9], $0x5FFFF  }
0xae: {  	[dreg:$0x1] =	wrdreg $0xFFFFFFFF  }
0xaf: {  	[dreg:$0x0] =	wrdreg $0x60  }
0xb0: {  	[dreg:$0x2] =	wrdreg s2  }
0xb1: {  	[dreg:$0x3] =	wrdreg s19  }
0xb2: {  	[dreg:$0x4] =	wrdreg s4  }
0xb3: {  	[dreg:$0x5] =	wrdreg $0x9  }
0xb4: {  	_ =	task.clear_ibuf [dreg:s9], $0x6FFFF;
	_ =	strace $0x90000046  }
0xb5: {  	s29 =	simm.s32 $0x9;
	_ =	strace $0x80000048  }
0xb6: {  	_ =	swait.ge [sflag:s29], $0x1  }
0xb7: {  	[sflag:s29] =	ssyncadd.s32 $0xFFFFFFFF  }
0xb8: {  	_ =	strace $0x90000048  }
0xb9: {  	_ =	sfence  }
0xba: {  	s30 =	sld [smem:$0x0];
	_ =	sdelay $0x2  }
0xbb: {  	s31 =	sshll.u32 s1, $0xD;
	s1 =	sshrl.u32 s1, $0x2  }
0xbc: {  	s3 =	sand.u32 $0x4000, s31;
	s1 =	sadd.s32 s1, s30  }
0xbd: {  	s0 =	sor.u32 s3, s0;
	s1 =	sshll.u32 s1, $0x11  }
0xbe: {  	s0 =	sor.u32 s1, s0  }
0xbf: {  	s0 =	sadd.s32 $0x8F2B, s0  }
0xc0: {  	[sflag:s0] =	ssyncadd.remote.s32 $0x1  }
0xc1: {  	_ =	sfence.sel $0xFFFF  }
0xc2: {  	[dreg:$0x0] =	wrdreg $0xFFFFFFFF;
	(pc) =	sbr.abs _section_cstart, $3  }
0xc3: {  	[dreg:$0x1] =	wrdreg $0xFFFFFFFF  }
0xc4: {  	_ =	task.clear_ibuf [dreg:s9], $0x2FFFF;
	_ =	strace $0x9FFFFFFF  }
0xc5: {  	(tm) =	ssettm $0x7FFFFFFF  }
tec
execute0_lowered:
.L_overlay_start_1:
0x0: {  	(tag) =	ssettag $0x1  }
0x1: {  	s0 =	srdreg.scid;
	s10 =	rddreg [dreg:$0x0]  }
0x2: {  	s2 =	stileid.u32;
	s13 =	rddreg [dreg:$0x2];
	s1 =	sand.u32 $0x1, s0  }
0x3: {  	s0 =	rddreg [dreg:$0x1];
	s2 =	sshll.u32 s2, $0xF;
	s3 =	sshll.u32 s1, $0xE  }
0x4: {  	s4 =	ssub.s32 $0x2, s1;
	s1 =	simm.s32 $0x0;
	s8 =	sor.u32 s3, s2  }
0x5: {  	s6 =	sshrl.u32 s4, $0x1;
	[smem:$0x7FF] =	sst s1;
	s3 =	sor.u32 $0x80000, s8  }
0x6: {  	s14 =	ssub.s32 s4, s6;
	s9 =	sor.u32 $0x100000, s8;
	s7 =	sadd.s32 s10, s3  }
0x7: {  	s11 =	sor.u32 $0x800, s8;
	s6 =	sadd.s32 s10, s9;
	[dreg:$0x4] =	wrdreg s7  }
0x8: {  	s5 =	sor.u32 $0x180000, s8;
	s12 =	sadd.s32 s0, s11;
	[dreg:$0x5] =	wrdreg s6  }
0x9: {  	s15 =	sadd.s32 s10, s5;
	[dreg:$0x6] =	wrdreg s12  }
0xa: {  	s3 =	sadd.s32 s13, s3;
	[dreg:$0x7] =	wrdreg s15  }
0xb: {  	s16 =	sadd.s32 s10, s11;
	[dreg:$0x8] =	wrdreg s3  }
0xc: {  	s17 =	sor.u32 $0x80800, s8;
	s2 =	sadd.s32 s13, s9;
	[dreg:$0x9] =	wrdreg s16  }
0xd: {  	s18 =	sadd.s32 s10, s17;
	[dreg:$0xa] =	wrdreg s2  }
0xe: {  	s19 =	sor.u32 $0x100800, s8;
	s5 =	sadd.s32 s13, s5;
	[dreg:$0xb] =	wrdreg s18  }
0xf: {  	s20 =	sadd.s32 s10, s19;
	[dreg:$0xc] =	wrdreg s5  }
0x10: {  	s21 =	sor.u32 $0x1000, s8;
	s4 =	sadd.s32 s13, s11;
	[dreg:$0xd] =	wrdreg s20  }
0x11: {  	s23 =	sor.u32 $0x180800, s8;
	s22 =	sadd.s32 s0, s21;
	[dreg:$0xe] =	wrdreg s4  }
0x12: {  	s24 =	sadd.s32 s10, s23;
	[dreg:$0xf] =	wrdreg s22  }
0x13: {  	s25 =	sadd.s32 s10, s21;
	[dreg:$0x10] =	wrdreg s24  }
0x14: {  	s3 =	sadd.s32 s13, s17;
	[dreg:$0x12] =	wrdreg s25  }
0x15: {  	s2 =	sadd.s32 s13, s19;
	[dreg:$0x11] =	wrdreg s3  }
0x16: {  	s4 =	sadd.s32 s13, s23;
	[dreg:$0x13] =	wrdreg s2  }
0x17: {  	s26 =	sor.u32 $0x81000, s8;
	s5 =	sadd.s32 s13, s21;
	[dreg:$0x14] =	wrdreg s4  }
0x18: {  	s11 =	sor.u32 $0x181000, s8;
	s6 =	sadd.s32 s10, s26;
	[dreg:$0x15] =	wrdreg s5  }
0x19: {  	s15 =	sadd.s32 s10, s11;
	[dreg:$0x16] =	wrdreg s6  }
0x1a: {  	s7 =	sor.u32 $0x101000, s8;
	s2 =	sadd.s32 s13, s26;
	[dreg:$0x1a] =	wrdreg s15  }
0x1b: {  	s9 =	sadd.s32 s10, s7;
	[dreg:$0x17] =	wrdreg s2  }
0x1c: {  	s12 =	sor.u32 $0x1800, s8;
	s3 =	sadd.s32 s13, s7;
	[dreg:$0x18] =	wrdreg s9  }
0x1d: {  	s16 =	sadd.s32 s0, s12;
	[dreg:$0x19] =	wrdreg s3  }
0x1e: {  	s17 =	sadd.s32 s10, s12;
	[dreg:$0x1c] =	wrdreg s16  }
0x1f: {  	s19 =	sor.u32 $0x81800, s8;
	s18 =	sadd.s32 s13, s12;
	[dreg:$0x1d] =	wrdreg s17  }
0x20: {  	s20 =	sor.u32 $0x101800, s8;
	s21 =	sadd.s32 s10, s19;
	[dreg:$0x1e] =	wrdreg s18  }
0x21: {  	s22 =	sadd.s32 s10, s20;
	[dreg:$0x1f] =	wrdreg s21  }
0x22: {  	s25 =	sor.u32 $0x181800, s8;
	s23 =	sadd.s32 s13, s20;
	[smem:$0x7DA] =	sst s22  }
0x23: {  	s24 =	sor.u32 $0x2000, s8;
	s26 =	sadd.s32 s10, s25;
	[smem:$0x7DB] =	sst s23  }
0x24: {  	s5 =	sadd.s32 s0, s24;
	[smem:$0x7DC] =	sst s26  }
0x25: {  	s6 =	sadd.s32 s10, s24;
	[smem:$0x7DE] =	sst s5  }
0x26: {  	s2 =	sadd.s32 s13, s11;
	[smem:$0x7DF] =	sst s6  }
0x27: {  	s7 =	sor.u32 $0x82000, s8;
	s3 =	sadd.s32 s13, s25;
	[dreg:$0x1b] =	wrdreg s2  }
0x28: {  	s15 =	sor.u32 $0x182000, s8;
	s9 =	sadd.s32 s10, s7;
	[smem:$0x7DD] =	sst s3  }
0x29: {  	s20 =	sor.u32 $0x82800, s8;
	s16 =	sadd.s32 s10, s15;
	[smem:$0x7E1] =	sst s9  }
0x2a: {  	s21 =	sadd.s32 s10, s20;
	[smem:$0x7E5] =	sst s16  }
0x2b: {  	s11 =	sor.u32 $0x102000, s8;
	s2 =	sadd.s32 s13, s19;
	[smem:$0x7EA] =	sst s21  }
0x2c: {  	s17 =	sor.u32 $0x2800, s8;
	s12 =	sadd.s32 s10, s11;
	[smem:$0x7D9] =	sst s2  }
0x2d: {  	s18 =	sadd.s32 s0, s17;
	[smem:$0x7E3] =	sst s12  }
0x2e: {  	s19 =	sadd.s32 s10, s17;
	[smem:$0x7E7] =	sst s18  }
0x2f: {  	s22 =	sor.u32 $0x102800, s8;
	s3 =	sadd.s32 s13, s20;
	[smem:$0x7E8] =	sst s19  }
0x30: {  	s25 =	sor.u32 $0x3000, s8;
	s23 =	sadd.s32 s10, s22;
	[smem:$0x7EB] =	sst s3  }
0x31: {  	s28 =	simm.s32 $0x9;
	s5 =	sadd.s32 s0, s25;
	[smem:$0x7EC] =	sst s23  }
0x32: {  	s29 =	simm.s32 $0x2;
	s6 =	sadd.s32 s10, s25;
	[smem:$0x7F0] =	sst s5  }
0x33: {  	s16 =	sor.u32 $0x103000, s8;
	s2 =	sadd.s32 s13, s24;
	[smem:$0x7F1] =	sst s6  }
0x34: {  	s9 =	sor.u32 $0x3800, s8;
	s18 =	sadd.s32 s10, s16;
	[smem:$0x7E0] =	sst s2  }
0x35: {  	s30 =	simm.s32 $0xA;
	s21 =	sadd.s32 s10, s9;
	[smem:$0x7F7] =	sst s18  }
0x36: {  	s31 =	simm.s32 $0x0;
	s23 =	sadd.s32 s10, s8;
	[smem:$0x7FB] =	sst s21  }
0x37: {  	s24 =	sor.u32 $0x182800, s8;
	s2 =	sadd.s32 s13, s7;
	[smem:$0x7FD] =	sst s23  }
0x38: {  	s14 =	smax.u32 s14, $0x1;
	s26 =	sadd.s32 s10, s24;
	[smem:$0x7E2] =	sst s2  }
0x39: {  	s3 =	sadd.s32 s13, s24;
	s7 =	sor.u32 $0x83000, s8;
	[smem:$0x7EE] =	sst s26  }
0x3a: {  	s24 =	sor.u32 $0x83800, s8;
	s2 =	sadd.s32 s13, s11;
	[smem:$0x7EF] =	sst s3  }
0x3b: {  	s18 =	simm.s32 $0x3;
	s11 =	sadd.s32 s0, s8;
	[smem:$0x7E4] =	sst s2  }
0x3c: {  	s21 =	simm.s32 $0x14000;
	s0 =	sadd.s32 s0, s9;
	[smem:$0x7F3] =	sst s11  }
0x3d: {  	s23 =	simm.s32 $0x7;
	s12 =	sadd.s32 s10, s7;
	[smem:$0x7F4] =	sst s0  }
0x3e: {  	s26 =	sor.u32 $0x183800, s8;
	s2 =	sadd.s32 s13, s15;
	[smem:$0x7F5] =	sst s12  }
0x3f: {  	s15 =	sadd.s32 s13, s7;
	s0 =	sadd.s32 s13, s16;
	[smem:$0x7E6] =	sst s2  }
0x40: {  	s7 =	sadd.s32 s13, s8;
	s11 =	sadd.s32 s13, s24;
	[smem:$0x7F6] =	sst s15  }
0x41: {  	s16 =	simm.s32 $0xC000;
	s2 =	sadd.s32 s13, s17;
	[smem:$0x7F8] =	sst s0  }
0x42: {  	s17 =	sor.u32 $0x183000, s8;
	[smem:$0x7E9] =	sst s2;
	s2 =	sadd.s32 s13, s22  }
0x43: {  	s15 =	simm.s32 $0x8000;
	s19 =	sadd.s32 s10, s17;
	[smem:$0x7ED] =	sst s2  }
0x44: {  	s20 =	sadd.s32 s13, s17;
	s22 =	sadd.s32 s13, s9;
	[smem:$0x7F9] =	sst s19  }
0x45: {  	s17 =	simm.s32 $0x10000;
	s2 =	sadd.s32 s13, s25;
	[smem:$0x7FA] =	sst s20  }
0x46: {  	[smem:$0x7FC] =	sst s22;
	s25 =	sor.u32 $0x103800, s8;
	s8 =	sadd.s32 s10, s24  }
0x47: {  	s19 =	simm.s32 $0x1;
	s20 =	simm.s32 $0x4000;
	s22 =	simm.s32 $0x4  }
0x48: {  	s24 =	simm.s32 $0x5;
	[smem:$0x7F2] =	sst s2;
	s9 =	sadd.s32 s10, s25  }
0x49: {  	s10 =	sadd.s32 s10, s26;
	s12 =	sadd.s32 s13, s25;
	s13 =	sadd.s32 s13, s26  }
0x4a: {  	s25 =	simm.s32 $0x8;
	s26 =	simm.s32 $0x6;
	_ =	strace $0x80000047  }
.LBB2_1:
0x4b: {  	s0 =	sld [smem:$0x7F3];
	_ =	sdelay $0x1  }
0x4c: {  	s2 =	sld [smem:$0x7FD]  }
0x4d: {  	[tilespmem:s1], [sflag:$0x1] =	stream.linear.gather [hbm4b:s0+s1], $0x4000, $0x38;
	[tilespmem:$0x18000] =	vst v63  }
0x4e: {  	_ = 	snop  }
0x4f: {  	[tilespmem:s15], [sflag:$0x3] =	stream.linear.gather [hbm4b:s2+s1], $0x4000, $0x38;
	[tilespmem:$0x18000] =	vst v63  }
0x50: {  	s3 =	rddreg [dreg:$0x4]  }
0x51: {  	[tilespmem:s16], [sflag:$0x4] =	stream.linear.gather [hbm4b:s3+s1], $0x4000, $0x38;
	[tilespmem:$0x18000] =	vst v63  }
0x52: {  	s4 =	rddreg [dreg:$0x5]  }
0x53: {  	[tilespmem:s17], [sflag:$0x5] =	stream.linear.gather [hbm4b:s4+s1], $0x4000, $0x38;
	[tilespmem:$0x18000] =	vst v63  }
0x54: {  	_ =	swait.ge [sflag:s18], $0x4000  }
0x55: {  	s5 =	simm.s32 $0x0;
	[sflag:s18] =	ssyncset.done $0x0  }
0x56: {  	s0 =	sand.u32 $0x2000, s5;
	[sflag:s18] =	ssyncadd.s32 $0xFFFFC000  }
0x57: {  	s2 =	sand.u32 $0x1C00, s1;
	s3 =	simm.s32 $0x0;
	_ =	swait.ge [sflag:s19], $0x4000  }
0x58: {  	s0 =	sor.u32 s2, s0;
	s6 =	sand.u32 $0x380, s3;
	[sflag:s19] =	ssyncset.done $0x0  }
0x59: {  	s0 =	sor.u32 s6, s0;
	[sflag:s19] =	ssyncadd.s32 $0xFFFFC000  }
0x5a: {  	v0 =	vld [tilespmem:s0+$0x8070]  }
0x5b: {  	v2 =	vld [tilespmem:s0+$0x70]  }
0x5c: {  	v3 =	vld [tilespmem:s0+$0x8000]  }
0x5d: {  	v5 =	vld [tilespmem:s0+$0x0]  }
0x5e: {  	v6 =	vld [tilespmem:s0+$0x8010]  }
0x5f: {  	v7 =	vld [tilespmem:s0+$0x10]  }
0x60: {  	v1 =	vld [tilespmem:s0+$0x8020]  }
0x61: {  	v4 =	vld [tilespmem:s0+$0x20];
	v2 =	vadd.f32 v2, v0  }
0x62: {  	v5 =	vadd.f32 v5, v3;
	v0 =	vld [tilespmem:s0+$0x8030]  }
0x63: {  	v3 =	vld [tilespmem:s0+$0x30];
	[tilespmem:s0+$0x8070] =	vst v2  }
0x64: {  	s2 =	simm.s32 $0x0;
	s3 =	simm.s32 $0x0;
	[tilespmem:s0+$0x8000] =	vst v5;
	v5 =	vadd.f32 v7, v6;
	v2 =	vld [tilespmem:s0+$0x8040]  }
.LBB2_2:
0x65: {  	s2 =	sadd.s32 $0x8, s2;
	v6 =	vld [tilespmem:s0+$0x40]  }
0x66: {  	s3 =	sadd.s32 $0x400, s3;
	s4 =	sshll.u32 s2, $0x4;
	p0 =	slt.u32 s2, $0x3F8;
	[tilespmem:s0+$0x8010] =	vst v5;
	v1 =	vadd.f32 v4, v1;
	v4 =	vld [tilespmem:s0+$0x8050]  }
0x67: {  	s5 =	sand.u32 $0x1C00, s3;
	s6 =	sshll.u32 s2, $0x1;
	s4 =	sand.u32 $0x2000, s4;
	v5 =	vld [tilespmem:s0+$0x50]  }
0x68: {  	s4 =	sor.u32 s5, s4;
	s5 =	sand.u32 $0x380, s6;
	[tilespmem:s0+$0x8020] =	vst v1;
	v0 =	vadd.f32 v3, v0;
	v1 =	vld [tilespmem:s0+$0x8060]  }
0x69: {  	s4 =	sor.u32 s5, s4;
	v3 =	vld [tilespmem:s0+$0x60]  }
0x6a: {  	v7 =	vld [tilespmem:s4+$0x8070];
	[tilespmem:s0+$0x8030] =	vst v0;
	v0 =	vadd.f32 v6, v2  }
0x6b: {  	v2 =	vld [tilespmem:s4+$0x70]  }
0x6c: {  	v6 =	vld [tilespmem:s4+$0x8000];
	[tilespmem:s0+$0x8040] =	vst v0;
	v0 =	vadd.f32 v5, v4  }
0x6d: {  	v5 =	vld [tilespmem:s4+$0x0]  }
0x6e: {  	v8 =	vld [tilespmem:s4+$0x8010];
	[tilespmem:s0+$0x8050] =	vst v0;
	v0 =	vadd.f32 v3, v1  }
0x6f: {  	v9 =	vld [tilespmem:s4+$0x10]  }
.Ltmp0:
0x70: {  	v1 =	vld [tilespmem:s4+$0x8020];
	v2 =	vadd.f32 v2, v7;
	[tilespmem:s0+$0x8060] =	vst v0;
	s0 =	smov.u32 s4;
	(pc) =	sbr.rel @p0 .LBB2_2-.Ltmp0, $4  }
0x71: {  	v4 =	vld [tilespmem:s0+$0x20]  }
0x72: {  	v5 =	vadd.f32 v5, v6;
	v0 =	vld [tilespmem:s0+$0x8030];
	[tilespmem:s0+$0x8070] =	vst v2  }
0x73: {  	v3 =	vld [tilespmem:s0+$0x30]  }
0x74: {  	[tilespmem:s0+$0x8000] =	vst v5;
	v5 =	vadd.f32 v9, v8;
	v2 =	vld [tilespmem:s0+$0x8040]  }
0x75: {  	v6 =	vld [tilespmem:s0+$0x40]  }
0x76: {  	v7 =	vld [tilespmem:s0+$0x8050]  }
0x77: {  	v8 =	vld [tilespmem:s0+$0x50]  }
0x78: {  	v9 =	vld [tilespmem:s0+$0x8060]  }
0x79: {  	v10 =	vld [tilespmem:s0+$0x60]  }
0x7a: {  	v1 =	vadd.f32 v4, v1  }
0x7b: {  	[tilespmem:s0+$0x8010] =	vst v5;
	v0 =	vadd.f32 v3, v0  }
0x7c: {  	[tilespmem:s0+$0x8020] =	vst v1;
	v1 =	vadd.f32 v6, v2  }
0x7d: {  	[tilespmem:s0+$0x8030] =	vst v0;
	v0 =	vadd.f32 v8, v7  }
0x7e: {  	[tilespmem:s0+$0x8040] =	vst v1;
	v1 =	vadd.f32 v10, v9  }
0x7f: {  	[tilespmem:s0+$0x8050] =	vst v0  }
0x80: {  	s2 =	simm.s32 $0x0;
	[tilespmem:s0+$0x8060] =	vst v1  }
0x81: {  	[hbm4b:s7+s2] =	stream.linear.scatter [tilespmem:s15], [sflag:$0x7], $0x4000, $0x38;
	[tilespmem:$0x18000] =	vst v63  }
0x82: {  	s0 =	rddreg [dreg:$0x6]  }
0x83: {  	[tilespmem:s20], [sflag:$0x2] =	stream.linear.gather [hbm4b:s0+s2], $0x4000, $0x38;
	[tilespmem:$0x18000] =	vst v63  }
0x84: {  	s5 =	simm.s32 $0x0;
	s3 =	sand.u32 $0x1C00, s2;
	s4 =	rddreg [dreg:$0x7]  }
0x85: {  	[tilespmem:s21], [sflag:$0x6] =	stream.linear.gather [hbm4b:s4+s2], $0x4000, $0x38;
	[tilespmem:$0x18000] =	vst v63  }
0x86: {  	s0 =	sand.u32 $0x2000, s5;
	s4 =	simm.s32 $0x0;
	_ =	swait.ge [sflag:s22], $0x4000  }
0x87: {  	s0 =	sor.u32 s3, s0;
	s6 =	sand.u32 $0x380, s4;
	[sflag:s22] =	ssyncset.done $0x0  }
0x88: {  	s0 =	sor.u32 s6, s0;
	[sflag:s22] =	ssyncadd.s32 $0xFFFFC000  }
0x89: {  	v0 =	vld [tilespmem:s0+$0xC070]  }
0x8a: {  	v2 =	vld [tilespmem:s0+$0x70]  }
0x8b: {  	v3 =	vld [tilespmem:s0+$0xC000]  }
0x8c: {  	v5 =	vld [tilespmem:s0+$0x0]  }
0x8d: {  	v6 =	vld [tilespmem:s0+$0xC010]  }
0x8e: {  	v7 =	vld [tilespmem:s0+$0x10]  }
0x8f: {  	v1 =	vld [tilespmem:s0+$0xC020]  }
0x90: {  	v4 =	vld [tilespmem:s0+$0x20];
	v2 =	vadd.f32 v2, v0  }
0x91: {  	v5 =	vadd.f32 v5, v3;
	v0 =	vld [tilespmem:s0+$0xC030]  }
0x92: {  	v3 =	vld [tilespmem:s0+$0x30];
	[tilespmem:s0+$0xC070] =	vst v2  }
0x93: {  	s3 =	simm.s32 $0x0;
	[tilespmem:s0+$0xC000] =	vst v5;
	v5 =	vadd.f32 v7, v6;
	v2 =	vld [tilespmem:s0+$0xC040]  }
.LBB2_4:
0x94: {  	s3 =	sadd.s32 $0x8, s3;
	v6 =	vld [tilespmem:s0+$0x40]  }
0x95: {  	s2 =	sadd.s32 $0x400, s2;
	s4 =	sshll.u32 s3, $0x4;
	p0 =	slt.u32 s3, $0x3F8;
	[tilespmem:s0+$0xC010] =	vst v5;
	v1 =	vadd.f32 v4, v1;
	v4 =	vld [tilespmem:s0+$0xC050]  }
0x96: {  	s5 =	sand.u32 $0x1C00, s2;
	s6 =	sshll.u32 s3, $0x1;
	s4 =	sand.u32 $0x2000, s4;
	v5 =	vld [tilespmem:s0+$0x50]  }
0x97: {  	s4 =	sor.u32 s5, s4;
	s5 =	sand.u32 $0x380, s6;
	[tilespmem:s0+$0xC020] =	vst v1;
	v0 =	vadd.f32 v3, v0;
	v1 =	vld [tilespmem:s0+$0xC060]  }
0x98: {  	s4 =	sor.u32 s5, s4;
	v3 =	vld [tilespmem:s0+$0x60]  }
0x99: {  	v7 =	vld [tilespmem:s4+$0xC070];
	[tilespmem:s0+$0xC030] =	vst v0;
	v0 =	vadd.f32 v6, v2  }
0x9a: {  	v2 =	vld [tilespmem:s4+$0x70]  }
0x9b: {  	v6 =	vld [tilespmem:s4+$0xC000];
	[tilespmem:s0+$0xC040] =	vst v0;
	v0 =	vadd.f32 v5, v4  }
0x9c: {  	v5 =	vld [tilespmem:s4+$0x0]  }
0x9d: {  	v8 =	vld [tilespmem:s4+$0xC010];
	[tilespmem:s0+$0xC050] =	vst v0;
	v0 =	vadd.f32 v3, v1  }
0x9e: {  	v9 =	vld [tilespmem:s4+$0x10]  }
.Ltmp1:
0x9f: {  	v1 =	vld [tilespmem:s4+$0xC020];
	v2 =	vadd.f32 v2, v7;
	[tilespmem:s0+$0xC060] =	vst v0;
	s0 =	smov.u32 s4;
	(pc) =	sbr.rel @p0 .LBB2_4-.Ltmp1, $4  }
0xa0: {  	v4 =	vld [tilespmem:s0+$0x20]  }
0xa1: {  	v5 =	vadd.f32 v5, v6;
	v0 =	vld [tilespmem:s0+$0xC030];
	[tilespmem:s0+$0xC070] =	vst v2  }
0xa2: {  	v3 =	vld [tilespmem:s0+$0x30]  }
0xa3: {  	[tilespmem:s0+$0xC000] =	vst v5;
	v5 =	vadd.f32 v9, v8;
	v2 =	vld [tilespmem:s0+$0xC040]  }
0xa4: {  	v6 =	vld [tilespmem:s0+$0x40]  }
0xa5: {  	v7 =	vld [tilespmem:s0+$0xC050]  }
0xa6: {  	v8 =	vld [tilespmem:s0+$0x50]  }
0xa7: {  	v9 =	vld [tilespmem:s0+$0xC060]  }
0xa8: {  	v10 =	vld [tilespmem:s0+$0x60]  }
0xa9: {  	v1 =	vadd.f32 v4, v1  }
0xaa: {  	[tilespmem:s0+$0xC010] =	vst v5;
	v0 =	vadd.f32 v3, v0  }
0xab: {  	[tilespmem:s0+$0xC020] =	vst v1;
	v1 =	vadd.f32 v6, v2  }
0xac: {  	[tilespmem:s0+$0xC030] =	vst v0;
	v0 =	vadd.f32 v8, v7  }
0xad: {  	[tilespmem:s0+$0xC040] =	vst v1;
	v1 =	vadd.f32 v10, v9  }
0xae: {  	[tilespmem:s0+$0xC050] =	vst v0  }
0xaf: {  	[tilespmem:s0+$0xC060] =	vst v1  }
0xb0: {  	s2 =	simm.s32 $0x0;
	s0 =	rddreg [dreg:$0x8]  }
0xb1: {  	[hbm4b:s0+s2] =	stream.linear.scatter [tilespmem:s16], [sflag:$0x8], $0x4000, $0x38;
	[tilespmem:$0x18000] =	vst v63  }
0xb2: {  	_ =	swait.ge [sflag:s23], $0x4000  }
0xb3: {  	s5 =	simm.s32 $0x0;
	[sflag:s23] =	ssyncset.done $0x0  }
0xb4: {  	s3 =	sand.u32 $0x1C00, s2;
	s4 =	rddreg [dreg:$0x9];
	[sflag:s23] =	ssyncadd.s32 $0xFFFFC000  }
0xb5: {  	[tilespmem:s15], [sflag:$0x3] =	stream.linear.gather [hbm4b:s4+s2], $0x4000, $0x38;
	[tilespmem:$0x18000] =	vst v63  }
0xb6: {  	s0 =	sand.u32 $0x2000, s5;
	s4 =	simm.s32 $0x0;
	_ =	swait.ge [sflag:s24], $0x4000  }
0xb7: {  	s0 =	sor.u32 s3, s0;
	s6 =	sand.u32 $0x380, s4;
	[sflag:s24] =	ssyncset.done $0x0  }
0xb8: {  	s0 =	sor.u32 s6, s0;
	[sflag:s24] =	ssyncadd.s32 $0xFFFFC000  }
0xb9: {  	v0 =	vld [tilespmem:s0+$0x10070]  }
0xba: {  	v2 =	vld [tilespmem:s0+$0x70]  }
0xbb: {  	v3 =	vld [tilespmem:s0+$0x10000]  }
0xbc: {  	v5 =	vld [tilespmem:s0+$0x0]  }
0xbd: {  	v6 =	vld [tilespmem:s0+$0x10010]  }
0xbe: {  	v7 =	vld [tilespmem:s0+$0x10]  }
0xbf: {  	v1 =	vld [tilespmem:s0+$0x10020]  }
0xc0: {  	v4 =	vld [tilespmem:s0+$0x20];
	v2 =	vadd.f32 v2, v0  }
0xc1: {  	v5 =	vadd.f32 v5, v3;
	v0 =	vld [tilespmem:s0+$0x10030]  }
0xc2: {  	v3 =	vld [tilespmem:s0+$0x30];
	[tilespmem:s0+$0x10070] =	vst v2  }
0xc3: {  	s3 =	simm.s32 $0x0;
	[tilespmem:s0+$0x10000] =	vst v5;
	v5 =	vadd.f32 v7, v6;
	v2 =	vld [tilespmem:s0+$0x10040]  }
.LBB2_6:
0xc4: {  	s3 =	sadd.s32 $0x8, s3;
	v6 =	vld [tilespmem:s0+$0x40]  }
0xc5: {  	s2 =	sadd.s32 $0x400, s2;
	s4 =	sshll.u32 s3, $0x4;
	p0 =	slt.u32 s3, $0x3F8;
	[tilespmem:s0+$0x10010] =	vst v5;
	v1 =	vadd.f32 v4, v1;
	v4 =	vld [tilespmem:s0+$0x10050]  }
0xc6: {  	s5 =	sand.u32 $0x1C00, s2;
	s6 =	sshll.u32 s3, $0x1;
	s4 =	sand.u32 $0x2000, s4;
	v5 =	vld [tilespmem:s0+$0x50]  }
0xc7: {  	s4 =	sor.u32 s5, s4;
	s5 =	sand.u32 $0x380, s6;
	[tilespmem:s0+$0x10020] =	vst v1;
	v0 =	vadd.f32 v3, v0;
	v1 =	vld [tilespmem:s0+$0x10060]  }
0xc8: {  	s4 =	sor.u32 s5, s4;
	v3 =	vld [tilespmem:s0+$0x60]  }
0xc9: {  	v7 =	vld [tilespmem:s4+$0x10070];
	[tilespmem:s0+$0x10030] =	vst v0;
	v0 =	vadd.f32 v6, v2  }
0xca: {  	v2 =	vld [tilespmem:s4+$0x70]  }
0xcb: {  	v6 =	vld [tilespmem:s4+$0x10000];
	[tilespmem:s0+$0x10040] =	vst v0;
	v0 =	vadd.f32 v5, v4  }
0xcc: {  	v5 =	vld [tilespmem:s4+$0x0]  }
0xcd: {  	v8 =	vld [tilespmem:s4+$0x10010];
	[tilespmem:s0+$0x10050] =	vst v0;
	v0 =	vadd.f32 v3, v1  }
0xce: {  	v9 =	vld [tilespmem:s4+$0x10]  }
.Ltmp2:
0xcf: {  	v1 =	vld [tilespmem:s4+$0x10020];
	v2 =	vadd.f32 v2, v7;
	[tilespmem:s0+$0x10060] =	vst v0;
	s0 =	smov.u32 s4;
	(pc) =	sbr.rel @p0 .LBB2_6-.Ltmp2, $4  }
0xd0: {  	v4 =	vld [tilespmem:s0+$0x20]  }
0xd1: {  	v5 =	vadd.f32 v5, v6;
	v0 =	vld [tilespmem:s0+$0x10030];
	[tilespmem:s0+$0x10070] =	vst v2  }
0xd2: {  	v3 =	vld [tilespmem:s0+$0x30]  }
0xd3: {  	[tilespmem:s0+$0x10000] =	vst v5;
	v5 =	vadd.f32 v9, v8;
	v2 =	vld [tilespmem:s0+$0x10040]  }
0xd4: {  	v6 =	vld [tilespmem:s0+$0x40]  }
0xd5: {  	v7 =	vld [tilespmem:s0+$0x10050]  }
0xd6: {  	v8 =	vld [tilespmem:s0+$0x50]  }
0xd7: {  	v9 =	vld [tilespmem:s0+$0x10060]  }
0xd8: {  	v10 =	vld [tilespmem:s0+$0x60]  }
0xd9: {  	v1 =	vadd.f32 v4, v1  }
0xda: {  	[tilespmem:s0+$0x10010] =	vst v5;
	v0 =	vadd.f32 v3, v0  }
0xdb: {  	[tilespmem:s0+$0x10020] =	vst v1;
	v1 =	vadd.f32 v6, v2  }
0xdc: {  	[tilespmem:s0+$0x10030] =	vst v0;
	v0 =	vadd.f32 v8, v7  }
0xdd: {  	[tilespmem:s0+$0x10040] =	vst v1;
	v1 =	vadd.f32 v10, v9  }
0xde: {  	[tilespmem:s0+$0x10050] =	vst v0  }
0xdf: {  	[tilespmem:s0+$0x10060] =	vst v1  }
0xe0: {  	s2 =	simm.s32 $0x0;
	s0 =	rddreg [dreg:$0xa]  }
0xe1: {  	[hbm4b:s0+s2] =	stream.linear.scatter [tilespmem:s17], [sflag:$0x9], $0x4000, $0x38;
	[tilespmem:$0x18000] =	vst v63  }
0xe2: {  	_ =	swait.ge [sflag:s25], $0x4000  }
0xe3: {  	s5 =	simm.s32 $0x0;
	[sflag:s25] =	ssyncset.done $0x0  }
0xe4: {  	s3 =	sand.u32 $0x1C00, s2;
	s4 =	rddreg [dreg:$0xb];
	[sflag:s25] =	ssyncadd.s32 $0xFFFFC000  }
0xe5: {  	[tilespmem:s16], [sflag:$0x4] =	stream.linear.gather [hbm4b:s4+s2], $0x4000, $0x38;
	[tilespmem:$0x18000] =	vst v63  }
0xe6: {  	s0 =	sand.u32 $0x2000, s5;
	s4 =	simm.s32 $0x0;
	_ =	swait.ge [sflag:s26], $0x4000  }
0xe7: {  	s0 =	sor.u32 s3, s0;
	s6 =	sand.u32 $0x380, s4;
	[sflag:s26] =	ssyncset.done $0x0  }
0xe8: {  	s0 =	sor.u32 s6, s0;
	[sflag:s26] =	ssyncadd.s32 $0xFFFFC000  }
0xe9: {  	v0 =	vld [tilespmem:s0+$0x14070]  }
0xea: {  	v2 =	vld [tilespmem:s0+$0x70]  }
0xeb: {  	v3 =	vld [tilespmem:s0+$0x14000]  }
0xec: {  	v5 =	vld [tilespmem:s0+$0x0]  }
0xed: {  	v6 =	vld [tilespmem:s0+$0x14010]  }
0xee: {  	v7 =	vld [tilespmem:s0+$0x10]  }
0xef: {  	v1 =	vld [tilespmem:s0+$0x14020]  }
0xf0: {  	v4 =	vld [tilespmem:s0+$0x20];
	v2 =	vadd.f32 v2, v0  }
0xf1: {  	v5 =	vadd.f32 v5, v3;
	v0 =	vld [tilespmem:s0+$0x14030]  }
0xf2: {  	v3 =	vld [tilespmem:s0+$0x30];
	[tilespmem:s0+$0x14070] =	vst v2  }
0xf3: {  	s3 =	simm.s32 $0x0;
	[tilespmem:s0+$0x14000] =	vst v5;
	v5 =	vadd.f32 v7, v6;
	v2 =	vld [tilespmem:s0+$0x14040]  }
.LBB2_8:
0xf4: {  	s3 =	sadd.s32 $0x8, s3;
	v6 =	vld [tilespmem:s0+$0x40]  }
0xf5: {  	s2 =	sadd.s32 $0x400, s2;
	s4 =	sshll.u32 s3, $0x4;
	p0 =	slt.u32 s3, $0x3F8;
	[tilespmem:s0+$0x14010] =	vst v5;
	v1 =	vadd.f32 v4, v1;
	v4 =	vld [tilespmem:s0+$0x14050]  }
0xf6: {  	s5 =	sand.u32 $0x1C00, s2;
	s6 =	sshll.u32 s3, $0x1;
	s4 =	sand.u32 $0x2000, s4;
	v5 =	vld [tilespmem:s0+$0x50]  }
0xf7: {  	s4 =	sor.u32 s5, s4;
	s5 =	sand.u32 $0x380, s6;
	[tilespmem:s0+$0x14020] =	vst v1;
	v0 =	vadd.f32 v3, v0;
	v1 =	vld [tilespmem:s0+$0x14060]  }
0xf8: {  	s4 =	sor.u32 s5, s4;
	v3 =	vld [tilespmem:s0+$0x60]  }
0xf9: {  	v7 =	vld [tilespmem:s4+$0x14070];
	[tilespmem:s0+$0x14030] =	vst v0;
	v0 =	vadd.f32 v6, v2  }
0xfa: {  	v2 =	vld [tilespmem:s4+$0x70]  }
0xfb: {  	v6 =	vld [tilespmem:s4+$0x14000];
	[tilespmem:s0+$0x14040] =	vst v0;
	v0 =	vadd.f32 v5, v4  }
0xfc: {  	v5 =	vld [tilespmem:s4+$0x0]  }
0xfd: {  	v8 =	vld [tilespmem:s4+$0x14010];
	[tilespmem:s0+$0x14050] =	vst v0;
	v0 =	vadd.f32 v3, v1  }
0xfe: {  	v9 =	vld [tilespmem:s4+$0x10]  }
.Ltmp3:
0xff: {  	v1 =	vld [tilespmem:s4+$0x14020];
	v2 =	vadd.f32 v2, v7;
	[tilespmem:s0+$0x14060] =	vst v0;
	s0 =	smov.u32 s4;
	(pc) =	sbr.rel @p0 .LBB2_8-.Ltmp3, $4  }
0x100: {  	v4 =	vld [tilespmem:s0+$0x20]  }
0x101: {  	v5 =	vadd.f32 v5, v6;
	v0 =	vld [tilespmem:s0+$0x14030];
	[tilespmem:s0+$0x14070] =	vst v2  }
0x102: {  	v3 =	vld [tilespmem:s0+$0x30]  }
0x103: {  	[tilespmem:s0+$0x14000] =	vst v5;
	v5 =	vadd.f32 v9, v8;
	v2 =	vld [tilespmem:s0+$0x14040]  }
0x104: {  	v6 =	vld [tilespmem:s0+$0x40]  }
0x105: {  	v7 =	vld [tilespmem:s0+$0x14050]  }
0x106: {  	v8 =	vld [tilespmem:s0+$0x50]  }
0x107: {  	v9 =	vld [tilespmem:s0+$0x14060]  }
0x108: {  	v10 =	vld [tilespmem:s0+$0x60]  }
0x109: {  	v1 =	vadd.f32 v4, v1  }
0x10a: {  	[tilespmem:s0+$0x14010] =	vst v5;
	v0 =	vadd.f32 v3, v0  }
0x10b: {  	[tilespmem:s0+$0x14020] =	vst v1;
	v1 =	vadd.f32 v6, v2  }
0x10c: {  	[tilespmem:s0+$0x14030] =	vst v0;
	v0 =	vadd.f32 v8, v7  }
0x10d: {  	[tilespmem:s0+$0x14040] =	vst v1;
	v1 =	vadd.f32 v10, v9  }
0x10e: {  	[tilespmem:s0+$0x14050] =	vst v0  }
0x10f: {  	[tilespmem:s0+$0x14060] =	vst v1  }
0x110: {  	s0 =	simm.s32 $0x0;
	s2 =	rddreg [dreg:$0xc]  }
0x111: {  	[hbm4b:s2+s0] =	stream.linear.scatter [tilespmem:s21], [sflag:$0xA], $0x4000, $0x38;
	[tilespmem:$0x18000] =	vst v63  }
0x112: {  	_ =	swait.ge [sflag:s28], $0x4000  }
0x113: {  	[sflag:s28] =	ssyncset.done $0x0  }
0x114: {  	s4 =	rddreg [dreg:$0xd];
	[sflag:s28] =	ssyncadd.s32 $0xFFFFC000  }
0x115: {  	[tilespmem:s17], [sflag:$0x5] =	stream.linear.gather [hbm4b:s4+s0], $0x4000, $0x38;
	[tilespmem:$0x18000] =	vst v63  }
0x116: {  	_ =	swait.ge [sflag:s18], $0x4000  }
0x117: {  	[sflag:s18] =	ssyncset.done $0x0  }
0x118: {  	s5 =	simm.s32 $0x0;
	s3 =	sand.u32 $0x1C00, s0;
	[sflag:s18] =	ssyncadd.s32 $0xFFFFC000  }
0x119: {  	s2 =	sand.u32 $0x2000, s5;
	s4 =	simm.s32 $0x0;
	_ =	swait.ge [sflag:s29], $0x4000  }
0x11a: {  	s2 =	sor.u32 s3, s2;
	s6 =	sand.u32 $0x380, s4;
	[sflag:s29] =	ssyncset.done $0x0  }
0x11b: {  	s2 =	sor.u32 s6, s2;
	[sflag:s29] =	ssyncadd.s32 $0xFFFFC000  }
0x11c: {  	v0 =	vld [tilespmem:s2+$0x8070]  }
0x11d: {  	v2 =	vld [tilespmem:s2+$0x4070]  }
0x11e: {  	v3 =	vld [tilespmem:s2+$0x8000]  }
0x11f: {  	v5 =	vld [tilespmem:s2+$0x4000]  }
0x120: {  	v6 =	vld [tilespmem:s2+$0x8010]  }
0x121: {  	v7 =	vld [tilespmem:s2+$0x4010]  }
0x122: {  	v1 =	vld [tilespmem:s2+$0x8020]  }
0x123: {  	v4 =	vld [tilespmem:s2+$0x4020];
	v2 =	vadd.f32 v2, v0  }
0x124: {  	v5 =	vadd.f32 v5, v3;
	v0 =	vld [tilespmem:s2+$0x8030]  }
0x125: {  	v3 =	vld [tilespmem:s2+$0x4030];
	[tilespmem:s2+$0x8070] =	vst v2  }
0x126: {  	s3 =	simm.s32 $0x0;
	[tilespmem:s2+$0x8000] =	vst v5;
	v5 =	vadd.f32 v7, v6;
	v2 =	vld [tilespmem:s2+$0x8040]  }
.LBB2_10:
0x127: {  	s3 =	sadd.s32 $0x8, s3;
	v6 =	vld [tilespmem:s2+$0x4040]  }
0x128: {  	s0 =	sadd.s32 $0x400, s0;
	s4 =	sshll.u32 s3, $0x4;
	p0 =	slt.u32 s3, $0x3F8;
	[tilespmem:s2+$0x8010] =	vst v5;
	v1 =	vadd.f32 v4, v1;
	v4 =	vld [tilespmem:s2+$0x8050]  }
0x129: {  	s5 =	sand.u32 $0x1C00, s0;
	s6 =	sshll.u32 s3, $0x1;
	s4 =	sand.u32 $0x2000, s4;
	v5 =	vld [tilespmem:s2+$0x4050]  }
0x12a: {  	s4 =	sor.u32 s5, s4;
	s5 =	sand.u32 $0x380, s6;
	[tilespmem:s2+$0x8020] =	vst v1;
	v0 =	vadd.f32 v3, v0;
	v1 =	vld [tilespmem:s2+$0x8060]  }
0x12b: {  	s4 =	sor.u32 s5, s4;
	v3 =	vld [tilespmem:s2+$0x4060]  }
0x12c: {  	v7 =	vld [tilespmem:s4+$0x8070];
	[tilespmem:s2+$0x8030] =	vst v0;
	v0 =	vadd.f32 v6, v2  }
0x12d: {  	v2 =	vld [tilespmem:s4+$0x4070]  }
0x12e: {  	v6 =	vld [tilespmem:s4+$0x8000];
	[tilespmem:s2+$0x8040] =	vst v0;
	v0 =	vadd.f32 v5, v4  }
0x12f: {  	v5 =	vld [tilespmem:s4+$0x4000]  }
0x130: {  	v8 =	vld [tilespmem:s4+$0x8010];
	[tilespmem:s2+$0x8050] =	vst v0;
	v0 =	vadd.f32 v3, v1  }
0x131: {  	v9 =	vld [tilespmem:s4+$0x4010]  }
.Ltmp4:
0x132: {  	v1 =	vld [tilespmem:s4+$0x8020];
	v2 =	vadd.f32 v2, v7;
	[tilespmem:s2+$0x8060] =	vst v0;
	s2 =	smov.u32 s4;
	(pc) =	sbr.rel @p0 .LBB2_10-.Ltmp4, $4  }
0x133: {  	v4 =	vld [tilespmem:s2+$0x4020]  }
0x134: {  	v5 =	vadd.f32 v5, v6;
	v0 =	vld [tilespmem:s2+$0x8030];
	[tilespmem:s2+$0x8070] =	vst v2  }
0x135: {  	v3 =	vld [tilespmem:s2+$0x4030]  }
0x136: {  	[tilespmem:s2+$0x8000] =	vst v5;
	v5 =	vadd.f32 v9, v8;
	v2 =	vld [tilespmem:s2+$0x8040]  }
0x137: {  	v6 =	vld [tilespmem:s2+$0x4040]  }
0x138: {  	v7 =	vld [tilespmem:s2+$0x8050]  }
0x139: {  	v8 =	vld [tilespmem:s2+$0x4050]  }
0x13a: {  	v9 =	vld [tilespmem:s2+$0x8060]  }
0x13b: {  	v10 =	vld [tilespmem:s2+$0x4060]  }
0x13c: {  	v1 =	vadd.f32 v4, v1  }
0x13d: {  	[tilespmem:s2+$0x8010] =	vst v5;
	v0 =	vadd.f32 v3, v0  }
0x13e: {  	[tilespmem:s2+$0x8020] =	vst v1;
	v1 =	vadd.f32 v6, v2  }
0x13f: {  	[tilespmem:s2+$0x8030] =	vst v0;
	v0 =	vadd.f32 v8, v7  }
0x140: {  	[tilespmem:s2+$0x8040] =	vst v1;
	v1 =	vadd.f32 v10, v9  }
0x141: {  	[tilespmem:s2+$0x8050] =	vst v0  }
0x142: {  	[tilespmem:s2+$0x8060] =	vst v1  }
0x143: {  	s0 =	simm.s32 $0x0;
	s2 =	rddreg [dreg:$0xe]  }
0x144: {  	[hbm4b:s2+s0] =	stream.linear.scatter [tilespmem:s15], [sflag:$0x7], $0x4000, $0x38;
	[tilespmem:$0x18000] =	vst v63  }
0x145: {  	s3 =	rddreg [dreg:$0xf]  }
0x146: {  	[tilespmem:s0], [sflag:$0x1] =	stream.linear.gather [hbm4b:s3+s0], $0x4000, $0x38;
	[tilespmem:$0x18000] =	vst v63  }
0x147: {  	_ =	swait.ge [sflag:s30], $0x4000  }
0x148: {  	s5 =	simm.s32 $0x0;
	[sflag:s30] =	ssyncset.done $0x0  }
0x149: {  	s2 =	sand.u32 $0x2000, s5;
	s4 =	rddreg [dreg:$0x10];
	[sflag:s30] =	ssyncadd.s32 $0xFFFFC000  }
0x14a: {  	[tilespmem:s21], [sflag:$0x6] =	stream.linear.gather [hbm4b:s4+s0], $0x4000, $0x38;
	[tilespmem:$0x18000] =	vst v63  }
0x14b: {  	s3 =	sand.u32 $0x1C00, s0;
	s4 =	simm.s32 $0x0;
	_ =	swait.ge [sflag:s22], $0x4000  }
0x14c: {  	s2 =	sor.u32 s3, s2;
	s6 =	sand.u32 $0x380, s4;
	[sflag:s22] =	ssyncset.done $0x0  }
0x14d: {  	s2 =	sor.u32 s6, s2;
	[sflag:s22] =	ssyncadd.s32 $0xFFFFC000  }
0x14e: {  	v0 =	vld [tilespmem:s2+$0xC070]  }
0x14f: {  	v2 =	vld [tilespmem:s2+$0x4070]  }
0x150: {  	v3 =	vld [tilespmem:s2+$0xC000]  }
0x151: {  	v5 =	vld [tilespmem:s2+$0x4000]  }
0x152: {  	v6 =	vld [tilespmem:s2+$0xC010]  }
0x153: {  	v7 =	vld [tilespmem:s2+$0x4010]  }
0x154: {  	v1 =	vld [tilespmem:s2+$0xC020]  }
0x155: {  	v4 =	vld [tilespmem:s2+$0x4020];
	v2 =	vadd.f32 v2, v0  }
0x156: {  	v5 =	vadd.f32 v5, v3;
	v0 =	vld [tilespmem:s2+$0xC030]  }
0x157: {  	v3 =	vld [tilespmem:s2+$0x4030];
	[tilespmem:s2+$0xC070] =	vst v2  }
0x158: {  	s3 =	simm.s32 $0x0;
	[tilespmem:s2+$0xC000] =	vst v5;
	v5 =	vadd.f32 v7, v6;
	v2 =	vld [tilespmem:s2+$0xC040]  }
.LBB2_12:
0x159: {  	s3 =	sadd.s32 $0x8, s3;
	v6 =	vld [tilespmem:s2+$0x4040]  }
0x15a: {  	s0 =	sadd.s32 $0x400, s0;
	s4 =	sshll.u32 s3, $0x4;
	p0 =	slt.u32 s3, $0x3F8;
	[tilespmem:s2+$0xC010] =	vst v5;
	v1 =	vadd.f32 v4, v1;
	v4 =	vld [tilespmem:s2+$0xC050]  }
0x15b: {  	s5 =	sand.u32 $0x1C00, s0;
	s6 =	sshll.u32 s3, $0x1;
	s4 =	sand.u32 $0x2000, s4;
	v5 =	vld [tilespmem:s2+$0x4050]  }
0x15c: {  	s4 =	sor.u32 s5, s4;
	s5 =	sand.u32 $0x380, s6;
	[tilespmem:s2+$0xC020] =	vst v1;
	v0 =	vadd.f32 v3, v0;
	v1 =	vld [tilespmem:s2+$0xC060]  }
0x15d: {  	s4 =	sor.u32 s5, s4;
	v3 =	vld [tilespmem:s2+$0x4060]  }
0x15e: {  	v7 =	vld [tilespmem:s4+$0xC070];
	[tilespmem:s2+$0xC030] =	vst v0;
	v0 =	vadd.f32 v6, v2  }
0x15f: {  	v2 =	vld [tilespmem:s4+$0x4070]  }
0x160: {  	v6 =	vld [tilespmem:s4+$0xC000];
	[tilespmem:s2+$0xC040] =	vst v0;
	v0 =	vadd.f32 v5, v4  }
0x161: {  	v5 =	vld [tilespmem:s4+$0x4000]  }
0x162: {  	v8 =	vld [tilespmem:s4+$0xC010];
	[tilespmem:s2+$0xC050] =	vst v0;
	v0 =	vadd.f32 v3, v1  }
0x163: {  	v9 =	vld [tilespmem:s4+$0x4010]  }
.Ltmp5:
0x164: {  	v1 =	vld [tilespmem:s4+$0xC020];
	v2 =	vadd.f32 v2, v7;
	[tilespmem:s2+$0xC060] =	vst v0;
	s2 =	smov.u32 s4;
	(pc) =	sbr.rel @p0 .LBB2_12-.Ltmp5, $4  }
0x165: {  	v4 =	vld [tilespmem:s2+$0x4020]  }
0x166: {  	v5 =	vadd.f32 v5, v6;
	v0 =	vld [tilespmem:s2+$0xC030];
	[tilespmem:s2+$0xC070] =	vst v2  }
0x167: {  	v3 =	vld [tilespmem:s2+$0x4030]  }
0x168: {  	[tilespmem:s2+$0xC000] =	vst v5;
	v5 =	vadd.f32 v9, v8;
	v2 =	vld [tilespmem:s2+$0xC040]  }
0x169: {  	v6 =	vld [tilespmem:s2+$0x4040]  }
0x16a: {  	v7 =	vld [tilespmem:s2+$0xC050]  }
0x16b: {  	v8 =	vld [tilespmem:s2+$0x4050]  }
0x16c: {  	v9 =	vld [tilespmem:s2+$0xC060]  }
0x16d: {  	v10 =	vld [tilespmem:s2+$0x4060]  }
0x16e: {  	v1 =	vadd.f32 v4, v1  }
0x16f: {  	[tilespmem:s2+$0xC010] =	vst v5;
	v0 =	vadd.f32 v3, v0  }
0x170: {  	[tilespmem:s2+$0xC020] =	vst v1;
	v1 =	vadd.f32 v6, v2  }
0x171: {  	[tilespmem:s2+$0xC030] =	vst v0;
	v0 =	vadd.f32 v8, v7  }
0x172: {  	[tilespmem:s2+$0xC040] =	vst v1;
	v1 =	vadd.f32 v10, v9  }
0x173: {  	[tilespmem:s2+$0xC050] =	vst v0  }
0x174: {  	[tilespmem:s2+$0xC060] =	vst v1  }
0x175: {  	s2 =	simm.s32 $0x0;
	s0 =	rddreg [dreg:$0x11]  }
0x176: {  	[hbm4b:s0+s2] =	stream.linear.scatter [tilespmem:s16], [sflag:$0x8], $0x4000, $0x38;
	[tilespmem:$0x18000] =	vst v63  }
0x177: {  	_ =	swait.ge [sflag:s23], $0x4000  }
0x178: {  	s5 =	simm.s32 $0x0;
	[sflag:s23] =	ssyncset.done $0x0  }
0x179: {  	s3 =	sand.u32 $0x1C00, s2;
	s4 =	rddreg [dreg:$0x12];
	[sflag:s23] =	ssyncadd.s32 $0xFFFFC000  }
0x17a: {  	[tilespmem:s15], [sflag:$0x3] =	stream.linear.gather [hbm4b:s4+s2], $0x4000, $0x38;
	[tilespmem:$0x18000] =	vst v63  }
0x17b: {  	s0 =	sand.u32 $0x2000, s5;
	s4 =	simm.s32 $0x0;
	_ =	swait.ge [sflag:s24], $0x4000  }
0x17c: {  	s0 =	sor.u32 s3, s0;
	s6 =	sand.u32 $0x380, s4;
	[sflag:s24] =	ssyncset.done $0x0  }
0x17d: {  	s0 =	sor.u32 s6, s0;
	[sflag:s24] =	ssyncadd.s32 $0xFFFFC000  }
0x17e: {  	v0 =	vld [tilespmem:s0+$0x10070]  }
0x17f: {  	v2 =	vld [tilespmem:s0+$0x4070]  }
0x180: {  	v3 =	vld [tilespmem:s0+$0x10000]  }
0x181: {  	v5 =	vld [tilespmem:s0+$0x4000]  }
0x182: {  	v6 =	vld [tilespmem:s0+$0x10010]  }
0x183: {  	v7 =	vld [tilespmem:s0+$0x4010]  }
0x184: {  	v1 =	vld [tilespmem:s0+$0x10020]  }
0x185: {  	v4 =	vld [tilespmem:s0+$0x4020];
	v2 =	vadd.f32 v2, v0  }
0x186: {  	v5 =	vadd.f32 v5, v3;
	v0 =	vld [tilespmem:s0+$0x10030]  }
0x187: {  	v3 =	vld [tilespmem:s0+$0x4030];
	[tilespmem:s0+$0x10070] =	vst v2  }
0x188: {  	s3 =	simm.s32 $0x0;
	[tilespmem:s0+$0x10000] =	vst v5;
	v5 =	vadd.f32 v7, v6;
	v2 =	vld [tilespmem:s0+$0x10040]  }
.LBB2_14:
0x189: {  	s3 =	sadd.s32 $0x8, s3;
	v6 =	vld [tilespmem:s0+$0x4040]  }
0x18a: {  	s2 =	sadd.s32 $0x400, s2;
	s4 =	sshll.u32 s3, $0x4;
	p0 =	slt.u32 s3, $0x3F8;
	[tilespmem:s0+$0x10010] =	vst v5;
	v1 =	vadd.f32 v4, v1;
	v4 =	vld [tilespmem:s0+$0x10050]  }
0x18b: {  	s5 =	sand.u32 $0x1C00, s2;
	s6 =	sshll.u32 s3, $0x1;
	s4 =	sand.u32 $0x2000, s4;
	v5 =	vld [tilespmem:s0+$0x4050]  }
0x18c: {  	s4 =	sor.u32 s5, s4;
	s5 =	sand.u32 $0x380, s6;
	[tilespmem:s0+$0x10020] =	vst v1;
	v0 =	vadd.f32 v3, v0;
	v1 =	vld [tilespmem:s0+$0x10060]  }
0x18d: {  	s4 =	sor.u32 s5, s4;
	v3 =	vld [tilespmem:s0+$0x4060]  }
0x18e: {  	v7 =	vld [tilespmem:s4+$0x10070];
	[tilespmem:s0+$0x10030] =	vst v0;
	v0 =	vadd.f32 v6, v2  }
0x18f: {  	v2 =	vld [tilespmem:s4+$0x4070]  }
0x190: {  	v6 =	vld [tilespmem:s4+$0x10000];
	[tilespmem:s0+$0x10040] =	vst v0;
	v0 =	vadd.f32 v5, v4  }
0x191: {  	v5 =	vld [tilespmem:s4+$0x4000]  }
0x192: {  	v8 =	vld [tilespmem:s4+$0x10010];
	[tilespmem:s0+$0x10050] =	vst v0;
	v0 =	vadd.f32 v3, v1  }
0x193: {  	v9 =	vld [tilespmem:s4+$0x4010]  }
.Ltmp6:
0x194: {  	v1 =	vld [tilespmem:s4+$0x10020];
	v2 =	vadd.f32 v2, v7;
	[tilespmem:s0+$0x10060] =	vst v0;
	s0 =	smov.u32 s4;
	(pc) =	sbr.rel @p0 .LBB2_14-.Ltmp6, $4  }
0x195: {  	v4 =	vld [tilespmem:s0+$0x4020]  }
0x196: {  	v5 =	vadd.f32 v5, v6;
	v0 =	vld [tilespmem:s0+$0x10030];
	[tilespmem:s0+$0x10070] =	vst v2  }
0x197: {  	v3 =	vld [tilespmem:s0+$0x4030]  }
0x198: {  	[tilespmem:s0+$0x10000] =	vst v5;
	v5 =	vadd.f32 v9, v8;
	v2 =	vld [tilespmem:s0+$0x10040]  }
0x199: {  	v6 =	vld [tilespmem:s0+$0x4040]  }
0x19a: {  	v7 =	vld [tilespmem:s0+$0x10050]  }
0x19b: {  	v8 =	vld [tilespmem:s0+$0x4050]  }
0x19c: {  	v9 =	vld [tilespmem:s0+$0x10060]  }
0x19d: {  	v10 =	vld [tilespmem:s0+$0x4060]  }
0x19e: {  	v1 =	vadd.f32 v4, v1  }
0x19f: {  	[tilespmem:s0+$0x10010] =	vst v5;
	v0 =	vadd.f32 v3, v0  }
0x1a0: {  	[tilespmem:s0+$0x10020] =	vst v1;
	v1 =	vadd.f32 v6, v2  }
0x1a1: {  	[tilespmem:s0+$0x10030] =	vst v0;
	v0 =	vadd.f32 v8, v7  }
0x1a2: {  	[tilespmem:s0+$0x10040] =	vst v1;
	v1 =	vadd.f32 v10, v9  }
0x1a3: {  	[tilespmem:s0+$0x10050] =	vst v0  }
0x1a4: {  	[tilespmem:s0+$0x10060] =	vst v1  }
0x1a5: {  	s2 =	simm.s32 $0x0;
	s0 =	rddreg [dreg:$0x13]  }
0x1a6: {  	[hbm4b:s0+s2] =	stream.linear.scatter [tilespmem:s17], [sflag:$0x9], $0x4000, $0x38;
	[tilespmem:$0x18000] =	vst v63  }
0x1a7: {  	_ =	swait.ge [sflag:s25], $0x4000  }
0x1a8: {  	s5 =	simm.s32 $0x0;
	[sflag:s25] =	ssyncset.done $0x0  }
0x1a9: {  	s3 =	sand.u32 $0x1C00, s2;
	s4 =	rddreg [dreg:$0x16];
	[sflag:s25] =	ssyncadd.s32 $0xFFFFC000  }
0x1aa: {  	[tilespmem:s16], [sflag:$0x4] =	stream.linear.gather [hbm4b:s4+s2], $0x4000, $0x38;
	[tilespmem:$0x18000] =	vst v63  }
0x1ab: {  	s0 =	sand.u32 $0x2000, s5;
	s4 =	simm.s32 $0x0;
	_ =	swait.ge [sflag:s26], $0x4000  }
0x1ac: {  	s0 =	sor.u32 s3, s0;
	s6 =	sand.u32 $0x380, s4;
	[sflag:s26] =	ssyncset.done $0x0  }
0x1ad: {  	s0 =	sor.u32 s6, s0;
	[sflag:s26] =	ssyncadd.s32 $0xFFFFC000  }
0x1ae: {  	v0 =	vld [tilespmem:s0+$0x14070]  }
0x1af: {  	v2 =	vld [tilespmem:s0+$0x4070]  }
0x1b0: {  	v3 =	vld [tilespmem:s0+$0x14000]  }
0x1b1: {  	v5 =	vld [tilespmem:s0+$0x4000]  }
0x1b2: {  	v6 =	vld [tilespmem:s0+$0x14010]  }
0x1b3: {  	v7 =	vld [tilespmem:s0+$0x4010]  }
0x1b4: {  	v1 =	vld [tilespmem:s0+$0x14020]  }
0x1b5: {  	v4 =	vld [tilespmem:s0+$0x4020];
	v2 =	vadd.f32 v2, v0  }
0x1b6: {  	v5 =	vadd.f32 v5, v3;
	v0 =	vld [tilespmem:s0+$0x14030]  }
0x1b7: {  	v3 =	vld [tilespmem:s0+$0x4030];
	[tilespmem:s0+$0x14070] =	vst v2  }
0x1b8: {  	s3 =	simm.s32 $0x0;
	[tilespmem:s0+$0x14000] =	vst v5;
	v5 =	vadd.f32 v7, v6;
	v2 =	vld [tilespmem:s0+$0x14040]  }
.LBB2_16:
0x1b9: {  	s3 =	sadd.s32 $0x8, s3;
	v6 =	vld [tilespmem:s0+$0x4040]  }
0x1ba: {  	s2 =	sadd.s32 $0x400, s2;
	s4 =	sshll.u32 s3, $0x4;
	p0 =	slt.u32 s3, $0x3F8;
	[tilespmem:s0+$0x14010] =	vst v5;
	v1 =	vadd.f32 v4, v1;
	v4 =	vld [tilespmem:s0+$0x14050]  }
0x1bb: {  	s5 =	sand.u32 $0x1C00, s2;
	s6 =	sshll.u32 s3, $0x1;
	s4 =	sand.u32 $0x2000, s4;
	v5 =	vld [tilespmem:s0+$0x4050]  }
0x1bc: {  	s4 =	sor.u32 s5, s4;
	s5 =	sand.u32 $0x380, s6;
	[tilespmem:s0+$0x14020] =	vst v1;
	v0 =	vadd.f32 v3, v0;
	v1 =	vld [tilespmem:s0+$0x14060]  }
0x1bd: {  	s4 =	sor.u32 s5, s4;
	v3 =	vld [tilespmem:s0+$0x4060]  }
0x1be: {  	v7 =	vld [tilespmem:s4+$0x14070];
	[tilespmem:s0+$0x14030] =	vst v0;
	v0 =	vadd.f32 v6, v2  }
0x1bf: {  	v2 =	vld [tilespmem:s4+$0x4070]  }
0x1c0: {  	v6 =	vld [tilespmem:s4+$0x14000];
	[tilespmem:s0+$0x14040] =	vst v0;
	v0 =	vadd.f32 v5, v4  }
0x1c1: {  	v5 =	vld [tilespmem:s4+$0x4000]  }
0x1c2: {  	v8 =	vld [tilespmem:s4+$0x14010];
	[tilespmem:s0+$0x14050] =	vst v0;
	v0 =	vadd.f32 v3, v1  }
0x1c3: {  	v9 =	vld [tilespmem:s4+$0x4010]  }
.Ltmp7:
0x1c4: {  	v1 =	vld [tilespmem:s4+$0x14020];
	v2 =	vadd.f32 v2, v7;
	[tilespmem:s0+$0x14060] =	vst v0;
	s0 =	smov.u32 s4;
	(pc) =	sbr.rel @p0 .LBB2_16-.Ltmp7, $4  }
0x1c5: {  	v4 =	vld [tilespmem:s0+$0x4020]  }
0x1c6: {  	v5 =	vadd.f32 v5, v6;
	v0 =	vld [tilespmem:s0+$0x14030];
	[tilespmem:s0+$0x14070] =	vst v2  }
0x1c7: {  	v3 =	vld [tilespmem:s0+$0x4030]  }
0x1c8: {  	[tilespmem:s0+$0x14000] =	vst v5;
	v5 =	vadd.f32 v9, v8;
	v2 =	vld [tilespmem:s0+$0x14040]  }
0x1c9: {  	v6 =	vld [tilespmem:s0+$0x4040]  }
0x1ca: {  	v7 =	vld [tilespmem:s0+$0x14050]  }
0x1cb: {  	v8 =	vld [tilespmem:s0+$0x4050]  }
0x1cc: {  	v9 =	vld [tilespmem:s0+$0x14060]  }
0x1cd: {  	v10 =	vld [tilespmem:s0+$0x4060]  }
0x1ce: {  	v1 =	vadd.f32 v4, v1  }
0x1cf: {  	[tilespmem:s0+$0x14010] =	vst v5;
	v0 =	vadd.f32 v3, v0  }
0x1d0: {  	[tilespmem:s0+$0x14020] =	vst v1;
	v1 =	vadd.f32 v6, v2  }
0x1d1: {  	[tilespmem:s0+$0x14030] =	vst v0;
	v0 =	vadd.f32 v8, v7  }
0x1d2: {  	[tilespmem:s0+$0x14040] =	vst v1;
	v1 =	vadd.f32 v10, v9  }
0x1d3: {  	[tilespmem:s0+$0x14050] =	vst v0  }
0x1d4: {  	[tilespmem:s0+$0x14060] =	vst v1  }
0x1d5: {  	s0 =	simm.s32 $0x0;
	s2 =	rddreg [dreg:$0x14]  }
0x1d6: {  	[hbm4b:s2+s0] =	stream.linear.scatter [tilespmem:s21], [sflag:$0xA], $0x4000, $0x38;
	[tilespmem:$0x18000] =	vst v63  }
0x1d7: {  	_ =	swait.ge [sflag:s28], $0x4000  }
0x1d8: {  	[sflag:s28] =	ssyncset.done $0x0  }
0x1d9: {  	s4 =	rddreg [dreg:$0x18];
	[sflag:s28] =	ssyncadd.s32 $0xFFFFC000  }
0x1da: {  	[tilespmem:s17], [sflag:$0x5] =	stream.linear.gather [hbm4b:s4+s0], $0x4000, $0x38;
	[tilespmem:$0x18000] =	vst v63  }
0x1db: {  	_ =	swait.ge [sflag:s18], $0x4000  }
0x1dc: {  	[sflag:s18] =	ssyncset.done $0x0  }
0x1dd: {  	s5 =	simm.s32 $0x0;
	s3 =	sand.u32 $0x1C00, s0;
	[sflag:s18] =	ssyncadd.s32 $0xFFFFC000  }
0x1de: {  	s2 =	sand.u32 $0x2000, s5;
	s4 =	simm.s32 $0x0;
	_ =	swait.ge [sflag:s19], $0x4000  }
0x1df: {  	s2 =	sor.u32 s3, s2;
	s6 =	sand.u32 $0x380, s4;
	[sflag:s19] =	ssyncset.done $0x0  }
0x1e0: {  	s2 =	sor.u32 s6, s2;
	[sflag:s19] =	ssyncadd.s32 $0xFFFFC000  }
0x1e1: {  	v0 =	vld [tilespmem:s2+$0x8070]  }
0x1e2: {  	v2 =	vld [tilespmem:s2+$0x70]  }
0x1e3: {  	v3 =	vld [tilespmem:s2+$0x8000]  }
0x1e4: {  	v5 =	vld [tilespmem:s2+$0x0]  }
0x1e5: {  	v6 =	vld [tilespmem:s2+$0x8010]  }
0x1e6: {  	v7 =	vld [tilespmem:s2+$0x10]  }
0x1e7: {  	v1 =	vld [tilespmem:s2+$0x8020]  }
0x1e8: {  	v4 =	vld [tilespmem:s2+$0x20];
	v2 =	vadd.f32 v2, v0  }
0x1e9: {  	v5 =	vadd.f32 v5, v3;
	v0 =	vld [tilespmem:s2+$0x8030]  }
0x1ea: {  	v3 =	vld [tilespmem:s2+$0x30];
	[tilespmem:s2+$0x8070] =	vst v2  }
0x1eb: {  	s3 =	simm.s32 $0x0;
	[tilespmem:s2+$0x8000] =	vst v5;
	v5 =	vadd.f32 v7, v6;
	v2 =	vld [tilespmem:s2+$0x8040]  }
.LBB2_18:
0x1ec: {  	s3 =	sadd.s32 $0x8, s3;
	v6 =	vld [tilespmem:s2+$0x40]  }
0x1ed: {  	s0 =	sadd.s32 $0x400, s0;
	s4 =	sshll.u32 s3, $0x4;
	p0 =	slt.u32 s3, $0x3F8;
	[tilespmem:s2+$0x8010] =	vst v5;
	v1 =	vadd.f32 v4, v1;
	v4 =	vld [tilespmem:s2+$0x8050]  }
0x1ee: {  	s5 =	sand.u32 $0x1C00, s0;
	s6 =	sshll.u32 s3, $0x1;
	s4 =	sand.u32 $0x2000, s4;
	v5 =	vld [tilespmem:s2+$0x50]  }
0x1ef: {  	s4 =	sor.u32 s5, s4;
	s5 =	sand.u32 $0x380, s6;
	[tilespmem:s2+$0x8020] =	vst v1;
	v0 =	vadd.f32 v3, v0;
	v1 =	vld [tilespmem:s2+$0x8060]  }
0x1f0: {  	s4 =	sor.u32 s5, s4;
	v3 =	vld [tilespmem:s2+$0x60]  }
0x1f1: {  	v7 =	vld [tilespmem:s4+$0x8070];
	[tilespmem:s2+$0x8030] =	vst v0;
	v0 =	vadd.f32 v6, v2  }
0x1f2: {  	v2 =	vld [tilespmem:s4+$0x70]  }
0x1f3: {  	v6 =	vld [tilespmem:s4+$0x8000];
	[tilespmem:s2+$0x8040] =	vst v0;
	v0 =	vadd.f32 v5, v4  }
0x1f4: {  	v5 =	vld [tilespmem:s4+$0x0]  }
0x1f5: {  	v8 =	vld [tilespmem:s4+$0x8010];
	[tilespmem:s2+$0x8050] =	vst v0;
	v0 =	vadd.f32 v3, v1  }
0x1f6: {  	v9 =	vld [tilespmem:s4+$0x10]  }
.Ltmp8:
0x1f7: {  	v1 =	vld [tilespmem:s4+$0x8020];
	v2 =	vadd.f32 v2, v7;
	[tilespmem:s2+$0x8060] =	vst v0;
	s2 =	smov.u32 s4;
	(pc) =	sbr.rel @p0 .LBB2_18-.Ltmp8, $4  }
0x1f8: {  	v4 =	vld [tilespmem:s2+$0x20]  }
0x1f9: {  	v5 =	vadd.f32 v5, v6;
	v0 =	vld [tilespmem:s2+$0x8030];
	[tilespmem:s2+$0x8070] =	vst v2  }
0x1fa: {  	v3 =	vld [tilespmem:s2+$0x30]  }
0x1fb: {  	[tilespmem:s2+$0x8000] =	vst v5;
	v5 =	vadd.f32 v9, v8;
	v2 =	vld [tilespmem:s2+$0x8040]  }
0x1fc: {  	v6 =	vld [tilespmem:s2+$0x40]  }
0x1fd: {  	v7 =	vld [tilespmem:s2+$0x8050]  }
0x1fe: {  	v8 =	vld [tilespmem:s2+$0x50]  }
0x1ff: {  	v9 =	vld [tilespmem:s2+$0x8060]  }
0x200: {  	v10 =	vld [tilespmem:s2+$0x60]  }
0x201: {  	v1 =	vadd.f32 v4, v1  }
0x202: {  	[tilespmem:s2+$0x8010] =	vst v5;
	v0 =	vadd.f32 v3, v0  }
0x203: {  	[tilespmem:s2+$0x8020] =	vst v1;
	v1 =	vadd.f32 v6, v2  }
0x204: {  	[tilespmem:s2+$0x8030] =	vst v0;
	v0 =	vadd.f32 v8, v7  }
0x205: {  	[tilespmem:s2+$0x8040] =	vst v1;
	v1 =	vadd.f32 v10, v9  }
0x206: {  	[tilespmem:s2+$0x8050] =	vst v0  }
0x207: {  	[tilespmem:s2+$0x8060] =	vst v1  }
0x208: {  	s0 =	simm.s32 $0x0;
	s2 =	rddreg [dreg:$0x15]  }
0x209: {  	[hbm4b:s2+s0] =	stream.linear.scatter [tilespmem:s15], [sflag:$0x7], $0x4000, $0x38;
	[tilespmem:$0x18000] =	vst v63  }
0x20a: {  	s3 =	rddreg [dreg:$0x1c]  }
0x20b: {  	[tilespmem:s20], [sflag:$0x2] =	stream.linear.gather [hbm4b:s3+s0], $0x4000, $0x38;
	[tilespmem:$0x18000] =	vst v63  }
0x20c: {  	_ =	swait.ge [sflag:s30], $0x4000  }
0x20d: {  	s5 =	simm.s32 $0x0;
	[sflag:s30] =	ssyncset.done $0x0  }
0x20e: {  	s2 =	sand.u32 $0x2000, s5;
	s4 =	rddreg [dreg:$0x1a];
	[sflag:s30] =	ssyncadd.s32 $0xFFFFC000  }
0x20f: {  	[tilespmem:s21], [sflag:$0x6] =	stream.linear.gather [hbm4b:s4+s0], $0x4000, $0x38;
	[tilespmem:$0x18000] =	vst v63  }
0x210: {  	s3 =	sand.u32 $0x1C00, s0;
	s4 =	simm.s32 $0x0;
	_ =	swait.ge [sflag:s22], $0x4000  }
0x211: {  	s2 =	sor.u32 s3, s2;
	s6 =	sand.u32 $0x380, s4;
	[sflag:s22] =	ssyncset.done $0x0  }
0x212: {  	s2 =	sor.u32 s6, s2;
	[sflag:s22] =	ssyncadd.s32 $0xFFFFC000  }
0x213: {  	v0 =	vld [tilespmem:s2+$0xC070]  }
0x214: {  	v2 =	vld [tilespmem:s2+$0x70]  }
0x215: {  	v3 =	vld [tilespmem:s2+$0xC000]  }
0x216: {  	v5 =	vld [tilespmem:s2+$0x0]  }
0x217: {  	v6 =	vld [tilespmem:s2+$0xC010]  }
0x218: {  	v7 =	vld [tilespmem:s2+$0x10]  }
0x219: {  	v1 =	vld [tilespmem:s2+$0xC020]  }
0x21a: {  	v4 =	vld [tilespmem:s2+$0x20];
	v2 =	vadd.f32 v2, v0  }
0x21b: {  	v5 =	vadd.f32 v5, v3;
	v0 =	vld [tilespmem:s2+$0xC030]  }
0x21c: {  	v3 =	vld [tilespmem:s2+$0x30];
	[tilespmem:s2+$0xC070] =	vst v2  }
0x21d: {  	s3 =	simm.s32 $0x0;
	[tilespmem:s2+$0xC000] =	vst v5;
	v5 =	vadd.f32 v7, v6;
	v2 =	vld [tilespmem:s2+$0xC040]  }
.LBB2_20:
0x21e: {  	s3 =	sadd.s32 $0x8, s3;
	v6 =	vld [tilespmem:s2+$0x40]  }
0x21f: {  	s0 =	sadd.s32 $0x400, s0;
	s4 =	sshll.u32 s3, $0x4;
	p0 =	slt.u32 s3, $0x3F8;
	[tilespmem:s2+$0xC010] =	vst v5;
	v1 =	vadd.f32 v4, v1;
	v4 =	vld [tilespmem:s2+$0xC050]  }
0x220: {  	s5 =	sand.u32 $0x1C00, s0;
	s6 =	sshll.u32 s3, $0x1;
	s4 =	sand.u32 $0x2000, s4;
	v5 =	vld [tilespmem:s2+$0x50]  }
0x221: {  	s4 =	sor.u32 s5, s4;
	s5 =	sand.u32 $0x380, s6;
	[tilespmem:s2+$0xC020] =	vst v1;
	v0 =	vadd.f32 v3, v0;
	v1 =	vld [tilespmem:s2+$0xC060]  }
0x222: {  	s4 =	sor.u32 s5, s4;
	v3 =	vld [tilespmem:s2+$0x60]  }
0x223: {  	v7 =	vld [tilespmem:s4+$0xC070];
	[tilespmem:s2+$0xC030] =	vst v0;
	v0 =	vadd.f32 v6, v2  }
0x224: {  	v2 =	vld [tilespmem:s4+$0x70]  }
0x225: {  	v6 =	vld [tilespmem:s4+$0xC000];
	[tilespmem:s2+$0xC040] =	vst v0;
	v0 =	vadd.f32 v5, v4  }
0x226: {  	v5 =	vld [tilespmem:s4+$0x0]  }
0x227: {  	v8 =	vld [tilespmem:s4+$0xC010];
	[tilespmem:s2+$0xC050] =	vst v0;
	v0 =	vadd.f32 v3, v1  }
0x228: {  	v9 =	vld [tilespmem:s4+$0x10]  }
.Ltmp9:
0x229: {  	v1 =	vld [tilespmem:s4+$0xC020];
	v2 =	vadd.f32 v2, v7;
	[tilespmem:s2+$0xC060] =	vst v0;
	s2 =	smov.u32 s4;
	(pc) =	sbr.rel @p0 .LBB2_20-.Ltmp9, $4  }
0x22a: {  	v4 =	vld [tilespmem:s2+$0x20]  }
0x22b: {  	v5 =	vadd.f32 v5, v6;
	v0 =	vld [tilespmem:s2+$0xC030];
	[tilespmem:s2+$0xC070] =	vst v2  }
0x22c: {  	v3 =	vld [tilespmem:s2+$0x30]  }
0x22d: {  	[tilespmem:s2+$0xC000] =	vst v5;
	v5 =	vadd.f32 v9, v8;
	v2 =	vld [tilespmem:s2+$0xC040]  }
0x22e: {  	v6 =	vld [tilespmem:s2+$0x40]  }
0x22f: {  	v7 =	vld [tilespmem:s2+$0xC050]  }
0x230: {  	v8 =	vld [tilespmem:s2+$0x50]  }
0x231: {  	v9 =	vld [tilespmem:s2+$0xC060]  }
0x232: {  	v10 =	vld [tilespmem:s2+$0x60]  }
0x233: {  	v1 =	vadd.f32 v4, v1  }
0x234: {  	[tilespmem:s2+$0xC010] =	vst v5;
	v0 =	vadd.f32 v3, v0  }
0x235: {  	[tilespmem:s2+$0xC020] =	vst v1;
	v1 =	vadd.f32 v6, v2  }
0x236: {  	[tilespmem:s2+$0xC030] =	vst v0;
	v0 =	vadd.f32 v8, v7  }
0x237: {  	[tilespmem:s2+$0xC040] =	vst v1;
	v1 =	vadd.f32 v10, v9  }
0x238: {  	[tilespmem:s2+$0xC050] =	vst v0  }
0x239: {  	[tilespmem:s2+$0xC060] =	vst v1  }
0x23a: {  	s2 =	simm.s32 $0x0;
	s0 =	rddreg [dreg:$0x17]  }
0x23b: {  	[hbm4b:s0+s2] =	stream.linear.scatter [tilespmem:s16], [sflag:$0x8], $0x4000, $0x38;
	[tilespmem:$0x18000] =	vst v63  }
0x23c: {  	_ =	swait.ge [sflag:s23], $0x4000  }
0x23d: {  	s5 =	simm.s32 $0x0;
	[sflag:s23] =	ssyncset.done $0x0  }
0x23e: {  	s3 =	sand.u32 $0x1C00, s2;
	s4 =	rddreg [dreg:$0x1d];
	[sflag:s23] =	ssyncadd.s32 $0xFFFFC000  }
0x23f: {  	[tilespmem:s15], [sflag:$0x3] =	stream.linear.gather [hbm4b:s4+s2], $0x4000, $0x38;
	[tilespmem:$0x18000] =	vst v63  }
0x240: {  	s0 =	sand.u32 $0x2000, s5;
	s4 =	simm.s32 $0x0;
	_ =	swait.ge [sflag:s24], $0x4000  }
0x241: {  	s0 =	sor.u32 s3, s0;
	s6 =	sand.u32 $0x380, s4;
	[sflag:s24] =	ssyncset.done $0x0  }
0x242: {  	s0 =	sor.u32 s6, s0;
	[sflag:s24] =	ssyncadd.s32 $0xFFFFC000  }
0x243: {  	v0 =	vld [tilespmem:s0+$0x10070]  }
0x244: {  	v2 =	vld [tilespmem:s0+$0x70]  }
0x245: {  	v3 =	vld [tilespmem:s0+$0x10000]  }
0x246: {  	v5 =	vld [tilespmem:s0+$0x0]  }
0x247: {  	v6 =	vld [tilespmem:s0+$0x10010]  }
0x248: {  	v7 =	vld [tilespmem:s0+$0x10]  }
0x249: {  	v1 =	vld [tilespmem:s0+$0x10020]  }
0x24a: {  	v4 =	vld [tilespmem:s0+$0x20];
	v2 =	vadd.f32 v2, v0  }
0x24b: {  	v5 =	vadd.f32 v5, v3;
	v0 =	vld [tilespmem:s0+$0x10030]  }
0x24c: {  	v3 =	vld [tilespmem:s0+$0x30];
	[tilespmem:s0+$0x10070] =	vst v2  }
0x24d: {  	s3 =	simm.s32 $0x0;
	[tilespmem:s0+$0x10000] =	vst v5;
	v5 =	vadd.f32 v7, v6;
	v2 =	vld [tilespmem:s0+$0x10040]  }
.LBB2_22:
0x24e: {  	s3 =	sadd.s32 $0x8, s3;
	v6 =	vld [tilespmem:s0+$0x40]  }
0x24f: {  	s2 =	sadd.s32 $0x400, s2;
	s4 =	sshll.u32 s3, $0x4;
	p0 =	slt.u32 s3, $0x3F8;
	[tilespmem:s0+$0x10010] =	vst v5;
	v1 =	vadd.f32 v4, v1;
	v4 =	vld [tilespmem:s0+$0x10050]  }
0x250: {  	s5 =	sand.u32 $0x1C00, s2;
	s6 =	sshll.u32 s3, $0x1;
	s4 =	sand.u32 $0x2000, s4;
	v5 =	vld [tilespmem:s0+$0x50]  }
0x251: {  	s4 =	sor.u32 s5, s4;
	s5 =	sand.u32 $0x380, s6;
	[tilespmem:s0+$0x10020] =	vst v1;
	v0 =	vadd.f32 v3, v0;
	v1 =	vld [tilespmem:s0+$0x10060]  }
0x252: {  	s4 =	sor.u32 s5, s4;
	v3 =	vld [tilespmem:s0+$0x60]  }
0x253: {  	v7 =	vld [tilespmem:s4+$0x10070];
	[tilespmem:s0+$0x10030] =	vst v0;
	v0 =	vadd.f32 v6, v2  }
0x254: {  	v2 =	vld [tilespmem:s4+$0x70]  }
0x255: {  	v6 =	vld [tilespmem:s4+$0x10000];
	[tilespmem:s0+$0x10040] =	vst v0;
	v0 =	vadd.f32 v5, v4  }
0x256: {  	v5 =	vld [tilespmem:s4+$0x0]  }
0x257: {  	v8 =	vld [tilespmem:s4+$0x10010];
	[tilespmem:s0+$0x10050] =	vst v0;
	v0 =	vadd.f32 v3, v1  }
0x258: {  	v9 =	vld [tilespmem:s4+$0x10]  }
.Ltmp10:
0x259: {  	v1 =	vld [tilespmem:s4+$0x10020];
	v2 =	vadd.f32 v2, v7;
	[tilespmem:s0+$0x10060] =	vst v0;
	s0 =	smov.u32 s4;
	(pc) =	sbr.rel @p0 .LBB2_22-.Ltmp10, $4  }
0x25a: {  	v4 =	vld [tilespmem:s0+$0x20]  }
0x25b: {  	v5 =	vadd.f32 v5, v6;
	v0 =	vld [tilespmem:s0+$0x10030];
	[tilespmem:s0+$0x10070] =	vst v2  }
0x25c: {  	v3 =	vld [tilespmem:s0+$0x30]  }
0x25d: {  	[tilespmem:s0+$0x10000] =	vst v5;
	v5 =	vadd.f32 v9, v8;
	v2 =	vld [tilespmem:s0+$0x10040]  }
0x25e: {  	v6 =	vld [tilespmem:s0+$0x40]  }
0x25f: {  	v7 =	vld [tilespmem:s0+$0x10050]  }
0x260: {  	v8 =	vld [tilespmem:s0+$0x50]  }
0x261: {  	v9 =	vld [tilespmem:s0+$0x10060]  }
0x262: {  	v10 =	vld [tilespmem:s0+$0x60]  }
0x263: {  	v1 =	vadd.f32 v4, v1  }
0x264: {  	[tilespmem:s0+$0x10010] =	vst v5;
	v0 =	vadd.f32 v3, v0  }
0x265: {  	[tilespmem:s0+$0x10020] =	vst v1;
	v1 =	vadd.f32 v6, v2  }
0x266: {  	[tilespmem:s0+$0x10030] =	vst v0;
	v0 =	vadd.f32 v8, v7  }
0x267: {  	[tilespmem:s0+$0x10040] =	vst v1;
	v1 =	vadd.f32 v10, v9  }
0x268: {  	[tilespmem:s0+$0x10050] =	vst v0  }
0x269: {  	[tilespmem:s0+$0x10060] =	vst v1  }
0x26a: {  	s2 =	simm.s32 $0x0;
	s0 =	rddreg [dreg:$0x19]  }
0x26b: {  	[hbm4b:s0+s2] =	stream.linear.scatter [tilespmem:s17], [sflag:$0x9], $0x4000, $0x38;
	[tilespmem:$0x18000] =	vst v63  }
0x26c: {  	_ =	swait.ge [sflag:s25], $0x4000  }
0x26d: {  	s5 =	simm.s32 $0x0;
	[sflag:s25] =	ssyncset.done $0x0  }
0x26e: {  	s3 =	sand.u32 $0x1C00, s2;
	s4 =	rddreg [dreg:$0x1f];
	[sflag:s25] =	ssyncadd.s32 $0xFFFFC000  }
0x26f: {  	[tilespmem:s16], [sflag:$0x4] =	stream.linear.gather [hbm4b:s4+s2], $0x4000, $0x38;
	[tilespmem:$0x18000] =	vst v63  }
0x270: {  	s0 =	sand.u32 $0x2000, s5;
	s4 =	simm.s32 $0x0;
	_ =	swait.ge [sflag:s26], $0x4000  }
0x271: {  	s0 =	sor.u32 s3, s0;
	s6 =	sand.u32 $0x380, s4;
	[sflag:s26] =	ssyncset.done $0x0  }
0x272: {  	s0 =	sor.u32 s6, s0;
	[sflag:s26] =	ssyncadd.s32 $0xFFFFC000  }
0x273: {  	v0 =	vld [tilespmem:s0+$0x14070]  }
0x274: {  	v2 =	vld [tilespmem:s0+$0x70]  }
0x275: {  	v3 =	vld [tilespmem:s0+$0x14000]  }
0x276: {  	v5 =	vld [tilespmem:s0+$0x0]  }
0x277: {  	v6 =	vld [tilespmem:s0+$0x14010]  }
0x278: {  	v7 =	vld [tilespmem:s0+$0x10]  }
0x279: {  	v1 =	vld [tilespmem:s0+$0x14020]  }
0x27a: {  	v4 =	vld [tilespmem:s0+$0x20];
	v2 =	vadd.f32 v2, v0  }
0x27b: {  	v5 =	vadd.f32 v5, v3;
	v0 =	vld [tilespmem:s0+$0x14030]  }
0x27c: {  	v3 =	vld [tilespmem:s0+$0x30];
	[tilespmem:s0+$0x14070] =	vst v2  }
0x27d: {  	s3 =	simm.s32 $0x0;
	[tilespmem:s0+$0x14000] =	vst v5;
	v5 =	vadd.f32 v7, v6;
	v2 =	vld [tilespmem:s0+$0x14040]  }
.LBB2_24:
0x27e: {  	s3 =	sadd.s32 $0x8, s3;
	v6 =	vld [tilespmem:s0+$0x40]  }
0x27f: {  	s2 =	sadd.s32 $0x400, s2;
	s4 =	sshll.u32 s3, $0x4;
	p0 =	slt.u32 s3, $0x3F8;
	[tilespmem:s0+$0x14010] =	vst v5;
	v1 =	vadd.f32 v4, v1;
	v4 =	vld [tilespmem:s0+$0x14050]  }
0x280: {  	s5 =	sand.u32 $0x1C00, s2;
	s6 =	sshll.u32 s3, $0x1;
	s4 =	sand.u32 $0x2000, s4;
	v5 =	vld [tilespmem:s0+$0x50]  }
0x281: {  	s4 =	sor.u32 s5, s4;
	s5 =	sand.u32 $0x380, s6;
	[tilespmem:s0+$0x14020] =	vst v1;
	v0 =	vadd.f32 v3, v0;
	v1 =	vld [tilespmem:s0+$0x14060]  }
0x282: {  	s4 =	sor.u32 s5, s4;
	v3 =	vld [tilespmem:s0+$0x60]  }
0x283: {  	v7 =	vld [tilespmem:s4+$0x14070];
	[tilespmem:s0+$0x14030] =	vst v0;
	v0 =	vadd.f32 v6, v2  }
0x284: {  	v2 =	vld [tilespmem:s4+$0x70]  }
0x285: {  	v6 =	vld [tilespmem:s4+$0x14000];
	[tilespmem:s0+$0x14040] =	vst v0;
	v0 =	vadd.f32 v5, v4  }
0x286: {  	v5 =	vld [tilespmem:s4+$0x0]  }
0x287: {  	v8 =	vld [tilespmem:s4+$0x14010];
	[tilespmem:s0+$0x14050] =	vst v0;
	v0 =	vadd.f32 v3, v1  }
0x288: {  	v9 =	vld [tilespmem:s4+$0x10]  }
.Ltmp11:
0x289: {  	v1 =	vld [tilespmem:s4+$0x14020];
	v2 =	vadd.f32 v2, v7;
	[tilespmem:s0+$0x14060] =	vst v0;
	s0 =	smov.u32 s4;
	(pc) =	sbr.rel @p0 .LBB2_24-.Ltmp11, $4  }
0x28a: {  	v4 =	vld [tilespmem:s0+$0x20]  }
0x28b: {  	v5 =	vadd.f32 v5, v6;
	v0 =	vld [tilespmem:s0+$0x14030];
	[tilespmem:s0+$0x14070] =	vst v2  }
0x28c: {  	v3 =	vld [tilespmem:s0+$0x30]  }
0x28d: {  	[tilespmem:s0+$0x14000] =	vst v5;
	v5 =	vadd.f32 v9, v8;
	v2 =	vld [tilespmem:s0+$0x14040]  }
0x28e: {  	v6 =	vld [tilespmem:s0+$0x40]  }
0x28f: {  	v7 =	vld [tilespmem:s0+$0x14050]  }
0x290: {  	v8 =	vld [tilespmem:s0+$0x50]  }
0x291: {  	v9 =	vld [tilespmem:s0+$0x14060]  }
0x292: {  	v10 =	vld [tilespmem:s0+$0x60]  }
0x293: {  	v1 =	vadd.f32 v4, v1  }
0x294: {  	[tilespmem:s0+$0x14010] =	vst v5;
	v0 =	vadd.f32 v3, v0  }
0x295: {  	[tilespmem:s0+$0x14020] =	vst v1;
	v1 =	vadd.f32 v6, v2  }
0x296: {  	[tilespmem:s0+$0x14030] =	vst v0;
	v0 =	vadd.f32 v8, v7  }
0x297: {  	[tilespmem:s0+$0x14040] =	vst v1;
	v1 =	vadd.f32 v10, v9  }
0x298: {  	[tilespmem:s0+$0x14050] =	vst v0  }
0x299: {  	[tilespmem:s0+$0x14060] =	vst v1  }
0x29a: {  	s0 =	simm.s32 $0x0;
	s2 =	rddreg [dreg:$0x1b]  }
0x29b: {  	[hbm4b:s2+s0] =	stream.linear.scatter [tilespmem:s21], [sflag:$0xA], $0x4000, $0x38;
	[tilespmem:$0x18000] =	vst v63  }
0x29c: {  	_ =	swait.ge [sflag:s28], $0x4000  }
0x29d: {  	s4 =	sld [smem:$0x7DA]  }
0x29e: {  	[sflag:s28] =	ssyncset.done $0x0  }
0x29f: {  	[sflag:s28] =	ssyncadd.s32 $0xFFFFC000  }
0x2a0: {  	[tilespmem:s17], [sflag:$0x5] =	stream.linear.gather [hbm4b:s4+s0], $0x4000, $0x38;
	[tilespmem:$0x18000] =	vst v63  }
0x2a1: {  	_ =	swait.ge [sflag:s18], $0x4000  }
0x2a2: {  	[sflag:s18] =	ssyncset.done $0x0  }
0x2a3: {  	s5 =	simm.s32 $0x0;
	s3 =	sand.u32 $0x1C00, s0;
	[sflag:s18] =	ssyncadd.s32 $0xFFFFC000  }
0x2a4: {  	s2 =	sand.u32 $0x2000, s5;
	s4 =	simm.s32 $0x0;
	_ =	swait.ge [sflag:s29], $0x4000  }
0x2a5: {  	s2 =	sor.u32 s3, s2;
	s6 =	sand.u32 $0x380, s4;
	[sflag:s29] =	ssyncset.done $0x0  }
0x2a6: {  	s2 =	sor.u32 s6, s2;
	[sflag:s29] =	ssyncadd.s32 $0xFFFFC000  }
0x2a7: {  	v0 =	vld [tilespmem:s2+$0x8070]  }
0x2a8: {  	v2 =	vld [tilespmem:s2+$0x4070]  }
0x2a9: {  	v3 =	vld [tilespmem:s2+$0x8000]  }
0x2aa: {  	v5 =	vld [tilespmem:s2+$0x4000]  }
0x2ab: {  	v6 =	vld [tilespmem:s2+$0x8010]  }
0x2ac: {  	v7 =	vld [tilespmem:s2+$0x4010]  }
0x2ad: {  	v1 =	vld [tilespmem:s2+$0x8020]  }
0x2ae: {  	v4 =	vld [tilespmem:s2+$0x4020];
	v2 =	vadd.f32 v2, v0  }
0x2af: {  	v5 =	vadd.f32 v5, v3;
	v0 =	vld [tilespmem:s2+$0x8030]  }
0x2b0: {  	v3 =	vld [tilespmem:s2+$0x4030];
	[tilespmem:s2+$0x8070] =	vst v2  }
0x2b1: {  	s3 =	simm.s32 $0x0;
	[tilespmem:s2+$0x8000] =	vst v5;
	v5 =	vadd.f32 v7, v6;
	v2 =	vld [tilespmem:s2+$0x8040]  }
.LBB2_26:
0x2b2: {  	s3 =	sadd.s32 $0x8, s3;
	v6 =	vld [tilespmem:s2+$0x4040]  }
0x2b3: {  	s0 =	sadd.s32 $0x400, s0;
	s4 =	sshll.u32 s3, $0x4;
	p0 =	slt.u32 s3, $0x3F8;
	[tilespmem:s2+$0x8010] =	vst v5;
	v1 =	vadd.f32 v4, v1;
	v4 =	vld [tilespmem:s2+$0x8050]  }
0x2b4: {  	s5 =	sand.u32 $0x1C00, s0;
	s6 =	sshll.u32 s3, $0x1;
	s4 =	sand.u32 $0x2000, s4;
	v5 =	vld [tilespmem:s2+$0x4050]  }
0x2b5: {  	s4 =	sor.u32 s5, s4;
	s5 =	sand.u32 $0x380, s6;
	[tilespmem:s2+$0x8020] =	vst v1;
	v0 =	vadd.f32 v3, v0;
	v1 =	vld [tilespmem:s2+$0x8060]  }
0x2b6: {  	s4 =	sor.u32 s5, s4;
	v3 =	vld [tilespmem:s2+$0x4060]  }
0x2b7: {  	v7 =	vld [tilespmem:s4+$0x8070];
	[tilespmem:s2+$0x8030] =	vst v0;
	v0 =	vadd.f32 v6, v2  }
0x2b8: {  	v2 =	vld [tilespmem:s4+$0x4070]  }
0x2b9: {  	v6 =	vld [tilespmem:s4+$0x8000];
	[tilespmem:s2+$0x8040] =	vst v0;
	v0 =	vadd.f32 v5, v4  }
0x2ba: {  	v5 =	vld [tilespmem:s4+$0x4000]  }
0x2bb: {  	v8 =	vld [tilespmem:s4+$0x8010];
	[tilespmem:s2+$0x8050] =	vst v0;
	v0 =	vadd.f32 v3, v1  }
0x2bc: {  	v9 =	vld [tilespmem:s4+$0x4010]  }
.Ltmp12:
0x2bd: {  	v1 =	vld [tilespmem:s4+$0x8020];
	v2 =	vadd.f32 v2, v7;
	[tilespmem:s2+$0x8060] =	vst v0;
	s2 =	smov.u32 s4;
	(pc) =	sbr.rel @p0 .LBB2_26-.Ltmp12, $4  }
0x2be: {  	v4 =	vld [tilespmem:s2+$0x4020]  }
0x2bf: {  	v5 =	vadd.f32 v5, v6;
	v0 =	vld [tilespmem:s2+$0x8030];
	[tilespmem:s2+$0x8070] =	vst v2  }
0x2c0: {  	v3 =	vld [tilespmem:s2+$0x4030]  }
0x2c1: {  	[tilespmem:s2+$0x8000] =	vst v5;
	v5 =	vadd.f32 v9, v8;
	v2 =	vld [tilespmem:s2+$0x8040]  }
0x2c2: {  	v6 =	vld [tilespmem:s2+$0x4040]  }
0x2c3: {  	v7 =	vld [tilespmem:s2+$0x8050]  }
0x2c4: {  	v8 =	vld [tilespmem:s2+$0x4050]  }
0x2c5: {  	v9 =	vld [tilespmem:s2+$0x8060]  }
0x2c6: {  	v10 =	vld [tilespmem:s2+$0x4060]  }
0x2c7: {  	v1 =	vadd.f32 v4, v1  }
0x2c8: {  	[tilespmem:s2+$0x8010] =	vst v5;
	v0 =	vadd.f32 v3, v0  }
0x2c9: {  	[tilespmem:s2+$0x8020] =	vst v1;
	v1 =	vadd.f32 v6, v2  }
0x2ca: {  	[tilespmem:s2+$0x8030] =	vst v0;
	v0 =	vadd.f32 v8, v7  }
0x2cb: {  	[tilespmem:s2+$0x8040] =	vst v1;
	v1 =	vadd.f32 v10, v9  }
0x2cc: {  	[tilespmem:s2+$0x8050] =	vst v0  }
0x2cd: {  	[tilespmem:s2+$0x8060] =	vst v1  }
0x2ce: {  	s2 =	rddreg [dreg:$0x1e]  }
0x2cf: {  	s0 =	simm.s32 $0x0;
	s3 =	sld [smem:$0x7DE]  }
0x2d0: {  	[hbm4b:s2+s0] =	stream.linear.scatter [tilespmem:s15], [sflag:$0x7], $0x4000, $0x38;
	[tilespmem:$0x18000] =	vst v63  }
0x2d1: {  	_ = 	snop  }
0x2d2: {  	[tilespmem:s0], [sflag:$0x1] =	stream.linear.gather [hbm4b:s3+s0], $0x4000, $0x38;
	[tilespmem:$0x18000] =	vst v63  }
0x2d3: {  	_ =	swait.ge [sflag:s30], $0x4000  }
0x2d4: {  	s4 =	sld [smem:$0x7DC]  }
0x2d5: {  	s5 =	simm.s32 $0x0;
	[sflag:s30] =	ssyncset.done $0x0  }
0x2d6: {  	s2 =	sand.u32 $0x2000, s5;
	[sflag:s30] =	ssyncadd.s32 $0xFFFFC000  }
0x2d7: {  	[tilespmem:s21], [sflag:$0x6] =	stream.linear.gather [hbm4b:s4+s0], $0x4000, $0x38;
	[tilespmem:$0x18000] =	vst v63  }
0x2d8: {  	s3 =	sand.u32 $0x1C00, s0;
	s4 =	simm.s32 $0x0;
	_ =	swait.ge [sflag:s22], $0x4000  }
0x2d9: {  	s2 =	sor.u32 s3, s2;
	s6 =	sand.u32 $0x380, s4;
	[sflag:s22] =	ssyncset.done $0x0  }
0x2da: {  	s2 =	sor.u32 s6, s2;
	[sflag:s22] =	ssyncadd.s32 $0xFFFFC000  }
0x2db: {  	v0 =	vld [tilespmem:s2+$0xC070]  }
0x2dc: {  	v2 =	vld [tilespmem:s2+$0x4070]  }
0x2dd: {  	v3 =	vld [tilespmem:s2+$0xC000]  }
0x2de: {  	v5 =	vld [tilespmem:s2+$0x4000]  }
0x2df: {  	v6 =	vld [tilespmem:s2+$0xC010]  }
0x2e0: {  	v7 =	vld [tilespmem:s2+$0x4010]  }
0x2e1: {  	v1 =	vld [tilespmem:s2+$0xC020]  }
0x2e2: {  	v4 =	vld [tilespmem:s2+$0x4020];
	v2 =	vadd.f32 v2, v0  }
0x2e3: {  	v5 =	vadd.f32 v5, v3;
	v0 =	vld [tilespmem:s2+$0xC030]  }
0x2e4: {  	v3 =	vld [tilespmem:s2+$0x4030];
	[tilespmem:s2+$0xC070] =	vst v2  }
0x2e5: {  	s3 =	simm.s32 $0x0;
	[tilespmem:s2+$0xC000] =	vst v5;
	v5 =	vadd.f32 v7, v6;
	v2 =	vld [tilespmem:s2+$0xC040]  }
.LBB2_28:
0x2e6: {  	s3 =	sadd.s32 $0x8, s3;
	v6 =	vld [tilespmem:s2+$0x4040]  }
0x2e7: {  	s0 =	sadd.s32 $0x400, s0;
	s4 =	sshll.u32 s3, $0x4;
	p0 =	slt.u32 s3, $0x3F8;
	[tilespmem:s2+$0xC010] =	vst v5;
	v1 =	vadd.f32 v4, v1;
	v4 =	vld [tilespmem:s2+$0xC050]  }
0x2e8: {  	s5 =	sand.u32 $0x1C00, s0;
	s6 =	sshll.u32 s3, $0x1;
	s4 =	sand.u32 $0x2000, s4;
	v5 =	vld [tilespmem:s2+$0x4050]  }
0x2e9: {  	s4 =	sor.u32 s5, s4;
	s5 =	sand.u32 $0x380, s6;
	[tilespmem:s2+$0xC020] =	vst v1;
	v0 =	vadd.f32 v3, v0;
	v1 =	vld [tilespmem:s2+$0xC060]  }
0x2ea: {  	s4 =	sor.u32 s5, s4;
	v3 =	vld [tilespmem:s2+$0x4060]  }
0x2eb: {  	v7 =	vld [tilespmem:s4+$0xC070];
	[tilespmem:s2+$0xC030] =	vst v0;
	v0 =	vadd.f32 v6, v2  }
0x2ec: {  	v2 =	vld [tilespmem:s4+$0x4070]  }
0x2ed: {  	v6 =	vld [tilespmem:s4+$0xC000];
	[tilespmem:s2+$0xC040] =	vst v0;
	v0 =	vadd.f32 v5, v4  }
0x2ee: {  	v5 =	vld [tilespmem:s4+$0x4000]  }
0x2ef: {  	v8 =	vld [tilespmem:s4+$0xC010];
	[tilespmem:s2+$0xC050] =	vst v0;
	v0 =	vadd.f32 v3, v1  }
0x2f0: {  	v9 =	vld [tilespmem:s4+$0x4010]  }
.Ltmp13:
0x2f1: {  	v1 =	vld [tilespmem:s4+$0xC020];
	v2 =	vadd.f32 v2, v7;
	[tilespmem:s2+$0xC060] =	vst v0;
	s2 =	smov.u32 s4;
	(pc) =	sbr.rel @p0 .LBB2_28-.Ltmp13, $4  }
0x2f2: {  	v4 =	vld [tilespmem:s2+$0x4020]  }
0x2f3: {  	v5 =	vadd.f32 v5, v6;
	v0 =	vld [tilespmem:s2+$0xC030];
	[tilespmem:s2+$0xC070] =	vst v2  }
0x2f4: {  	v3 =	vld [tilespmem:s2+$0x4030]  }
0x2f5: {  	[tilespmem:s2+$0xC000] =	vst v5;
	v5 =	vadd.f32 v9, v8;
	v2 =	vld [tilespmem:s2+$0xC040]  }
0x2f6: {  	v6 =	vld [tilespmem:s2+$0x4040]  }
0x2f7: {  	v7 =	vld [tilespmem:s2+$0xC050]  }
0x2f8: {  	v8 =	vld [tilespmem:s2+$0x4050]  }
0x2f9: {  	v9 =	vld [tilespmem:s2+$0xC060]  }
0x2fa: {  	v10 =	vld [tilespmem:s2+$0x4060]  }
0x2fb: {  	v1 =	vadd.f32 v4, v1  }
0x2fc: {  	[tilespmem:s2+$0xC010] =	vst v5;
	v0 =	vadd.f32 v3, v0  }
0x2fd: {  	[tilespmem:s2+$0xC020] =	vst v1;
	v1 =	vadd.f32 v6, v2  }
0x2fe: {  	[tilespmem:s2+$0xC030] =	vst v0;
	v0 =	vadd.f32 v8, v7  }
0x2ff: {  	[tilespmem:s2+$0xC040] =	vst v1;
	v1 =	vadd.f32 v10, v9  }
0x300: {  	[tilespmem:s2+$0xC050] =	vst v0  }
0x301: {  	[tilespmem:s2+$0xC060] =	vst v1  }
0x302: {  	s0 =	sld [smem:$0x7D9];
	_ =	sdelay $0x1  }
0x303: {  	s2 =	simm.s32 $0x0  }
0x304: {  	[hbm4b:s0+s2] =	stream.linear.scatter [tilespmem:s16], [sflag:$0x8], $0x4000, $0x38;
	[tilespmem:$0x18000] =	vst v63  }
0x305: {  	_ =	swait.ge [sflag:s23], $0x4000  }
0x306: {  	s4 =	sld [smem:$0x7DF]  }
0x307: {  	[sflag:s23] =	ssyncset.done $0x0  }
0x308: {  	s5 =	simm.s32 $0x0;
	s3 =	sand.u32 $0x1C00, s2;
	[sflag:s23] =	ssyncadd.s32 $0xFFFFC000  }
0x309: {  	[tilespmem:s15], [sflag:$0x3] =	stream.linear.gather [hbm4b:s4+s2], $0x4000, $0x38;
	[tilespmem:$0x18000] =	vst v63  }
0x30a: {  	s0 =	sand.u32 $0x2000, s5;
	s4 =	simm.s32 $0x0;
	_ =	swait.ge [sflag:s24], $0x4000  }
0x30b: {  	s0 =	sor.u32 s3, s0;
	s6 =	sand.u32 $0x380, s4;
	[sflag:s24] =	ssyncset.done $0x0  }
0x30c: {  	s0 =	sor.u32 s6, s0;
	[sflag:s24] =	ssyncadd.s32 $0xFFFFC000  }
0x30d: {  	v0 =	vld [tilespmem:s0+$0x10070]  }
0x30e: {  	v2 =	vld [tilespmem:s0+$0x4070]  }
0x30f: {  	v3 =	vld [tilespmem:s0+$0x10000]  }
0x310: {  	v5 =	vld [tilespmem:s0+$0x4000]  }
0x311: {  	v6 =	vld [tilespmem:s0+$0x10010]  }
0x312: {  	v7 =	vld [tilespmem:s0+$0x4010]  }
0x313: {  	v1 =	vld [tilespmem:s0+$0x10020]  }
0x314: {  	v4 =	vld [tilespmem:s0+$0x4020];
	v2 =	vadd.f32 v2, v0  }
0x315: {  	v5 =	vadd.f32 v5, v3;
	v0 =	vld [tilespmem:s0+$0x10030]  }
0x316: {  	v3 =	vld [tilespmem:s0+$0x4030];
	[tilespmem:s0+$0x10070] =	vst v2  }
0x317: {  	s3 =	simm.s32 $0x0;
	[tilespmem:s0+$0x10000] =	vst v5;
	v5 =	vadd.f32 v7, v6;
	v2 =	vld [tilespmem:s0+$0x10040]  }
.LBB2_30:
0x318: {  	s3 =	sadd.s32 $0x8, s3;
	v6 =	vld [tilespmem:s0+$0x4040]  }
0x319: {  	s2 =	sadd.s32 $0x400, s2;
	s4 =	sshll.u32 s3, $0x4;
	p0 =	slt.u32 s3, $0x3F8;
	[tilespmem:s0+$0x10010] =	vst v5;
	v1 =	vadd.f32 v4, v1;
	v4 =	vld [tilespmem:s0+$0x10050]  }
0x31a: {  	s5 =	sand.u32 $0x1C00, s2;
	s6 =	sshll.u32 s3, $0x1;
	s4 =	sand.u32 $0x2000, s4;
	v5 =	vld [tilespmem:s0+$0x4050]  }
0x31b: {  	s4 =	sor.u32 s5, s4;
	s5 =	sand.u32 $0x380, s6;
	[tilespmem:s0+$0x10020] =	vst v1;
	v0 =	vadd.f32 v3, v0;
	v1 =	vld [tilespmem:s0+$0x10060]  }
0x31c: {  	s4 =	sor.u32 s5, s4;
	v3 =	vld [tilespmem:s0+$0x4060]  }
0x31d: {  	v7 =	vld [tilespmem:s4+$0x10070];
	[tilespmem:s0+$0x10030] =	vst v0;
	v0 =	vadd.f32 v6, v2  }
0x31e: {  	v2 =	vld [tilespmem:s4+$0x4070]  }
0x31f: {  	v6 =	vld [tilespmem:s4+$0x10000];
	[tilespmem:s0+$0x10040] =	vst v0;
	v0 =	vadd.f32 v5, v4  }
0x320: {  	v5 =	vld [tilespmem:s4+$0x4000]  }
0x321: {  	v8 =	vld [tilespmem:s4+$0x10010];
	[tilespmem:s0+$0x10050] =	vst v0;
	v0 =	vadd.f32 v3, v1  }
0x322: {  	v9 =	vld [tilespmem:s4+$0x4010]  }
.Ltmp14:
0x323: {  	v1 =	vld [tilespmem:s4+$0x10020];
	v2 =	vadd.f32 v2, v7;
	[tilespmem:s0+$0x10060] =	vst v0;
	s0 =	smov.u32 s4;
	(pc) =	sbr.rel @p0 .LBB2_30-.Ltmp14, $4  }
0x324: {  	v4 =	vld [tilespmem:s0+$0x4020]  }
0x325: {  	v5 =	vadd.f32 v5, v6;
	v0 =	vld [tilespmem:s0+$0x10030];
	[tilespmem:s0+$0x10070] =	vst v2  }
0x326: {  	v3 =	vld [tilespmem:s0+$0x4030]  }
0x327: {  	[tilespmem:s0+$0x10000] =	vst v5;
	v5 =	vadd.f32 v9, v8;
	v2 =	vld [tilespmem:s0+$0x10040]  }
0x328: {  	v6 =	vld [tilespmem:s0+$0x4040]  }
0x329: {  	v7 =	vld [tilespmem:s0+$0x10050]  }
0x32a: {  	v8 =	vld [tilespmem:s0+$0x4050]  }
0x32b: {  	v9 =	vld [tilespmem:s0+$0x10060]  }
0x32c: {  	v10 =	vld [tilespmem:s0+$0x4060]  }
0x32d: {  	v1 =	vadd.f32 v4, v1  }
0x32e: {  	[tilespmem:s0+$0x10010] =	vst v5;
	v0 =	vadd.f32 v3, v0  }
0x32f: {  	[tilespmem:s0+$0x10020] =	vst v1;
	v1 =	vadd.f32 v6, v2  }
0x330: {  	[tilespmem:s0+$0x10030] =	vst v0;
	v0 =	vadd.f32 v8, v7  }
0x331: {  	[tilespmem:s0+$0x10040] =	vst v1;
	v1 =	vadd.f32 v10, v9  }
0x332: {  	[tilespmem:s0+$0x10050] =	vst v0  }
0x333: {  	[tilespmem:s0+$0x10060] =	vst v1  }
0x334: {  	s0 =	sld [smem:$0x7DB];
	_ =	sdelay $0x1  }
0x335: {  	s2 =	simm.s32 $0x0  }
0x336: {  	[hbm4b:s0+s2] =	stream.linear.scatter [tilespmem:s17], [sflag:$0x9], $0x4000, $0x38;
	[tilespmem:$0x18000] =	vst v63  }
0x337: {  	_ =	swait.ge [sflag:s25], $0x4000  }
0x338: {  	s4 =	sld [smem:$0x7E1]  }
0x339: {  	[sflag:s25] =	ssyncset.done $0x0  }
0x33a: {  	s5 =	simm.s32 $0x0;
	s3 =	sand.u32 $0x1C00, s2;
	[sflag:s25] =	ssyncadd.s32 $0xFFFFC000  }
0x33b: {  	[tilespmem:s16], [sflag:$0x4] =	stream.linear.gather [hbm4b:s4+s2], $0x4000, $0x38;
	[tilespmem:$0x18000] =	vst v63  }
0x33c: {  	s0 =	sand.u32 $0x2000, s5;
	s4 =	simm.s32 $0x0;
	_ =	swait.ge [sflag:s26], $0x4000  }
0x33d: {  	s0 =	sor.u32 s3, s0;
	s6 =	sand.u32 $0x380, s4;
	[sflag:s26] =	ssyncset.done $0x0  }
0x33e: {  	s0 =	sor.u32 s6, s0;
	[sflag:s26] =	ssyncadd.s32 $0xFFFFC000  }
0x33f: {  	v0 =	vld [tilespmem:s0+$0x14070]  }
0x340: {  	v2 =	vld [tilespmem:s0+$0x4070]  }
0x341: {  	v3 =	vld [tilespmem:s0+$0x14000]  }
0x342: {  	v5 =	vld [tilespmem:s0+$0x4000]  }
0x343: {  	v6 =	vld [tilespmem:s0+$0x14010]  }
0x344: {  	v7 =	vld [tilespmem:s0+$0x4010]  }
0x345: {  	v1 =	vld [tilespmem:s0+$0x14020]  }
0x346: {  	v4 =	vld [tilespmem:s0+$0x4020];
	v2 =	vadd.f32 v2, v0  }
0x347: {  	v5 =	vadd.f32 v5, v3;
	v0 =	vld [tilespmem:s0+$0x14030]  }
0x348: {  	v3 =	vld [tilespmem:s0+$0x4030];
	[tilespmem:s0+$0x14070] =	vst v2  }
0x349: {  	s3 =	simm.s32 $0x0;
	[tilespmem:s0+$0x14000] =	vst v5;
	v5 =	vadd.f32 v7, v6;
	v2 =	vld [tilespmem:s0+$0x14040]  }
.LBB2_32:
0x34a: {  	s3 =	sadd.s32 $0x8, s3;
	v6 =	vld [tilespmem:s0+$0x4040]  }
0x34b: {  	s2 =	sadd.s32 $0x400, s2;
	s4 =	sshll.u32 s3, $0x4;
	p0 =	slt.u32 s3, $0x3F8;
	[tilespmem:s0+$0x14010] =	vst v5;
	v1 =	vadd.f32 v4, v1;
	v4 =	vld [tilespmem:s0+$0x14050]  }
0x34c: {  	s5 =	sand.u32 $0x1C00, s2;
	s6 =	sshll.u32 s3, $0x1;
	s4 =	sand.u32 $0x2000, s4;
	v5 =	vld [tilespmem:s0+$0x4050]  }
0x34d: {  	s4 =	sor.u32 s5, s4;
	s5 =	sand.u32 $0x380, s6;
	[tilespmem:s0+$0x14020] =	vst v1;
	v0 =	vadd.f32 v3, v0;
	v1 =	vld [tilespmem:s0+$0x14060]  }
0x34e: {  	s4 =	sor.u32 s5, s4;
	v3 =	vld [tilespmem:s0+$0x4060]  }
0x34f: {  	v7 =	vld [tilespmem:s4+$0x14070];
	[tilespmem:s0+$0x14030] =	vst v0;
	v0 =	vadd.f32 v6, v2  }
0x350: {  	v2 =	vld [tilespmem:s4+$0x4070]  }
0x351: {  	v6 =	vld [tilespmem:s4+$0x14000];
	[tilespmem:s0+$0x14040] =	vst v0;
	v0 =	vadd.f32 v5, v4  }
0x352: {  	v5 =	vld [tilespmem:s4+$0x4000]  }
0x353: {  	v8 =	vld [tilespmem:s4+$0x14010];
	[tilespmem:s0+$0x14050] =	vst v0;
	v0 =	vadd.f32 v3, v1  }
0x354: {  	v9 =	vld [tilespmem:s4+$0x4010]  }
.Ltmp15:
0x355: {  	v1 =	vld [tilespmem:s4+$0x14020];
	v2 =	vadd.f32 v2, v7;
	[tilespmem:s0+$0x14060] =	vst v0;
	s0 =	smov.u32 s4;
	(pc) =	sbr.rel @p0 .LBB2_32-.Ltmp15, $4  }
0x356: {  	v4 =	vld [tilespmem:s0+$0x4020]  }
0x357: {  	v5 =	vadd.f32 v5, v6;
	v0 =	vld [tilespmem:s0+$0x14030];
	[tilespmem:s0+$0x14070] =	vst v2  }
0x358: {  	v3 =	vld [tilespmem:s0+$0x4030]  }
0x359: {  	[tilespmem:s0+$0x14000] =	vst v5;
	v5 =	vadd.f32 v9, v8;
	v2 =	vld [tilespmem:s0+$0x14040]  }
0x35a: {  	v6 =	vld [tilespmem:s0+$0x4040]  }
0x35b: {  	v7 =	vld [tilespmem:s0+$0x14050]  }
0x35c: {  	v8 =	vld [tilespmem:s0+$0x4050]  }
0x35d: {  	v9 =	vld [tilespmem:s0+$0x14060]  }
0x35e: {  	v10 =	vld [tilespmem:s0+$0x4060]  }
0x35f: {  	v1 =	vadd.f32 v4, v1  }
0x360: {  	[tilespmem:s0+$0x14010] =	vst v5;
	v0 =	vadd.f32 v3, v0  }
0x361: {  	[tilespmem:s0+$0x14020] =	vst v1;
	v1 =	vadd.f32 v6, v2  }
0x362: {  	[tilespmem:s0+$0x14030] =	vst v0;
	v0 =	vadd.f32 v8, v7  }
0x363: {  	[tilespmem:s0+$0x14040] =	vst v1;
	v1 =	vadd.f32 v10, v9  }
0x364: {  	[tilespmem:s0+$0x14050] =	vst v0  }
0x365: {  	[tilespmem:s0+$0x14060] =	vst v1  }
0x366: {  	s2 =	sld [smem:$0x7DD];
	_ =	sdelay $0x1  }
0x367: {  	s0 =	simm.s32 $0x0  }
0x368: {  	[hbm4b:s2+s0] =	stream.linear.scatter [tilespmem:s21], [sflag:$0xA], $0x4000, $0x38;
	[tilespmem:$0x18000] =	vst v63  }
0x369: {  	_ =	swait.ge [sflag:s28], $0x4000  }
0x36a: {  	s4 =	sld [smem:$0x7E3]  }
0x36b: {  	[sflag:s28] =	ssyncset.done $0x0  }
0x36c: {  	[sflag:s28] =	ssyncadd.s32 $0xFFFFC000  }
0x36d: {  	[tilespmem:s17], [sflag:$0x5] =	stream.linear.gather [hbm4b:s4+s0], $0x4000, $0x38;
	[tilespmem:$0x18000] =	vst v63  }
0x36e: {  	_ =	swait.ge [sflag:s18], $0x4000  }
0x36f: {  	[sflag:s18] =	ssyncset.done $0x0  }
0x370: {  	s5 =	simm.s32 $0x0;
	s3 =	sand.u32 $0x1C00, s0;
	[sflag:s18] =	ssyncadd.s32 $0xFFFFC000  }
0x371: {  	s2 =	sand.u32 $0x2000, s5;
	s4 =	simm.s32 $0x0;
	_ =	swait.ge [sflag:s19], $0x4000  }
0x372: {  	s2 =	sor.u32 s3, s2;
	s6 =	sand.u32 $0x380, s4;
	[sflag:s19] =	ssyncset.done $0x0  }
0x373: {  	s2 =	sor.u32 s6, s2;
	[sflag:s19] =	ssyncadd.s32 $0xFFFFC000  }
0x374: {  	v0 =	vld [tilespmem:s2+$0x8070]  }
0x375: {  	v2 =	vld [tilespmem:s2+$0x70]  }
0x376: {  	v3 =	vld [tilespmem:s2+$0x8000]  }
0x377: {  	v5 =	vld [tilespmem:s2+$0x0]  }
0x378: {  	v6 =	vld [tilespmem:s2+$0x8010]  }
0x379: {  	v7 =	vld [tilespmem:s2+$0x10]  }
0x37a: {  	v1 =	vld [tilespmem:s2+$0x8020]  }
0x37b: {  	v4 =	vld [tilespmem:s2+$0x20];
	v2 =	vadd.f32 v2, v0  }
0x37c: {  	v5 =	vadd.f32 v5, v3;
	v0 =	vld [tilespmem:s2+$0x8030]  }
0x37d: {  	v3 =	vld [tilespmem:s2+$0x30];
	[tilespmem:s2+$0x8070] =	vst v2  }
0x37e: {  	s3 =	simm.s32 $0x0;
	[tilespmem:s2+$0x8000] =	vst v5;
	v5 =	vadd.f32 v7, v6;
	v2 =	vld [tilespmem:s2+$0x8040]  }
.LBB2_34:
0x37f: {  	s3 =	sadd.s32 $0x8, s3;
	v6 =	vld [tilespmem:s2+$0x40]  }
0x380: {  	s0 =	sadd.s32 $0x400, s0;
	s4 =	sshll.u32 s3, $0x4;
	p0 =	slt.u32 s3, $0x3F8;
	[tilespmem:s2+$0x8010] =	vst v5;
	v1 =	vadd.f32 v4, v1;
	v4 =	vld [tilespmem:s2+$0x8050]  }
0x381: {  	s5 =	sand.u32 $0x1C00, s0;
	s6 =	sshll.u32 s3, $0x1;
	s4 =	sand.u32 $0x2000, s4;
	v5 =	vld [tilespmem:s2+$0x50]  }
0x382: {  	s4 =	sor.u32 s5, s4;
	s5 =	sand.u32 $0x380, s6;
	[tilespmem:s2+$0x8020] =	vst v1;
	v0 =	vadd.f32 v3, v0;
	v1 =	vld [tilespmem:s2+$0x8060]  }
0x383: {  	s4 =	sor.u32 s5, s4;
	v3 =	vld [tilespmem:s2+$0x60]  }
0x384: {  	v7 =	vld [tilespmem:s4+$0x8070];
	[tilespmem:s2+$0x8030] =	vst v0;
	v0 =	vadd.f32 v6, v2  }
0x385: {  	v2 =	vld [tilespmem:s4+$0x70]  }
0x386: {  	v6 =	vld [tilespmem:s4+$0x8000];
	[tilespmem:s2+$0x8040] =	vst v0;
	v0 =	vadd.f32 v5, v4  }
0x387: {  	v5 =	vld [tilespmem:s4+$0x0]  }
0x388: {  	v8 =	vld [tilespmem:s4+$0x8010];
	[tilespmem:s2+$0x8050] =	vst v0;
	v0 =	vadd.f32 v3, v1  }
0x389: {  	v9 =	vld [tilespmem:s4+$0x10]  }
.Ltmp16:
0x38a: {  	v1 =	vld [tilespmem:s4+$0x8020];
	v2 =	vadd.f32 v2, v7;
	[tilespmem:s2+$0x8060] =	vst v0;
	s2 =	smov.u32 s4;
	(pc) =	sbr.rel @p0 .LBB2_34-.Ltmp16, $4  }
0x38b: {  	v4 =	vld [tilespmem:s2+$0x20]  }
0x38c: {  	v5 =	vadd.f32 v5, v6;
	v0 =	vld [tilespmem:s2+$0x8030];
	[tilespmem:s2+$0x8070] =	vst v2  }
0x38d: {  	v3 =	vld [tilespmem:s2+$0x30]  }
0x38e: {  	[tilespmem:s2+$0x8000] =	vst v5;
	v5 =	vadd.f32 v9, v8;
	v2 =	vld [tilespmem:s2+$0x8040]  }
0x38f: {  	v6 =	vld [tilespmem:s2+$0x40]  }
0x390: {  	v7 =	vld [tilespmem:s2+$0x8050]  }
0x391: {  	v8 =	vld [tilespmem:s2+$0x50]  }
0x392: {  	v9 =	vld [tilespmem:s2+$0x8060]  }
0x393: {  	v10 =	vld [tilespmem:s2+$0x60]  }
0x394: {  	v1 =	vadd.f32 v4, v1  }
0x395: {  	[tilespmem:s2+$0x8010] =	vst v5;
	v0 =	vadd.f32 v3, v0  }
0x396: {  	[tilespmem:s2+$0x8020] =	vst v1;
	v1 =	vadd.f32 v6, v2  }
0x397: {  	[tilespmem:s2+$0x8030] =	vst v0;
	v0 =	vadd.f32 v8, v7  }
0x398: {  	[tilespmem:s2+$0x8040] =	vst v1;
	v1 =	vadd.f32 v10, v9  }
0x399: {  	[tilespmem:s2+$0x8050] =	vst v0  }
0x39a: {  	[tilespmem:s2+$0x8060] =	vst v1  }
0x39b: {  	s2 =	sld [smem:$0x7E0];
	_ =	sdelay $0x1  }
0x39c: {  	s0 =	simm.s32 $0x0;
	s3 =	sld [smem:$0x7E7]  }
0x39d: {  	[hbm4b:s2+s0] =	stream.linear.scatter [tilespmem:s15], [sflag:$0x7], $0x4000, $0x38;
	[tilespmem:$0x18000] =	vst v63  }
0x39e: {  	_ = 	snop  }
0x39f: {  	[tilespmem:s20], [sflag:$0x2] =	stream.linear.gather [hbm4b:s3+s0], $0x4000, $0x38;
	[tilespmem:$0x18000] =	vst v63  }
0x3a0: {  	_ =	swait.ge [sflag:s30], $0x4000  }
0x3a1: {  	s4 =	sld [smem:$0x7E5]  }
0x3a2: {  	s5 =	simm.s32 $0x0;
	[sflag:s30] =	ssyncset.done $0x0  }
0x3a3: {  	s2 =	sand.u32 $0x2000, s5;
	[sflag:s30] =	ssyncadd.s32 $0xFFFFC000  }
0x3a4: {  	[tilespmem:s21], [sflag:$0x6] =	stream.linear.gather [hbm4b:s4+s0], $0x4000, $0x38;
	[tilespmem:$0x18000] =	vst v63  }
0x3a5: {  	s3 =	sand.u32 $0x1C00, s0;
	s4 =	simm.s32 $0x0;
	_ =	swait.ge [sflag:s22], $0x4000  }
0x3a6: {  	s2 =	sor.u32 s3, s2;
	s6 =	sand.u32 $0x380, s4;
	[sflag:s22] =	ssyncset.done $0x0  }
0x3a7: {  	s2 =	sor.u32 s6, s2;
	[sflag:s22] =	ssyncadd.s32 $0xFFFFC000  }
0x3a8: {  	v0 =	vld [tilespmem:s2+$0xC070]  }
0x3a9: {  	v2 =	vld [tilespmem:s2+$0x70]  }
0x3aa: {  	v3 =	vld [tilespmem:s2+$0xC000]  }
0x3ab: {  	v5 =	vld [tilespmem:s2+$0x0]  }
0x3ac: {  	v6 =	vld [tilespmem:s2+$0xC010]  }
0x3ad: {  	v7 =	vld [tilespmem:s2+$0x10]  }
0x3ae: {  	v1 =	vld [tilespmem:s2+$0xC020]  }
0x3af: {  	v4 =	vld [tilespmem:s2+$0x20];
	v2 =	vadd.f32 v2, v0  }
0x3b0: {  	v5 =	vadd.f32 v5, v3;
	v0 =	vld [tilespmem:s2+$0xC030]  }
0x3b1: {  	v3 =	vld [tilespmem:s2+$0x30];
	[tilespmem:s2+$0xC070] =	vst v2  }
0x3b2: {  	s3 =	simm.s32 $0x0;
	[tilespmem:s2+$0xC000] =	vst v5;
	v5 =	vadd.f32 v7, v6;
	v2 =	vld [tilespmem:s2+$0xC040]  }
.LBB2_36:
0x3b3: {  	s3 =	sadd.s32 $0x8, s3;
	v6 =	vld [tilespmem:s2+$0x40]  }
0x3b4: {  	s0 =	sadd.s32 $0x400, s0;
	s4 =	sshll.u32 s3, $0x4;
	p0 =	slt.u32 s3, $0x3F8;
	[tilespmem:s2+$0xC010] =	vst v5;
	v1 =	vadd.f32 v4, v1;
	v4 =	vld [tilespmem:s2+$0xC050]  }
0x3b5: {  	s5 =	sand.u32 $0x1C00, s0;
	s6 =	sshll.u32 s3, $0x1;
	s4 =	sand.u32 $0x2000, s4;
	v5 =	vld [tilespmem:s2+$0x50]  }
0x3b6: {  	s4 =	sor.u32 s5, s4;
	s5 =	sand.u32 $0x380, s6;
	[tilespmem:s2+$0xC020] =	vst v1;
	v0 =	vadd.f32 v3, v0;
	v1 =	vld [tilespmem:s2+$0xC060]  }
0x3b7: {  	s4 =	sor.u32 s5, s4;
	v3 =	vld [tilespmem:s2+$0x60]  }
0x3b8: {  	v7 =	vld [tilespmem:s4+$0xC070];
	[tilespmem:s2+$0xC030] =	vst v0;
	v0 =	vadd.f32 v6, v2  }
0x3b9: {  	v2 =	vld [tilespmem:s4+$0x70]  }
0x3ba: {  	v6 =	vld [tilespmem:s4+$0xC000];
	[tilespmem:s2+$0xC040] =	vst v0;
	v0 =	vadd.f32 v5, v4  }
0x3bb: {  	v5 =	vld [tilespmem:s4+$0x0]  }
0x3bc: {  	v8 =	vld [tilespmem:s4+$0xC010];
	[tilespmem:s2+$0xC050] =	vst v0;
	v0 =	vadd.f32 v3, v1  }
0x3bd: {  	v9 =	vld [tilespmem:s4+$0x10]  }
.Ltmp17:
0x3be: {  	v1 =	vld [tilespmem:s4+$0xC020];
	v2 =	vadd.f32 v2, v7;
	[tilespmem:s2+$0xC060] =	vst v0;
	s2 =	smov.u32 s4;
	(pc) =	sbr.rel @p0 .LBB2_36-.Ltmp17, $4  }
0x3bf: {  	v4 =	vld [tilespmem:s2+$0x20]  }
0x3c0: {  	v5 =	vadd.f32 v5, v6;
	v0 =	vld [tilespmem:s2+$0xC030];
	[tilespmem:s2+$0xC070] =	vst v2  }
0x3c1: {  	v3 =	vld [tilespmem:s2+$0x30]  }
0x3c2: {  	[tilespmem:s2+$0xC000] =	vst v5;
	v5 =	vadd.f32 v9, v8;
	v2 =	vld [tilespmem:s2+$0xC040]  }
0x3c3: {  	v6 =	vld [tilespmem:s2+$0x40]  }
0x3c4: {  	v7 =	vld [tilespmem:s2+$0xC050]  }
0x3c5: {  	v8 =	vld [tilespmem:s2+$0x50]  }
0x3c6: {  	v9 =	vld [tilespmem:s2+$0xC060]  }
0x3c7: {  	v10 =	vld [tilespmem:s2+$0x60]  }
0x3c8: {  	v1 =	vadd.f32 v4, v1  }
0x3c9: {  	[tilespmem:s2+$0xC010] =	vst v5;
	v0 =	vadd.f32 v3, v0  }
0x3ca: {  	[tilespmem:s2+$0xC020] =	vst v1;
	v1 =	vadd.f32 v6, v2  }
0x3cb: {  	[tilespmem:s2+$0xC030] =	vst v0;
	v0 =	vadd.f32 v8, v7  }
0x3cc: {  	[tilespmem:s2+$0xC040] =	vst v1;
	v1 =	vadd.f32 v10, v9  }
0x3cd: {  	[tilespmem:s2+$0xC050] =	vst v0  }
0x3ce: {  	[tilespmem:s2+$0xC060] =	vst v1  }
0x3cf: {  	s0 =	sld [smem:$0x7E2];
	_ =	sdelay $0x1  }
0x3d0: {  	s2 =	simm.s32 $0x0  }
0x3d1: {  	[hbm4b:s0+s2] =	stream.linear.scatter [tilespmem:s16], [sflag:$0x8], $0x4000, $0x38;
	[tilespmem:$0x18000] =	vst v63  }
0x3d2: {  	_ =	swait.ge [sflag:s23], $0x4000  }
0x3d3: {  	s4 =	sld [smem:$0x7E8]  }
0x3d4: {  	[sflag:s23] =	ssyncset.done $0x0  }
0x3d5: {  	s5 =	simm.s32 $0x0;
	s3 =	sand.u32 $0x1C00, s2;
	[sflag:s23] =	ssyncadd.s32 $0xFFFFC000  }
0x3d6: {  	[tilespmem:s15], [sflag:$0x3] =	stream.linear.gather [hbm4b:s4+s2], $0x4000, $0x38;
	[tilespmem:$0x18000] =	vst v63  }
0x3d7: {  	s0 =	sand.u32 $0x2000, s5;
	s4 =	simm.s32 $0x0;
	_ =	swait.ge [sflag:s24], $0x4000  }
0x3d8: {  	s0 =	sor.u32 s3, s0;
	s6 =	sand.u32 $0x380, s4;
	[sflag:s24] =	ssyncset.done $0x0  }
0x3d9: {  	s0 =	sor.u32 s6, s0;
	[sflag:s24] =	ssyncadd.s32 $0xFFFFC000  }
0x3da: {  	v0 =	vld [tilespmem:s0+$0x10070]  }
0x3db: {  	v2 =	vld [tilespmem:s0+$0x70]  }
0x3dc: {  	v3 =	vld [tilespmem:s0+$0x10000]  }
0x3dd: {  	v5 =	vld [tilespmem:s0+$0x0]  }
0x3de: {  	v6 =	vld [tilespmem:s0+$0x10010]  }
0x3df: {  	v7 =	vld [tilespmem:s0+$0x10]  }
0x3e0: {  	v1 =	vld [tilespmem:s0+$0x10020]  }
0x3e1: {  	v4 =	vld [tilespmem:s0+$0x20];
	v2 =	vadd.f32 v2, v0  }
0x3e2: {  	v5 =	vadd.f32 v5, v3;
	v0 =	vld [tilespmem:s0+$0x10030]  }
0x3e3: {  	v3 =	vld [tilespmem:s0+$0x30];
	[tilespmem:s0+$0x10070] =	vst v2  }
0x3e4: {  	s3 =	simm.s32 $0x0;
	[tilespmem:s0+$0x10000] =	vst v5;
	v5 =	vadd.f32 v7, v6;
	v2 =	vld [tilespmem:s0+$0x10040]  }
.LBB2_38:
0x3e5: {  	s3 =	sadd.s32 $0x8, s3;
	v6 =	vld [tilespmem:s0+$0x40]  }
0x3e6: {  	s2 =	sadd.s32 $0x400, s2;
	s4 =	sshll.u32 s3, $0x4;
	p0 =	slt.u32 s3, $0x3F8;
	[tilespmem:s0+$0x10010] =	vst v5;
	v1 =	vadd.f32 v4, v1;
	v4 =	vld [tilespmem:s0+$0x10050]  }
0x3e7: {  	s5 =	sand.u32 $0x1C00, s2;
	s6 =	sshll.u32 s3, $0x1;
	s4 =	sand.u32 $0x2000, s4;
	v5 =	vld [tilespmem:s0+$0x50]  }
0x3e8: {  	s4 =	sor.u32 s5, s4;
	s5 =	sand.u32 $0x380, s6;
	[tilespmem:s0+$0x10020] =	vst v1;
	v0 =	vadd.f32 v3, v0;
	v1 =	vld [tilespmem:s0+$0x10060]  }
0x3e9: {  	s4 =	sor.u32 s5, s4;
	v3 =	vld [tilespmem:s0+$0x60]  }
0x3ea: {  	v7 =	vld [tilespmem:s4+$0x10070];
	[tilespmem:s0+$0x10030] =	vst v0;
	v0 =	vadd.f32 v6, v2  }
0x3eb: {  	v2 =	vld [tilespmem:s4+$0x70]  }
0x3ec: {  	v6 =	vld [tilespmem:s4+$0x10000];
	[tilespmem:s0+$0x10040] =	vst v0;
	v0 =	vadd.f32 v5, v4  }
0x3ed: {  	v5 =	vld [tilespmem:s4+$0x0]  }
0x3ee: {  	v8 =	vld [tilespmem:s4+$0x10010];
	[tilespmem:s0+$0x10050] =	vst v0;
	v0 =	vadd.f32 v3, v1  }
0x3ef: {  	v9 =	vld [tilespmem:s4+$0x10]  }
.Ltmp18:
0x3f0: {  	v1 =	vld [tilespmem:s4+$0x10020];
	v2 =	vadd.f32 v2, v7;
	[tilespmem:s0+$0x10060] =	vst v0;
	s0 =	smov.u32 s4;
	(pc) =	sbr.rel @p0 .LBB2_38-.Ltmp18, $4  }
0x3f1: {  	v4 =	vld [tilespmem:s0+$0x20]  }
0x3f2: {  	v5 =	vadd.f32 v5, v6;
	v0 =	vld [tilespmem:s0+$0x10030];
	[tilespmem:s0+$0x10070] =	vst v2  }
0x3f3: {  	v3 =	vld [tilespmem:s0+$0x30]  }
0x3f4: {  	[tilespmem:s0+$0x10000] =	vst v5;
	v5 =	vadd.f32 v9, v8;
	v2 =	vld [tilespmem:s0+$0x10040]  }
0x3f5: {  	v6 =	vld [tilespmem:s0+$0x40]  }
0x3f6: {  	v7 =	vld [tilespmem:s0+$0x10050]  }
0x3f7: {  	v8 =	vld [tilespmem:s0+$0x50]  }
0x3f8: {  	v9 =	vld [tilespmem:s0+$0x10060]  }
0x3f9: {  	v10 =	vld [tilespmem:s0+$0x60]  }
0x3fa: {  	v1 =	vadd.f32 v4, v1  }
0x3fb: {  	[tilespmem:s0+$0x10010] =	vst v5;
	v0 =	vadd.f32 v3, v0  }
0x3fc: {  	[tilespmem:s0+$0x10020] =	vst v1;
	v1 =	vadd.f32 v6, v2  }
0x3fd: {  	[tilespmem:s0+$0x10030] =	vst v0;
	v0 =	vadd.f32 v8, v7  }
0x3fe: {  	[tilespmem:s0+$0x10040] =	vst v1;
	v1 =	vadd.f32 v10, v9  }
0x3ff: {  	[tilespmem:s0+$0x10050] =	vst v0  }
0x400: {  	[tilespmem:s0+$0x10060] =	vst v1  }
0x401: {  	s0 =	sld [smem:$0x7E4];
	_ =	sdelay $0x1  }
0x402: {  	s2 =	simm.s32 $0x0  }
0x403: {  	[hbm4b:s0+s2] =	stream.linear.scatter [tilespmem:s17], [sflag:$0x9], $0x4000, $0x38;
	[tilespmem:$0x18000] =	vst v63  }
0x404: {  	_ =	swait.ge [sflag:s25], $0x4000  }
0x405: {  	s4 =	sld [smem:$0x7EA]  }
0x406: {  	[sflag:s25] =	ssyncset.done $0x0  }
0x407: {  	s5 =	simm.s32 $0x0;
	s3 =	sand.u32 $0x1C00, s2;
	[sflag:s25] =	ssyncadd.s32 $0xFFFFC000  }
0x408: {  	[tilespmem:s16], [sflag:$0x4] =	stream.linear.gather [hbm4b:s4+s2], $0x4000, $0x38;
	[tilespmem:$0x18000] =	vst v63  }
0x409: {  	s0 =	sand.u32 $0x2000, s5;
	s4 =	simm.s32 $0x0;
	_ =	swait.ge [sflag:s26], $0x4000  }
0x40a: {  	s0 =	sor.u32 s3, s0;
	s6 =	sand.u32 $0x380, s4;
	[sflag:s26] =	ssyncset.done $0x0  }
0x40b: {  	s0 =	sor.u32 s6, s0;
	[sflag:s26] =	ssyncadd.s32 $0xFFFFC000  }
0x40c: {  	v0 =	vld [tilespmem:s0+$0x14070]  }
0x40d: {  	v2 =	vld [tilespmem:s0+$0x70]  }
0x40e: {  	v3 =	vld [tilespmem:s0+$0x14000]  }
0x40f: {  	v5 =	vld [tilespmem:s0+$0x0]  }
0x410: {  	v6 =	vld [tilespmem:s0+$0x14010]  }
0x411: {  	v7 =	vld [tilespmem:s0+$0x10]  }
0x412: {  	v1 =	vld [tilespmem:s0+$0x14020]  }
0x413: {  	v4 =	vld [tilespmem:s0+$0x20];
	v2 =	vadd.f32 v2, v0  }
0x414: {  	v5 =	vadd.f32 v5, v3;
	v0 =	vld [tilespmem:s0+$0x14030]  }
0x415: {  	v3 =	vld [tilespmem:s0+$0x30];
	[tilespmem:s0+$0x14070] =	vst v2  }
0x416: {  	s3 =	simm.s32 $0x0;
	[tilespmem:s0+$0x14000] =	vst v5;
	v5 =	vadd.f32 v7, v6;
	v2 =	vld [tilespmem:s0+$0x14040]  }
.LBB2_40:
0x417: {  	s3 =	sadd.s32 $0x8, s3;
	v6 =	vld [tilespmem:s0+$0x40]  }
0x418: {  	s2 =	sadd.s32 $0x400, s2;
	s4 =	sshll.u32 s3, $0x4;
	p0 =	slt.u32 s3, $0x3F8;
	[tilespmem:s0+$0x14010] =	vst v5;
	v1 =	vadd.f32 v4, v1;
	v4 =	vld [tilespmem:s0+$0x14050]  }
0x419: {  	s5 =	sand.u32 $0x1C00, s2;
	s6 =	sshll.u32 s3, $0x1;
	s4 =	sand.u32 $0x2000, s4;
	v5 =	vld [tilespmem:s0+$0x50]  }
0x41a: {  	s4 =	sor.u32 s5, s4;
	s5 =	sand.u32 $0x380, s6;
	[tilespmem:s0+$0x14020] =	vst v1;
	v0 =	vadd.f32 v3, v0;
	v1 =	vld [tilespmem:s0+$0x14060]  }
0x41b: {  	s4 =	sor.u32 s5, s4;
	v3 =	vld [tilespmem:s0+$0x60]  }
0x41c: {  	v7 =	vld [tilespmem:s4+$0x14070];
	[tilespmem:s0+$0x14030] =	vst v0;
	v0 =	vadd.f32 v6, v2  }
0x41d: {  	v2 =	vld [tilespmem:s4+$0x70]  }
0x41e: {  	v6 =	vld [tilespmem:s4+$0x14000];
	[tilespmem:s0+$0x14040] =	vst v0;
	v0 =	vadd.f32 v5, v4  }
0x41f: {  	v5 =	vld [tilespmem:s4+$0x0]  }
0x420: {  	v8 =	vld [tilespmem:s4+$0x14010];
	[tilespmem:s0+$0x14050] =	vst v0;
	v0 =	vadd.f32 v3, v1  }
0x421: {  	v9 =	vld [tilespmem:s4+$0x10]  }
.Ltmp19:
0x422: {  	v1 =	vld [tilespmem:s4+$0x14020];
	v2 =	vadd.f32 v2, v7;
	[tilespmem:s0+$0x14060] =	vst v0;
	s0 =	smov.u32 s4;
	(pc) =	sbr.rel @p0 .LBB2_40-.Ltmp19, $4  }
0x423: {  	v4 =	vld [tilespmem:s0+$0x20]  }
0x424: {  	v5 =	vadd.f32 v5, v6;
	v0 =	vld [tilespmem:s0+$0x14030];
	[tilespmem:s0+$0x14070] =	vst v2  }
0x425: {  	v3 =	vld [tilespmem:s0+$0x30]  }
0x426: {  	[tilespmem:s0+$0x14000] =	vst v5;
	v5 =	vadd.f32 v9, v8;
	v2 =	vld [tilespmem:s0+$0x14040]  }
0x427: {  	v6 =	vld [tilespmem:s0+$0x40]  }
0x428: {  	v7 =	vld [tilespmem:s0+$0x14050]  }
0x429: {  	v8 =	vld [tilespmem:s0+$0x50]  }
0x42a: {  	v9 =	vld [tilespmem:s0+$0x14060]  }
0x42b: {  	v10 =	vld [tilespmem:s0+$0x60]  }
0x42c: {  	v1 =	vadd.f32 v4, v1  }
0x42d: {  	[tilespmem:s0+$0x14010] =	vst v5;
	v0 =	vadd.f32 v3, v0  }
0x42e: {  	[tilespmem:s0+$0x14020] =	vst v1;
	v1 =	vadd.f32 v6, v2  }
0x42f: {  	[tilespmem:s0+$0x14030] =	vst v0;
	v0 =	vadd.f32 v8, v7  }
0x430: {  	[tilespmem:s0+$0x14040] =	vst v1;
	v1 =	vadd.f32 v10, v9  }
0x431: {  	[tilespmem:s0+$0x14050] =	vst v0  }
0x432: {  	[tilespmem:s0+$0x14060] =	vst v1  }
0x433: {  	s2 =	sld [smem:$0x7E6];
	_ =	sdelay $0x1  }
0x434: {  	s0 =	simm.s32 $0x0  }
0x435: {  	[hbm4b:s2+s0] =	stream.linear.scatter [tilespmem:s21], [sflag:$0xA], $0x4000, $0x38;
	[tilespmem:$0x18000] =	vst v63  }
0x436: {  	_ =	swait.ge [sflag:s28], $0x4000  }
0x437: {  	s4 =	sld [smem:$0x7EC]  }
0x438: {  	[sflag:s28] =	ssyncset.done $0x0  }
0x439: {  	[sflag:s28] =	ssyncadd.s32 $0xFFFFC000  }
0x43a: {  	[tilespmem:s17], [sflag:$0x5] =	stream.linear.gather [hbm4b:s4+s0], $0x4000, $0x38;
	[tilespmem:$0x18000] =	vst v63  }
0x43b: {  	_ =	swait.ge [sflag:s18], $0x4000  }
0x43c: {  	[sflag:s18] =	ssyncset.done $0x0  }
0x43d: {  	s5 =	simm.s32 $0x0;
	s3 =	sand.u32 $0x1C00, s0;
	[sflag:s18] =	ssyncadd.s32 $0xFFFFC000  }
0x43e: {  	s2 =	sand.u32 $0x2000, s5;
	s4 =	simm.s32 $0x0;
	_ =	swait.ge [sflag:s29], $0x4000  }
0x43f: {  	s2 =	sor.u32 s3, s2;
	s6 =	sand.u32 $0x380, s4;
	[sflag:s29] =	ssyncset.done $0x0  }
0x440: {  	s2 =	sor.u32 s6, s2;
	[sflag:s29] =	ssyncadd.s32 $0xFFFFC000  }
0x441: {  	v0 =	vld [tilespmem:s2+$0x8070]  }
0x442: {  	v2 =	vld [tilespmem:s2+$0x4070]  }
0x443: {  	v3 =	vld [tilespmem:s2+$0x8000]  }
0x444: {  	v5 =	vld [tilespmem:s2+$0x4000]  }
0x445: {  	v6 =	vld [tilespmem:s2+$0x8010]  }
0x446: {  	v7 =	vld [tilespmem:s2+$0x4010]  }
0x447: {  	v1 =	vld [tilespmem:s2+$0x8020]  }
0x448: {  	v4 =	vld [tilespmem:s2+$0x4020];
	v2 =	vadd.f32 v2, v0  }
0x449: {  	v5 =	vadd.f32 v5, v3;
	v0 =	vld [tilespmem:s2+$0x8030]  }
0x44a: {  	v3 =	vld [tilespmem:s2+$0x4030];
	[tilespmem:s2+$0x8070] =	vst v2  }
0x44b: {  	s3 =	simm.s32 $0x0;
	[tilespmem:s2+$0x8000] =	vst v5;
	v5 =	vadd.f32 v7, v6;
	v2 =	vld [tilespmem:s2+$0x8040]  }
.LBB2_42:
0x44c: {  	s3 =	sadd.s32 $0x8, s3;
	v6 =	vld [tilespmem:s2+$0x4040]  }
0x44d: {  	s0 =	sadd.s32 $0x400, s0;
	s4 =	sshll.u32 s3, $0x4;
	p0 =	slt.u32 s3, $0x3F8;
	[tilespmem:s2+$0x8010] =	vst v5;
	v1 =	vadd.f32 v4, v1;
	v4 =	vld [tilespmem:s2+$0x8050]  }
0x44e: {  	s5 =	sand.u32 $0x1C00, s0;
	s6 =	sshll.u32 s3, $0x1;
	s4 =	sand.u32 $0x2000, s4;
	v5 =	vld [tilespmem:s2+$0x4050]  }
0x44f: {  	s4 =	sor.u32 s5, s4;
	s5 =	sand.u32 $0x380, s6;
	[tilespmem:s2+$0x8020] =	vst v1;
	v0 =	vadd.f32 v3, v0;
	v1 =	vld [tilespmem:s2+$0x8060]  }
0x450: {  	s4 =	sor.u32 s5, s4;
	v3 =	vld [tilespmem:s2+$0x4060]  }
0x451: {  	v7 =	vld [tilespmem:s4+$0x8070];
	[tilespmem:s2+$0x8030] =	vst v0;
	v0 =	vadd.f32 v6, v2  }
0x452: {  	v2 =	vld [tilespmem:s4+$0x4070]  }
0x453: {  	v6 =	vld [tilespmem:s4+$0x8000];
	[tilespmem:s2+$0x8040] =	vst v0;
	v0 =	vadd.f32 v5, v4  }
0x454: {  	v5 =	vld [tilespmem:s4+$0x4000]  }
0x455: {  	v8 =	vld [tilespmem:s4+$0x8010];
	[tilespmem:s2+$0x8050] =	vst v0;
	v0 =	vadd.f32 v3, v1  }
0x456: {  	v9 =	vld [tilespmem:s4+$0x4010]  }
.Ltmp20:
0x457: {  	v1 =	vld [tilespmem:s4+$0x8020];
	v2 =	vadd.f32 v2, v7;
	[tilespmem:s2+$0x8060] =	vst v0;
	s2 =	smov.u32 s4;
	(pc) =	sbr.rel @p0 .LBB2_42-.Ltmp20, $4  }
0x458: {  	v4 =	vld [tilespmem:s2+$0x4020]  }
0x459: {  	v5 =	vadd.f32 v5, v6;
	v0 =	vld [tilespmem:s2+$0x8030];
	[tilespmem:s2+$0x8070] =	vst v2  }
0x45a: {  	v3 =	vld [tilespmem:s2+$0x4030]  }
0x45b: {  	[tilespmem:s2+$0x8000] =	vst v5;
	v5 =	vadd.f32 v9, v8;
	v2 =	vld [tilespmem:s2+$0x8040]  }
0x45c: {  	v6 =	vld [tilespmem:s2+$0x4040]  }
0x45d: {  	v7 =	vld [tilespmem:s2+$0x8050]  }
0x45e: {  	v8 =	vld [tilespmem:s2+$0x4050]  }
0x45f: {  	v9 =	vld [tilespmem:s2+$0x8060]  }
0x460: {  	v10 =	vld [tilespmem:s2+$0x4060]  }
0x461: {  	v1 =	vadd.f32 v4, v1  }
0x462: {  	[tilespmem:s2+$0x8010] =	vst v5;
	v0 =	vadd.f32 v3, v0  }
0x463: {  	[tilespmem:s2+$0x8020] =	vst v1;
	v1 =	vadd.f32 v6, v2  }
0x464: {  	[tilespmem:s2+$0x8030] =	vst v0;
	v0 =	vadd.f32 v8, v7  }
0x465: {  	[tilespmem:s2+$0x8040] =	vst v1;
	v1 =	vadd.f32 v10, v9  }
0x466: {  	[tilespmem:s2+$0x8050] =	vst v0  }
0x467: {  	[tilespmem:s2+$0x8060] =	vst v1  }
0x468: {  	s2 =	sld [smem:$0x7E9];
	_ =	sdelay $0x1  }
0x469: {  	s0 =	simm.s32 $0x0;
	s3 =	sld [smem:$0x7F0]  }
0x46a: {  	[hbm4b:s2+s0] =	stream.linear.scatter [tilespmem:s15], [sflag:$0x7], $0x4000, $0x38;
	[tilespmem:$0x18000] =	vst v63  }
0x46b: {  	_ = 	snop  }
0x46c: {  	[tilespmem:s0], [sflag:$0x1] =	stream.linear.gather [hbm4b:s3+s0], $0x4000, $0x38;
	[tilespmem:$0x18000] =	vst v63  }
0x46d: {  	_ =	swait.ge [sflag:s30], $0x4000  }
0x46e: {  	s4 =	sld [smem:$0x7EE]  }
0x46f: {  	s5 =	simm.s32 $0x0;
	[sflag:s30] =	ssyncset.done $0x0  }
0x470: {  	s2 =	sand.u32 $0x2000, s5;
	[sflag:s30] =	ssyncadd.s32 $0xFFFFC000  }
0x471: {  	[tilespmem:s21], [sflag:$0x6] =	stream.linear.gather [hbm4b:s4+s0], $0x4000, $0x38;
	[tilespmem:$0x18000] =	vst v63  }
0x472: {  	s3 =	sand.u32 $0x1C00, s0;
	s4 =	simm.s32 $0x0;
	_ =	swait.ge [sflag:s22], $0x4000  }
0x473: {  	s2 =	sor.u32 s3, s2;
	s6 =	sand.u32 $0x380, s4;
	[sflag:s22] =	ssyncset.done $0x0  }
0x474: {  	s2 =	sor.u32 s6, s2;
	[sflag:s22] =	ssyncadd.s32 $0xFFFFC000  }
0x475: {  	v0 =	vld [tilespmem:s2+$0xC070]  }
0x476: {  	v2 =	vld [tilespmem:s2+$0x4070]  }
0x477: {  	v3 =	vld [tilespmem:s2+$0xC000]  }
0x478: {  	v5 =	vld [tilespmem:s2+$0x4000]  }
0x479: {  	v6 =	vld [tilespmem:s2+$0xC010]  }
0x47a: {  	v7 =	vld [tilespmem:s2+$0x4010]  }
0x47b: {  	v1 =	vld [tilespmem:s2+$0xC020]  }
0x47c: {  	v4 =	vld [tilespmem:s2+$0x4020];
	v2 =	vadd.f32 v2, v0  }
0x47d: {  	v5 =	vadd.f32 v5, v3;
	v0 =	vld [tilespmem:s2+$0xC030]  }
0x47e: {  	v3 =	vld [tilespmem:s2+$0x4030];
	[tilespmem:s2+$0xC070] =	vst v2  }
0x47f: {  	s3 =	simm.s32 $0x0;
	[tilespmem:s2+$0xC000] =	vst v5;
	v5 =	vadd.f32 v7, v6;
	v2 =	vld [tilespmem:s2+$0xC040]  }
.LBB2_44:
0x480: {  	s3 =	sadd.s32 $0x8, s3;
	v6 =	vld [tilespmem:s2+$0x4040]  }
0x481: {  	s0 =	sadd.s32 $0x400, s0;
	s4 =	sshll.u32 s3, $0x4;
	p0 =	slt.u32 s3, $0x3F8;
	[tilespmem:s2+$0xC010] =	vst v5;
	v1 =	vadd.f32 v4, v1;
	v4 =	vld [tilespmem:s2+$0xC050]  }
0x482: {  	s5 =	sand.u32 $0x1C00, s0;
	s6 =	sshll.u32 s3, $0x1;
	s4 =	sand.u32 $0x2000, s4;
	v5 =	vld [tilespmem:s2+$0x4050]  }
0x483: {  	s4 =	sor.u32 s5, s4;
	s5 =	sand.u32 $0x380, s6;
	[tilespmem:s2+$0xC020] =	vst v1;
	v0 =	vadd.f32 v3, v0;
	v1 =	vld [tilespmem:s2+$0xC060]  }
0x484: {  	s4 =	sor.u32 s5, s4;
	v3 =	vld [tilespmem:s2+$0x4060]  }
0x485: {  	v7 =	vld [tilespmem:s4+$0xC070];
	[tilespmem:s2+$0xC030] =	vst v0;
	v0 =	vadd.f32 v6, v2  }
0x486: {  	v2 =	vld [tilespmem:s4+$0x4070]  }
0x487: {  	v6 =	vld [tilespmem:s4+$0xC000];
	[tilespmem:s2+$0xC040] =	vst v0;
	v0 =	vadd.f32 v5, v4  }
0x488: {  	v5 =	vld [tilespmem:s4+$0x4000]  }
0x489: {  	v8 =	vld [tilespmem:s4+$0xC010];
	[tilespmem:s2+$0xC050] =	vst v0;
	v0 =	vadd.f32 v3, v1  }
0x48a: {  	v9 =	vld [tilespmem:s4+$0x4010]  }
.Ltmp21:
0x48b: {  	v1 =	vld [tilespmem:s4+$0xC020];
	v2 =	vadd.f32 v2, v7;
	[tilespmem:s2+$0xC060] =	vst v0;
	s2 =	smov.u32 s4;
	(pc) =	sbr.rel @p0 .LBB2_44-.Ltmp21, $4  }
0x48c: {  	v4 =	vld [tilespmem:s2+$0x4020]  }
0x48d: {  	v5 =	vadd.f32 v5, v6;
	v0 =	vld [tilespmem:s2+$0xC030];
	[tilespmem:s2+$0xC070] =	vst v2  }
0x48e: {  	v3 =	vld [tilespmem:s2+$0x4030]  }
0x48f: {  	[tilespmem:s2+$0xC000] =	vst v5;
	v5 =	vadd.f32 v9, v8;
	v2 =	vld [tilespmem:s2+$0xC040]  }
0x490: {  	v6 =	vld [tilespmem:s2+$0x4040]  }
0x491: {  	v7 =	vld [tilespmem:s2+$0xC050]  }
0x492: {  	v8 =	vld [tilespmem:s2+$0x4050]  }
0x493: {  	v9 =	vld [tilespmem:s2+$0xC060]  }
0x494: {  	v10 =	vld [tilespmem:s2+$0x4060]  }
0x495: {  	v1 =	vadd.f32 v4, v1  }
0x496: {  	[tilespmem:s2+$0xC010] =	vst v5;
	v0 =	vadd.f32 v3, v0  }
0x497: {  	[tilespmem:s2+$0xC020] =	vst v1;
	v1 =	vadd.f32 v6, v2  }
0x498: {  	[tilespmem:s2+$0xC030] =	vst v0;
	v0 =	vadd.f32 v8, v7  }
0x499: {  	[tilespmem:s2+$0xC040] =	vst v1;
	v1 =	vadd.f32 v10, v9  }
0x49a: {  	[tilespmem:s2+$0xC050] =	vst v0  }
0x49b: {  	[tilespmem:s2+$0xC060] =	vst v1  }
0x49c: {  	s0 =	sld [smem:$0x7EB];
	_ =	sdelay $0x1  }
0x49d: {  	s2 =	simm.s32 $0x0  }
0x49e: {  	[hbm4b:s0+s2] =	stream.linear.scatter [tilespmem:s16], [sflag:$0x8], $0x4000, $0x38;
	[tilespmem:$0x18000] =	vst v63  }
0x49f: {  	_ =	swait.ge [sflag:s23], $0x4000  }
0x4a0: {  	s4 =	sld [smem:$0x7F1]  }
0x4a1: {  	[sflag:s23] =	ssyncset.done $0x0  }
0x4a2: {  	s5 =	simm.s32 $0x0;
	s3 =	sand.u32 $0x1C00, s2;
	[sflag:s23] =	ssyncadd.s32 $0xFFFFC000  }
0x4a3: {  	[tilespmem:s15], [sflag:$0x3] =	stream.linear.gather [hbm4b:s4+s2], $0x4000, $0x38;
	[tilespmem:$0x18000] =	vst v63  }
0x4a4: {  	s0 =	sand.u32 $0x2000, s5;
	s4 =	simm.s32 $0x0;
	_ =	swait.ge [sflag:s24], $0x4000  }
0x4a5: {  	s0 =	sor.u32 s3, s0;
	s6 =	sand.u32 $0x380, s4;
	[sflag:s24] =	ssyncset.done $0x0  }
0x4a6: {  	s0 =	sor.u32 s6, s0;
	[sflag:s24] =	ssyncadd.s32 $0xFFFFC000  }
0x4a7: {  	v0 =	vld [tilespmem:s0+$0x10070]  }
0x4a8: {  	v2 =	vld [tilespmem:s0+$0x4070]  }
0x4a9: {  	v3 =	vld [tilespmem:s0+$0x10000]  }
0x4aa: {  	v5 =	vld [tilespmem:s0+$0x4000]  }
0x4ab: {  	v6 =	vld [tilespmem:s0+$0x10010]  }
0x4ac: {  	v7 =	vld [tilespmem:s0+$0x4010]  }
0x4ad: {  	v1 =	vld [tilespmem:s0+$0x10020]  }
0x4ae: {  	v4 =	vld [tilespmem:s0+$0x4020];
	v2 =	vadd.f32 v2, v0  }
0x4af: {  	v5 =	vadd.f32 v5, v3;
	v0 =	vld [tilespmem:s0+$0x10030]  }
0x4b0: {  	v3 =	vld [tilespmem:s0+$0x4030];
	[tilespmem:s0+$0x10070] =	vst v2  }
0x4b1: {  	s3 =	simm.s32 $0x0;
	[tilespmem:s0+$0x10000] =	vst v5;
	v5 =	vadd.f32 v7, v6;
	v2 =	vld [tilespmem:s0+$0x10040]  }
.LBB2_46:
0x4b2: {  	s3 =	sadd.s32 $0x8, s3;
	v6 =	vld [tilespmem:s0+$0x4040]  }
0x4b3: {  	s2 =	sadd.s32 $0x400, s2;
	s4 =	sshll.u32 s3, $0x4;
	p0 =	slt.u32 s3, $0x3F8;
	[tilespmem:s0+$0x10010] =	vst v5;
	v1 =	vadd.f32 v4, v1;
	v4 =	vld [tilespmem:s0+$0x10050]  }
0x4b4: {  	s5 =	sand.u32 $0x1C00, s2;
	s6 =	sshll.u32 s3, $0x1;
	s4 =	sand.u32 $0x2000, s4;
	v5 =	vld [tilespmem:s0+$0x4050]  }
0x4b5: {  	s4 =	sor.u32 s5, s4;
	s5 =	sand.u32 $0x380, s6;
	[tilespmem:s0+$0x10020] =	vst v1;
	v0 =	vadd.f32 v3, v0;
	v1 =	vld [tilespmem:s0+$0x10060]  }
0x4b6: {  	s4 =	sor.u32 s5, s4;
	v3 =	vld [tilespmem:s0+$0x4060]  }
0x4b7: {  	v7 =	vld [tilespmem:s4+$0x10070];
	[tilespmem:s0+$0x10030] =	vst v0;
	v0 =	vadd.f32 v6, v2  }
0x4b8: {  	v2 =	vld [tilespmem:s4+$0x4070]  }
0x4b9: {  	v6 =	vld [tilespmem:s4+$0x10000];
	[tilespmem:s0+$0x10040] =	vst v0;
	v0 =	vadd.f32 v5, v4  }
0x4ba: {  	v5 =	vld [tilespmem:s4+$0x4000]  }
0x4bb: {  	v8 =	vld [tilespmem:s4+$0x10010];
	[tilespmem:s0+$0x10050] =	vst v0;
	v0 =	vadd.f32 v3, v1  }
0x4bc: {  	v9 =	vld [tilespmem:s4+$0x4010]  }
.Ltmp22:
0x4bd: {  	v1 =	vld [tilespmem:s4+$0x10020];
	v2 =	vadd.f32 v2, v7;
	[tilespmem:s0+$0x10060] =	vst v0;
	s0 =	smov.u32 s4;
	(pc) =	sbr.rel @p0 .LBB2_46-.Ltmp22, $4  }
0x4be: {  	v4 =	vld [tilespmem:s0+$0x4020]  }
0x4bf: {  	v5 =	vadd.f32 v5, v6;
	v0 =	vld [tilespmem:s0+$0x10030];
	[tilespmem:s0+$0x10070] =	vst v2  }
0x4c0: {  	v3 =	vld [tilespmem:s0+$0x4030]  }
0x4c1: {  	[tilespmem:s0+$0x10000] =	vst v5;
	v5 =	vadd.f32 v9, v8;
	v2 =	vld [tilespmem:s0+$0x10040]  }
0x4c2: {  	v6 =	vld [tilespmem:s0+$0x4040]  }
0x4c3: {  	v7 =	vld [tilespmem:s0+$0x10050]  }
0x4c4: {  	v8 =	vld [tilespmem:s0+$0x4050]  }
0x4c5: {  	v9 =	vld [tilespmem:s0+$0x10060]  }
0x4c6: {  	v10 =	vld [tilespmem:s0+$0x4060]  }
0x4c7: {  	v1 =	vadd.f32 v4, v1  }
0x4c8: {  	[tilespmem:s0+$0x10010] =	vst v5;
	v0 =	vadd.f32 v3, v0  }
0x4c9: {  	[tilespmem:s0+$0x10020] =	vst v1;
	v1 =	vadd.f32 v6, v2  }
0x4ca: {  	[tilespmem:s0+$0x10030] =	vst v0;
	v0 =	vadd.f32 v8, v7  }
0x4cb: {  	[tilespmem:s0+$0x10040] =	vst v1;
	v1 =	vadd.f32 v10, v9  }
0x4cc: {  	[tilespmem:s0+$0x10050] =	vst v0  }
0x4cd: {  	[tilespmem:s0+$0x10060] =	vst v1  }
0x4ce: {  	s0 =	sld [smem:$0x7ED];
	_ =	sdelay $0x1  }
0x4cf: {  	s2 =	simm.s32 $0x0  }
0x4d0: {  	[hbm4b:s0+s2] =	stream.linear.scatter [tilespmem:s17], [sflag:$0x9], $0x4000, $0x38;
	[tilespmem:$0x18000] =	vst v63  }
0x4d1: {  	_ =	swait.ge [sflag:s25], $0x4000  }
0x4d2: {  	s4 =	sld [smem:$0x7F5]  }
0x4d3: {  	[sflag:s25] =	ssyncset.done $0x0  }
0x4d4: {  	s5 =	simm.s32 $0x0;
	s3 =	sand.u32 $0x1C00, s2;
	[sflag:s25] =	ssyncadd.s32 $0xFFFFC000  }
0x4d5: {  	[tilespmem:s16], [sflag:$0x4] =	stream.linear.gather [hbm4b:s4+s2], $0x4000, $0x38;
	[tilespmem:$0x18000] =	vst v63  }
0x4d6: {  	s0 =	sand.u32 $0x2000, s5;
	s4 =	simm.s32 $0x0;
	_ =	swait.ge [sflag:s26], $0x4000  }
0x4d7: {  	s0 =	sor.u32 s3, s0;
	s6 =	sand.u32 $0x380, s4;
	[sflag:s26] =	ssyncset.done $0x0  }
0x4d8: {  	s0 =	sor.u32 s6, s0;
	[sflag:s26] =	ssyncadd.s32 $0xFFFFC000  }
0x4d9: {  	v0 =	vld [tilespmem:s0+$0x14070]  }
0x4da: {  	v2 =	vld [tilespmem:s0+$0x4070]  }
0x4db: {  	v3 =	vld [tilespmem:s0+$0x14000]  }
0x4dc: {  	v5 =	vld [tilespmem:s0+$0x4000]  }
0x4dd: {  	v6 =	vld [tilespmem:s0+$0x14010]  }
0x4de: {  	v7 =	vld [tilespmem:s0+$0x4010]  }
0x4df: {  	v1 =	vld [tilespmem:s0+$0x14020]  }
0x4e0: {  	v4 =	vld [tilespmem:s0+$0x4020];
	v2 =	vadd.f32 v2, v0  }
0x4e1: {  	v5 =	vadd.f32 v5, v3;
	v0 =	vld [tilespmem:s0+$0x14030]  }
0x4e2: {  	v3 =	vld [tilespmem:s0+$0x4030];
	[tilespmem:s0+$0x14070] =	vst v2  }
0x4e3: {  	s3 =	simm.s32 $0x0;
	[tilespmem:s0+$0x14000] =	vst v5;
	v5 =	vadd.f32 v7, v6;
	v2 =	vld [tilespmem:s0+$0x14040]  }
.LBB2_48:
0x4e4: {  	s3 =	sadd.s32 $0x8, s3;
	v6 =	vld [tilespmem:s0+$0x4040]  }
0x4e5: {  	s2 =	sadd.s32 $0x400, s2;
	s4 =	sshll.u32 s3, $0x4;
	p0 =	slt.u32 s3, $0x3F8;
	[tilespmem:s0+$0x14010] =	vst v5;
	v1 =	vadd.f32 v4, v1;
	v4 =	vld [tilespmem:s0+$0x14050]  }
0x4e6: {  	s5 =	sand.u32 $0x1C00, s2;
	s6 =	sshll.u32 s3, $0x1;
	s4 =	sand.u32 $0x2000, s4;
	v5 =	vld [tilespmem:s0+$0x4050]  }
0x4e7: {  	s4 =	sor.u32 s5, s4;
	s5 =	sand.u32 $0x380, s6;
	[tilespmem:s0+$0x14020] =	vst v1;
	v0 =	vadd.f32 v3, v0;
	v1 =	vld [tilespmem:s0+$0x14060]  }
0x4e8: {  	s4 =	sor.u32 s5, s4;
	v3 =	vld [tilespmem:s0+$0x4060]  }
0x4e9: {  	v7 =	vld [tilespmem:s4+$0x14070];
	[tilespmem:s0+$0x14030] =	vst v0;
	v0 =	vadd.f32 v6, v2  }
0x4ea: {  	v2 =	vld [tilespmem:s4+$0x4070]  }
0x4eb: {  	v6 =	vld [tilespmem:s4+$0x14000];
	[tilespmem:s0+$0x14040] =	vst v0;
	v0 =	vadd.f32 v5, v4  }
0x4ec: {  	v5 =	vld [tilespmem:s4+$0x4000]  }
0x4ed: {  	v8 =	vld [tilespmem:s4+$0x14010];
	[tilespmem:s0+$0x14050] =	vst v0;
	v0 =	vadd.f32 v3, v1  }
0x4ee: {  	v9 =	vld [tilespmem:s4+$0x4010]  }
.Ltmp23:
0x4ef: {  	v1 =	vld [tilespmem:s4+$0x14020];
	v2 =	vadd.f32 v2, v7;
	[tilespmem:s0+$0x14060] =	vst v0;
	s0 =	smov.u32 s4;
	(pc) =	sbr.rel @p0 .LBB2_48-.Ltmp23, $4  }
0x4f0: {  	v4 =	vld [tilespmem:s0+$0x4020]  }
0x4f1: {  	v5 =	vadd.f32 v5, v6;
	v0 =	vld [tilespmem:s0+$0x14030];
	[tilespmem:s0+$0x14070] =	vst v2  }
0x4f2: {  	v3 =	vld [tilespmem:s0+$0x4030]  }
0x4f3: {  	[tilespmem:s0+$0x14000] =	vst v5;
	v5 =	vadd.f32 v9, v8;
	v2 =	vld [tilespmem:s0+$0x14040]  }
0x4f4: {  	v6 =	vld [tilespmem:s0+$0x4040]  }
0x4f5: {  	v7 =	vld [tilespmem:s0+$0x14050]  }
0x4f6: {  	v8 =	vld [tilespmem:s0+$0x4050]  }
0x4f7: {  	v9 =	vld [tilespmem:s0+$0x14060]  }
0x4f8: {  	v10 =	vld [tilespmem:s0+$0x4060]  }
0x4f9: {  	v1 =	vadd.f32 v4, v1  }
0x4fa: {  	[tilespmem:s0+$0x14010] =	vst v5;
	v0 =	vadd.f32 v3, v0  }
0x4fb: {  	[tilespmem:s0+$0x14020] =	vst v1;
	v1 =	vadd.f32 v6, v2  }
0x4fc: {  	[tilespmem:s0+$0x14030] =	vst v0;
	v0 =	vadd.f32 v8, v7  }
0x4fd: {  	[tilespmem:s0+$0x14040] =	vst v1;
	v1 =	vadd.f32 v10, v9  }
0x4fe: {  	[tilespmem:s0+$0x14050] =	vst v0  }
0x4ff: {  	[tilespmem:s0+$0x14060] =	vst v1  }
0x500: {  	s2 =	sld [smem:$0x7EF];
	_ =	sdelay $0x1  }
0x501: {  	s0 =	simm.s32 $0x0  }
0x502: {  	[hbm4b:s2+s0] =	stream.linear.scatter [tilespmem:s21], [sflag:$0xA], $0x4000, $0x38;
	[tilespmem:$0x18000] =	vst v63  }
0x503: {  	_ =	swait.ge [sflag:s28], $0x4000  }
0x504: {  	s4 =	sld [smem:$0x7F7]  }
0x505: {  	[sflag:s28] =	ssyncset.done $0x0  }
0x506: {  	[sflag:s28] =	ssyncadd.s32 $0xFFFFC000  }
0x507: {  	[tilespmem:s17], [sflag:$0x5] =	stream.linear.gather [hbm4b:s4+s0], $0x4000, $0x38;
	[tilespmem:$0x18000] =	vst v63  }
0x508: {  	_ =	swait.ge [sflag:s18], $0x4000  }
0x509: {  	[sflag:s18] =	ssyncset.done $0x0  }
0x50a: {  	s5 =	simm.s32 $0x0;
	s3 =	sand.u32 $0x1C00, s0;
	[sflag:s18] =	ssyncadd.s32 $0xFFFFC000  }
0x50b: {  	s2 =	sand.u32 $0x2000, s5;
	s4 =	simm.s32 $0x0;
	_ =	swait.ge [sflag:s19], $0x4000  }
0x50c: {  	s2 =	sor.u32 s3, s2;
	s6 =	sand.u32 $0x380, s4;
	[sflag:s19] =	ssyncset.done $0x0  }
0x50d: {  	s2 =	sor.u32 s6, s2;
	[sflag:s19] =	ssyncadd.s32 $0xFFFFC000  }
0x50e: {  	v0 =	vld [tilespmem:s2+$0x8070]  }
0x50f: {  	v2 =	vld [tilespmem:s2+$0x70]  }
0x510: {  	v3 =	vld [tilespmem:s2+$0x8000]  }
0x511: {  	v5 =	vld [tilespmem:s2+$0x0]  }
0x512: {  	v6 =	vld [tilespmem:s2+$0x8010]  }
0x513: {  	v7 =	vld [tilespmem:s2+$0x10]  }
0x514: {  	v1 =	vld [tilespmem:s2+$0x8020]  }
0x515: {  	v4 =	vld [tilespmem:s2+$0x20];
	v2 =	vadd.f32 v2, v0  }
0x516: {  	v5 =	vadd.f32 v5, v3;
	v0 =	vld [tilespmem:s2+$0x8030]  }
0x517: {  	v3 =	vld [tilespmem:s2+$0x30];
	[tilespmem:s2+$0x8070] =	vst v2  }
0x518: {  	s3 =	simm.s32 $0x0;
	[tilespmem:s2+$0x8000] =	vst v5;
	v5 =	vadd.f32 v7, v6;
	v2 =	vld [tilespmem:s2+$0x8040]  }
.LBB2_50:
0x519: {  	s3 =	sadd.s32 $0x8, s3;
	v6 =	vld [tilespmem:s2+$0x40]  }
0x51a: {  	s0 =	sadd.s32 $0x400, s0;
	s4 =	sshll.u32 s3, $0x4;
	p0 =	slt.u32 s3, $0x3F8;
	[tilespmem:s2+$0x8010] =	vst v5;
	v1 =	vadd.f32 v4, v1;
	v4 =	vld [tilespmem:s2+$0x8050]  }
0x51b: {  	s5 =	sand.u32 $0x1C00, s0;
	s6 =	sshll.u32 s3, $0x1;
	s4 =	sand.u32 $0x2000, s4;
	v5 =	vld [tilespmem:s2+$0x50]  }
0x51c: {  	s4 =	sor.u32 s5, s4;
	s5 =	sand.u32 $0x380, s6;
	[tilespmem:s2+$0x8020] =	vst v1;
	v0 =	vadd.f32 v3, v0;
	v1 =	vld [tilespmem:s2+$0x8060]  }
0x51d: {  	s4 =	sor.u32 s5, s4;
	v3 =	vld [tilespmem:s2+$0x60]  }
0x51e: {  	v7 =	vld [tilespmem:s4+$0x8070];
	[tilespmem:s2+$0x8030] =	vst v0;
	v0 =	vadd.f32 v6, v2  }
0x51f: {  	v2 =	vld [tilespmem:s4+$0x70]  }
0x520: {  	v6 =	vld [tilespmem:s4+$0x8000];
	[tilespmem:s2+$0x8040] =	vst v0;
	v0 =	vadd.f32 v5, v4  }
0x521: {  	v5 =	vld [tilespmem:s4+$0x0]  }
0x522: {  	v8 =	vld [tilespmem:s4+$0x8010];
	[tilespmem:s2+$0x8050] =	vst v0;
	v0 =	vadd.f32 v3, v1  }
0x523: {  	v9 =	vld [tilespmem:s4+$0x10]  }
.Ltmp24:
0x524: {  	v1 =	vld [tilespmem:s4+$0x8020];
	v2 =	vadd.f32 v2, v7;
	[tilespmem:s2+$0x8060] =	vst v0;
	s2 =	smov.u32 s4;
	(pc) =	sbr.rel @p0 .LBB2_50-.Ltmp24, $4  }
0x525: {  	v4 =	vld [tilespmem:s2+$0x20]  }
0x526: {  	v5 =	vadd.f32 v5, v6;
	v0 =	vld [tilespmem:s2+$0x8030];
	[tilespmem:s2+$0x8070] =	vst v2  }
0x527: {  	v3 =	vld [tilespmem:s2+$0x30]  }
0x528: {  	[tilespmem:s2+$0x8000] =	vst v5;
	v5 =	vadd.f32 v9, v8;
	v2 =	vld [tilespmem:s2+$0x8040]  }
0x529: {  	v6 =	vld [tilespmem:s2+$0x40]  }
0x52a: {  	v7 =	vld [tilespmem:s2+$0x8050]  }
0x52b: {  	v8 =	vld [tilespmem:s2+$0x50]  }
0x52c: {  	v9 =	vld [tilespmem:s2+$0x8060]  }
0x52d: {  	v10 =	vld [tilespmem:s2+$0x60]  }
0x52e: {  	v1 =	vadd.f32 v4, v1  }
0x52f: {  	[tilespmem:s2+$0x8010] =	vst v5;
	v0 =	vadd.f32 v3, v0  }
0x530: {  	[tilespmem:s2+$0x8020] =	vst v1;
	v1 =	vadd.f32 v6, v2  }
0x531: {  	[tilespmem:s2+$0x8030] =	vst v0;
	v0 =	vadd.f32 v8, v7  }
0x532: {  	[tilespmem:s2+$0x8040] =	vst v1;
	v1 =	vadd.f32 v10, v9  }
0x533: {  	[tilespmem:s2+$0x8050] =	vst v0  }
0x534: {  	[tilespmem:s2+$0x8060] =	vst v1  }
0x535: {  	s2 =	sld [smem:$0x7F2];
	_ =	sdelay $0x1  }
0x536: {  	s0 =	simm.s32 $0x0;
	s3 =	sld [smem:$0x7F4]  }
0x537: {  	[hbm4b:s2+s0] =	stream.linear.scatter [tilespmem:s15], [sflag:$0x7], $0x4000, $0x38;
	[tilespmem:$0x18000] =	vst v63  }
0x538: {  	_ = 	snop  }
0x539: {  	[tilespmem:s20], [sflag:$0x2] =	stream.linear.gather [hbm4b:s3+s0], $0x4000, $0x38;
	[tilespmem:$0x18000] =	vst v63  }
0x53a: {  	_ =	swait.ge [sflag:s30], $0x4000  }
0x53b: {  	s4 =	sld [smem:$0x7F9]  }
0x53c: {  	s5 =	simm.s32 $0x0;
	[sflag:s30] =	ssyncset.done $0x0  }
0x53d: {  	s2 =	sand.u32 $0x2000, s5;
	[sflag:s30] =	ssyncadd.s32 $0xFFFFC000  }
0x53e: {  	[tilespmem:s21], [sflag:$0x6] =	stream.linear.gather [hbm4b:s4+s0], $0x4000, $0x38;
	[tilespmem:$0x18000] =	vst v63  }
0x53f: {  	s3 =	sand.u32 $0x1C00, s0;
	s4 =	simm.s32 $0x0;
	_ =	swait.ge [sflag:s22], $0x4000  }
0x540: {  	s2 =	sor.u32 s3, s2;
	s6 =	sand.u32 $0x380, s4;
	[sflag:s22] =	ssyncset.done $0x0  }
0x541: {  	s2 =	sor.u32 s6, s2;
	[sflag:s22] =	ssyncadd.s32 $0xFFFFC000  }
0x542: {  	v0 =	vld [tilespmem:s2+$0xC070]  }
0x543: {  	v2 =	vld [tilespmem:s2+$0x70]  }
0x544: {  	v3 =	vld [tilespmem:s2+$0xC000]  }
0x545: {  	v5 =	vld [tilespmem:s2+$0x0]  }
0x546: {  	v6 =	vld [tilespmem:s2+$0xC010]  }
0x547: {  	v7 =	vld [tilespmem:s2+$0x10]  }
0x548: {  	v1 =	vld [tilespmem:s2+$0xC020]  }
0x549: {  	v4 =	vld [tilespmem:s2+$0x20];
	v2 =	vadd.f32 v2, v0  }
0x54a: {  	v5 =	vadd.f32 v5, v3;
	v0 =	vld [tilespmem:s2+$0xC030]  }
0x54b: {  	v3 =	vld [tilespmem:s2+$0x30];
	[tilespmem:s2+$0xC070] =	vst v2  }
0x54c: {  	s3 =	simm.s32 $0x0;
	[tilespmem:s2+$0xC000] =	vst v5;
	v5 =	vadd.f32 v7, v6;
	v2 =	vld [tilespmem:s2+$0xC040]  }
.LBB2_52:
0x54d: {  	s3 =	sadd.s32 $0x8, s3;
	v6 =	vld [tilespmem:s2+$0x40]  }
0x54e: {  	s0 =	sadd.s32 $0x400, s0;
	s4 =	sshll.u32 s3, $0x4;
	p0 =	slt.u32 s3, $0x3F8;
	[tilespmem:s2+$0xC010] =	vst v5;
	v1 =	vadd.f32 v4, v1;
	v4 =	vld [tilespmem:s2+$0xC050]  }
0x54f: {  	s5 =	sand.u32 $0x1C00, s0;
	s6 =	sshll.u32 s3, $0x1;
	s4 =	sand.u32 $0x2000, s4;
	v5 =	vld [tilespmem:s2+$0x50]  }
0x550: {  	s4 =	sor.u32 s5, s4;
	s5 =	sand.u32 $0x380, s6;
	[tilespmem:s2+$0xC020] =	vst v1;
	v0 =	vadd.f32 v3, v0;
	v1 =	vld [tilespmem:s2+$0xC060]  }
0x551: {  	s4 =	sor.u32 s5, s4;
	v3 =	vld [tilespmem:s2+$0x60]  }
0x552: {  	v7 =	vld [tilespmem:s4+$0xC070];
	[tilespmem:s2+$0xC030] =	vst v0;
	v0 =	vadd.f32 v6, v2  }
0x553: {  	v2 =	vld [tilespmem:s4+$0x70]  }
0x554: {  	v6 =	vld [tilespmem:s4+$0xC000];
	[tilespmem:s2+$0xC040] =	vst v0;
	v0 =	vadd.f32 v5, v4  }
0x555: {  	v5 =	vld [tilespmem:s4+$0x0]  }
0x556: {  	v8 =	vld [tilespmem:s4+$0xC010];
	[tilespmem:s2+$0xC050] =	vst v0;
	v0 =	vadd.f32 v3, v1  }
0x557: {  	v9 =	vld [tilespmem:s4+$0x10]  }
.Ltmp25:
0x558: {  	v1 =	vld [tilespmem:s4+$0xC020];
	v2 =	vadd.f32 v2, v7;
	[tilespmem:s2+$0xC060] =	vst v0;
	s2 =	smov.u32 s4;
	(pc) =	sbr.rel @p0 .LBB2_52-.Ltmp25, $4  }
0x559: {  	v4 =	vld [tilespmem:s2+$0x20]  }
0x55a: {  	v5 =	vadd.f32 v5, v6;
	v0 =	vld [tilespmem:s2+$0xC030];
	[tilespmem:s2+$0xC070] =	vst v2  }
0x55b: {  	v3 =	vld [tilespmem:s2+$0x30]  }
0x55c: {  	[tilespmem:s2+$0xC000] =	vst v5;
	v5 =	vadd.f32 v9, v8;
	v2 =	vld [tilespmem:s2+$0xC040]  }
0x55d: {  	v6 =	vld [tilespmem:s2+$0x40]  }
0x55e: {  	v7 =	vld [tilespmem:s2+$0xC050]  }
0x55f: {  	v8 =	vld [tilespmem:s2+$0x50]  }
0x560: {  	v9 =	vld [tilespmem:s2+$0xC060]  }
0x561: {  	v10 =	vld [tilespmem:s2+$0x60]  }
0x562: {  	v1 =	vadd.f32 v4, v1  }
0x563: {  	[tilespmem:s2+$0xC010] =	vst v5;
	v0 =	vadd.f32 v3, v0  }
0x564: {  	[tilespmem:s2+$0xC020] =	vst v1;
	v1 =	vadd.f32 v6, v2  }
0x565: {  	[tilespmem:s2+$0xC030] =	vst v0;
	v0 =	vadd.f32 v8, v7  }
0x566: {  	[tilespmem:s2+$0xC040] =	vst v1;
	v1 =	vadd.f32 v10, v9  }
0x567: {  	[tilespmem:s2+$0xC050] =	vst v0  }
0x568: {  	[tilespmem:s2+$0xC060] =	vst v1  }
0x569: {  	s0 =	sld [smem:$0x7F6];
	_ =	sdelay $0x1  }
0x56a: {  	s2 =	simm.s32 $0x0  }
0x56b: {  	[hbm4b:s0+s2] =	stream.linear.scatter [tilespmem:s16], [sflag:$0x8], $0x4000, $0x38;
	[tilespmem:$0x18000] =	vst v63  }
0x56c: {  	_ =	swait.ge [sflag:s23], $0x4000  }
0x56d: {  	s4 =	sld [smem:$0x7FB]  }
0x56e: {  	[sflag:s23] =	ssyncset.done $0x0  }
0x56f: {  	s5 =	simm.s32 $0x0;
	s3 =	sand.u32 $0x1C00, s2;
	[sflag:s23] =	ssyncadd.s32 $0xFFFFC000  }
0x570: {  	[tilespmem:s15], [sflag:$0x3] =	stream.linear.gather [hbm4b:s4+s2], $0x4000, $0x38;
	[tilespmem:$0x18000] =	vst v63  }
0x571: {  	s0 =	sand.u32 $0x2000, s5;
	s4 =	simm.s32 $0x0;
	_ =	swait.ge [sflag:s24], $0x4000  }
0x572: {  	s0 =	sor.u32 s3, s0;
	s6 =	sand.u32 $0x380, s4;
	[sflag:s24] =	ssyncset.done $0x0  }
0x573: {  	s0 =	sor.u32 s6, s0;
	[sflag:s24] =	ssyncadd.s32 $0xFFFFC000  }
0x574: {  	v0 =	vld [tilespmem:s0+$0x10070]  }
0x575: {  	v2 =	vld [tilespmem:s0+$0x70]  }
0x576: {  	v3 =	vld [tilespmem:s0+$0x10000]  }
0x577: {  	v5 =	vld [tilespmem:s0+$0x0]  }
0x578: {  	v6 =	vld [tilespmem:s0+$0x10010]  }
0x579: {  	v7 =	vld [tilespmem:s0+$0x10]  }
0x57a: {  	v1 =	vld [tilespmem:s0+$0x10020]  }
0x57b: {  	v4 =	vld [tilespmem:s0+$0x20];
	v2 =	vadd.f32 v2, v0  }
0x57c: {  	v5 =	vadd.f32 v5, v3;
	v0 =	vld [tilespmem:s0+$0x10030]  }
0x57d: {  	v3 =	vld [tilespmem:s0+$0x30];
	[tilespmem:s0+$0x10070] =	vst v2  }
0x57e: {  	s3 =	simm.s32 $0x0;
	[tilespmem:s0+$0x10000] =	vst v5;
	v5 =	vadd.f32 v7, v6;
	v2 =	vld [tilespmem:s0+$0x10040]  }
.LBB2_54:
0x57f: {  	s3 =	sadd.s32 $0x8, s3;
	v6 =	vld [tilespmem:s0+$0x40]  }
0x580: {  	s2 =	sadd.s32 $0x400, s2;
	s4 =	sshll.u32 s3, $0x4;
	p0 =	slt.u32 s3, $0x3F8;
	[tilespmem:s0+$0x10010] =	vst v5;
	v1 =	vadd.f32 v4, v1;
	v4 =	vld [tilespmem:s0+$0x10050]  }
0x581: {  	s5 =	sand.u32 $0x1C00, s2;
	s6 =	sshll.u32 s3, $0x1;
	s4 =	sand.u32 $0x2000, s4;
	v5 =	vld [tilespmem:s0+$0x50]  }
0x582: {  	s4 =	sor.u32 s5, s4;
	s5 =	sand.u32 $0x380, s6;
	[tilespmem:s0+$0x10020] =	vst v1;
	v0 =	vadd.f32 v3, v0;
	v1 =	vld [tilespmem:s0+$0x10060]  }
0x583: {  	s4 =	sor.u32 s5, s4;
	v3 =	vld [tilespmem:s0+$0x60]  }
0x584: {  	v7 =	vld [tilespmem:s4+$0x10070];
	[tilespmem:s0+$0x10030] =	vst v0;
	v0 =	vadd.f32 v6, v2  }
0x585: {  	v2 =	vld [tilespmem:s4+$0x70]  }
0x586: {  	v6 =	vld [tilespmem:s4+$0x10000];
	[tilespmem:s0+$0x10040] =	vst v0;
	v0 =	vadd.f32 v5, v4  }
0x587: {  	v5 =	vld [tilespmem:s4+$0x0]  }
0x588: {  	v8 =	vld [tilespmem:s4+$0x10010];
	[tilespmem:s0+$0x10050] =	vst v0;
	v0 =	vadd.f32 v3, v1  }
0x589: {  	v9 =	vld [tilespmem:s4+$0x10]  }
.Ltmp26:
0x58a: {  	v1 =	vld [tilespmem:s4+$0x10020];
	v2 =	vadd.f32 v2, v7;
	[tilespmem:s0+$0x10060] =	vst v0;
	s0 =	smov.u32 s4;
	(pc) =	sbr.rel @p0 .LBB2_54-.Ltmp26, $4  }
0x58b: {  	v4 =	vld [tilespmem:s0+$0x20]  }
0x58c: {  	v5 =	vadd.f32 v5, v6;
	v0 =	vld [tilespmem:s0+$0x10030];
	[tilespmem:s0+$0x10070] =	vst v2  }
0x58d: {  	v3 =	vld [tilespmem:s0+$0x30]  }
0x58e: {  	[tilespmem:s0+$0x10000] =	vst v5;
	v5 =	vadd.f32 v9, v8;
	v2 =	vld [tilespmem:s0+$0x10040]  }
0x58f: {  	v6 =	vld [tilespmem:s0+$0x40]  }
0x590: {  	v7 =	vld [tilespmem:s0+$0x10050]  }
0x591: {  	v8 =	vld [tilespmem:s0+$0x50]  }
0x592: {  	v9 =	vld [tilespmem:s0+$0x10060]  }
0x593: {  	v10 =	vld [tilespmem:s0+$0x60]  }
0x594: {  	v1 =	vadd.f32 v4, v1  }
0x595: {  	[tilespmem:s0+$0x10010] =	vst v5;
	v0 =	vadd.f32 v3, v0  }
0x596: {  	[tilespmem:s0+$0x10020] =	vst v1;
	v1 =	vadd.f32 v6, v2  }
0x597: {  	[tilespmem:s0+$0x10030] =	vst v0;
	v0 =	vadd.f32 v8, v7  }
0x598: {  	[tilespmem:s0+$0x10040] =	vst v1;
	v1 =	vadd.f32 v10, v9  }
0x599: {  	[tilespmem:s0+$0x10050] =	vst v0  }
0x59a: {  	[tilespmem:s0+$0x10060] =	vst v1  }
0x59b: {  	s0 =	sld [smem:$0x7F8];
	_ =	sdelay $0x1  }
0x59c: {  	s2 =	simm.s32 $0x0  }
0x59d: {  	[hbm4b:s0+s2] =	stream.linear.scatter [tilespmem:s17], [sflag:$0x9], $0x4000, $0x38;
	[tilespmem:$0x18000] =	vst v63  }
0x59e: {  	_ =	swait.ge [sflag:s25], $0x4000  }
0x59f: {  	[sflag:s25] =	ssyncset.done $0x0  }
0x5a0: {  	s5 =	simm.s32 $0x0;
	s4 =	simm.s32 $0x0;
	[sflag:s25] =	ssyncadd.s32 $0xFFFFC000  }
0x5a1: {  	[tilespmem:s16], [sflag:$0x4] =	stream.linear.gather [hbm4b:s8+s2], $0x4000, $0x38;
	[tilespmem:$0x18000] =	vst v63  }
0x5a2: {  	s3 =	sand.u32 $0x1C00, s2;
	s0 =	sand.u32 $0x2000, s5;
	_ =	swait.ge [sflag:s26], $0x4000  }
0x5a3: {  	s6 =	sand.u32 $0x380, s4;
	s0 =	sor.u32 s3, s0;
	[sflag:s26] =	ssyncset.done $0x0  }
0x5a4: {  	s0 =	sor.u32 s6, s0;
	[sflag:s26] =	ssyncadd.s32 $0xFFFFC000  }
0x5a5: {  	v0 =	vld [tilespmem:s0+$0x14070]  }
0x5a6: {  	v2 =	vld [tilespmem:s0+$0x70]  }
0x5a7: {  	v3 =	vld [tilespmem:s0+$0x14000]  }
0x5a8: {  	v5 =	vld [tilespmem:s0+$0x0]  }
0x5a9: {  	v6 =	vld [tilespmem:s0+$0x14010]  }
0x5aa: {  	v7 =	vld [tilespmem:s0+$0x10]  }
0x5ab: {  	v1 =	vld [tilespmem:s0+$0x14020]  }
0x5ac: {  	v4 =	vld [tilespmem:s0+$0x20];
	v2 =	vadd.f32 v2, v0  }
0x5ad: {  	v5 =	vadd.f32 v5, v3;
	v0 =	vld [tilespmem:s0+$0x14030]  }
0x5ae: {  	v3 =	vld [tilespmem:s0+$0x30];
	[tilespmem:s0+$0x14070] =	vst v2  }
0x5af: {  	s3 =	simm.s32 $0x0;
	[tilespmem:s0+$0x14000] =	vst v5;
	v5 =	vadd.f32 v7, v6;
	v2 =	vld [tilespmem:s0+$0x14040]  }
.LBB2_56:
0x5b0: {  	s3 =	sadd.s32 $0x8, s3;
	v6 =	vld [tilespmem:s0+$0x40]  }
0x5b1: {  	s2 =	sadd.s32 $0x400, s2;
	s4 =	sshll.u32 s3, $0x4;
	p0 =	slt.u32 s3, $0x3F8;
	[tilespmem:s0+$0x14010] =	vst v5;
	v1 =	vadd.f32 v4, v1;
	v4 =	vld [tilespmem:s0+$0x14050]  }
0x5b2: {  	s5 =	sand.u32 $0x1C00, s2;
	s6 =	sshll.u32 s3, $0x1;
	s4 =	sand.u32 $0x2000, s4;
	v5 =	vld [tilespmem:s0+$0x50]  }
0x5b3: {  	s4 =	sor.u32 s5, s4;
	s5 =	sand.u32 $0x380, s6;
	[tilespmem:s0+$0x14020] =	vst v1;
	v0 =	vadd.f32 v3, v0;
	v1 =	vld [tilespmem:s0+$0x14060]  }
0x5b4: {  	s4 =	sor.u32 s5, s4;
	v3 =	vld [tilespmem:s0+$0x60]  }
0x5b5: {  	v7 =	vld [tilespmem:s4+$0x14070];
	[tilespmem:s0+$0x14030] =	vst v0;
	v0 =	vadd.f32 v6, v2  }
0x5b6: {  	v2 =	vld [tilespmem:s4+$0x70]  }
0x5b7: {  	v6 =	vld [tilespmem:s4+$0x14000];
	[tilespmem:s0+$0x14040] =	vst v0;
	v0 =	vadd.f32 v5, v4  }
0x5b8: {  	v5 =	vld [tilespmem:s4+$0x0]  }
0x5b9: {  	v8 =	vld [tilespmem:s4+$0x14010];
	[tilespmem:s0+$0x14050] =	vst v0;
	v0 =	vadd.f32 v3, v1  }
0x5ba: {  	v9 =	vld [tilespmem:s4+$0x10]  }
.Ltmp27:
0x5bb: {  	v1 =	vld [tilespmem:s4+$0x14020];
	v2 =	vadd.f32 v2, v7;
	[tilespmem:s0+$0x14060] =	vst v0;
	s0 =	smov.u32 s4;
	(pc) =	sbr.rel @p0 .LBB2_56-.Ltmp27, $4  }
0x5bc: {  	v4 =	vld [tilespmem:s0+$0x20]  }
0x5bd: {  	v5 =	vadd.f32 v5, v6;
	v0 =	vld [tilespmem:s0+$0x14030];
	[tilespmem:s0+$0x14070] =	vst v2  }
0x5be: {  	v3 =	vld [tilespmem:s0+$0x30]  }
0x5bf: {  	[tilespmem:s0+$0x14000] =	vst v5;
	v5 =	vadd.f32 v9, v8;
	v2 =	vld [tilespmem:s0+$0x14040]  }
0x5c0: {  	v6 =	vld [tilespmem:s0+$0x40]  }
0x5c1: {  	v7 =	vld [tilespmem:s0+$0x14050]  }
0x5c2: {  	v8 =	vld [tilespmem:s0+$0x50]  }
0x5c3: {  	v9 =	vld [tilespmem:s0+$0x14060]  }
0x5c4: {  	v10 =	vld [tilespmem:s0+$0x60]  }
0x5c5: {  	v1 =	vadd.f32 v4, v1  }
0x5c6: {  	[tilespmem:s0+$0x14010] =	vst v5;
	v0 =	vadd.f32 v3, v0  }
0x5c7: {  	[tilespmem:s0+$0x14020] =	vst v1;
	v1 =	vadd.f32 v6, v2  }
0x5c8: {  	[tilespmem:s0+$0x14030] =	vst v0;
	v0 =	vadd.f32 v8, v7  }
0x5c9: {  	[tilespmem:s0+$0x14040] =	vst v1;
	v1 =	vadd.f32 v10, v9  }
0x5ca: {  	[tilespmem:s0+$0x14050] =	vst v0  }
0x5cb: {  	[tilespmem:s0+$0x14060] =	vst v1  }
0x5cc: {  	s2 =	sld [smem:$0x7FA];
	_ =	sdelay $0x1  }
0x5cd: {  	s0 =	simm.s32 $0x0  }
0x5ce: {  	[hbm4b:s2+s0] =	stream.linear.scatter [tilespmem:s21], [sflag:$0xA], $0x4000, $0x38;
	[tilespmem:$0x18000] =	vst v63  }
0x5cf: {  	_ =	swait.ge [sflag:s28], $0x4000  }
0x5d0: {  	[sflag:s28] =	ssyncset.done $0x0  }
0x5d1: {  	[sflag:s28] =	ssyncadd.s32 $0xFFFFC000  }
0x5d2: {  	[tilespmem:s17], [sflag:$0x5] =	stream.linear.gather [hbm4b:s9+s0], $0x4000, $0x38;
	[tilespmem:$0x18000] =	vst v63  }
0x5d3: {  	_ =	swait.ge [sflag:s18], $0x4000  }
0x5d4: {  	[sflag:s18] =	ssyncset.done $0x0  }
0x5d5: {  	s5 =	simm.s32 $0x0;
	s4 =	simm.s32 $0x0;
	[sflag:s18] =	ssyncadd.s32 $0xFFFFC000  }
0x5d6: {  	s3 =	sand.u32 $0x1C00, s0;
	s2 =	sand.u32 $0x2000, s5;
	_ =	swait.ge [sflag:s29], $0x4000  }
0x5d7: {  	s6 =	sand.u32 $0x380, s4;
	s2 =	sor.u32 s3, s2;
	[sflag:s29] =	ssyncset.done $0x0  }
0x5d8: {  	s2 =	sor.u32 s6, s2;
	[sflag:s29] =	ssyncadd.s32 $0xFFFFC000  }
0x5d9: {  	v0 =	vld [tilespmem:s2+$0x8070]  }
0x5da: {  	v2 =	vld [tilespmem:s2+$0x4070]  }
0x5db: {  	v3 =	vld [tilespmem:s2+$0x8000]  }
0x5dc: {  	v5 =	vld [tilespmem:s2+$0x4000]  }
0x5dd: {  	v6 =	vld [tilespmem:s2+$0x8010]  }
0x5de: {  	v7 =	vld [tilespmem:s2+$0x4010]  }
0x5df: {  	v1 =	vld [tilespmem:s2+$0x8020]  }
0x5e0: {  	v4 =	vld [tilespmem:s2+$0x4020];
	v2 =	vadd.f32 v2, v0  }
0x5e1: {  	v5 =	vadd.f32 v5, v3;
	v0 =	vld [tilespmem:s2+$0x8030]  }
0x5e2: {  	v3 =	vld [tilespmem:s2+$0x4030];
	[tilespmem:s2+$0x8070] =	vst v2  }
0x5e3: {  	s3 =	simm.s32 $0x0;
	[tilespmem:s2+$0x8000] =	vst v5;
	v5 =	vadd.f32 v7, v6;
	v2 =	vld [tilespmem:s2+$0x8040]  }
.LBB2_58:
0x5e4: {  	s3 =	sadd.s32 $0x8, s3;
	v6 =	vld [tilespmem:s2+$0x4040]  }
0x5e5: {  	s0 =	sadd.s32 $0x400, s0;
	s4 =	sshll.u32 s3, $0x4;
	p0 =	slt.u32 s3, $0x3F8;
	[tilespmem:s2+$0x8010] =	vst v5;
	v1 =	vadd.f32 v4, v1;
	v4 =	vld [tilespmem:s2+$0x8050]  }
0x5e6: {  	s5 =	sand.u32 $0x1C00, s0;
	s6 =	sshll.u32 s3, $0x1;
	s4 =	sand.u32 $0x2000, s4;
	v5 =	vld [tilespmem:s2+$0x4050]  }
0x5e7: {  	s4 =	sor.u32 s5, s4;
	s5 =	sand.u32 $0x380, s6;
	[tilespmem:s2+$0x8020] =	vst v1;
	v0 =	vadd.f32 v3, v0;
	v1 =	vld [tilespmem:s2+$0x8060]  }
0x5e8: {  	s4 =	sor.u32 s5, s4;
	v3 =	vld [tilespmem:s2+$0x4060]  }
0x5e9: {  	v7 =	vld [tilespmem:s4+$0x8070];
	[tilespmem:s2+$0x8030] =	vst v0;
	v0 =	vadd.f32 v6, v2  }
0x5ea: {  	v2 =	vld [tilespmem:s4+$0x4070]  }
0x5eb: {  	v6 =	vld [tilespmem:s4+$0x8000];
	[tilespmem:s2+$0x8040] =	vst v0;
	v0 =	vadd.f32 v5, v4  }
0x5ec: {  	v5 =	vld [tilespmem:s4+$0x4000]  }
0x5ed: {  	v8 =	vld [tilespmem:s4+$0x8010];
	[tilespmem:s2+$0x8050] =	vst v0;
	v0 =	vadd.f32 v3, v1  }
0x5ee: {  	v9 =	vld [tilespmem:s4+$0x4010]  }
.Ltmp28:
0x5ef: {  	v1 =	vld [tilespmem:s4+$0x8020];
	v2 =	vadd.f32 v2, v7;
	[tilespmem:s2+$0x8060] =	vst v0;
	s2 =	smov.u32 s4;
	(pc) =	sbr.rel @p0 .LBB2_58-.Ltmp28, $4  }
0x5f0: {  	v4 =	vld [tilespmem:s2+$0x4020]  }
0x5f1: {  	v5 =	vadd.f32 v5, v6;
	v0 =	vld [tilespmem:s2+$0x8030];
	[tilespmem:s2+$0x8070] =	vst v2  }
0x5f2: {  	v3 =	vld [tilespmem:s2+$0x4030]  }
0x5f3: {  	[tilespmem:s2+$0x8000] =	vst v5;
	v5 =	vadd.f32 v9, v8;
	v2 =	vld [tilespmem:s2+$0x8040]  }
0x5f4: {  	v6 =	vld [tilespmem:s2+$0x4040]  }
0x5f5: {  	v7 =	vld [tilespmem:s2+$0x8050]  }
0x5f6: {  	v8 =	vld [tilespmem:s2+$0x4050]  }
0x5f7: {  	v9 =	vld [tilespmem:s2+$0x8060]  }
0x5f8: {  	v10 =	vld [tilespmem:s2+$0x4060]  }
0x5f9: {  	v1 =	vadd.f32 v4, v1  }
0x5fa: {  	[tilespmem:s2+$0x8010] =	vst v5;
	v0 =	vadd.f32 v3, v0  }
0x5fb: {  	[tilespmem:s2+$0x8020] =	vst v1;
	v1 =	vadd.f32 v6, v2  }
0x5fc: {  	[tilespmem:s2+$0x8030] =	vst v0;
	v0 =	vadd.f32 v8, v7  }
0x5fd: {  	[tilespmem:s2+$0x8040] =	vst v1;
	v1 =	vadd.f32 v10, v9  }
0x5fe: {  	[tilespmem:s2+$0x8050] =	vst v0  }
0x5ff: {  	[tilespmem:s2+$0x8060] =	vst v1  }
0x600: {  	s0 =	sld [smem:$0x7FC];
	_ =	sdelay $0x1  }
0x601: {  	s2 =	simm.s32 $0x0  }
0x602: {  	[hbm4b:s0+s2] =	stream.linear.scatter [tilespmem:s15], [sflag:$0x7], $0x4000, $0x38;
	[tilespmem:$0x18000] =	vst v63  }
0x603: {  	_ =	swait.ge [sflag:s30], $0x4000  }
0x604: {  	[sflag:s30] =	ssyncset.done $0x0  }
0x605: {  	s5 =	simm.s32 $0x0;
	s4 =	simm.s32 $0x0;
	[sflag:s30] =	ssyncadd.s32 $0xFFFFC000  }
0x606: {  	[tilespmem:s21], [sflag:$0x6] =	stream.linear.gather [hbm4b:s10+s2], $0x4000, $0x38;
	[tilespmem:$0x18000] =	vst v63  }
0x607: {  	s3 =	sand.u32 $0x1C00, s2;
	s0 =	sand.u32 $0x2000, s5;
	_ =	swait.ge [sflag:s22], $0x4000  }
0x608: {  	s6 =	sand.u32 $0x380, s4;
	s0 =	sor.u32 s3, s0;
	[sflag:s22] =	ssyncset.done $0x0  }
0x609: {  	s0 =	sor.u32 s6, s0;
	[sflag:s22] =	ssyncadd.s32 $0xFFFFC000  }
0x60a: {  	v0 =	vld [tilespmem:s0+$0xC070]  }
0x60b: {  	v2 =	vld [tilespmem:s0+$0x4070]  }
0x60c: {  	v3 =	vld [tilespmem:s0+$0xC000]  }
0x60d: {  	v5 =	vld [tilespmem:s0+$0x4000]  }
0x60e: {  	v6 =	vld [tilespmem:s0+$0xC010]  }
0x60f: {  	v7 =	vld [tilespmem:s0+$0x4010]  }
0x610: {  	v1 =	vld [tilespmem:s0+$0xC020]  }
0x611: {  	v4 =	vld [tilespmem:s0+$0x4020];
	v2 =	vadd.f32 v2, v0  }
0x612: {  	v5 =	vadd.f32 v5, v3;
	v0 =	vld [tilespmem:s0+$0xC030]  }
0x613: {  	v3 =	vld [tilespmem:s0+$0x4030];
	[tilespmem:s0+$0xC070] =	vst v2  }
0x614: {  	s3 =	simm.s32 $0x0;
	[tilespmem:s0+$0xC000] =	vst v5;
	v5 =	vadd.f32 v7, v6;
	v2 =	vld [tilespmem:s0+$0xC040]  }
.LBB2_60:
0x615: {  	s3 =	sadd.s32 $0x8, s3;
	v6 =	vld [tilespmem:s0+$0x4040]  }
0x616: {  	s2 =	sadd.s32 $0x400, s2;
	s4 =	sshll.u32 s3, $0x4;
	p0 =	slt.u32 s3, $0x3F8;
	[tilespmem:s0+$0xC010] =	vst v5;
	v1 =	vadd.f32 v4, v1;
	v4 =	vld [tilespmem:s0+$0xC050]  }
0x617: {  	s5 =	sand.u32 $0x1C00, s2;
	s6 =	sshll.u32 s3, $0x1;
	s4 =	sand.u32 $0x2000, s4;
	v5 =	vld [tilespmem:s0+$0x4050]  }
0x618: {  	s4 =	sor.u32 s5, s4;
	s5 =	sand.u32 $0x380, s6;
	[tilespmem:s0+$0xC020] =	vst v1;
	v0 =	vadd.f32 v3, v0;
	v1 =	vld [tilespmem:s0+$0xC060]  }
0x619: {  	s4 =	sor.u32 s5, s4;
	v3 =	vld [tilespmem:s0+$0x4060]  }
0x61a: {  	v7 =	vld [tilespmem:s4+$0xC070];
	[tilespmem:s0+$0xC030] =	vst v0;
	v0 =	vadd.f32 v6, v2  }
0x61b: {  	v2 =	vld [tilespmem:s4+$0x4070]  }
0x61c: {  	v6 =	vld [tilespmem:s4+$0xC000];
	[tilespmem:s0+$0xC040] =	vst v0;
	v0 =	vadd.f32 v5, v4  }
0x61d: {  	v5 =	vld [tilespmem:s4+$0x4000]  }
0x61e: {  	v8 =	vld [tilespmem:s4+$0xC010];
	[tilespmem:s0+$0xC050] =	vst v0;
	v0 =	vadd.f32 v3, v1  }
0x61f: {  	v9 =	vld [tilespmem:s4+$0x4010]  }
.Ltmp29:
0x620: {  	v1 =	vld [tilespmem:s4+$0xC020];
	v2 =	vadd.f32 v2, v7;
	[tilespmem:s0+$0xC060] =	vst v0;
	s0 =	smov.u32 s4;
	(pc) =	sbr.rel @p0 .LBB2_60-.Ltmp29, $4  }
0x621: {  	v4 =	vld [tilespmem:s0+$0x4020]  }
0x622: {  	v5 =	vadd.f32 v5, v6;
	v0 =	vld [tilespmem:s0+$0xC030];
	[tilespmem:s0+$0xC070] =	vst v2  }
0x623: {  	v3 =	vld [tilespmem:s0+$0x4030]  }
0x624: {  	[tilespmem:s0+$0xC000] =	vst v5;
	v5 =	vadd.f32 v9, v8;
	v2 =	vld [tilespmem:s0+$0xC040]  }
0x625: {  	v6 =	vld [tilespmem:s0+$0x4040]  }
0x626: {  	v7 =	vld [tilespmem:s0+$0xC050]  }
0x627: {  	v8 =	vld [tilespmem:s0+$0x4050]  }
0x628: {  	v9 =	vld [tilespmem:s0+$0xC060]  }
0x629: {  	v10 =	vld [tilespmem:s0+$0x4060]  }
0x62a: {  	v1 =	vadd.f32 v4, v1  }
0x62b: {  	[tilespmem:s0+$0xC010] =	vst v5;
	v0 =	vadd.f32 v3, v0  }
0x62c: {  	[tilespmem:s0+$0xC020] =	vst v1;
	v1 =	vadd.f32 v6, v2  }
0x62d: {  	[tilespmem:s0+$0xC030] =	vst v0;
	v0 =	vadd.f32 v8, v7  }
0x62e: {  	[tilespmem:s0+$0xC040] =	vst v1;
	v1 =	vadd.f32 v10, v9  }
0x62f: {  	[tilespmem:s0+$0xC050] =	vst v0  }
0x630: {  	s2 =	simm.s32 $0x0;
	s5 =	simm.s32 $0x0;
	s4 =	simm.s32 $0x0;
	[tilespmem:s0+$0xC060] =	vst v1  }
0x631: {  	[hbm4b:s11+s2] =	stream.linear.scatter [tilespmem:s16], [sflag:$0x8], $0x4000, $0x38;
	[tilespmem:$0x18000] =	vst v63  }
0x632: {  	s3 =	sand.u32 $0x1C00, s2;
	s0 =	sand.u32 $0x2000, s5;
	_ =	swait.ge [sflag:s24], $0x4000  }
0x633: {  	s6 =	sand.u32 $0x380, s4;
	s0 =	sor.u32 s3, s0;
	[sflag:s24] =	ssyncset.done $0x0  }
0x634: {  	s0 =	sor.u32 s6, s0;
	[sflag:s24] =	ssyncadd.s32 $0xFFFFC000  }
0x635: {  	v0 =	vld [tilespmem:s0+$0x10070]  }
0x636: {  	v2 =	vld [tilespmem:s0+$0x4070]  }
0x637: {  	v3 =	vld [tilespmem:s0+$0x10000]  }
0x638: {  	v5 =	vld [tilespmem:s0+$0x4000]  }
0x639: {  	v6 =	vld [tilespmem:s0+$0x10010]  }
0x63a: {  	v7 =	vld [tilespmem:s0+$0x4010]  }
0x63b: {  	v1 =	vld [tilespmem:s0+$0x10020]  }
0x63c: {  	v4 =	vld [tilespmem:s0+$0x4020];
	v2 =	vadd.f32 v2, v0  }
0x63d: {  	v5 =	vadd.f32 v5, v3;
	v0 =	vld [tilespmem:s0+$0x10030]  }
0x63e: {  	v3 =	vld [tilespmem:s0+$0x4030];
	[tilespmem:s0+$0x10070] =	vst v2  }
0x63f: {  	s3 =	simm.s32 $0x0;
	[tilespmem:s0+$0x10000] =	vst v5;
	v5 =	vadd.f32 v7, v6;
	v2 =	vld [tilespmem:s0+$0x10040]  }
.LBB2_62:
0x640: {  	s3 =	sadd.s32 $0x8, s3;
	v6 =	vld [tilespmem:s0+$0x4040]  }
0x641: {  	s2 =	sadd.s32 $0x400, s2;
	s4 =	sshll.u32 s3, $0x4;
	p0 =	slt.u32 s3, $0x3F8;
	[tilespmem:s0+$0x10010] =	vst v5;
	v1 =	vadd.f32 v4, v1;
	v4 =	vld [tilespmem:s0+$0x10050]  }
0x642: {  	s5 =	sand.u32 $0x1C00, s2;
	s6 =	sshll.u32 s3, $0x1;
	s4 =	sand.u32 $0x2000, s4;
	v5 =	vld [tilespmem:s0+$0x4050]  }
0x643: {  	s4 =	sor.u32 s5, s4;
	s5 =	sand.u32 $0x380, s6;
	[tilespmem:s0+$0x10020] =	vst v1;
	v0 =	vadd.f32 v3, v0;
	v1 =	vld [tilespmem:s0+$0x10060]  }
0x644: {  	s4 =	sor.u32 s5, s4;
	v3 =	vld [tilespmem:s0+$0x4060]  }
0x645: {  	v7 =	vld [tilespmem:s4+$0x10070];
	[tilespmem:s0+$0x10030] =	vst v0;
	v0 =	vadd.f32 v6, v2  }
0x646: {  	v2 =	vld [tilespmem:s4+$0x4070]  }
0x647: {  	v6 =	vld [tilespmem:s4+$0x10000];
	[tilespmem:s0+$0x10040] =	vst v0;
	v0 =	vadd.f32 v5, v4  }
0x648: {  	v5 =	vld [tilespmem:s4+$0x4000]  }
0x649: {  	v8 =	vld [tilespmem:s4+$0x10010];
	[tilespmem:s0+$0x10050] =	vst v0;
	v0 =	vadd.f32 v3, v1  }
0x64a: {  	v9 =	vld [tilespmem:s4+$0x4010]  }
.Ltmp30:
0x64b: {  	v1 =	vld [tilespmem:s4+$0x10020];
	v2 =	vadd.f32 v2, v7;
	[tilespmem:s0+$0x10060] =	vst v0;
	s0 =	smov.u32 s4;
	(pc) =	sbr.rel @p0 .LBB2_62-.Ltmp30, $4  }
0x64c: {  	v4 =	vld [tilespmem:s0+$0x4020]  }
0x64d: {  	v5 =	vadd.f32 v5, v6;
	v0 =	vld [tilespmem:s0+$0x10030];
	[tilespmem:s0+$0x10070] =	vst v2  }
0x64e: {  	v3 =	vld [tilespmem:s0+$0x4030]  }
0x64f: {  	[tilespmem:s0+$0x10000] =	vst v5;
	v5 =	vadd.f32 v9, v8;
	v2 =	vld [tilespmem:s0+$0x10040]  }
0x650: {  	v6 =	vld [tilespmem:s0+$0x4040]  }
0x651: {  	v7 =	vld [tilespmem:s0+$0x10050]  }
0x652: {  	v8 =	vld [tilespmem:s0+$0x4050]  }
0x653: {  	v9 =	vld [tilespmem:s0+$0x10060]  }
0x654: {  	v10 =	vld [tilespmem:s0+$0x4060]  }
0x655: {  	v1 =	vadd.f32 v4, v1  }
0x656: {  	[tilespmem:s0+$0x10010] =	vst v5;
	v0 =	vadd.f32 v3, v0  }
0x657: {  	[tilespmem:s0+$0x10020] =	vst v1;
	v1 =	vadd.f32 v6, v2  }
0x658: {  	[tilespmem:s0+$0x10030] =	vst v0;
	v0 =	vadd.f32 v8, v7  }
0x659: {  	[tilespmem:s0+$0x10040] =	vst v1;
	v1 =	vadd.f32 v10, v9  }
0x65a: {  	[tilespmem:s0+$0x10050] =	vst v0  }
0x65b: {  	s2 =	simm.s32 $0x0;
	s5 =	simm.s32 $0x0;
	s4 =	simm.s32 $0x0;
	[tilespmem:s0+$0x10060] =	vst v1  }
0x65c: {  	[hbm4b:s12+s2] =	stream.linear.scatter [tilespmem:s17], [sflag:$0x9], $0x4000, $0x38;
	[tilespmem:$0x18000] =	vst v63  }
0x65d: {  	s3 =	sand.u32 $0x1C00, s2;
	s0 =	sand.u32 $0x2000, s5;
	_ =	swait.ge [sflag:s26], $0x4000  }
0x65e: {  	s6 =	sand.u32 $0x380, s4;
	s0 =	sor.u32 s3, s0;
	[sflag:s26] =	ssyncset.done $0x0  }
0x65f: {  	s0 =	sor.u32 s6, s0;
	[sflag:s26] =	ssyncadd.s32 $0xFFFFC000  }
0x660: {  	v0 =	vld [tilespmem:s0+$0x14070]  }
0x661: {  	v2 =	vld [tilespmem:s0+$0x4070]  }
0x662: {  	v3 =	vld [tilespmem:s0+$0x14000]  }
0x663: {  	v5 =	vld [tilespmem:s0+$0x4000]  }
0x664: {  	v6 =	vld [tilespmem:s0+$0x14010]  }
0x665: {  	v7 =	vld [tilespmem:s0+$0x4010]  }
0x666: {  	v1 =	vld [tilespmem:s0+$0x14020]  }
0x667: {  	v4 =	vld [tilespmem:s0+$0x4020];
	v2 =	vadd.f32 v2, v0  }
0x668: {  	v5 =	vadd.f32 v5, v3;
	v0 =	vld [tilespmem:s0+$0x14030]  }
0x669: {  	v3 =	vld [tilespmem:s0+$0x4030];
	[tilespmem:s0+$0x14070] =	vst v2  }
0x66a: {  	s3 =	simm.s32 $0x0;
	[tilespmem:s0+$0x14000] =	vst v5;
	v5 =	vadd.f32 v7, v6;
	v2 =	vld [tilespmem:s0+$0x14040]  }
.LBB2_64:
0x66b: {  	s3 =	sadd.s32 $0x8, s3;
	v6 =	vld [tilespmem:s0+$0x4040]  }
0x66c: {  	s2 =	sadd.s32 $0x400, s2;
	s4 =	sshll.u32 s3, $0x4;
	p0 =	slt.u32 s3, $0x3F8;
	[tilespmem:s0+$0x14010] =	vst v5;
	v1 =	vadd.f32 v4, v1;
	v4 =	vld [tilespmem:s0+$0x14050]  }
0x66d: {  	s5 =	sand.u32 $0x1C00, s2;
	s6 =	sshll.u32 s3, $0x1;
	s4 =	sand.u32 $0x2000, s4;
	v5 =	vld [tilespmem:s0+$0x4050]  }
0x66e: {  	s4 =	sor.u32 s5, s4;
	s5 =	sand.u32 $0x380, s6;
	[tilespmem:s0+$0x14020] =	vst v1;
	v0 =	vadd.f32 v3, v0;
	v1 =	vld [tilespmem:s0+$0x14060]  }
0x66f: {  	s4 =	sor.u32 s5, s4;
	v3 =	vld [tilespmem:s0+$0x4060]  }
0x670: {  	v7 =	vld [tilespmem:s4+$0x14070];
	[tilespmem:s0+$0x14030] =	vst v0;
	v0 =	vadd.f32 v6, v2  }
0x671: {  	v2 =	vld [tilespmem:s4+$0x4070]  }
0x672: {  	v6 =	vld [tilespmem:s4+$0x14000];
	[tilespmem:s0+$0x14040] =	vst v0;
	v0 =	vadd.f32 v5, v4  }
0x673: {  	v5 =	vld [tilespmem:s4+$0x4000]  }
0x674: {  	v8 =	vld [tilespmem:s4+$0x14010];
	[tilespmem:s0+$0x14050] =	vst v0;
	v0 =	vadd.f32 v3, v1  }
0x675: {  	v9 =	vld [tilespmem:s4+$0x4010]  }
.Ltmp31:
0x676: {  	v1 =	vld [tilespmem:s4+$0x14020];
	v2 =	vadd.f32 v2, v7;
	[tilespmem:s0+$0x14060] =	vst v0;
	s0 =	smov.u32 s4;
	(pc) =	sbr.rel @p0 .LBB2_64-.Ltmp31, $4  }
0x677: {  	v4 =	vld [tilespmem:s0+$0x4020]  }
0x678: {  	v5 =	vadd.f32 v5, v6;
	v0 =	vld [tilespmem:s0+$0x14030];
	[tilespmem:s0+$0x14070] =	vst v2  }
0x679: {  	v3 =	vld [tilespmem:s0+$0x4030]  }
0x67a: {  	[tilespmem:s0+$0x14000] =	vst v5;
	v5 =	vadd.f32 v9, v8;
	v2 =	vld [tilespmem:s0+$0x14040]  }
0x67b: {  	v6 =	vld [tilespmem:s0+$0x4040]  }
0x67c: {  	v7 =	vld [tilespmem:s0+$0x14050]  }
0x67d: {  	v8 =	vld [tilespmem:s0+$0x4050]  }
0x67e: {  	v9 =	vld [tilespmem:s0+$0x14060]  }
0x67f: {  	v10 =	vld [tilespmem:s0+$0x4060]  }
0x680: {  	v1 =	vadd.f32 v4, v1  }
0x681: {  	[tilespmem:s0+$0x14010] =	vst v5;
	v0 =	vadd.f32 v3, v0  }
0x682: {  	[tilespmem:s0+$0x14020] =	vst v1;
	v61 =	vadd.f32 v6, v2  }
0x683: {  	[tilespmem:s0+$0x14030] =	vst v0;
	v62 =	vadd.f32 v8, v7  }
0x684: {  	v63 =	vadd.f32 v10, v9;
	[tilespmem:s0+$0x14040] =	vst v61  }
0x685: {  	[tilespmem:s0+$0x14050] =	vst v62  }
0x686: {  	[tilespmem:s0+$0x14060] =	vst v63  }
0x687: {  	[hbm4b:s13+s1] =	stream.linear.scatter [tilespmem:s21], [sflag:$0xA], $0x4000, $0x38;
	[tilespmem:$0x18000] =	vst v63  }
0x688: {  	_ =	swait.ge [sflag:s23], $0x4000  }
0x689: {  	[sflag:s23] =	ssyncset.done $0x0  }
0x68a: {  	[sflag:s23] =	ssyncadd.s32 $0xFFFFC000  }
0x68b: {  	_ =	swait.ge [sflag:s25], $0x4000  }
0x68c: {  	[sflag:s25] =	ssyncset.done $0x0  }
0x68d: {  	s31 =	sadd.s32 $0x1, s31;
	[sflag:s25] =	ssyncadd.s32 $0xFFFFC000  }
0x68e: {  	p0 =	sne.s32 s31, s14;
	_ =	swait.ge [sflag:s28], $0x4000  }
.Ltmp32:
0x68f: {  	[sflag:s28] =	ssyncset.done $0x0;
	(pc) =	sbr.rel @p0 .LBB2_1-.Ltmp32, $4  }
0x690: {  	[sflag:s28] =	ssyncadd.s32 $0xFFFFC000  }
0x691: {  	_ =	swait.ge [sflag:s30], $0x4000  }
0x692: {  	[sflag:s30] =	ssyncset.done $0x0  }
0x693: {  	[sflag:s30] =	ssyncadd.s32 $0xFFFFC000  }
0x694: {  	_ =	sfence.sel $0x180000  }
0x695: {  	[bflag:$0x0] =	sbarrier.arrive $0xFFFF  }
0x696: {  	_ =	strace $0x90000047  }
0x697: {  	s0 =	stileid.u32;
	[bflag:$0x2] =	sbarrier.arrive $0xFFFF  }
0x698: {  	p0 =	sne.s32 s0, $0x0;
	s0 =	rddreg [dreg:$0x3]  }
0x699: {  	s0 =	sadd.s32 @!p0 $0x100000, s0  }
0x69a: {  	[sflag:s0] =	ssyncadd.tile.s32 @!p0 $0x1;
	_ =	shalt  }
.Lfunc_end2:
_tile_overlayer_lowered:
.L_overlay_start_2:
0x69b: {  	(tag) =	ssettag $0x2  }
0x69c: {  	s0 =	rddreg [dreg:$0x0];
	s2 =	stileid.u32  }
0x69d: {  	s1 =	rddreg [dreg:$0x1];
	p0 =	sne.s32 s2, $0x0  }
0x69e: {  	s3 =	rddreg [dreg:$0x2];
	[bflag:$0x3] =	sbarrier.arrive $0xFFFF;
	s2 =	simm.s32 @!p0 $0x1C0B  }
0x69f: {  	[timem:s3], [sflag:s2] =	dma.local @!p0 [hbm:s0], s1  }
0x6a0: {  	s0 =	simm.s32 @!p0 $0xB  }
0x6a1: {  	_ =	swait.ge @!p0 [sflag:s0], s1  }
0x6a2: {  	s1 =	ssub.s32 @!p0 $0x0, s1;
	[sflag:s0] =	ssyncset.done @!p0 $0x0  }
0x6a3: {  	[sflag:s0] =	ssyncadd.s32 @!p0 s1  }
0x6a4: {  	[bflag:$0x3] =	sbarrier.arrive $0xFFFF  }
0x6a5: {  	_ =	shalt  }

</sc_bundles>
